<compile_context>
chip_gen: v7x
topology: tpu7x:2x2x1
jax: 0.10.2.dev20260603
libtpu: 0.0.44.dev20260713+nightly
codegen_flags: <defaults>
</compile_context>

<pallas_src>
import functools

import jax
import jax.numpy as jnp
from jax import lax
from jax.experimental import pallas as pl
from jax.experimental.pallas import tpu as pltpu
from jax.experimental.pallas import tpu_sc as plsc

DIM = 64
NUM_SPECIAL = 4
NC, NS = 2, 16
NW = NC * NS
CHUNK = 128
NBUF = 4


@functools.lru_cache(maxsize=None)
def _build(B, H):
    BT = B // H
    NJ = BT // CHUNK
    Bw = B // NW
    nchunk = Bw // CHUNK
    assert nchunk % NBUF == 0
    mesh = plsc.VectorSubcoreMesh(
        core_axis_name="c", subcore_axis_name="s", num_cores=NC, num_subcores=NS
    )

    @functools.partial(
        pl.kernel,
        out_type=jax.ShapeDtypeStruct((H, DIM // 8, NJ, 8, CHUNK), jnp.float32),
        mesh=mesh,
        compiler_params=pltpu.CompilerParams(
            use_tc_tiling_on_sc=False, needs_layout_passes=False
        ),
        scratch_types=[
            pltpu.VMEM((Bw,), jnp.int32),
            [pltpu.VMEM((CHUNK,), jnp.int32) for _ in range(NBUF)],
            [pltpu.VMEM((CHUNK, DIM), jnp.float32) for _ in range(NBUF)],
            [pltpu.VMEM((DIM // 8, 8, CHUNK), jnp.float32) for _ in range(NBUF)],
            pltpu.VMEM((NUM_SPECIAL, DIM), jnp.float32),
            pltpu.VMEM((NUM_SPECIAL, DIM), jnp.float32),
            [pltpu.SemaphoreType.DMA for _ in range(NBUF)],
            [pltpu.SemaphoreType.DMA for _ in range(NBUF)],
        ],
    )
    def k(ids_hbm, fixed_hbm, learned_hbm, out_hbm,
          ids_v, fidx, rows, tbl, learned_v, ldiff_v, gsem, wsem):
        wid = lax.axis_index("s") * NC + lax.axis_index("c")
        base = pl.multiple_of(wid * Bw, 8)
        pltpu.sync_copy(ids_hbm.at[pl.ds(base, Bw)], ids_v)
        pltpu.sync_copy(learned_hbm, learned_v)
        for c in range(DIM // 16):
            l0c = learned_v[0, pl.ds(16 * c, 16)]
            for r in range(NUM_SPECIAL):
                ldiff_v[r, pl.ds(16 * c, 16)] = learned_v[r, pl.ds(16 * c, 16)] - l0c
        iota16 = lax.iota(jnp.int32, 16)
        zero16 = jnp.zeros((16,), jnp.int32)
        rowidx = [16 * gq + iota16 for gq in range(CHUNK // 16)]

        def g_descr(b):
            return pltpu.make_async_copy(fixed_hbm.at[fidx[b]], rows[b], gsem[b])

        def unit_hj(g):
            u = wid * nchunk + g
            return u // NJ, u % NJ

        def wb_start(g, b):
            h, j = unit_hj(g)
            pltpu.async_copy(tbl[b], out_hbm.at[h, :, j], wsem[b])

        def wb_wait(g, b):
            h, j = unit_hj(g)
            pltpu.make_async_copy(tbl[b], out_hbm.at[h, :, j], wsem[b]).wait()

        def launch(g, b):
            off = g * CHUNK
            for jq in range(CHUNK // 16):
                v = ids_v[pl.ds(off + jq * 16, 16)]
                fidx[b][pl.ds(jq * 16, 16)] = jnp.where(v >= NUM_SPECIAL,
                                                        v - NUM_SPECIAL, 0)
            pltpu.async_copy(fixed_hbm.at[fidx[b]], rows[b], gsem[b])

        def process(g, b):
            g_descr(b).wait()
            off = g * CHUNK

            def dloop(d0, _):
                dvec = (d0 + iota16) & (DIM - 1)
                l0v = plsc.load_gather(learned_v, [zero16, dvec])
                kvec = dvec >> 3
                d8vec = dvec & 7
                for gq in range(CHUNK // 16):
                    vals = plsc.load_gather(rows[b], [rowidx[gq], dvec])
                    plsc.store_scatter(
                        tbl[b], [kvec, d8vec, rowidx[gq]], vals + l0v)
                return 0

            lax.fori_loop(0, DIM, dloop, 0)

            for gq in range(CHUNK // 16):
                v = ids_v[pl.ds(off + gq * 16, 16)]
                m = v < NUM_SPECIAL

                @pl.when(plsc.all_reduce_population_count(m)[0] > 0)
                def _fix_group(gq=gq, v=v, m=m):
                    lid = jnp.where(m, v, 0)
                    cvec = 16 * gq + iota16

                    def fixd(d, _):
                        dsplat = zero16 + d
                        gv = plsc.load_gather(ldiff_v, [lid, dsplat])
                        plsc.addupdate_scatter(
                            tbl[b], [dsplat >> 3, dsplat & 7, cvec], gv, mask=m)
                        return 0

                    lax.fori_loop(0, DIM, fixd, 0)

            wb_start(g, b)

        for b in range(NBUF - 1):
            launch(jnp.int32(b), b)

        def body(p, _):
            for b in range(NBUF):
                g = p * NBUF + b
                gn = g + NBUF - 1
                bn = (b + NBUF - 1) % NBUF

                @pl.when(gn < nchunk)
                def _launch_next(gn=gn, bn=bn):
                    @pl.when(gn >= NBUF)
                    def _drain(gn=gn, bn=bn):
                        wb_wait(gn - NBUF, bn)

                    launch(gn, bn)

                process(g, b)
            return 0

        lax.fori_loop(0, nchunk // NBUF, body, 0)

        for b in range(NBUF):
            wb_wait(jnp.int32(nchunk - NBUF + b), b)

    return k


def kernel(ids_tensor, fixed_table, learned_table):
    Bt, H = ids_tensor.shape
    B = Bt * H
    ids_cm = ids_tensor.T.reshape(B).astype(jnp.int32)
    out5 = _build(B, H)(ids_cm, fixed_table, learned_table)
    return out5.transpose(2, 4, 0, 1, 3).reshape(Bt, H, DIM)

# --- scband reference (transcript-rebuilt; emitter-appended) ---
"""Pipeline reference for scband-hybrid-embeddings-10557029614183 (READ-ONLY COPY).

The authoritative reference and input builder live on the scoring server;
editing this copy changes nothing except your own understanding.
"""

import jax, jax.numpy as jnp
import numpy as np

VOCAB = 1000000
DIM = 64
NUM_SPECIAL = 4
BATCH = 4096
HIST = 200


def setup_inputs(seed: int = 0) -> dict:
    key = jax.random.key(seed)
    k1, k2, k3 = jax.random.split(key, 3)
    ids_tensor = jax.random.randint(k1, (BATCH, HIST), 0, VOCAB)
    fixed_table = jax.random.normal(k2, (VOCAB, DIM), dtype=jnp.float32) * 0.02
    learned_table = jax.random.normal(k3, (NUM_SPECIAL, DIM), dtype=jnp.float32) * 0.02
    return {"ids_tensor": ids_tensor, "fixed_table": fixed_table, "learned_table": learned_table}


def reference(ids_tensor, fixed_table, learned_table):
    # fixed_ids = (ids - NUM_SPECIAL) * (ids >= NUM_SPECIAL)
    is_word = (ids_tensor >= NUM_SPECIAL).astype(ids_tensor.dtype)
    fixed_ids = (ids_tensor - NUM_SPECIAL) * is_word
    # learned_ids = ids * (ids < NUM_SPECIAL)
    learned_ids = ids_tensor * (1 - is_word)
    emb = jnp.take(fixed_table, fixed_ids, axis=0) + jnp.take(learned_table, learned_ids, axis=0)
    return emb

if __name__ == "__main__":
    import jax
    _d = setup_inputs()
    print(jax.jit(kernel)(*tuple(_d.values())))

</pallas_src>

<mosaic_0001>
#map = affine_map<(d0, d1) -> (0)>
#map1 = affine_map<(d0, d1) -> (0, 0)>
#map2 = affine_map<(d0, d1) -> (0, 0, 0, 0, 0)>
module attributes {stable_mosaic.version = 14 : i64} {
  func.func @k(%arg0: i32, %arg1: i32, %arg2: memref<819200xi32, #tpu.memory_space<hbm>>, %arg3: memref<1000000x64xf32, #tpu.memory_space<hbm>>, %arg4: memref<4x64xf32, #tpu.memory_space<hbm>>, %arg5: memref<200x8x32x8x128xf32, #tpu.memory_space<hbm>>, %arg6: memref<25600xi32, #tpu.memory_space<vmem>>, %arg7: memref<128xi32, #tpu.memory_space<vmem>>, %arg8: memref<128xi32, #tpu.memory_space<vmem>>, %arg9: memref<128xi32, #tpu.memory_space<vmem>>, %arg10: memref<128xi32, #tpu.memory_space<vmem>>, %arg11: memref<128x64xf32, #tpu.memory_space<vmem>>, %arg12: memref<128x64xf32, #tpu.memory_space<vmem>>, %arg13: memref<128x64xf32, #tpu.memory_space<vmem>>, %arg14: memref<128x64xf32, #tpu.memory_space<vmem>>, %arg15: memref<8x8x128xf32, #tpu.memory_space<vmem>>, %arg16: memref<8x8x128xf32, #tpu.memory_space<vmem>>, %arg17: memref<8x8x128xf32, #tpu.memory_space<vmem>>, %arg18: memref<8x8x128xf32, #tpu.memory_space<vmem>>, %arg19: memref<4x64xf32, #tpu.memory_space<vmem>>, %arg20: memref<4x64xf32, #tpu.memory_space<vmem>>, %arg21: memref<!tpu.dma_semaphore, #tpu.memory_space<semaphore_mem>>, %arg22: memref<!tpu.dma_semaphore, #tpu.memory_space<semaphore_mem>>, %arg23: memref<!tpu.dma_semaphore, #tpu.memory_space<semaphore_mem>>, %arg24: memref<!tpu.dma_semaphore, #tpu.memory_space<semaphore_mem>>, %arg25: memref<!tpu.dma_semaphore, #tpu.memory_space<semaphore_mem>>, %arg26: memref<!tpu.dma_semaphore, #tpu.memory_space<semaphore_mem>>, %arg27: memref<!tpu.dma_semaphore, #tpu.memory_space<semaphore_mem>>, %arg28: memref<!tpu.dma_semaphore, #tpu.memory_space<semaphore_mem>>) attributes {dimension_semantics = [#tpu.dimension_semantics<core_parallel>, #tpu.dimension_semantics<subcore_parallel>], iteration_bounds = array<i64: 2, 16>, scalar_prefetch = 0 : i64, scratch_operands = 23 : i64, tpu.core_type = #tpu.core_type<sc_vector_subcore>, window_params = [{transform_indices = #map}, {transform_indices = #map1}, {transform_indices = #map1}, {transform_indices = #map2}]} {
    %mul3A = arith.constant 2 : i32
    %mul3A_0 = arith.muli %arg1, %mul3A : i32
    %add3A = arith.addi %mul3A_0, %arg0 : i32
    %mul3A_1 = arith.constant 25600 : i32
    %mul3A_2 = arith.muli %add3A, %mul3A_1 : i32
    %multiple_of3A = tpu.assume_multiple %mul3A_2, 8 : i32
    "tpu.region"() ({
      %run_scoped3A = tpu.sem_alloc : memref<!tpu.dma_semaphore, #tpu.memory_space<semaphore_mem>>
      %dma_start3A_773 = tpu.memref_slice %arg2[%multiple_of3A] : memref<819200xi32, #tpu.memory_space<hbm>> -> memref<25600xi32, #tpu.memory_space<hbm>>
      %dma_start3A_774 = tpu.memref_slice %arg2[%multiple_of3A] : memref<819200xi32, #tpu.memory_space<hbm>> -> memref<25600xi32, #tpu.memory_space<hbm>>
      tpu.enqueue_dma source(%dma_start3A_774 : memref<25600xi32, #tpu.memory_space<hbm>>) target(%arg6 : memref<25600xi32, #tpu.memory_space<vmem>>) target_semaphore(%run_scoped3A : memref<!tpu.dma_semaphore, #tpu.memory_space<semaphore_mem>>)
      %dma_wait3A_775 = tpu.memref_slice %arg2[%multiple_of3A] : memref<819200xi32, #tpu.memory_space<hbm>> -> memref<25600xi32, #tpu.memory_space<hbm>>
      %dma_wait3A_776 = tpu.memref_slice %arg2[%multiple_of3A] : memref<819200xi32, #tpu.memory_space<hbm>> -> memref<25600xi32, #tpu.memory_space<hbm>>
      tpu.wait_dma2 semaphore(%run_scoped3A : memref<!tpu.dma_semaphore, #tpu.memory_space<semaphore_mem>>) src(%dma_wait3A_776 : memref<25600xi32, #tpu.memory_space<hbm>>) dst(%arg6 : memref<25600xi32, #tpu.memory_space<vmem>>)
      tpu.yield
    }) : () -> ()
    "tpu.region"() ({
      %run_scoped3A = tpu.sem_alloc : memref<!tpu.dma_semaphore, #tpu.memory_space<semaphore_mem>>
      tpu.enqueue_dma source(%arg4 : memref<4x64xf32, #tpu.memory_space<hbm>>) target(%arg19 : memref<4x64xf32, #tpu.memory_space<vmem>>) target_semaphore(%run_scoped3A : memref<!tpu.dma_semaphore, #tpu.memory_space<semaphore_mem>>)
      tpu.wait_dma2 semaphore(%run_scoped3A : memref<!tpu.dma_semaphore, #tpu.memory_space<semaphore_mem>>) src(%arg4 : memref<4x64xf32, #tpu.memory_space<hbm>>) dst(%arg19 : memref<4x64xf32, #tpu.memory_space<vmem>>)
      tpu.yield
    }) : () -> ()
    %get3A = arith.constant 0 : i32
    %get3A_3 = arith.index_cast %get3A : i32 to index
    %get3A_4 = arith.constant 0 : index
    %get3A_5 = tpu.vector_load %arg19[%get3A_3, %get3A_4] {strides = array<i32>} : memref<4x64xf32, #tpu.memory_space<vmem>>, vector<16xf32>,
    %get3A_6 = arith.constant 0 : i32
    %get3A_7 = arith.index_cast %get3A_6 : i32 to index
    %get3A_8 = arith.constant 0 : index
    %get3A_9 = tpu.vector_load %arg19[%get3A_7, %get3A_8] {strides = array<i32>} : memref<4x64xf32, #tpu.memory_space<vmem>>, vector<16xf32>,
    %sub3A = arith.subf %get3A_9, %get3A_5 : vector<16xf32>
    %swap3A = arith.constant 0 : i32
    %swap3A_10 = arith.index_cast %swap3A : i32 to index
    %swap3A_11 = arith.constant 0 : index
    %swap3A_12 = tpu.vector_load %arg20[%swap3A_10, %swap3A_11] {strides = array<i32>} : memref<4x64xf32, #tpu.memory_space<vmem>>, vector<16xf32>,
    tpu.vector_store %arg20[%swap3A_10, %swap3A_11], %sub3A {strides = array<i32>} : memref<4x64xf32, #tpu.memory_space<vmem>>, vector<16xf32>,
    %get3A_13 = arith.constant 1 : i32
    %get3A_14 = arith.index_cast %get3A_13 : i32 to index
    %get3A_15 = arith.constant 0 : index
    %get3A_16 = tpu.vector_load %arg19[%get3A_14, %get3A_15] {strides = array<i32>} : memref<4x64xf32, #tpu.memory_space<vmem>>, vector<16xf32>,
    %sub3A_17 = arith.subf %get3A_16, %get3A_5 : vector<16xf32>
    %swap3A_18 = arith.constant 1 : i32
    %swap3A_19 = arith.index_cast %swap3A_18 : i32 to index
    %swap3A_20 = arith.constant 0 : index
    %swap3A_21 = tpu.vector_load %arg20[%swap3A_19, %swap3A_20] {strides = array<i32>} : memref<4x64xf32, #tpu.memory_space<vmem>>, vector<16xf32>,
    tpu.vector_store %arg20[%swap3A_19, %swap3A_20], %sub3A_17 {strides = array<i32>} : memref<4x64xf32, #tpu.memory_space<vmem>>, vector<16xf32>,
    %get3A_22 = arith.constant 2 : i32
    %get3A_23 = arith.index_cast %get3A_22 : i32 to index
    %get3A_24 = arith.constant 0 : index
    %get3A_25 = tpu.vector_load %arg19[%get3A_23, %get3A_24] {strides = array<i32>} : memref<4x64xf32, #tpu.memory_space<vmem>>, vector<16xf32>,
    %sub3A_26 = arith.subf %get3A_25, %get3A_5 : vector<16xf32>
    %swap3A_27 = arith.constant 2 : i32
    %swap3A_28 = arith.index_cast %swap3A_27 : i32 to index
    %swap3A_29 = arith.constant 0 : index
    %swap3A_30 = tpu.vector_load %arg20[%swap3A_28, %swap3A_29] {strides = array<i32>} : memref<4x64xf32, #tpu.memory_space<vmem>>, vector<16xf32>,
    tpu.vector_store %arg20[%swap3A_28, %swap3A_29], %sub3A_26 {strides = array<i32>} : memref<4x64xf32, #tpu.memory_space<vmem>>, vector<16xf32>,
    %get3A_31 = arith.constant 3 : i32
    %get3A_32 = arith.index_cast %get3A_31 : i32 to index
    %get3A_33 = arith.constant 0 : index
    %get3A_34 = tpu.vector_load %arg19[%get3A_32, %get3A_33] {strides = array<i32>} : memref<4x64xf32, #tpu.memory_space<vmem>>, vector<16xf32>,
    %sub3A_35 = arith.subf %get3A_34, %get3A_5 : vector<16xf32>
    %swap3A_36 = arith.constant 3 : i32
    %swap3A_37 = arith.index_cast %swap3A_36 : i32 to index
    %swap3A_38 = arith.constant 0 : index
    %swap3A_39 = tpu.vector_load %arg20[%swap3A_37, %swap3A_38] {strides = array<i32>} : memref<4x64xf32, #tpu.memory_space<vmem>>, vector<16xf32>,
    tpu.vector_store %arg20[%swap3A_37, %swap3A_38], %sub3A_35 {strides = array<i32>} : memref<4x64xf32, #tpu.memory_space<vmem>>, vector<16xf32>,
    %get3A_40 = arith.constant 0 : i32
    %get3A_41 = arith.index_cast %get3A_40 : i32 to index
    %get3A_42 = arith.constant 16 : index
    %get3A_43 = tpu.vector_load %arg19[%get3A_41, %get3A_42] {strides = array<i32>} : memref<4x64xf32, #tpu.memory_space<vmem>>, vector<16xf32>,
    %get3A_44 = arith.constant 0 : i32
    %get3A_45 = arith.index_cast %get3A_44 : i32 to index
    %get3A_46 = arith.constant 16 : index
    %get3A_47 = tpu.vector_load %arg19[%get3A_45, %get3A_46] {strides = array<i32>} : memref<4x64xf32, #tpu.memory_space<vmem>>, vector<16xf32>,
    %sub3A_48 = arith.subf %get3A_47, %get3A_43 : vector<16xf32>
    %swap3A_49 = arith.constant 0 : i32
    %swap3A_50 = arith.index_cast %swap3A_49 : i32 to index
    %swap3A_51 = arith.constant 16 : index
    %swap3A_52 = tpu.vector_load %arg20[%swap3A_50, %swap3A_51] {strides = array<i32>} : memref<4x64xf32, #tpu.memory_space<vmem>>, vector<16xf32>,
    tpu.vector_store %arg20[%swap3A_50, %swap3A_51], %sub3A_48 {strides = array<i32>} : memref<4x64xf32, #tpu.memory_space<vmem>>, vector<16xf32>,
    %get3A_53 = arith.constant 1 : i32
    %get3A_54 = arith.index_cast %get3A_53 : i32 to index
    %get3A_55 = arith.constant 16 : index
    %get3A_56 = tpu.vector_load %arg19[%get3A_54, %get3A_55] {strides = array<i32>} : memref<4x64xf32, #tpu.memory_space<vmem>>, vector<16xf32>,
    %sub3A_57 = arith.subf %get3A_56, %get3A_43 : vector<16xf32>
    %swap3A_58 = arith.constant 1 : i32
    %swap3A_59 = arith.index_cast %swap3A_58 : i32 to index
    %swap3A_60 = arith.constant 16 : index
    %swap3A_61 = tpu.vector_load %arg20[%swap3A_59, %swap3A_60] {strides = array<i32>} : memref<4x64xf32, #tpu.memory_space<vmem>>, vector<16xf32>,
    tpu.vector_store %arg20[%swap3A_59, %swap3A_60], %sub3A_57 {strides = array<i32>} : memref<4x64xf32, #tpu.memory_space<vmem>>, vector<16xf32>,
    %get3A_62 = arith.constant 2 : i32
    %get3A_63 = arith.index_cast %get3A_62 : i32 to index
    %get3A_64 = arith.constant 16 : index
    %get3A_65 = tpu.vector_load %arg19[%get3A_63, %get3A_64] {strides = array<i32>} : memref<4x64xf32, #tpu.memory_space<vmem>>, vector<16xf32>,
    %sub3A_66 = arith.subf %get3A_65, %get3A_43 : vector<16xf32>
    %swap3A_67 = arith.constant 2 : i32
    %swap3A_68 = arith.index_cast %swap3A_67 : i32 to index
    %swap3A_69 = arith.constant 16 : index
    %swap3A_70 = tpu.vector_load %arg20[%swap3A_68, %swap3A_69] {strides = array<i32>} : memref<4x64xf32, #tpu.memory_space<vmem>>, vector<16xf32>,
    tpu.vector_store %arg20[%swap3A_68, %swap3A_69], %sub3A_66 {strides = array<i32>} : memref<4x64xf32, #tpu.memory_space<vmem>>, vector<16xf32>,
    %get3A_71 = arith.constant 3 : i32
    %get3A_72 = arith.index_cast %get3A_71 : i32 to index
    %get3A_73 = arith.constant 16 : index
    %get3A_74 = tpu.vector_load %arg19[%get3A_72, %get3A_73] {strides = array<i32>} : memref<4x64xf32, #tpu.memory_space<vmem>>, vector<16xf32>,
    %sub3A_75 = arith.subf %get3A_74, %get3A_43 : vector<16xf32>
    %swap3A_76 = arith.constant 3 : i32
    %swap3A_77 = arith.index_cast %swap3A_76 : i32 to index
    %swap3A_78 = arith.constant 16 : index
    %swap3A_79 = tpu.vector_load %arg20[%swap3A_77, %swap3A_78] {strides = array<i32>} : memref<4x64xf32, #tpu.memory_space<vmem>>, vector<16xf32>,
    tpu.vector_store %arg20[%swap3A_77, %swap3A_78], %sub3A_75 {strides = array<i32>} : memref<4x64xf32, #tpu.memory_space<vmem>>, vector<16xf32>,
    %get3A_80 = arith.constant 0 : i32
    %get3A_81 = arith.index_cast %get3A_80 : i32 to index
    %get3A_82 = arith.constant 32 : index
    %get3A_83 = tpu.vector_load %arg19[%get3A_81, %get3A_82] {strides = array<i32>} : memref<4x64xf32, #tpu.memory_space<vmem>>, vector<16xf32>,
    %get3A_84 = arith.constant 0 : i32
    %get3A_85 = arith.index_cast %get3A_84 : i32 to index
    %get3A_86 = arith.constant 32 : index
    %get3A_87 = tpu.vector_load %arg19[%get3A_85, %get3A_86] {strides = array<i32>} : memref<4x64xf32, #tpu.memory_space<vmem>>, vector<16xf32>,
    %sub3A_88 = arith.subf %get3A_87, %get3A_83 : vector<16xf32>
    %swap3A_89 = arith.constant 0 : i32
    %swap3A_90 = arith.index_cast %swap3A_89 : i32 to index
    %swap3A_91 = arith.constant 32 : index
    %swap3A_92 = tpu.vector_load %arg20[%swap3A_90, %swap3A_91] {strides = array<i32>} : memref<4x64xf32, #tpu.memory_space<vmem>>, vector<16xf32>,
    tpu.vector_store %arg20[%swap3A_90, %swap3A_91], %sub3A_88 {strides = array<i32>} : memref<4x64xf32, #tpu.memory_space<vmem>>, vector<16xf32>,
    %get3A_93 = arith.constant 1 : i32
    %get3A_94 = arith.index_cast %get3A_93 : i32 to index
    %get3A_95 = arith.constant 32 : index
    %get3A_96 = tpu.vector_load %arg19[%get3A_94, %get3A_95] {strides = array<i32>} : memref<4x64xf32, #tpu.memory_space<vmem>>, vector<16xf32>,
    %sub3A_97 = arith.subf %get3A_96, %get3A_83 : vector<16xf32>
    %swap3A_98 = arith.constant 1 : i32
    %swap3A_99 = arith.index_cast %swap3A_98 : i32 to index
    %swap3A_100 = arith.constant 32 : index
    %swap3A_101 = tpu.vector_load %arg20[%swap3A_99, %swap3A_100] {strides = array<i32>} : memref<4x64xf32, #tpu.memory_space<vmem>>, vector<16xf32>,
    tpu.vector_store %arg20[%swap3A_99, %swap3A_100], %sub3A_97 {strides = array<i32>} : memref<4x64xf32, #tpu.memory_space<vmem>>, vector<16xf32>,
    %get3A_102 = arith.constant 2 : i32
    %get3A_103 = arith.index_cast %get3A_102 : i32 to index
    %get3A_104 = arith.constant 32 : index
    %get3A_105 = tpu.vector_load %arg19[%get3A_103, %get3A_104] {strides = array<i32>} : memref<4x64xf32, #tpu.memory_space<vmem>>, vector<16xf32>,
    %sub3A_106 = arith.subf %get3A_105, %get3A_83 : vector<16xf32>
    %swap3A_107 = arith.constant 2 : i32
    %swap3A_108 = arith.index_cast %swap3A_107 : i32 to index
    %swap3A_109 = arith.constant 32 : index
    %swap3A_110 = tpu.vector_load %arg20[%swap3A_108, %swap3A_109] {strides = array<i32>} : memref<4x64xf32, #tpu.memory_space<vmem>>, vector<16xf32>,
    tpu.vector_store %arg20[%swap3A_108, %swap3A_109], %sub3A_106 {strides = array<i32>} : memref<4x64xf32, #tpu.memory_space<vmem>>, vector<16xf32>,
    %get3A_111 = arith.constant 3 : i32
    %get3A_112 = arith.index_cast %get3A_111 : i32 to index
    %get3A_113 = arith.constant 32 : index
    %get3A_114 = tpu.vector_load %arg19[%get3A_112, %get3A_113] {strides = array<i32>} : memref<4x64xf32, #tpu.memory_space<vmem>>, vector<16xf32>,
    %sub3A_115 = arith.subf %get3A_114, %get3A_83 : vector<16xf32>
    %swap3A_116 = arith.constant 3 : i32
    %swap3A_117 = arith.index_cast %swap3A_116 : i32 to index
    %swap3A_118 = arith.constant 32 : index
    %swap3A_119 = tpu.vector_load %arg20[%swap3A_117, %swap3A_118] {strides = array<i32>} : memref<4x64xf32, #tpu.memory_space<vmem>>, vector<16xf32>,
    tpu.vector_store %arg20[%swap3A_117, %swap3A_118], %sub3A_115 {strides = array<i32>} : memref<4x64xf32, #tpu.memory_space<vmem>>, vector<16xf32>,
    %get3A_120 = arith.constant 0 : i32
    %get3A_121 = arith.index_cast %get3A_120 : i32 to index
    %get3A_122 = arith.constant 48 : index
    %get3A_123 = tpu.vector_load %arg19[%get3A_121, %get3A_122] {strides = array<i32>} : memref<4x64xf32, #tpu.memory_space<vmem>>, vector<16xf32>,
    %get3A_124 = arith.constant 0 : i32
    %get3A_125 = arith.index_cast %get3A_124 : i32 to index
    %get3A_126 = arith.constant 48 : index
    %get3A_127 = tpu.vector_load %arg19[%get3A_125, %get3A_126] {strides = array<i32>} : memref<4x64xf32, #tpu.memory_space<vmem>>, vector<16xf32>,
    %sub3A_128 = arith.subf %get3A_127, %get3A_123 : vector<16xf32>
    %swap3A_129 = arith.constant 0 : i32
    %swap3A_130 = arith.index_cast %swap3A_129 : i32 to index
    %swap3A_131 = arith.constant 48 : index
    %swap3A_132 = tpu.vector_load %arg20[%swap3A_130, %swap3A_131] {strides = array<i32>} : memref<4x64xf32, #tpu.memory_space<vmem>>, vector<16xf32>,
    tpu.vector_store %arg20[%swap3A_130, %swap3A_131], %sub3A_128 {strides = array<i32>} : memref<4x64xf32, #tpu.memory_space<vmem>>, vector<16xf32>,
    %get3A_133 = arith.constant 1 : i32
    %get3A_134 = arith.index_cast %get3A_133 : i32 to index
    %get3A_135 = arith.constant 48 : index
    %get3A_136 = tpu.vector_load %arg19[%get3A_134, %get3A_135] {strides = array<i32>} : memref<4x64xf32, #tpu.memory_space<vmem>>, vector<16xf32>,
    %sub3A_137 = arith.subf %get3A_136, %get3A_123 : vector<16xf32>
    %swap3A_138 = arith.constant 1 : i32
    %swap3A_139 = arith.index_cast %swap3A_138 : i32 to index
    %swap3A_140 = arith.constant 48 : index
    %swap3A_141 = tpu.vector_load %arg20[%swap3A_139, %swap3A_140] {strides = array<i32>} : memref<4x64xf32, #tpu.memory_space<vmem>>, vector<16xf32>,
    tpu.vector_store %arg20[%swap3A_139, %swap3A_140], %sub3A_137 {strides = array<i32>} : memref<4x64xf32, #tpu.memory_space<vmem>>, vector<16xf32>,
    %get3A_142 = arith.constant 2 : i32
    %get3A_143 = arith.index_cast %get3A_142 : i32 to index
    %get3A_144 = arith.constant 48 : index
    %get3A_145 = tpu.vector_load %arg19[%get3A_143, %get3A_144] {strides = array<i32>} : memref<4x64xf32, #tpu.memory_space<vmem>>, vector<16xf32>,
    %sub3A_146 = arith.subf %get3A_145, %get3A_123 : vector<16xf32>
    %swap3A_147 = arith.constant 2 : i32
    %swap3A_148 = arith.index_cast %swap3A_147 : i32 to index
    %swap3A_149 = arith.constant 48 : index
    %swap3A_150 = tpu.vector_load %arg20[%swap3A_148, %swap3A_149] {strides = array<i32>} : memref<4x64xf32, #tpu.memory_space<vmem>>, vector<16xf32>,
    tpu.vector_store %arg20[%swap3A_148, %swap3A_149], %sub3A_146 {strides = array<i32>} : memref<4x64xf32, #tpu.memory_space<vmem>>, vector<16xf32>,
    %get3A_151 = arith.constant 3 : i32
    %get3A_152 = arith.index_cast %get3A_151 : i32 to index
    %get3A_153 = arith.constant 48 : index
    %get3A_154 = tpu.vector_load %arg19[%get3A_152, %get3A_153] {strides = array<i32>} : memref<4x64xf32, #tpu.memory_space<vmem>>, vector<16xf32>,
    %sub3A_155 = arith.subf %get3A_154, %get3A_123 : vector<16xf32>
    %swap3A_156 = arith.constant 3 : i32
    %swap3A_157 = arith.index_cast %swap3A_156 : i32 to index
    %swap3A_158 = arith.constant 48 : index
    %swap3A_159 = tpu.vector_load %arg20[%swap3A_157, %swap3A_158] {strides = array<i32>} : memref<4x64xf32, #tpu.memory_space<vmem>>, vector<16xf32>,
    tpu.vector_store %arg20[%swap3A_157, %swap3A_158], %sub3A_155 {strides = array<i32>} : memref<4x64xf32, #tpu.memory_space<vmem>>, vector<16xf32>,
    %iota3A = tpu.iota {dimensions = array<i32: 0>} : vector<16xi32>
    %broadcast_in_dim3A = arith.constant 0 : i32
    %broadcast_in_dim3A_160 = vector.broadcast %broadcast_in_dim3A : i32 to vector<16xi32>
    %add3A_161 = arith.constant 0 : i32
    %add3A_162 = vector.broadcast %add3A_161 : i32 to vector<16xi32>
    %add3A_163 = arith.addi %add3A_162, %iota3A : vector<16xi32>
    %add3A_164 = arith.constant 16 : i32
    %add3A_165 = vector.broadcast %add3A_164 : i32 to vector<16xi32>
    %add3A_166 = arith.addi %add3A_165, %iota3A : vector<16xi32>
    %add3A_167 = arith.constant 32 : i32
    %add3A_168 = vector.broadcast %add3A_167 : i32 to vector<16xi32>
    %add3A_169 = arith.addi %add3A_168, %iota3A : vector<16xi32>
    %add3A_170 = arith.constant 48 : i32
    %add3A_171 = vector.broadcast %add3A_170 : i32 to vector<16xi32>
    %add3A_172 = arith.addi %add3A_171, %iota3A : vector<16xi32>
    %add3A_173 = arith.constant 64 : i32
    %add3A_174 = vector.broadcast %add3A_173 : i32 to vector<16xi32>
    %add3A_175 = arith.addi %add3A_174, %iota3A : vector<16xi32>
    %add3A_176 = arith.constant 80 : i32
    %add3A_177 = vector.broadcast %add3A_176 : i32 to vector<16xi32>
    %add3A_178 = arith.addi %add3A_177, %iota3A : vector<16xi32>
    %add3A_179 = arith.constant 96 : i32
    %add3A_180 = vector.broadcast %add3A_179 : i32 to vector<16xi32>
    %add3A_181 = arith.addi %add3A_180, %iota3A : vector<16xi32>
    %add3A_182 = arith.constant 112 : i32
    %add3A_183 = vector.broadcast %add3A_182 : i32 to vector<16xi32>
    %add3A_184 = arith.addi %add3A_183, %iota3A : vector<16xi32>
    %mul3A_185 = arith.constant 0 : i32
    %mul3A_186 = arith.constant 128 : i32
    %mul3A_187 = arith.muli %mul3A_185, %mul3A_186 : i32
    %add3A_188 = arith.constant 0 : i32
    %add3A_189 = arith.addi %mul3A_187, %add3A_188 : i32
    %get3A_190 = arith.index_cast %add3A_189 : i32 to index
    %get3A_191 = tpu.vector_load %arg6[%get3A_190] {strides = array<i32>} : memref<25600xi32, #tpu.memory_space<vmem>>, vector<16xi32>,
    %ge3A = arith.constant 4 : i32
    %ge3A_192 = vector.broadcast %ge3A : i32 to vector<16xi32>
    %ge3A_193 = arith.cmpi sge, %get3A_191, %ge3A_192 : vector<16xi32>
    %sub3A_194 = arith.constant 4 : i32
    %sub3A_195 = vector.broadcast %sub3A_194 : i32 to vector<16xi32>
    %sub3A_196 = arith.subi %get3A_191, %sub3A_195 : vector<16xi32>
    %jit3A = arith.constant 0 : i32
    %broadcast_in_dim3A_197 = vector.broadcast %jit3A : i32 to vector<16xi32>
    %select_n3A = arith.select %ge3A_193, %sub3A_196, %broadcast_in_dim3A_197 : vector<16xi1>, vector<16xi32>
    %swap3A_198 = arith.constant 0 : index
    %swap3A_199 = tpu.vector_load %arg7[%swap3A_198] {strides = array<i32>} : memref<128xi32, #tpu.memory_space<vmem>>, vector<16xi32>,
    tpu.vector_store %arg7[%swap3A_198], %select_n3A {strides = array<i32>} : memref<128xi32, #tpu.memory_space<vmem>>, vector<16xi32>,
    %add3A_200 = arith.constant 16 : i32
    %add3A_201 = arith.addi %mul3A_187, %add3A_200 : i32
    %get3A_202 = arith.index_cast %add3A_201 : i32 to index
    %get3A_203 = tpu.vector_load %arg6[%get3A_202] {strides = array<i32>} : memref<25600xi32, #tpu.memory_space<vmem>>, vector<16xi32>,
    %ge3A_204 = arith.constant 4 : i32
    %ge3A_205 = vector.broadcast %ge3A_204 : i32 to vector<16xi32>
    %ge3A_206 = arith.cmpi sge, %get3A_203, %ge3A_205 : vector<16xi32>
    %sub3A_207 = arith.constant 4 : i32
    %sub3A_208 = vector.broadcast %sub3A_207 : i32 to vector<16xi32>
    %sub3A_209 = arith.subi %get3A_203, %sub3A_208 : vector<16xi32>
    %jit3A_210 = arith.constant 0 : i32
    %broadcast_in_dim3A_211 = vector.broadcast %jit3A_210 : i32 to vector<16xi32>
    %select_n3A_212 = arith.select %ge3A_206, %sub3A_209, %broadcast_in_dim3A_211 : vector<16xi1>, vector<16xi32>
    %swap3A_213 = arith.constant 16 : index
    %swap3A_214 = tpu.vector_load %arg7[%swap3A_213] {strides = array<i32>} : memref<128xi32, #tpu.memory_space<vmem>>, vector<16xi32>,
    tpu.vector_store %arg7[%swap3A_213], %select_n3A_212 {strides = array<i32>} : memref<128xi32, #tpu.memory_space<vmem>>, vector<16xi32>,
    %add3A_215 = arith.constant 32 : i32
    %add3A_216 = arith.addi %mul3A_187, %add3A_215 : i32
    %get3A_217 = arith.index_cast %add3A_216 : i32 to index
    %get3A_218 = tpu.vector_load %arg6[%get3A_217] {strides = array<i32>} : memref<25600xi32, #tpu.memory_space<vmem>>, vector<16xi32>,
    %ge3A_219 = arith.constant 4 : i32
    %ge3A_220 = vector.broadcast %ge3A_219 : i32 to vector<16xi32>
    %ge3A_221 = arith.cmpi sge, %get3A_218, %ge3A_220 : vector<16xi32>
    %sub3A_222 = arith.constant 4 : i32
    %sub3A_223 = vector.broadcast %sub3A_222 : i32 to vector<16xi32>
    %sub3A_224 = arith.subi %get3A_218, %sub3A_223 : vector<16xi32>
    %jit3A_225 = arith.constant 0 : i32
    %broadcast_in_dim3A_226 = vector.broadcast %jit3A_225 : i32 to vector<16xi32>
    %select_n3A_227 = arith.select %ge3A_221, %sub3A_224, %broadcast_in_dim3A_226 : vector<16xi1>, vector<16xi32>
    %swap3A_228 = arith.constant 32 : index
    %swap3A_229 = tpu.vector_load %arg7[%swap3A_228] {strides = array<i32>} : memref<128xi32, #tpu.memory_space<vmem>>, vector<16xi32>,
    tpu.vector_store %arg7[%swap3A_228], %select_n3A_227 {strides = array<i32>} : memref<128xi32, #tpu.memory_space<vmem>>, vector<16xi32>,
    %add3A_230 = arith.constant 48 : i32
    %add3A_231 = arith.addi %mul3A_187, %add3A_230 : i32
    %get3A_232 = arith.index_cast %add3A_231 : i32 to index
    %get3A_233 = tpu.vector_load %arg6[%get3A_232] {strides = array<i32>} : memref<25600xi32, #tpu.memory_space<vmem>>, vector<16xi32>,
    %ge3A_234 = arith.constant 4 : i32
    %ge3A_235 = vector.broadcast %ge3A_234 : i32 to vector<16xi32>
    %ge3A_236 = arith.cmpi sge, %get3A_233, %ge3A_235 : vector<16xi32>
    %sub3A_237 = arith.constant 4 : i32
    %sub3A_238 = vector.broadcast %sub3A_237 : i32 to vector<16xi32>
    %sub3A_239 = arith.subi %get3A_233, %sub3A_238 : vector<16xi32>
    %jit3A_240 = arith.constant 0 : i32
    %broadcast_in_dim3A_241 = vector.broadcast %jit3A_240 : i32 to vector<16xi32>
    %select_n3A_242 = arith.select %ge3A_236, %sub3A_239, %broadcast_in_dim3A_241 : vector<16xi1>, vector<16xi32>
    %swap3A_243 = arith.constant 48 : index
    %swap3A_244 = tpu.vector_load %arg7[%swap3A_243] {strides = array<i32>} : memref<128xi32, #tpu.memory_space<vmem>>, vector<16xi32>,
    tpu.vector_store %arg7[%swap3A_243], %select_n3A_242 {strides = array<i32>} : memref<128xi32, #tpu.memory_space<vmem>>, vector<16xi32>,
    %add3A_245 = arith.constant 64 : i32
    %add3A_246 = arith.addi %mul3A_187, %add3A_245 : i32
    %get3A_247 = arith.index_cast %add3A_246 : i32 to index
    %get3A_248 = tpu.vector_load %arg6[%get3A_247] {strides = array<i32>} : memref<25600xi32, #tpu.memory_space<vmem>>, vector<16xi32>,
    %ge3A_249 = arith.constant 4 : i32
    %ge3A_250 = vector.broadcast %ge3A_249 : i32 to vector<16xi32>
    %ge3A_251 = arith.cmpi sge, %get3A_248, %ge3A_250 : vector<16xi32>
    %sub3A_252 = arith.constant 4 : i32
    %sub3A_253 = vector.broadcast %sub3A_252 : i32 to vector<16xi32>
    %sub3A_254 = arith.subi %get3A_248, %sub3A_253 : vector<16xi32>
    %jit3A_255 = arith.constant 0 : i32
    %broadcast_in_dim3A_256 = vector.broadcast %jit3A_255 : i32 to vector<16xi32>
    %select_n3A_257 = arith.select %ge3A_251, %sub3A_254, %broadcast_in_dim3A_256 : vector<16xi1>, vector<16xi32>
    %swap3A_258 = arith.constant 64 : index
    %swap3A_259 = tpu.vector_load %arg7[%swap3A_258] {strides = array<i32>} : memref<128xi32, #tpu.memory_space<vmem>>, vector<16xi32>,
    tpu.vector_store %arg7[%swap3A_258], %select_n3A_257 {strides = array<i32>} : memref<128xi32, #tpu.memory_space<vmem>>, vector<16xi32>,
    %add3A_260 = arith.constant 80 : i32
    %add3A_261 = arith.addi %mul3A_187, %add3A_260 : i32
    %get3A_262 = arith.index_cast %add3A_261 : i32 to index
    %get3A_263 = tpu.vector_load %arg6[%get3A_262] {strides = array<i32>} : memref<25600xi32, #tpu.memory_space<vmem>>, vector<16xi32>,
    %ge3A_264 = arith.constant 4 : i32
    %ge3A_265 = vector.broadcast %ge3A_264 : i32 to vector<16xi32>
    %ge3A_266 = arith.cmpi sge, %get3A_263, %ge3A_265 : vector<16xi32>
    %sub3A_267 = arith.constant 4 : i32
    %sub3A_268 = vector.broadcast %sub3A_267 : i32 to vector<16xi32>
    %sub3A_269 = arith.subi %get3A_263, %sub3A_268 : vector<16xi32>
    %jit3A_270 = arith.constant 0 : i32
    %broadcast_in_dim3A_271 = vector.broadcast %jit3A_270 : i32 to vector<16xi32>
    %select_n3A_272 = arith.select %ge3A_266, %sub3A_269, %broadcast_in_dim3A_271 : vector<16xi1>, vector<16xi32>
    %swap3A_273 = arith.constant 80 : index
    %swap3A_274 = tpu.vector_load %arg7[%swap3A_273] {strides = array<i32>} : memref<128xi32, #tpu.memory_space<vmem>>, vector<16xi32>,
    tpu.vector_store %arg7[%swap3A_273], %select_n3A_272 {strides = array<i32>} : memref<128xi32, #tpu.memory_space<vmem>>, vector<16xi32>,
    %add3A_275 = arith.constant 96 : i32
    %add3A_276 = arith.addi %mul3A_187, %add3A_275 : i32
    %get3A_277 = arith.index_cast %add3A_276 : i32 to index
    %get3A_278 = tpu.vector_load %arg6[%get3A_277] {strides = array<i32>} : memref<25600xi32, #tpu.memory_space<vmem>>, vector<16xi32>,
    %ge3A_279 = arith.constant 4 : i32
    %ge3A_280 = vector.broadcast %ge3A_279 : i32 to vector<16xi32>
    %ge3A_281 = arith.cmpi sge, %get3A_278, %ge3A_280 : vector<16xi32>
    %sub3A_282 = arith.constant 4 : i32
    %sub3A_283 = vector.broadcast %sub3A_282 : i32 to vector<16xi32>
    %sub3A_284 = arith.subi %get3A_278, %sub3A_283 : vector<16xi32>
    %jit3A_285 = arith.constant 0 : i32
    %broadcast_in_dim3A_286 = vector.broadcast %jit3A_285 : i32 to vector<16xi32>
    %select_n3A_287 = arith.select %ge3A_281, %sub3A_284, %broadcast_in_dim3A_286 : vector<16xi1>, vector<16xi32>
    %swap3A_288 = arith.constant 96 : index
    %swap3A_289 = tpu.vector_load %arg7[%swap3A_288] {strides = array<i32>} : memref<128xi32, #tpu.memory_space<vmem>>, vector<16xi32>,
    tpu.vector_store %arg7[%swap3A_288], %select_n3A_287 {strides = array<i32>} : memref<128xi32, #tpu.memory_space<vmem>>, vector<16xi32>,
    %add3A_290 = arith.constant 112 : i32
    %add3A_291 = arith.addi %mul3A_187, %add3A_290 : i32
    %get3A_292 = arith.index_cast %add3A_291 : i32 to index
    %get3A_293 = tpu.vector_load %arg6[%get3A_292] {strides = array<i32>} : memref<25600xi32, #tpu.memory_space<vmem>>, vector<16xi32>,
    %ge3A_294 = arith.constant 4 : i32
    %ge3A_295 = vector.broadcast %ge3A_294 : i32 to vector<16xi32>
    %ge3A_296 = arith.cmpi sge, %get3A_293, %ge3A_295 : vector<16xi32>
    %sub3A_297 = arith.constant 4 : i32
    %sub3A_298 = vector.broadcast %sub3A_297 : i32 to vector<16xi32>
    %sub3A_299 = arith.subi %get3A_293, %sub3A_298 : vector<16xi32>
    %jit3A_300 = arith.constant 0 : i32
    %broadcast_in_dim3A_301 = vector.broadcast %jit3A_300 : i32 to vector<16xi32>
    %select_n3A_302 = arith.select %ge3A_296, %sub3A_299, %broadcast_in_dim3A_301 : vector<16xi1>, vector<16xi32>
    %swap3A_303 = arith.constant 112 : index
    %swap3A_304 = tpu.vector_load %arg7[%swap3A_303] {strides = array<i32>} : memref<128xi32, #tpu.memory_space<vmem>>, vector<16xi32>,
    tpu.vector_store %arg7[%swap3A_303], %select_n3A_302 {strides = array<i32>} : memref<128xi32, #tpu.memory_space<vmem>>, vector<16xi32>,
    %dma_start3A = arith.constant 0 : i32
    %dma_start3A_305 = arith.constant 0 : i32
    %dma_start3A_306 = tpu.memref_slice %arg3[%dma_start3A, %dma_start3A_305] : memref<1000000x64xf32, #tpu.memory_space<hbm>> -> memref<1000000x64xf32, #tpu.memory_space<hbm>>
    tpu.enqueue_indirect_dma source(%dma_start3A_306 : memref<1000000x64xf32, #tpu.memory_space<hbm>>) target(%arg11 : memref<128x64xf32, #tpu.memory_space<vmem>>) offsets(%arg7 : memref<128xi32, #tpu.memory_space<vmem>>) semaphore(%arg21 : memref<!tpu.dma_semaphore, #tpu.memory_space<semaphore_mem>>)
    %mul3A_307 = arith.constant 1 : i32
    %mul3A_308 = arith.constant 128 : i32
    %mul3A_309 = arith.muli %mul3A_307, %mul3A_308 : i32
    %add3A_310 = arith.constant 0 : i32
    %add3A_311 = arith.addi %mul3A_309, %add3A_310 : i32
    %get3A_312 = arith.index_cast %add3A_311 : i32 to index
    %get3A_313 = tpu.vector_load %arg6[%get3A_312] {strides = array<i32>} : memref<25600xi32, #tpu.memory_space<vmem>>, vector<16xi32>,
    %ge3A_314 = arith.constant 4 : i32
    %ge3A_315 = vector.broadcast %ge3A_314 : i32 to vector<16xi32>
    %ge3A_316 = arith.cmpi sge, %get3A_313, %ge3A_315 : vector<16xi32>
    %sub3A_317 = arith.constant 4 : i32
    %sub3A_318 = vector.broadcast %sub3A_317 : i32 to vector<16xi32>
    %sub3A_319 = arith.subi %get3A_313, %sub3A_318 : vector<16xi32>
    %jit3A_320 = arith.constant 0 : i32
    %broadcast_in_dim3A_321 = vector.broadcast %jit3A_320 : i32 to vector<16xi32>
    %select_n3A_322 = arith.select %ge3A_316, %sub3A_319, %broadcast_in_dim3A_321 : vector<16xi1>, vector<16xi32>
    %swap3A_323 = arith.constant 0 : index
    %swap3A_324 = tpu.vector_load %arg8[%swap3A_323] {strides = array<i32>} : memref<128xi32, #tpu.memory_space<vmem>>, vector<16xi32>,
    tpu.vector_store %arg8[%swap3A_323], %select_n3A_322 {strides = array<i32>} : memref<128xi32, #tpu.memory_space<vmem>>, vector<16xi32>,
    %add3A_325 = arith.constant 16 : i32
    %add3A_326 = arith.addi %mul3A_309, %add3A_325 : i32
    %get3A_327 = arith.index_cast %add3A_326 : i32 to index
    %get3A_328 = tpu.vector_load %arg6[%get3A_327] {strides = array<i32>} : memref<25600xi32, #tpu.memory_space<vmem>>, vector<16xi32>,
    %ge3A_329 = arith.constant 4 : i32
    %ge3A_330 = vector.broadcast %ge3A_329 : i32 to vector<16xi32>
    %ge3A_331 = arith.cmpi sge, %get3A_328, %ge3A_330 : vector<16xi32>
    %sub3A_332 = arith.constant 4 : i32
    %sub3A_333 = vector.broadcast %sub3A_332 : i32 to vector<16xi32>
    %sub3A_334 = arith.subi %get3A_328, %sub3A_333 : vector<16xi32>
    %jit3A_335 = arith.constant 0 : i32
    %broadcast_in_dim3A_336 = vector.broadcast %jit3A_335 : i32 to vector<16xi32>
    %select_n3A_337 = arith.select %ge3A_331, %sub3A_334, %broadcast_in_dim3A_336 : vector<16xi1>, vector<16xi32>
    %swap3A_338 = arith.constant 16 : index
    %swap3A_339 = tpu.vector_load %arg8[%swap3A_338] {strides = array<i32>} : memref<128xi32, #tpu.memory_space<vmem>>, vector<16xi32>,
    tpu.vector_store %arg8[%swap3A_338], %select_n3A_337 {strides = array<i32>} : memref<128xi32, #tpu.memory_space<vmem>>, vector<16xi32>,
    %add3A_340 = arith.constant 32 : i32
    %add3A_341 = arith.addi %mul3A_309, %add3A_340 : i32
    %get3A_342 = arith.index_cast %add3A_341 : i32 to index
    %get3A_343 = tpu.vector_load %arg6[%get3A_342] {strides = array<i32>} : memref<25600xi32, #tpu.memory_space<vmem>>, vector<16xi32>,
    %ge3A_344 = arith.constant 4 : i32
    %ge3A_345 = vector.broadcast %ge3A_344 : i32 to vector<16xi32>
    %ge3A_346 = arith.cmpi sge, %get3A_343, %ge3A_345 : vector<16xi32>
    %sub3A_347 = arith.constant 4 : i32
    %sub3A_348 = vector.broadcast %sub3A_347 : i32 to vector<16xi32>
    %sub3A_349 = arith.subi %get3A_343, %sub3A_348 : vector<16xi32>
    %jit3A_350 = arith.constant 0 : i32
    %broadcast_in_dim3A_351 = vector.broadcast %jit3A_350 : i32 to vector<16xi32>
    %select_n3A_352 = arith.select %ge3A_346, %sub3A_349, %broadcast_in_dim3A_351 : vector<16xi1>, vector<16xi32>
    %swap3A_353 = arith.constant 32 : index
    %swap3A_354 = tpu.vector_load %arg8[%swap3A_353] {strides = array<i32>} : memref<128xi32, #tpu.memory_space<vmem>>, vector<16xi32>,
    tpu.vector_store %arg8[%swap3A_353], %select_n3A_352 {strides = array<i32>} : memref<128xi32, #tpu.memory_space<vmem>>, vector<16xi32>,
    %add3A_355 = arith.constant 48 : i32
    %add3A_356 = arith.addi %mul3A_309, %add3A_355 : i32
    %get3A_357 = arith.index_cast %add3A_356 : i32 to index
    %get3A_358 = tpu.vector_load %arg6[%get3A_357] {strides = array<i32>} : memref<25600xi32, #tpu.memory_space<vmem>>, vector<16xi32>,
    %ge3A_359 = arith.constant 4 : i32
    %ge3A_360 = vector.broadcast %ge3A_359 : i32 to vector<16xi32>
    %ge3A_361 = arith.cmpi sge, %get3A_358, %ge3A_360 : vector<16xi32>
    %sub3A_362 = arith.constant 4 : i32
    %sub3A_363 = vector.broadcast %sub3A_362 : i32 to vector<16xi32>
    %sub3A_364 = arith.subi %get3A_358, %sub3A_363 : vector<16xi32>
    %jit3A_365 = arith.constant 0 : i32
    %broadcast_in_dim3A_366 = vector.broadcast %jit3A_365 : i32 to vector<16xi32>
    %select_n3A_367 = arith.select %ge3A_361, %sub3A_364, %broadcast_in_dim3A_366 : vector<16xi1>, vector<16xi32>
    %swap3A_368 = arith.constant 48 : index
    %swap3A_369 = tpu.vector_load %arg8[%swap3A_368] {strides = array<i32>} : memref<128xi32, #tpu.memory_space<vmem>>, vector<16xi32>,
    tpu.vector_store %arg8[%swap3A_368], %select_n3A_367 {strides = array<i32>} : memref<128xi32, #tpu.memory_space<vmem>>, vector<16xi32>,
    %add3A_370 = arith.constant 64 : i32
    %add3A_371 = arith.addi %mul3A_309, %add3A_370 : i32
    %get3A_372 = arith.index_cast %add3A_371 : i32 to index
    %get3A_373 = tpu.vector_load %arg6[%get3A_372] {strides = array<i32>} : memref<25600xi32, #tpu.memory_space<vmem>>, vector<16xi32>,
    %ge3A_374 = arith.constant 4 : i32
    %ge3A_375 = vector.broadcast %ge3A_374 : i32 to vector<16xi32>
    %ge3A_376 = arith.cmpi sge, %get3A_373, %ge3A_375 : vector<16xi32>
    %sub3A_377 = arith.constant 4 : i32
    %sub3A_378 = vector.broadcast %sub3A_377 : i32 to vector<16xi32>
    %sub3A_379 = arith.subi %get3A_373, %sub3A_378 : vector<16xi32>
    %jit3A_380 = arith.constant 0 : i32
    %broadcast_in_dim3A_381 = vector.broadcast %jit3A_380 : i32 to vector<16xi32>
    %select_n3A_382 = arith.select %ge3A_376, %sub3A_379, %broadcast_in_dim3A_381 : vector<16xi1>, vector<16xi32>
    %swap3A_383 = arith.constant 64 : index
    %swap3A_384 = tpu.vector_load %arg8[%swap3A_383] {strides = array<i32>} : memref<128xi32, #tpu.memory_space<vmem>>, vector<16xi32>,
    tpu.vector_store %arg8[%swap3A_383], %select_n3A_382 {strides = array<i32>} : memref<128xi32, #tpu.memory_space<vmem>>, vector<16xi32>,
    %add3A_385 = arith.constant 80 : i32
    %add3A_386 = arith.addi %mul3A_309, %add3A_385 : i32
    %get3A_387 = arith.index_cast %add3A_386 : i32 to index
    %get3A_388 = tpu.vector_load %arg6[%get3A_387] {strides = array<i32>} : memref<25600xi32, #tpu.memory_space<vmem>>, vector<16xi32>,
    %ge3A_389 = arith.constant 4 : i32
    %ge3A_390 = vector.broadcast %ge3A_389 : i32 to vector<16xi32>
    %ge3A_391 = arith.cmpi sge, %get3A_388, %ge3A_390 : vector<16xi32>
    %sub3A_392 = arith.constant 4 : i32
    %sub3A_393 = vector.broadcast %sub3A_392 : i32 to vector<16xi32>
    %sub3A_394 = arith.subi %get3A_388, %sub3A_393 : vector<16xi32>
    %jit3A_395 = arith.constant 0 : i32
    %broadcast_in_dim3A_396 = vector.broadcast %jit3A_395 : i32 to vector<16xi32>
    %select_n3A_397 = arith.select %ge3A_391, %sub3A_394, %broadcast_in_dim3A_396 : vector<16xi1>, vector<16xi32>
    %swap3A_398 = arith.constant 80 : index
    %swap3A_399 = tpu.vector_load %arg8[%swap3A_398] {strides = array<i32>} : memref<128xi32, #tpu.memory_space<vmem>>, vector<16xi32>,
    tpu.vector_store %arg8[%swap3A_398], %select_n3A_397 {strides = array<i32>} : memref<128xi32, #tpu.memory_space<vmem>>, vector<16xi32>,
    %add3A_400 = arith.constant 96 : i32
    %add3A_401 = arith.addi %mul3A_309, %add3A_400 : i32
    %get3A_402 = arith.index_cast %add3A_401 : i32 to index
    %get3A_403 = tpu.vector_load %arg6[%get3A_402] {strides = array<i32>} : memref<25600xi32, #tpu.memory_space<vmem>>, vector<16xi32>,
    %ge3A_404 = arith.constant 4 : i32
    %ge3A_405 = vector.broadcast %ge3A_404 : i32 to vector<16xi32>
    %ge3A_406 = arith.cmpi sge, %get3A_403, %ge3A_405 : vector<16xi32>
    %sub3A_407 = arith.constant 4 : i32
    %sub3A_408 = vector.broadcast %sub3A_407 : i32 to vector<16xi32>
    %sub3A_409 = arith.subi %get3A_403, %sub3A_408 : vector<16xi32>
    %jit3A_410 = arith.constant 0 : i32
    %broadcast_in_dim3A_411 = vector.broadcast %jit3A_410 : i32 to vector<16xi32>
    %select_n3A_412 = arith.select %ge3A_406, %sub3A_409, %broadcast_in_dim3A_411 : vector<16xi1>, vector<16xi32>
    %swap3A_413 = arith.constant 96 : index
    %swap3A_414 = tpu.vector_load %arg8[%swap3A_413] {strides = array<i32>} : memref<128xi32, #tpu.memory_space<vmem>>, vector<16xi32>,
    tpu.vector_store %arg8[%swap3A_413], %select_n3A_412 {strides = array<i32>} : memref<128xi32, #tpu.memory_space<vmem>>, vector<16xi32>,
    %add3A_415 = arith.constant 112 : i32
    %add3A_416 = arith.addi %mul3A_309, %add3A_415 : i32
    %get3A_417 = arith.index_cast %add3A_416 : i32 to index
    %get3A_418 = tpu.vector_load %arg6[%get3A_417] {strides = array<i32>} : memref<25600xi32, #tpu.memory_space<vmem>>, vector<16xi32>,
    %ge3A_419 = arith.constant 4 : i32
    %ge3A_420 = vector.broadcast %ge3A_419 : i32 to vector<16xi32>
    %ge3A_421 = arith.cmpi sge, %get3A_418, %ge3A_420 : vector<16xi32>
    %sub3A_422 = arith.constant 4 : i32
    %sub3A_423 = vector.broadcast %sub3A_422 : i32 to vector<16xi32>
    %sub3A_424 = arith.subi %get3A_418, %sub3A_423 : vector<16xi32>
    %jit3A_425 = arith.constant 0 : i32
    %broadcast_in_dim3A_426 = vector.broadcast %jit3A_425 : i32 to vector<16xi32>
    %select_n3A_427 = arith.select %ge3A_421, %sub3A_424, %broadcast_in_dim3A_426 : vector<16xi1>, vector<16xi32>
    %swap3A_428 = arith.constant 112 : index
    %swap3A_429 = tpu.vector_load %arg8[%swap3A_428] {strides = array<i32>} : memref<128xi32, #tpu.memory_space<vmem>>, vector<16xi32>,
    tpu.vector_store %arg8[%swap3A_428], %select_n3A_427 {strides = array<i32>} : memref<128xi32, #tpu.memory_space<vmem>>, vector<16xi32>,
    %dma_start3A_430 = arith.constant 0 : i32
    %dma_start3A_431 = arith.constant 0 : i32
    %dma_start3A_432 = tpu.memref_slice %arg3[%dma_start3A_430, %dma_start3A_431] : memref<1000000x64xf32, #tpu.memory_space<hbm>> -> memref<1000000x64xf32, #tpu.memory_space<hbm>>
    tpu.enqueue_indirect_dma source(%dma_start3A_432 : memref<1000000x64xf32, #tpu.memory_space<hbm>>) target(%arg12 : memref<128x64xf32, #tpu.memory_space<vmem>>) offsets(%arg8 : memref<128xi32, #tpu.memory_space<vmem>>) semaphore(%arg22 : memref<!tpu.dma_semaphore, #tpu.memory_space<semaphore_mem>>)
    %mul3A_433 = arith.constant 2 : i32
    %mul3A_434 = arith.constant 128 : i32
    %mul3A_435 = arith.muli %mul3A_433, %mul3A_434 : i32
    %add3A_436 = arith.constant 0 : i32
    %add3A_437 = arith.addi %mul3A_435, %add3A_436 : i32
    %get3A_438 = arith.index_cast %add3A_437 : i32 to index
    %get3A_439 = tpu.vector_load %arg6[%get3A_438] {strides = array<i32>} : memref<25600xi32, #tpu.memory_space<vmem>>, vector<16xi32>,
    %ge3A_440 = arith.constant 4 : i32
    %ge3A_441 = vector.broadcast %ge3A_440 : i32 to vector<16xi32>
    %ge3A_442 = arith.cmpi sge, %get3A_439, %ge3A_441 : vector<16xi32>
    %sub3A_443 = arith.constant 4 : i32
    %sub3A_444 = vector.broadcast %sub3A_443 : i32 to vector<16xi32>
    %sub3A_445 = arith.subi %get3A_439, %sub3A_444 : vector<16xi32>
    %jit3A_446 = arith.constant 0 : i32
    %broadcast_in_dim3A_447 = vector.broadcast %jit3A_446 : i32 to vector<16xi32>
    %select_n3A_448 = arith.select %ge3A_442, %sub3A_445, %broadcast_in_dim3A_447 : vector<16xi1>, vector<16xi32>
    %swap3A_449 = arith.constant 0 : index
    %swap3A_450 = tpu.vector_load %arg9[%swap3A_449] {strides = array<i32>} : memref<128xi32, #tpu.memory_space<vmem>>, vector<16xi32>,
    tpu.vector_store %arg9[%swap3A_449], %select_n3A_448 {strides = array<i32>} : memref<128xi32, #tpu.memory_space<vmem>>, vector<16xi32>,
    %add3A_451 = arith.constant 16 : i32
    %add3A_452 = arith.addi %mul3A_435, %add3A_451 : i32
    %get3A_453 = arith.index_cast %add3A_452 : i32 to index
    %get3A_454 = tpu.vector_load %arg6[%get3A_453] {strides = array<i32>} : memref<25600xi32, #tpu.memory_space<vmem>>, vector<16xi32>,
    %ge3A_455 = arith.constant 4 : i32
    %ge3A_456 = vector.broadcast %ge3A_455 : i32 to vector<16xi32>
    %ge3A_457 = arith.cmpi sge, %get3A_454, %ge3A_456 : vector<16xi32>
    %sub3A_458 = arith.constant 4 : i32
    %sub3A_459 = vector.broadcast %sub3A_458 : i32 to vector<16xi32>
    %sub3A_460 = arith.subi %get3A_454, %sub3A_459 : vector<16xi32>
    %jit3A_461 = arith.constant 0 : i32
    %broadcast_in_dim3A_462 = vector.broadcast %jit3A_461 : i32 to vector<16xi32>
    %select_n3A_463 = arith.select %ge3A_457, %sub3A_460, %broadcast_in_dim3A_462 : vector<16xi1>, vector<16xi32>
    %swap3A_464 = arith.constant 16 : index
    %swap3A_465 = tpu.vector_load %arg9[%swap3A_464] {strides = array<i32>} : memref<128xi32, #tpu.memory_space<vmem>>, vector<16xi32>,
    tpu.vector_store %arg9[%swap3A_464], %select_n3A_463 {strides = array<i32>} : memref<128xi32, #tpu.memory_space<vmem>>, vector<16xi32>,
    %add3A_466 = arith.constant 32 : i32
    %add3A_467 = arith.addi %mul3A_435, %add3A_466 : i32
    %get3A_468 = arith.index_cast %add3A_467 : i32 to index
    %get3A_469 = tpu.vector_load %arg6[%get3A_468] {strides = array<i32>} : memref<25600xi32, #tpu.memory_space<vmem>>, vector<16xi32>,
    %ge3A_470 = arith.constant 4 : i32
    %ge3A_471 = vector.broadcast %ge3A_470 : i32 to vector<16xi32>
    %ge3A_472 = arith.cmpi sge, %get3A_469, %ge3A_471 : vector<16xi32>
    %sub3A_473 = arith.constant 4 : i32
    %sub3A_474 = vector.broadcast %sub3A_473 : i32 to vector<16xi32>
    %sub3A_475 = arith.subi %get3A_469, %sub3A_474 : vector<16xi32>
    %jit3A_476 = arith.constant 0 : i32
    %broadcast_in_dim3A_477 = vector.broadcast %jit3A_476 : i32 to vector<16xi32>
    %select_n3A_478 = arith.select %ge3A_472, %sub3A_475, %broadcast_in_dim3A_477 : vector<16xi1>, vector<16xi32>
    %swap3A_479 = arith.constant 32 : index
    %swap3A_480 = tpu.vector_load %arg9[%swap3A_479] {strides = array<i32>} : memref<128xi32, #tpu.memory_space<vmem>>, vector<16xi32>,
    tpu.vector_store %arg9[%swap3A_479], %select_n3A_478 {strides = array<i32>} : memref<128xi32, #tpu.memory_space<vmem>>, vector<16xi32>,
    %add3A_481 = arith.constant 48 : i32
    %add3A_482 = arith.addi %mul3A_435, %add3A_481 : i32
    %get3A_483 = arith.index_cast %add3A_482 : i32 to index
    %get3A_484 = tpu.vector_load %arg6[%get3A_483] {strides = array<i32>} : memref<25600xi32, #tpu.memory_space<vmem>>, vector<16xi32>,
    %ge3A_485 = arith.constant 4 : i32
    %ge3A_486 = vector.broadcast %ge3A_485 : i32 to vector<16xi32>
    %ge3A_487 = arith.cmpi sge, %get3A_484, %ge3A_486 : vector<16xi32>
    %sub3A_488 = arith.constant 4 : i32
    %sub3A_489 = vector.broadcast %sub3A_488 : i32 to vector<16xi32>
    %sub3A_490 = arith.subi %get3A_484, %sub3A_489 : vector<16xi32>
    %jit3A_491 = arith.constant 0 : i32
    %broadcast_in_dim3A_492 = vector.broadcast %jit3A_491 : i32 to vector<16xi32>
    %select_n3A_493 = arith.select %ge3A_487, %sub3A_490, %broadcast_in_dim3A_492 : vector<16xi1>, vector<16xi32>
    %swap3A_494 = arith.constant 48 : index
    %swap3A_495 = tpu.vector_load %arg9[%swap3A_494] {strides = array<i32>} : memref<128xi32, #tpu.memory_space<vmem>>, vector<16xi32>,
    tpu.vector_store %arg9[%swap3A_494], %select_n3A_493 {strides = array<i32>} : memref<128xi32, #tpu.memory_space<vmem>>, vector<16xi32>,
    %add3A_496 = arith.constant 64 : i32
    %add3A_497 = arith.addi %mul3A_435, %add3A_496 : i32
    %get3A_498 = arith.index_cast %add3A_497 : i32 to index
    %get3A_499 = tpu.vector_load %arg6[%get3A_498] {strides = array<i32>} : memref<25600xi32, #tpu.memory_space<vmem>>, vector<16xi32>,
    %ge3A_500 = arith.constant 4 : i32
    %ge3A_501 = vector.broadcast %ge3A_500 : i32 to vector<16xi32>
    %ge3A_502 = arith.cmpi sge, %get3A_499, %ge3A_501 : vector<16xi32>
    %sub3A_503 = arith.constant 4 : i32
    %sub3A_504 = vector.broadcast %sub3A_503 : i32 to vector<16xi32>
    %sub3A_505 = arith.subi %get3A_499, %sub3A_504 : vector<16xi32>
    %jit3A_506 = arith.constant 0 : i32
    %broadcast_in_dim3A_507 = vector.broadcast %jit3A_506 : i32 to vector<16xi32>
    %select_n3A_508 = arith.select %ge3A_502, %sub3A_505, %broadcast_in_dim3A_507 : vector<16xi1>, vector<16xi32>
    %swap3A_509 = arith.constant 64 : index
    %swap3A_510 = tpu.vector_load %arg9[%swap3A_509] {strides = array<i32>} : memref<128xi32, #tpu.memory_space<vmem>>, vector<16xi32>,
    tpu.vector_store %arg9[%swap3A_509], %select_n3A_508 {strides = array<i32>} : memref<128xi32, #tpu.memory_space<vmem>>, vector<16xi32>,
    %add3A_511 = arith.constant 80 : i32
    %add3A_512 = arith.addi %mul3A_435, %add3A_511 : i32
    %get3A_513 = arith.index_cast %add3A_512 : i32 to index
    %get3A_514 = tpu.vector_load %arg6[%get3A_513] {strides = array<i32>} : memref<25600xi32, #tpu.memory_space<vmem>>, vector<16xi32>,
    %ge3A_515 = arith.constant 4 : i32
    %ge3A_516 = vector.broadcast %ge3A_515 : i32 to vector<16xi32>
    %ge3A_517 = arith.cmpi sge, %get3A_514, %ge3A_516 : vector<16xi32>
    %sub3A_518 = arith.constant 4 : i32
    %sub3A_519 = vector.broadcast %sub3A_518 : i32 to vector<16xi32>
    %sub3A_520 = arith.subi %get3A_514, %sub3A_519 : vector<16xi32>
    %jit3A_521 = arith.constant 0 : i32
    %broadcast_in_dim3A_522 = vector.broadcast %jit3A_521 : i32 to vector<16xi32>
    %select_n3A_523 = arith.select %ge3A_517, %sub3A_520, %broadcast_in_dim3A_522 : vector<16xi1>, vector<16xi32>
    %swap3A_524 = arith.constant 80 : index
    %swap3A_525 = tpu.vector_load %arg9[%swap3A_524] {strides = array<i32>} : memref<128xi32, #tpu.memory_space<vmem>>, vector<16xi32>,
    tpu.vector_store %arg9[%swap3A_524], %select_n3A_523 {strides = array<i32>} : memref<128xi32, #tpu.memory_space<vmem>>, vector<16xi32>,
    %add3A_526 = arith.constant 96 : i32
    %add3A_527 = arith.addi %mul3A_435, %add3A_526 : i32
    %get3A_528 = arith.index_cast %add3A_527 : i32 to index
    %get3A_529 = tpu.vector_load %arg6[%get3A_528] {strides = array<i32>} : memref<25600xi32, #tpu.memory_space<vmem>>, vector<16xi32>,
    %ge3A_530 = arith.constant 4 : i32
    %ge3A_531 = vector.broadcast %ge3A_530 : i32 to vector<16xi32>
    %ge3A_532 = arith.cmpi sge, %get3A_529, %ge3A_531 : vector<16xi32>
    %sub3A_533 = arith.constant 4 : i32
    %sub3A_534 = vector.broadcast %sub3A_533 : i32 to vector<16xi32>
    %sub3A_535 = arith.subi %get3A_529, %sub3A_534 : vector<16xi32>
    %jit3A_536 = arith.constant 0 : i32
    %broadcast_in_dim3A_537 = vector.broadcast %jit3A_536 : i32 to vector<16xi32>
    %select_n3A_538 = arith.select %ge3A_532, %sub3A_535, %broadcast_in_dim3A_537 : vector<16xi1>, vector<16xi32>
    %swap3A_539 = arith.constant 96 : index
    %swap3A_540 = tpu.vector_load %arg9[%swap3A_539] {strides = array<i32>} : memref<128xi32, #tpu.memory_space<vmem>>, vector<16xi32>,
    tpu.vector_store %arg9[%swap3A_539], %select_n3A_538 {strides = array<i32>} : memref<128xi32, #tpu.memory_space<vmem>>, vector<16xi32>,
    %add3A_541 = arith.constant 112 : i32
    %add3A_542 = arith.addi %mul3A_435, %add3A_541 : i32
    %get3A_543 = arith.index_cast %add3A_542 : i32 to index
    %get3A_544 = tpu.vector_load %arg6[%get3A_543] {strides = array<i32>} : memref<25600xi32, #tpu.memory_space<vmem>>, vector<16xi32>,
    %ge3A_545 = arith.constant 4 : i32
    %ge3A_546 = vector.broadcast %ge3A_545 : i32 to vector<16xi32>
    %ge3A_547 = arith.cmpi sge, %get3A_544, %ge3A_546 : vector<16xi32>
    %sub3A_548 = arith.constant 4 : i32
    %sub3A_549 = vector.broadcast %sub3A_548 : i32 to vector<16xi32>
    %sub3A_550 = arith.subi %get3A_544, %sub3A_549 : vector<16xi32>
    %jit3A_551 = arith.constant 0 : i32
    %broadcast_in_dim3A_552 = vector.broadcast %jit3A_551 : i32 to vector<16xi32>
    %select_n3A_553 = arith.select %ge3A_547, %sub3A_550, %broadcast_in_dim3A_552 : vector<16xi1>, vector<16xi32>
    %swap3A_554 = arith.constant 112 : index
    %swap3A_555 = tpu.vector_load %arg9[%swap3A_554] {strides = array<i32>} : memref<128xi32, #tpu.memory_space<vmem>>, vector<16xi32>,
    tpu.vector_store %arg9[%swap3A_554], %select_n3A_553 {strides = array<i32>} : memref<128xi32, #tpu.memory_space<vmem>>, vector<16xi32>,
    %dma_start3A_556 = arith.constant 0 : i32
    %dma_start3A_557 = arith.constant 0 : i32
    %dma_start3A_558 = tpu.memref_slice %arg3[%dma_start3A_556, %dma_start3A_557] : memref<1000000x64xf32, #tpu.memory_space<hbm>> -> memref<1000000x64xf32, #tpu.memory_space<hbm>>
    tpu.enqueue_indirect_dma source(%dma_start3A_558 : memref<1000000x64xf32, #tpu.memory_space<hbm>>) target(%arg13 : memref<128x64xf32, #tpu.memory_space<vmem>>) offsets(%arg9 : memref<128xi32, #tpu.memory_space<vmem>>) semaphore(%arg23 : memref<!tpu.dma_semaphore, #tpu.memory_space<semaphore_mem>>)
    %scan3A = arith.constant 0 : i32
    %scan3A_559 = arith.constant 0 : i32
    %scan3A_560 = arith.constant 50 : i32
    %scan3A_561 = arith.addi %scan3A_559, %scan3A_560 : i32
    %scan3A_562 = arith.constant 1 : i32
    %scan3A_563 = scf.for %scan3A_773 = %scan3A_559 to %scan3A_561 step %scan3A_562 iter_args(%scan3A_774 = %scan3A) -> (i32)  : i32 {
      %mul3A_775 = arith.constant 4 : i32
      %mul3A_776 = arith.muli %scan3A_773, %mul3A_775 : i32
      %add3A_777 = arith.constant 0 : i32
      %add3A_778 = arith.addi %mul3A_776, %add3A_777 : i32
      %add3A_779 = arith.constant 4 : i32
      %add3A_780 = arith.addi %add3A_778, %add3A_779 : i32
      %sub3A_781 = arith.constant 1 : i32
      %sub3A_782 = arith.subi %add3A_780, %sub3A_781 : i32
      %lt3A_783 = arith.constant 200 : i32
      %lt3A_784 = arith.cmpi slt, %sub3A_782, %lt3A_783 : i32
      %convert_element_type3A = arith.extui %lt3A_784 : i1 to i32
      %cond3A = arith.constant 0 : i32
      %cond3A_785 = arith.cmpi ne, %convert_element_type3A, %cond3A : i32
      scf.if %cond3A_785 {
        %ge3A_1562 = arith.constant 4 : i32
        %ge3A_1563 = arith.cmpi sge, %sub3A_782, %ge3A_1562 : i32
        %convert_element_type3A_1564 = arith.extui %ge3A_1563 : i1 to i32
        %cond3A_1565 = arith.constant 0 : i32
        %cond3A_1566 = arith.cmpi ne, %convert_element_type3A_1564, %cond3A_1565 : i32
        scf.if %cond3A_1566 {
          %sub3A_1692 = arith.constant 4 : i32
          %sub3A_1693 = arith.subi %sub3A_782, %sub3A_1692 : i32
          %mul3A_1694 = arith.constant 200 : i32
          %mul3A_1695 = arith.muli %add3A, %mul3A_1694 : i32
          %add3A_1696 = arith.addi %mul3A_1695, %sub3A_1693 : i32
          %jit3A_1697 = arith.constant 32 : i32
          %div3A_1698 = arith.divsi %add3A_1696, %jit3A_1697 : i32
          %sign3A_1699 = arith.constant 0 : i32
          %sign3A_1700 = arith.cmpi sgt, %add3A_1696, %sign3A_1699 : i32
          %sign3A_1701 = arith.extui %sign3A_1700 : i1 to i32
          %sign3A_1702 = arith.constant 0 : i32
          %sign3A_1703 = arith.cmpi slt, %add3A_1696, %sign3A_1702 : i32
          %sign3A_1704 = arith.extui %sign3A_1703 : i1 to i32
          %sign3A_1705 = arith.subi %sign3A_1701, %sign3A_1704 : i32
          %sign3A_1706 = arith.constant 0 : i32
          %sign3A_1707 = arith.cmpi sgt, %jit3A_1697, %sign3A_1706 : i32
          %sign3A_1708 = arith.extui %sign3A_1707 : i1 to i32
          %sign3A_1709 = arith.constant 0 : i32
          %sign3A_1710 = arith.cmpi slt, %jit3A_1697, %sign3A_1709 : i32
          %sign3A_1711 = arith.extui %sign3A_1710 : i1 to i32
          %sign3A_1712 = arith.subi %sign3A_1708, %sign3A_1711 : i32
          %ne3A_1713 = arith.cmpi ne, %sign3A_1705, %sign3A_1712 : i32
          %rem3A_1714 = arith.remsi %add3A_1696, %jit3A_1697 : i32
          %ne3A_1715 = arith.constant 0 : i32
          %ne3A_1716 = arith.cmpi ne, %rem3A_1714, %ne3A_1715 : i32
          %and3A_1717 = arith.andi %ne3A_1713, %ne3A_1716 : i1
          %sub3A_1718 = arith.constant 1 : i32
          %sub3A_1719 = arith.subi %div3A_1698, %sub3A_1718 : i32
          %select_n3A_1720 = arith.select %and3A_1717, %sub3A_1719, %div3A_1698 : i32
          %jit3A_1721 = arith.constant 32 : i32
          %eq3A_1722 = arith.constant 0 : i32
          %eq3A_1723 = arith.cmpi eq, %jit3A_1721, %eq3A_1722 : i32
          %jit3A_1724 = arith.constant 1 : i32
          %select_n3A_1725 = arith.select %eq3A_1723, %jit3A_1724, %jit3A_1721 : i32
          %rem3A_1726 = arith.remsi %add3A_1696, %select_n3A_1725 : i32
          %ne3A_1727 = arith.constant 0 : i32
          %ne3A_1728 = arith.cmpi ne, %rem3A_1726, %ne3A_1727 : i32
          %lt3A_1729 = arith.constant 0 : i32
          %lt3A_1730 = arith.cmpi slt, %rem3A_1726, %lt3A_1729 : i32
          %lt3A_1731 = arith.constant 0 : i32
          %lt3A_1732 = arith.cmpi slt, %select_n3A_1725, %lt3A_1731 : i32
          %ne3A_1733 = arith.xori %lt3A_1730, %lt3A_1732 : i1
          %and3A_1734 = arith.andi %ne3A_1733, %ne3A_1728 : i1
          %add3A_1735 = arith.addi %rem3A_1726, %select_n3A_1725 : i32
          %select_n3A_1736 = arith.select %and3A_1734, %add3A_1735, %rem3A_1726 : i32
          %dma_wait3A_1737 = arith.constant 0 : i32
          %dma_wait3A_1738 = arith.constant 0 : i32
          %dma_wait3A_1739 = arith.constant 0 : i32
          %dma_wait3A_1740 = tpu.memref_slice %arg5[%select_n3A_1720, %dma_wait3A_1737, %select_n3A_1736, %dma_wait3A_1738, %dma_wait3A_1739] : memref<200x8x32x8x128xf32, #tpu.memory_space<hbm>> -> memref<1x8x1x8x128xf32, #tpu.memory_space<hbm>>
          %dma_wait3A_1741 = tpu.memref_squeeze %dma_wait3A_1740 : memref<1x8x1x8x128xf32, #tpu.memory_space<hbm>> -> memref<8x8x128xf32, #tpu.memory_space<hbm>>
          %dma_wait3A_1742 = arith.constant 0 : i32
          %dma_wait3A_1743 = arith.constant 0 : i32
          %dma_wait3A_1744 = arith.constant 0 : i32
          %dma_wait3A_1745 = tpu.memref_slice %arg5[%select_n3A_1720, %dma_wait3A_1742, %select_n3A_1736, %dma_wait3A_1743, %dma_wait3A_1744] : memref<200x8x32x8x128xf32, #tpu.memory_space<hbm>> -> memref<1x8x1x8x128xf32, #tpu.memory_space<hbm>>
          %dma_wait3A_1746 = tpu.memref_squeeze %dma_wait3A_1745 : memref<1x8x1x8x128xf32, #tpu.memory_space<hbm>> -> memref<8x8x128xf32, #tpu.memory_space<hbm>>
          tpu.wait_dma2 semaphore(%arg28 : memref<!tpu.dma_semaphore, #tpu.memory_space<semaphore_mem>>) src(%arg18 : memref<8x8x128xf32, #tpu.memory_space<vmem>>) dst(%dma_wait3A_1746 : memref<8x8x128xf32, #tpu.memory_space<hbm>>)
        } else {
        }
        %mul3A_1567 = arith.constant 128 : i32
        %mul3A_1568 = arith.muli %sub3A_782, %mul3A_1567 : i32
        %add3A_1569 = arith.constant 0 : i32
        %add3A_1570 = arith.addi %mul3A_1568, %add3A_1569 : i32
        %get3A_1571 = arith.index_cast %add3A_1570 : i32 to index
        %get3A_1572 = tpu.vector_load %arg6[%get3A_1571] {strides = array<i32>} : memref<25600xi32, #tpu.memory_space<vmem>>, vector<16xi32>,
        %ge3A_1573 = arith.constant 4 : i32
        %ge3A_1574 = vector.broadcast %ge3A_1573 : i32 to vector<16xi32>
        %ge3A_1575 = arith.cmpi sge, %get3A_1572, %ge3A_1574 : vector<16xi32>
        %sub3A_1576 = arith.constant 4 : i32
        %sub3A_1577 = vector.broadcast %sub3A_1576 : i32 to vector<16xi32>
        %sub3A_1578 = arith.subi %get3A_1572, %sub3A_1577 : vector<16xi32>
        %jit3A_1579 = arith.constant 0 : i32
        %broadcast_in_dim3A_1580 = vector.broadcast %jit3A_1579 : i32 to vector<16xi32>
        %select_n3A_1581 = arith.select %ge3A_1575, %sub3A_1578, %broadcast_in_dim3A_1580 : vector<16xi1>, vector<16xi32>
        %swap3A_1582 = arith.constant 0 : index
        %swap3A_1583 = tpu.vector_load %arg10[%swap3A_1582] {strides = array<i32>} : memref<128xi32, #tpu.memory_space<vmem>>, vector<16xi32>,
        tpu.vector_store %arg10[%swap3A_1582], %select_n3A_1581 {strides = array<i32>} : memref<128xi32, #tpu.memory_space<vmem>>, vector<16xi32>,
        %add3A_1584 = arith.constant 16 : i32
        %add3A_1585 = arith.addi %mul3A_1568, %add3A_1584 : i32
        %get3A_1586 = arith.index_cast %add3A_1585 : i32 to index
        %get3A_1587 = tpu.vector_load %arg6[%get3A_1586] {strides = array<i32>} : memref<25600xi32, #tpu.memory_space<vmem>>, vector<16xi32>,
        %ge3A_1588 = arith.constant 4 : i32
        %ge3A_1589 = vector.broadcast %ge3A_1588 : i32 to vector<16xi32>
        %ge3A_1590 = arith.cmpi sge, %get3A_1587, %ge3A_1589 : vector<16xi32>
        %sub3A_1591 = arith.constant 4 : i32
        %sub3A_1592 = vector.broadcast %sub3A_1591 : i32 to vector<16xi32>
        %sub3A_1593 = arith.subi %get3A_1587, %sub3A_1592 : vector<16xi32>
        %jit3A_1594 = arith.constant 0 : i32
        %broadcast_in_dim3A_1595 = vector.broadcast %jit3A_1594 : i32 to vector<16xi32>
        %select_n3A_1596 = arith.select %ge3A_1590, %sub3A_1593, %broadcast_in_dim3A_1595 : vector<16xi1>, vector<16xi32>
        %swap3A_1597 = arith.constant 16 : index
        %swap3A_1598 = tpu.vector_load %arg10[%swap3A_1597] {strides = array<i32>} : memref<128xi32, #tpu.memory_space<vmem>>, vector<16xi32>,
        tpu.vector_store %arg10[%swap3A_1597], %select_n3A_1596 {strides = array<i32>} : memref<128xi32, #tpu.memory_space<vmem>>, vector<16xi32>,
        %add3A_1599 = arith.constant 32 : i32
        %add3A_1600 = arith.addi %mul3A_1568, %add3A_1599 : i32
        %get3A_1601 = arith.index_cast %add3A_1600 : i32 to index
        %get3A_1602 = tpu.vector_load %arg6[%get3A_1601] {strides = array<i32>} : memref<25600xi32, #tpu.memory_space<vmem>>, vector<16xi32>,
        %ge3A_1603 = arith.constant 4 : i32
        %ge3A_1604 = vector.broadcast %ge3A_1603 : i32 to vector<16xi32>
        %ge3A_1605 = arith.cmpi sge, %get3A_1602, %ge3A_1604 : vector<16xi32>
        %sub3A_1606 = arith.constant 4 : i32
        %sub3A_1607 = vector.broadcast %sub3A_1606 : i32 to vector<16xi32>
        %sub3A_1608 = arith.subi %get3A_1602, %sub3A_1607 : vector<16xi32>
        %jit3A_1609 = arith.constant 0 : i32
        %broadcast_in_dim3A_1610 = vector.broadcast %jit3A_1609 : i32 to vector<16xi32>
        %select_n3A_1611 = arith.select %ge3A_1605, %sub3A_1608, %broadcast_in_dim3A_1610 : vector<16xi1>, vector<16xi32>
        %swap3A_1612 = arith.constant 32 : index
        %swap3A_1613 = tpu.vector_load %arg10[%swap3A_1612] {strides = array<i32>} : memref<128xi32, #tpu.memory_space<vmem>>, vector<16xi32>,
        tpu.vector_store %arg10[%swap3A_1612], %select_n3A_1611 {strides = array<i32>} : memref<128xi32, #tpu.memory_space<vmem>>, vector<16xi32>,
        %add3A_1614 = arith.constant 48 : i32
        %add3A_1615 = arith.addi %mul3A_1568, %add3A_1614 : i32
        %get3A_1616 = arith.index_cast %add3A_1615 : i32 to index
        %get3A_1617 = tpu.vector_load %arg6[%get3A_1616] {strides = array<i32>} : memref<25600xi32, #tpu.memory_space<vmem>>, vector<16xi32>,
        %ge3A_1618 = arith.constant 4 : i32
        %ge3A_1619 = vector.broadcast %ge3A_1618 : i32 to vector<16xi32>
        %ge3A_1620 = arith.cmpi sge, %get3A_1617, %ge3A_1619 : vector<16xi32>
        %sub3A_1621 = arith.constant 4 : i32
        %sub3A_1622 = vector.broadcast %sub3A_1621 : i32 to vector<16xi32>
        %sub3A_1623 = arith.subi %get3A_1617, %sub3A_1622 : vector<16xi32>
        %jit3A_1624 = arith.constant 0 : i32
        %broadcast_in_dim3A_1625 = vector.broadcast %jit3A_1624 : i32 to vector<16xi32>
        %select_n3A_1626 = arith.select %ge3A_1620, %sub3A_1623, %broadcast_in_dim3A_1625 : vector<16xi1>, vector<16xi32>
        %swap3A_1627 = arith.constant 48 : index
        %swap3A_1628 = tpu.vector_load %arg10[%swap3A_1627] {strides = array<i32>} : memref<128xi32, #tpu.memory_space<vmem>>, vector<16xi32>,
        tpu.vector_store %arg10[%swap3A_1627], %select_n3A_1626 {strides = array<i32>} : memref<128xi32, #tpu.memory_space<vmem>>, vector<16xi32>,
        %add3A_1629 = arith.constant 64 : i32
        %add3A_1630 = arith.addi %mul3A_1568, %add3A_1629 : i32
        %get3A_1631 = arith.index_cast %add3A_1630 : i32 to index
        %get3A_1632 = tpu.vector_load %arg6[%get3A_1631] {strides = array<i32>} : memref<25600xi32, #tpu.memory_space<vmem>>, vector<16xi32>,
        %ge3A_1633 = arith.constant 4 : i32
        %ge3A_1634 = vector.broadcast %ge3A_1633 : i32 to vector<16xi32>
        %ge3A_1635 = arith.cmpi sge, %get3A_1632, %ge3A_1634 : vector<16xi32>
        %sub3A_1636 = arith.constant 4 : i32
        %sub3A_1637 = vector.broadcast %sub3A_1636 : i32 to vector<16xi32>
        %sub3A_1638 = arith.subi %get3A_1632, %sub3A_1637 : vector<16xi32>
        %jit3A_1639 = arith.constant 0 : i32
        %broadcast_in_dim3A_1640 = vector.broadcast %jit3A_1639 : i32 to vector<16xi32>
        %select_n3A_1641 = arith.select %ge3A_1635, %sub3A_1638, %broadcast_in_dim3A_1640 : vector<16xi1>, vector<16xi32>
        %swap3A_1642 = arith.constant 64 : index
        %swap3A_1643 = tpu.vector_load %arg10[%swap3A_1642] {strides = array<i32>} : memref<128xi32, #tpu.memory_space<vmem>>, vector<16xi32>,
        tpu.vector_store %arg10[%swap3A_1642], %select_n3A_1641 {strides = array<i32>} : memref<128xi32, #tpu.memory_space<vmem>>, vector<16xi32>,
        %add3A_1644 = arith.constant 80 : i32
        %add3A_1645 = arith.addi %mul3A_1568, %add3A_1644 : i32
        %get3A_1646 = arith.index_cast %add3A_1645 : i32 to index
        %get3A_1647 = tpu.vector_load %arg6[%get3A_1646] {strides = array<i32>} : memref<25600xi32, #tpu.memory_space<vmem>>, vector<16xi32>,
        %ge3A_1648 = arith.constant 4 : i32
        %ge3A_1649 = vector.broadcast %ge3A_1648 : i32 to vector<16xi32>
        %ge3A_1650 = arith.cmpi sge, %get3A_1647, %ge3A_1649 : vector<16xi32>
        %sub3A_1651 = arith.constant 4 : i32
        %sub3A_1652 = vector.broadcast %sub3A_1651 : i32 to vector<16xi32>
        %sub3A_1653 = arith.subi %get3A_1647, %sub3A_1652 : vector<16xi32>
        %jit3A_1654 = arith.constant 0 : i32
        %broadcast_in_dim3A_1655 = vector.broadcast %jit3A_1654 : i32 to vector<16xi32>
        %select_n3A_1656 = arith.select %ge3A_1650, %sub3A_1653, %broadcast_in_dim3A_1655 : vector<16xi1>, vector<16xi32>
        %swap3A_1657 = arith.constant 80 : index
        %swap3A_1658 = tpu.vector_load %arg10[%swap3A_1657] {strides = array<i32>} : memref<128xi32, #tpu.memory_space<vmem>>, vector<16xi32>,
        tpu.vector_store %arg10[%swap3A_1657], %select_n3A_1656 {strides = array<i32>} : memref<128xi32, #tpu.memory_space<vmem>>, vector<16xi32>,
        %add3A_1659 = arith.constant 96 : i32
        %add3A_1660 = arith.addi %mul3A_1568, %add3A_1659 : i32
        %get3A_1661 = arith.index_cast %add3A_1660 : i32 to index
        %get3A_1662 = tpu.vector_load %arg6[%get3A_1661] {strides = array<i32>} : memref<25600xi32, #tpu.memory_space<vmem>>, vector<16xi32>,
        %ge3A_1663 = arith.constant 4 : i32
        %ge3A_1664 = vector.broadcast %ge3A_1663 : i32 to vector<16xi32>
        %ge3A_1665 = arith.cmpi sge, %get3A_1662, %ge3A_1664 : vector<16xi32>
        %sub3A_1666 = arith.constant 4 : i32
        %sub3A_1667 = vector.broadcast %sub3A_1666 : i32 to vector<16xi32>
        %sub3A_1668 = arith.subi %get3A_1662, %sub3A_1667 : vector<16xi32>
        %jit3A_1669 = arith.constant 0 : i32
        %broadcast_in_dim3A_1670 = vector.broadcast %jit3A_1669 : i32 to vector<16xi32>
        %select_n3A_1671 = arith.select %ge3A_1665, %sub3A_1668, %broadcast_in_dim3A_1670 : vector<16xi1>, vector<16xi32>
        %swap3A_1672 = arith.constant 96 : index
        %swap3A_1673 = tpu.vector_load %arg10[%swap3A_1672] {strides = array<i32>} : memref<128xi32, #tpu.memory_space<vmem>>, vector<16xi32>,
        tpu.vector_store %arg10[%swap3A_1672], %select_n3A_1671 {strides = array<i32>} : memref<128xi32, #tpu.memory_space<vmem>>, vector<16xi32>,
        %add3A_1674 = arith.constant 112 : i32
        %add3A_1675 = arith.addi %mul3A_1568, %add3A_1674 : i32
        %get3A_1676 = arith.index_cast %add3A_1675 : i32 to index
        %get3A_1677 = tpu.vector_load %arg6[%get3A_1676] {strides = array<i32>} : memref<25600xi32, #tpu.memory_space<vmem>>, vector<16xi32>,
        %ge3A_1678 = arith.constant 4 : i32
        %ge3A_1679 = vector.broadcast %ge3A_1678 : i32 to vector<16xi32>
        %ge3A_1680 = arith.cmpi sge, %get3A_1677, %ge3A_1679 : vector<16xi32>
        %sub3A_1681 = arith.constant 4 : i32
        %sub3A_1682 = vector.broadcast %sub3A_1681 : i32 to vector<16xi32>
        %sub3A_1683 = arith.subi %get3A_1677, %sub3A_1682 : vector<16xi32>
        %jit3A_1684 = arith.constant 0 : i32
        %broadcast_in_dim3A_1685 = vector.broadcast %jit3A_1684 : i32 to vector<16xi32>
        %select_n3A_1686 = arith.select %ge3A_1680, %sub3A_1683, %broadcast_in_dim3A_1685 : vector<16xi1>, vector<16xi32>
        %swap3A_1687 = arith.constant 112 : index
        %swap3A_1688 = tpu.vector_load %arg10[%swap3A_1687] {strides = array<i32>} : memref<128xi32, #tpu.memory_space<vmem>>, vector<16xi32>,
        tpu.vector_store %arg10[%swap3A_1687], %select_n3A_1686 {strides = array<i32>} : memref<128xi32, #tpu.memory_space<vmem>>, vector<16xi32>,
        %dma_start3A_1689 = arith.constant 0 : i32
        %dma_start3A_1690 = arith.constant 0 : i32
        %dma_start3A_1691 = tpu.memref_slice %arg3[%dma_start3A_1689, %dma_start3A_1690] : memref<1000000x64xf32, #tpu.memory_space<hbm>> -> memref<1000000x64xf32, #tpu.memory_space<hbm>>
        tpu.enqueue_indirect_dma source(%dma_start3A_1691 : memref<1000000x64xf32, #tpu.memory_space<hbm>>) target(%arg14 : memref<128x64xf32, #tpu.memory_space<vmem>>) offsets(%arg10 : memref<128xi32, #tpu.memory_space<vmem>>) semaphore(%arg24 : memref<!tpu.dma_semaphore, #tpu.memory_space<semaphore_mem>>)
      } else {
      }
      %dma_wait3A_786 = arith.constant 0 : i32
      %dma_wait3A_787 = arith.constant 0 : i32
      %dma_wait3A_788 = tpu.memref_slice %arg3[%dma_wait3A_786, %dma_wait3A_787] : memref<1000000x64xf32, #tpu.memory_space<hbm>> -> memref<1000000x64xf32, #tpu.memory_space<hbm>>
      tpu.wait_indirect_dma semaphore(%arg21 : memref<!tpu.dma_semaphore, #tpu.memory_space<semaphore_mem>>) src(%dma_wait3A_788 : memref<1000000x64xf32, #tpu.memory_space<hbm>>) dst(%arg11 : memref<128x64xf32, #tpu.memory_space<vmem>>)
      %mul3A_789 = arith.constant 128 : i32
      %mul3A_790 = arith.muli %add3A_778, %mul3A_789 : i32
      %scan3A_791 = arith.constant 0 : i32
      %scan3A_792 = arith.constant 0 : i32
      %scan3A_793 = arith.constant 64 : i32
      %scan3A_794 = arith.addi %scan3A_792, %scan3A_793 : i32
      %scan3A_795 = arith.constant 1 : i32
      %scan3A_796 = scf.for %scan3A_1562 = %scan3A_792 to %scan3A_794 step %scan3A_795 iter_args(%scan3A_1563 = %scan3A_791) -> (i32)  : i32 {
        %add3A_1564 = vector.broadcast %scan3A_1562 : i32 to vector<16xi32>
        %add3A_1565 = arith.addi %add3A_1564, %iota3A : vector<16xi32>
        %and3A_1566 = arith.constant 63 : i32
        %and3A_1567 = vector.broadcast %and3A_1566 : i32 to vector<16xi32>
        %and3A_1568 = arith.andi %add3A_1565, %and3A_1567 : vector<16xi32>
        %gather3A = tpu.vector_load_idx %arg19[%broadcast_in_dim3A_160, %and3A_1568] : memref<4x64xf32, #tpu.memory_space<vmem>>[vector<16xi32>, vector<16xi32>], vector<16xf32>,
        %shift_right_arithmetic3A = arith.constant 3 : i32
        %shift_right_arithmetic3A_1569 = vector.broadcast %shift_right_arithmetic3A : i32 to vector<16xi32>
        %shift_right_arithmetic3A_1570 = arith.shrsi %and3A_1568, %shift_right_arithmetic3A_1569 : vector<16xi32>
        %and3A_1571 = arith.constant 7 : i32
        %and3A_1572 = vector.broadcast %and3A_1571 : i32 to vector<16xi32>
        %and3A_1573 = arith.andi %and3A_1568, %and3A_1572 : vector<16xi32>
        %gather3A_1574 = tpu.vector_load_idx %arg11[%add3A_163, %and3A_1568] : memref<128x64xf32, #tpu.memory_space<vmem>>[vector<16xi32>, vector<16xi32>], vector<16xf32>,
        %add3A_1575 = arith.addf %gather3A_1574, %gather3A : vector<16xf32>
        tpu.vector_store_idx %arg15[%shift_right_arithmetic3A_1570, %and3A_1573, %add3A_163], %add3A_1575 : memref<8x8x128xf32, #tpu.memory_space<vmem>>[vector<16xi32>, vector<16xi32>, vector<16xi32>], vector<16xf32>,
        %gather3A_1576 = tpu.vector_load_idx %arg11[%add3A_166, %and3A_1568] : memref<128x64xf32, #tpu.memory_space<vmem>>[vector<16xi32>, vector<16xi32>], vector<16xf32>,
        %add3A_1577 = arith.addf %gather3A_1576, %gather3A : vector<16xf32>
        tpu.vector_store_idx %arg15[%shift_right_arithmetic3A_1570, %and3A_1573, %add3A_166], %add3A_1577 : memref<8x8x128xf32, #tpu.memory_space<vmem>>[vector<16xi32>, vector<16xi32>, vector<16xi32>], vector<16xf32>,
        %gather3A_1578 = tpu.vector_load_idx %arg11[%add3A_169, %and3A_1568] : memref<128x64xf32, #tpu.memory_space<vmem>>[vector<16xi32>, vector<16xi32>], vector<16xf32>,
        %add3A_1579 = arith.addf %gather3A_1578, %gather3A : vector<16xf32>
        tpu.vector_store_idx %arg15[%shift_right_arithmetic3A_1570, %and3A_1573, %add3A_169], %add3A_1579 : memref<8x8x128xf32, #tpu.memory_space<vmem>>[vector<16xi32>, vector<16xi32>, vector<16xi32>], vector<16xf32>,
        %gather3A_1580 = tpu.vector_load_idx %arg11[%add3A_172, %and3A_1568] : memref<128x64xf32, #tpu.memory_space<vmem>>[vector<16xi32>, vector<16xi32>], vector<16xf32>,
        %add3A_1581 = arith.addf %gather3A_1580, %gather3A : vector<16xf32>
        tpu.vector_store_idx %arg15[%shift_right_arithmetic3A_1570, %and3A_1573, %add3A_172], %add3A_1581 : memref<8x8x128xf32, #tpu.memory_space<vmem>>[vector<16xi32>, vector<16xi32>, vector<16xi32>], vector<16xf32>,
        %gather3A_1582 = tpu.vector_load_idx %arg11[%add3A_175, %and3A_1568] : memref<128x64xf32, #tpu.memory_space<vmem>>[vector<16xi32>, vector<16xi32>], vector<16xf32>,
        %add3A_1583 = arith.addf %gather3A_1582, %gather3A : vector<16xf32>
        tpu.vector_store_idx %arg15[%shift_right_arithmetic3A_1570, %and3A_1573, %add3A_175], %add3A_1583 : memref<8x8x128xf32, #tpu.memory_space<vmem>>[vector<16xi32>, vector<16xi32>, vector<16xi32>], vector<16xf32>,
        %gather3A_1584 = tpu.vector_load_idx %arg11[%add3A_178, %and3A_1568] : memref<128x64xf32, #tpu.memory_space<vmem>>[vector<16xi32>, vector<16xi32>], vector<16xf32>,
        %add3A_1585 = arith.addf %gather3A_1584, %gather3A : vector<16xf32>
        tpu.vector_store_idx %arg15[%shift_right_arithmetic3A_1570, %and3A_1573, %add3A_178], %add3A_1585 : memref<8x8x128xf32, #tpu.memory_space<vmem>>[vector<16xi32>, vector<16xi32>, vector<16xi32>], vector<16xf32>,
        %gather3A_1586 = tpu.vector_load_idx %arg11[%add3A_181, %and3A_1568] : memref<128x64xf32, #tpu.memory_space<vmem>>[vector<16xi32>, vector<16xi32>], vector<16xf32>,
        %add3A_1587 = arith.addf %gather3A_1586, %gather3A : vector<16xf32>
        tpu.vector_store_idx %arg15[%shift_right_arithmetic3A_1570, %and3A_1573, %add3A_181], %add3A_1587 : memref<8x8x128xf32, #tpu.memory_space<vmem>>[vector<16xi32>, vector<16xi32>, vector<16xi32>], vector<16xf32>,
        %gather3A_1588 = tpu.vector_load_idx %arg11[%add3A_184, %and3A_1568] : memref<128x64xf32, #tpu.memory_space<vmem>>[vector<16xi32>, vector<16xi32>], vector<16xf32>,
        %add3A_1589 = arith.addf %gather3A_1588, %gather3A : vector<16xf32>
        tpu.vector_store_idx %arg15[%shift_right_arithmetic3A_1570, %and3A_1573, %add3A_184], %add3A_1589 : memref<8x8x128xf32, #tpu.memory_space<vmem>>[vector<16xi32>, vector<16xi32>, vector<16xi32>], vector<16xf32>,
        %scan3A_1590 = arith.constant 0 : i32
        scf.yield %scan3A_1590 : i32
      }
      %scan3A_797 = arith.constant 64 : i32
      %add3A_798 = arith.constant 0 : i32
      %add3A_799 = arith.addi %mul3A_790, %add3A_798 : i32
      %get3A_800 = arith.index_cast %add3A_799 : i32 to index
      %get3A_801 = tpu.vector_load %arg6[%get3A_800] {strides = array<i32>} : memref<25600xi32, #tpu.memory_space<vmem>>, vector<16xi32>,
      %lt3A_802 = arith.constant 4 : i32
      %lt3A_803 = vector.broadcast %lt3A_802 : i32 to vector<16xi32>
      %lt3A_804 = arith.cmpi slt, %get3A_801, %lt3A_803 : vector<16xi32>
      %all_reduce_population_count3A = tpu.all_reduce %lt3A_804 {dim = 0 : i64, kind = #tpu.reduction_kind<sum>} : vector<16xi1> -> vector<16xi32>
      %slice3A = vector.extract_strided_slice %all_reduce_population_count3A {offsets = [0], sizes = [1], strides = [1]} : vector<16xi32> to vector<1xi32>
      %squeeze3A = vector.extract %slice3A[0] : i32 from vector<1xi32>
      %gt3A = arith.constant 0 : i32
      %gt3A_805 = arith.cmpi sgt, %squeeze3A, %gt3A : i32
      %convert_element_type3A_806 = arith.extui %gt3A_805 : i1 to i32
      %cond3A_807 = arith.constant 0 : i32
      %cond3A_808 = arith.cmpi ne, %convert_element_type3A_806, %cond3A_807 : i32
      scf.if %cond3A_808 {
        %jit3A_1562 = arith.constant 0 : i32
        %broadcast_in_dim3A_1563 = vector.broadcast %jit3A_1562 : i32 to vector<16xi32>
        %select_n3A_1564 = arith.select %lt3A_804, %get3A_801, %broadcast_in_dim3A_1563 : vector<16xi1>, vector<16xi32>
        %add3A_1565 = arith.constant 0 : i32
        %add3A_1566 = vector.broadcast %add3A_1565 : i32 to vector<16xi32>
        %add3A_1567 = arith.addi %add3A_1566, %iota3A : vector<16xi32>
        %scan3A_1568 = arith.constant 0 : i32
        %scan3A_1569 = arith.constant 0 : i32
        %scan3A_1570 = arith.constant 64 : i32
        %scan3A_1571 = arith.addi %scan3A_1569, %scan3A_1570 : i32
        %scan3A_1572 = arith.constant 1 : i32
        %scan3A_1573 = scf.for %scan3A_1575 = %scan3A_1569 to %scan3A_1571 step %scan3A_1572 iter_args(%scan3A_1576 = %scan3A_1568) -> (i32)  : i32 {
          %add3A_1577 = vector.broadcast %scan3A_1575 : i32 to vector<16xi32>
          %add3A_1578 = arith.addi %broadcast_in_dim3A_160, %add3A_1577 : vector<16xi32>
          %gather3A = tpu.vector_load_idx %arg20[%select_n3A_1564, %add3A_1578] : memref<4x64xf32, #tpu.memory_space<vmem>>[vector<16xi32>, vector<16xi32>], vector<16xf32>,
          %shift_right_arithmetic3A = arith.constant 3 : i32
          %shift_right_arithmetic3A_1579 = vector.broadcast %shift_right_arithmetic3A : i32 to vector<16xi32>
          %shift_right_arithmetic3A_1580 = arith.shrsi %add3A_1578, %shift_right_arithmetic3A_1579 : vector<16xi32>
          %and3A_1581 = arith.constant 7 : i32
          %and3A_1582 = vector.broadcast %and3A_1581 : i32 to vector<16xi32>
          %and3A_1583 = arith.andi %add3A_1578, %and3A_1582 : vector<16xi32>
          tpu.vector_store_idx %arg15[%shift_right_arithmetic3A_1580, %and3A_1583, %add3A_1567], %gather3A masked %lt3A_804 {add = true} : memref<8x8x128xf32, #tpu.memory_space<vmem>>[vector<16xi32>, vector<16xi32>, vector<16xi32>], vector<16xf32>, vector<16xi1>
          %scan3A_1584 = arith.constant 0 : i32
          scf.yield %scan3A_1584 : i32
        }
        %scan3A_1574 = arith.constant 64 : i32
      } else {
      }
      %add3A_809 = arith.constant 16 : i32
      %add3A_810 = arith.addi %mul3A_790, %add3A_809 : i32
      %get3A_811 = arith.index_cast %add3A_810 : i32 to index
      %get3A_812 = tpu.vector_load %arg6[%get3A_811] {strides = array<i32>} : memref<25600xi32, #tpu.memory_space<vmem>>, vector<16xi32>,
      %lt3A_813 = arith.constant 4 : i32
      %lt3A_814 = vector.broadcast %lt3A_813 : i32 to vector<16xi32>
      %lt3A_815 = arith.cmpi slt, %get3A_812, %lt3A_814 : vector<16xi32>
      %all_reduce_population_count3A_816 = tpu.all_reduce %lt3A_815 {dim = 0 : i64, kind = #tpu.reduction_kind<sum>} : vector<16xi1> -> vector<16xi32>
      %slice3A_817 = vector.extract_strided_slice %all_reduce_population_count3A_816 {offsets = [0], sizes = [1], strides = [1]} : vector<16xi32> to vector<1xi32>
      %squeeze3A_818 = vector.extract %slice3A_817[0] : i32 from vector<1xi32>
      %gt3A_819 = arith.constant 0 : i32
      %gt3A_820 = arith.cmpi sgt, %squeeze3A_818, %gt3A_819 : i32
      %convert_element_type3A_821 = arith.extui %gt3A_820 : i1 to i32
      %cond3A_822 = arith.constant 0 : i32
      %cond3A_823 = arith.cmpi ne, %convert_element_type3A_821, %cond3A_822 : i32
      scf.if %cond3A_823 {
        %jit3A_1562 = arith.constant 0 : i32
        %broadcast_in_dim3A_1563 = vector.broadcast %jit3A_1562 : i32 to vector<16xi32>
        %select_n3A_1564 = arith.select %lt3A_815, %get3A_812, %broadcast_in_dim3A_1563 : vector<16xi1>, vector<16xi32>
        %add3A_1565 = arith.constant 16 : i32
        %add3A_1566 = vector.broadcast %add3A_1565 : i32 to vector<16xi32>
        %add3A_1567 = arith.addi %add3A_1566, %iota3A : vector<16xi32>
        %scan3A_1568 = arith.constant 0 : i32
        %scan3A_1569 = arith.constant 0 : i32
        %scan3A_1570 = arith.constant 64 : i32
        %scan3A_1571 = arith.addi %scan3A_1569, %scan3A_1570 : i32
        %scan3A_1572 = arith.constant 1 : i32
        %scan3A_1573 = scf.for %scan3A_1575 = %scan3A_1569 to %scan3A_1571 step %scan3A_1572 iter_args(%scan3A_1576 = %scan3A_1568) -> (i32)  : i32 {
          %add3A_1577 = vector.broadcast %scan3A_1575 : i32 to vector<16xi32>
          %add3A_1578 = arith.addi %broadcast_in_dim3A_160, %add3A_1577 : vector<16xi32>
          %gather3A = tpu.vector_load_idx %arg20[%select_n3A_1564, %add3A_1578] : memref<4x64xf32, #tpu.memory_space<vmem>>[vector<16xi32>, vector<16xi32>], vector<16xf32>,
          %shift_right_arithmetic3A = arith.constant 3 : i32
          %shift_right_arithmetic3A_1579 = vector.broadcast %shift_right_arithmetic3A : i32 to vector<16xi32>
          %shift_right_arithmetic3A_1580 = arith.shrsi %add3A_1578, %shift_right_arithmetic3A_1579 : vector<16xi32>
          %and3A_1581 = arith.constant 7 : i32
          %and3A_1582 = vector.broadcast %and3A_1581 : i32 to vector<16xi32>
          %and3A_1583 = arith.andi %add3A_1578, %and3A_1582 : vector<16xi32>
          tpu.vector_store_idx %arg15[%shift_right_arithmetic3A_1580, %and3A_1583, %add3A_1567], %gather3A masked %lt3A_815 {add = true} : memref<8x8x128xf32, #tpu.memory_space<vmem>>[vector<16xi32>, vector<16xi32>, vector<16xi32>], vector<16xf32>, vector<16xi1>
          %scan3A_1584 = arith.constant 0 : i32
          scf.yield %scan3A_1584 : i32
        }
        %scan3A_1574 = arith.constant 64 : i32
      } else {
      }
      %add3A_824 = arith.constant 32 : i32
      %add3A_825 = arith.addi %mul3A_790, %add3A_824 : i32
      %get3A_826 = arith.index_cast %add3A_825 : i32 to index
      %get3A_827 = tpu.vector_load %arg6[%get3A_826] {strides = array<i32>} : memref<25600xi32, #tpu.memory_space<vmem>>, vector<16xi32>,
      %lt3A_828 = arith.constant 4 : i32
      %lt3A_829 = vector.broadcast %lt3A_828 : i32 to vector<16xi32>
      %lt3A_830 = arith.cmpi slt, %get3A_827, %lt3A_829 : vector<16xi32>
      %all_reduce_population_count3A_831 = tpu.all_reduce %lt3A_830 {dim = 0 : i64, kind = #tpu.reduction_kind<sum>} : vector<16xi1> -> vector<16xi32>
      %slice3A_832 = vector.extract_strided_slice %all_reduce_population_count3A_831 {offsets = [0], sizes = [1], strides = [1]} : vector<16xi32> to vector<1xi32>
      %squeeze3A_833 = vector.extract %slice3A_832[0] : i32 from vector<1xi32>
      %gt3A_834 = arith.constant 0 : i32
      %gt3A_835 = arith.cmpi sgt, %squeeze3A_833, %gt3A_834 : i32
      %convert_element_type3A_836 = arith.extui %gt3A_835 : i1 to i32
      %cond3A_837 = arith.constant 0 : i32
      %cond3A_838 = arith.cmpi ne, %convert_element_type3A_836, %cond3A_837 : i32
      scf.if %cond3A_838 {
        %jit3A_1562 = arith.constant 0 : i32
        %broadcast_in_dim3A_1563 = vector.broadcast %jit3A_1562 : i32 to vector<16xi32>
        %select_n3A_1564 = arith.select %lt3A_830, %get3A_827, %broadcast_in_dim3A_1563 : vector<16xi1>, vector<16xi32>
        %add3A_1565 = arith.constant 32 : i32
        %add3A_1566 = vector.broadcast %add3A_1565 : i32 to vector<16xi32>
        %add3A_1567 = arith.addi %add3A_1566, %iota3A : vector<16xi32>
        %scan3A_1568 = arith.constant 0 : i32
        %scan3A_1569 = arith.constant 0 : i32
        %scan3A_1570 = arith.constant 64 : i32
        %scan3A_1571 = arith.addi %scan3A_1569, %scan3A_1570 : i32
        %scan3A_1572 = arith.constant 1 : i32
        %scan3A_1573 = scf.for %scan3A_1575 = %scan3A_1569 to %scan3A_1571 step %scan3A_1572 iter_args(%scan3A_1576 = %scan3A_1568) -> (i32)  : i32 {
          %add3A_1577 = vector.broadcast %scan3A_1575 : i32 to vector<16xi32>
          %add3A_1578 = arith.addi %broadcast_in_dim3A_160, %add3A_1577 : vector<16xi32>
          %gather3A = tpu.vector_load_idx %arg20[%select_n3A_1564, %add3A_1578] : memref<4x64xf32, #tpu.memory_space<vmem>>[vector<16xi32>, vector<16xi32>], vector<16xf32>,
          %shift_right_arithmetic3A = arith.constant 3 : i32
          %shift_right_arithmetic3A_1579 = vector.broadcast %shift_right_arithmetic3A : i32 to vector<16xi32>
          %shift_right_arithmetic3A_1580 = arith.shrsi %add3A_1578, %shift_right_arithmetic3A_1579 : vector<16xi32>
          %and3A_1581 = arith.constant 7 : i32
          %and3A_1582 = vector.broadcast %and3A_1581 : i32 to vector<16xi32>
          %and3A_1583 = arith.andi %add3A_1578, %and3A_1582 : vector<16xi32>
          tpu.vector_store_idx %arg15[%shift_right_arithmetic3A_1580, %and3A_1583, %add3A_1567], %gather3A masked %lt3A_830 {add = true} : memref<8x8x128xf32, #tpu.memory_space<vmem>>[vector<16xi32>, vector<16xi32>, vector<16xi32>], vector<16xf32>, vector<16xi1>
          %scan3A_1584 = arith.constant 0 : i32
          scf.yield %scan3A_1584 : i32
        }
        %scan3A_1574 = arith.constant 64 : i32
      } else {
      }
      %add3A_839 = arith.constant 48 : i32
      %add3A_840 = arith.addi %mul3A_790, %add3A_839 : i32
      %get3A_841 = arith.index_cast %add3A_840 : i32 to index
      %get3A_842 = tpu.vector_load %arg6[%get3A_841] {strides = array<i32>} : memref<25600xi32, #tpu.memory_space<vmem>>, vector<16xi32>,
      %lt3A_843 = arith.constant 4 : i32
      %lt3A_844 = vector.broadcast %lt3A_843 : i32 to vector<16xi32>
      %lt3A_845 = arith.cmpi slt, %get3A_842, %lt3A_844 : vector<16xi32>
      %all_reduce_population_count3A_846 = tpu.all_reduce %lt3A_845 {dim = 0 : i64, kind = #tpu.reduction_kind<sum>} : vector<16xi1> -> vector<16xi32>
      %slice3A_847 = vector.extract_strided_slice %all_reduce_population_count3A_846 {offsets = [0], sizes = [1], strides = [1]} : vector<16xi32> to vector<1xi32>
      %squeeze3A_848 = vector.extract %slice3A_847[0] : i32 from vector<1xi32>
      %gt3A_849 = arith.constant 0 : i32
      %gt3A_850 = arith.cmpi sgt, %squeeze3A_848, %gt3A_849 : i32
      %convert_element_type3A_851 = arith.extui %gt3A_850 : i1 to i32
      %cond3A_852 = arith.constant 0 : i32
      %cond3A_853 = arith.cmpi ne, %convert_element_type3A_851, %cond3A_852 : i32
      scf.if %cond3A_853 {
        %jit3A_1562 = arith.constant 0 : i32
        %broadcast_in_dim3A_1563 = vector.broadcast %jit3A_1562 : i32 to vector<16xi32>
        %select_n3A_1564 = arith.select %lt3A_845, %get3A_842, %broadcast_in_dim3A_1563 : vector<16xi1>, vector<16xi32>
        %add3A_1565 = arith.constant 48 : i32
        %add3A_1566 = vector.broadcast %add3A_1565 : i32 to vector<16xi32>
        %add3A_1567 = arith.addi %add3A_1566, %iota3A : vector<16xi32>
        %scan3A_1568 = arith.constant 0 : i32
        %scan3A_1569 = arith.constant 0 : i32
        %scan3A_1570 = arith.constant 64 : i32
        %scan3A_1571 = arith.addi %scan3A_1569, %scan3A_1570 : i32
        %scan3A_1572 = arith.constant 1 : i32
        %scan3A_1573 = scf.for %scan3A_1575 = %scan3A_1569 to %scan3A_1571 step %scan3A_1572 iter_args(%scan3A_1576 = %scan3A_1568) -> (i32)  : i32 {
          %add3A_1577 = vector.broadcast %scan3A_1575 : i32 to vector<16xi32>
          %add3A_1578 = arith.addi %broadcast_in_dim3A_160, %add3A_1577 : vector<16xi32>
          %gather3A = tpu.vector_load_idx %arg20[%select_n3A_1564, %add3A_1578] : memref<4x64xf32, #tpu.memory_space<vmem>>[vector<16xi32>, vector<16xi32>], vector<16xf32>,
          %shift_right_arithmetic3A = arith.constant 3 : i32
          %shift_right_arithmetic3A_1579 = vector.broadcast %shift_right_arithmetic3A : i32 to vector<16xi32>
          %shift_right_arithmetic3A_1580 = arith.shrsi %add3A_1578, %shift_right_arithmetic3A_1579 : vector<16xi32>
          %and3A_1581 = arith.constant 7 : i32
          %and3A_1582 = vector.broadcast %and3A_1581 : i32 to vector<16xi32>
          %and3A_1583 = arith.andi %add3A_1578, %and3A_1582 : vector<16xi32>
          tpu.vector_store_idx %arg15[%shift_right_arithmetic3A_1580, %and3A_1583, %add3A_1567], %gather3A masked %lt3A_845 {add = true} : memref<8x8x128xf32, #tpu.memory_space<vmem>>[vector<16xi32>, vector<16xi32>, vector<16xi32>], vector<16xf32>, vector<16xi1>
          %scan3A_1584 = arith.constant 0 : i32
          scf.yield %scan3A_1584 : i32
        }
        %scan3A_1574 = arith.constant 64 : i32
      } else {
      }
      %add3A_854 = arith.constant 64 : i32
      %add3A_855 = arith.addi %mul3A_790, %add3A_854 : i32
      %get3A_856 = arith.index_cast %add3A_855 : i32 to index
      %get3A_857 = tpu.vector_load %arg6[%get3A_856] {strides = array<i32>} : memref<25600xi32, #tpu.memory_space<vmem>>, vector<16xi32>,
      %lt3A_858 = arith.constant 4 : i32
      %lt3A_859 = vector.broadcast %lt3A_858 : i32 to vector<16xi32>
      %lt3A_860 = arith.cmpi slt, %get3A_857, %lt3A_859 : vector<16xi32>
      %all_reduce_population_count3A_861 = tpu.all_reduce %lt3A_860 {dim = 0 : i64, kind = #tpu.reduction_kind<sum>} : vector<16xi1> -> vector<16xi32>
      %slice3A_862 = vector.extract_strided_slice %all_reduce_population_count3A_861 {offsets = [0], sizes = [1], strides = [1]} : vector<16xi32> to vector<1xi32>
      %squeeze3A_863 = vector.extract %slice3A_862[0] : i32 from vector<1xi32>
      %gt3A_864 = arith.constant 0 : i32
      %gt3A_865 = arith.cmpi sgt, %squeeze3A_863, %gt3A_864 : i32
      %convert_element_type3A_866 = arith.extui %gt3A_865 : i1 to i32
      %cond3A_867 = arith.constant 0 : i32
      %cond3A_868 = arith.cmpi ne, %convert_element_type3A_866, %cond3A_867 : i32
      scf.if %cond3A_868 {
        %jit3A_1562 = arith.constant 0 : i32
        %broadcast_in_dim3A_1563 = vector.broadcast %jit3A_1562 : i32 to vector<16xi32>
        %select_n3A_1564 = arith.select %lt3A_860, %get3A_857, %broadcast_in_dim3A_1563 : vector<16xi1>, vector<16xi32>
        %add3A_1565 = arith.constant 64 : i32
        %add3A_1566 = vector.broadcast %add3A_1565 : i32 to vector<16xi32>
        %add3A_1567 = arith.addi %add3A_1566, %iota3A : vector<16xi32>
        %scan3A_1568 = arith.constant 0 : i32
        %scan3A_1569 = arith.constant 0 : i32
        %scan3A_1570 = arith.constant 64 : i32
        %scan3A_1571 = arith.addi %scan3A_1569, %scan3A_1570 : i32
        %scan3A_1572 = arith.constant 1 : i32
        %scan3A_1573 = scf.for %scan3A_1575 = %scan3A_1569 to %scan3A_1571 step %scan3A_1572 iter_args(%scan3A_1576 = %scan3A_1568) -> (i32)  : i32 {
          %add3A_1577 = vector.broadcast %scan3A_1575 : i32 to vector<16xi32>
          %add3A_1578 = arith.addi %broadcast_in_dim3A_160, %add3A_1577 : vector<16xi32>
          %gather3A = tpu.vector_load_idx %arg20[%select_n3A_1564, %add3A_1578] : memref<4x64xf32, #tpu.memory_space<vmem>>[vector<16xi32>, vector<16xi32>], vector<16xf32>,
          %shift_right_arithmetic3A = arith.constant 3 : i32
          %shift_right_arithmetic3A_1579 = vector.broadcast %shift_right_arithmetic3A : i32 to vector<16xi32>
          %shift_right_arithmetic3A_1580 = arith.shrsi %add3A_1578, %shift_right_arithmetic3A_1579 : vector<16xi32>
          %and3A_1581 = arith.constant 7 : i32
          %and3A_1582 = vector.broadcast %and3A_1581 : i32 to vector<16xi32>
          %and3A_1583 = arith.andi %add3A_1578, %and3A_1582 : vector<16xi32>
          tpu.vector_store_idx %arg15[%shift_right_arithmetic3A_1580, %and3A_1583, %add3A_1567], %gather3A masked %lt3A_860 {add = true} : memref<8x8x128xf32, #tpu.memory_space<vmem>>[vector<16xi32>, vector<16xi32>, vector<16xi32>], vector<16xf32>, vector<16xi1>
          %scan3A_1584 = arith.constant 0 : i32
          scf.yield %scan3A_1584 : i32
        }
        %scan3A_1574 = arith.constant 64 : i32
      } else {
      }
      %add3A_869 = arith.constant 80 : i32
      %add3A_870 = arith.addi %mul3A_790, %add3A_869 : i32
      %get3A_871 = arith.index_cast %add3A_870 : i32 to index
      %get3A_872 = tpu.vector_load %arg6[%get3A_871] {strides = array<i32>} : memref<25600xi32, #tpu.memory_space<vmem>>, vector<16xi32>,
      %lt3A_873 = arith.constant 4 : i32
      %lt3A_874 = vector.broadcast %lt3A_873 : i32 to vector<16xi32>
      %lt3A_875 = arith.cmpi slt, %get3A_872, %lt3A_874 : vector<16xi32>
      %all_reduce_population_count3A_876 = tpu.all_reduce %lt3A_875 {dim = 0 : i64, kind = #tpu.reduction_kind<sum>} : vector<16xi1> -> vector<16xi32>
      %slice3A_877 = vector.extract_strided_slice %all_reduce_population_count3A_876 {offsets = [0], sizes = [1], strides = [1]} : vector<16xi32> to vector<1xi32>
      %squeeze3A_878 = vector.extract %slice3A_877[0] : i32 from vector<1xi32>
      %gt3A_879 = arith.constant 0 : i32
      %gt3A_880 = arith.cmpi sgt, %squeeze3A_878, %gt3A_879 : i32
      %convert_element_type3A_881 = arith.extui %gt3A_880 : i1 to i32
      %cond3A_882 = arith.constant 0 : i32
      %cond3A_883 = arith.cmpi ne, %convert_element_type3A_881, %cond3A_882 : i32
      scf.if %cond3A_883 {
        %jit3A_1562 = arith.constant 0 : i32
        %broadcast_in_dim3A_1563 = vector.broadcast %jit3A_1562 : i32 to vector<16xi32>
        %select_n3A_1564 = arith.select %lt3A_875, %get3A_872, %broadcast_in_dim3A_1563 : vector<16xi1>, vector<16xi32>
        %add3A_1565 = arith.constant 80 : i32
        %add3A_1566 = vector.broadcast %add3A_1565 : i32 to vector<16xi32>
        %add3A_1567 = arith.addi %add3A_1566, %iota3A : vector<16xi32>
        %scan3A_1568 = arith.constant 0 : i32
        %scan3A_1569 = arith.constant 0 : i32
        %scan3A_1570 = arith.constant 64 : i32
        %scan3A_1571 = arith.addi %scan3A_1569, %scan3A_1570 : i32
        %scan3A_1572 = arith.constant 1 : i32
        %scan3A_1573 = scf.for %scan3A_1575 = %scan3A_1569 to %scan3A_1571 step %scan3A_1572 iter_args(%scan3A_1576 = %scan3A_1568) -> (i32)  : i32 {
          %add3A_1577 = vector.broadcast %scan3A_1575 : i32 to vector<16xi32>
          %add3A_1578 = arith.addi %broadcast_in_dim3A_160, %add3A_1577 : vector<16xi32>
          %gather3A = tpu.vector_load_idx %arg20[%select_n3A_1564, %add3A_1578] : memref<4x64xf32, #tpu.memory_space<vmem>>[vector<16xi32>, vector<16xi32>], vector<16xf32>,
          %shift_right_arithmetic3A = arith.constant 3 : i32
          %shift_right_arithmetic3A_1579 = vector.broadcast %shift_right_arithmetic3A : i32 to vector<16xi32>
          %shift_right_arithmetic3A_1580 = arith.shrsi %add3A_1578, %shift_right_arithmetic3A_1579 : vector<16xi32>
          %and3A_1581 = arith.constant 7 : i32
          %and3A_1582 = vector.broadcast %and3A_1581 : i32 to vector<16xi32>
          %and3A_1583 = arith.andi %add3A_1578, %and3A_1582 : vector<16xi32>
          tpu.vector_store_idx %arg15[%shift_right_arithmetic3A_1580, %and3A_1583, %add3A_1567], %gather3A masked %lt3A_875 {add = true} : memref<8x8x128xf32, #tpu.memory_space<vmem>>[vector<16xi32>, vector<16xi32>, vector<16xi32>], vector<16xf32>, vector<16xi1>
          %scan3A_1584 = arith.constant 0 : i32
          scf.yield %scan3A_1584 : i32
        }
        %scan3A_1574 = arith.constant 64 : i32
      } else {
      }
      %add3A_884 = arith.constant 96 : i32
      %add3A_885 = arith.addi %mul3A_790, %add3A_884 : i32
      %get3A_886 = arith.index_cast %add3A_885 : i32 to index
      %get3A_887 = tpu.vector_load %arg6[%get3A_886] {strides = array<i32>} : memref<25600xi32, #tpu.memory_space<vmem>>, vector<16xi32>,
      %lt3A_888 = arith.constant 4 : i32
      %lt3A_889 = vector.broadcast %lt3A_888 : i32 to vector<16xi32>
      %lt3A_890 = arith.cmpi slt, %get3A_887, %lt3A_889 : vector<16xi32>
      %all_reduce_population_count3A_891 = tpu.all_reduce %lt3A_890 {dim = 0 : i64, kind = #tpu.reduction_kind<sum>} : vector<16xi1> -> vector<16xi32>
      %slice3A_892 = vector.extract_strided_slice %all_reduce_population_count3A_891 {offsets = [0], sizes = [1], strides = [1]} : vector<16xi32> to vector<1xi32>
      %squeeze3A_893 = vector.extract %slice3A_892[0] : i32 from vector<1xi32>
      %gt3A_894 = arith.constant 0 : i32
      %gt3A_895 = arith.cmpi sgt, %squeeze3A_893, %gt3A_894 : i32
      %convert_element_type3A_896 = arith.extui %gt3A_895 : i1 to i32
      %cond3A_897 = arith.constant 0 : i32
      %cond3A_898 = arith.cmpi ne, %convert_element_type3A_896, %cond3A_897 : i32
      scf.if %cond3A_898 {
        %jit3A_1562 = arith.constant 0 : i32
        %broadcast_in_dim3A_1563 = vector.broadcast %jit3A_1562 : i32 to vector<16xi32>
        %select_n3A_1564 = arith.select %lt3A_890, %get3A_887, %broadcast_in_dim3A_1563 : vector<16xi1>, vector<16xi32>
        %add3A_1565 = arith.constant 96 : i32
        %add3A_1566 = vector.broadcast %add3A_1565 : i32 to vector<16xi32>
        %add3A_1567 = arith.addi %add3A_1566, %iota3A : vector<16xi32>
        %scan3A_1568 = arith.constant 0 : i32
        %scan3A_1569 = arith.constant 0 : i32
        %scan3A_1570 = arith.constant 64 : i32
        %scan3A_1571 = arith.addi %scan3A_1569, %scan3A_1570 : i32
        %scan3A_1572 = arith.constant 1 : i32
        %scan3A_1573 = scf.for %scan3A_1575 = %scan3A_1569 to %scan3A_1571 step %scan3A_1572 iter_args(%scan3A_1576 = %scan3A_1568) -> (i32)  : i32 {
          %add3A_1577 = vector.broadcast %scan3A_1575 : i32 to vector<16xi32>
          %add3A_1578 = arith.addi %broadcast_in_dim3A_160, %add3A_1577 : vector<16xi32>
          %gather3A = tpu.vector_load_idx %arg20[%select_n3A_1564, %add3A_1578] : memref<4x64xf32, #tpu.memory_space<vmem>>[vector<16xi32>, vector<16xi32>], vector<16xf32>,
          %shift_right_arithmetic3A = arith.constant 3 : i32
          %shift_right_arithmetic3A_1579 = vector.broadcast %shift_right_arithmetic3A : i32 to vector<16xi32>
          %shift_right_arithmetic3A_1580 = arith.shrsi %add3A_1578, %shift_right_arithmetic3A_1579 : vector<16xi32>
          %and3A_1581 = arith.constant 7 : i32
          %and3A_1582 = vector.broadcast %and3A_1581 : i32 to vector<16xi32>
          %and3A_1583 = arith.andi %add3A_1578, %and3A_1582 : vector<16xi32>
          tpu.vector_store_idx %arg15[%shift_right_arithmetic3A_1580, %and3A_1583, %add3A_1567], %gather3A masked %lt3A_890 {add = true} : memref<8x8x128xf32, #tpu.memory_space<vmem>>[vector<16xi32>, vector<16xi32>, vector<16xi32>], vector<16xf32>, vector<16xi1>
          %scan3A_1584 = arith.constant 0 : i32
          scf.yield %scan3A_1584 : i32
        }
        %scan3A_1574 = arith.constant 64 : i32
      } else {
      }
      %add3A_899 = arith.constant 112 : i32
      %add3A_900 = arith.addi %mul3A_790, %add3A_899 : i32
      %get3A_901 = arith.index_cast %add3A_900 : i32 to index
      %get3A_902 = tpu.vector_load %arg6[%get3A_901] {strides = array<i32>} : memref<25600xi32, #tpu.memory_space<vmem>>, vector<16xi32>,
      %lt3A_903 = arith.constant 4 : i32
      %lt3A_904 = vector.broadcast %lt3A_903 : i32 to vector<16xi32>
      %lt3A_905 = arith.cmpi slt, %get3A_902, %lt3A_904 : vector<16xi32>
      %all_reduce_population_count3A_906 = tpu.all_reduce %lt3A_905 {dim = 0 : i64, kind = #tpu.reduction_kind<sum>} : vector<16xi1> -> vector<16xi32>
      %slice3A_907 = vector.extract_strided_slice %all_reduce_population_count3A_906 {offsets = [0], sizes = [1], strides = [1]} : vector<16xi32> to vector<1xi32>
      %squeeze3A_908 = vector.extract %slice3A_907[0] : i32 from vector<1xi32>
      %gt3A_909 = arith.constant 0 : i32
      %gt3A_910 = arith.cmpi sgt, %squeeze3A_908, %gt3A_909 : i32
      %convert_element_type3A_911 = arith.extui %gt3A_910 : i1 to i32
      %cond3A_912 = arith.constant 0 : i32
      %cond3A_913 = arith.cmpi ne, %convert_element_type3A_911, %cond3A_912 : i32
      scf.if %cond3A_913 {
        %jit3A_1562 = arith.constant 0 : i32
        %broadcast_in_dim3A_1563 = vector.broadcast %jit3A_1562 : i32 to vector<16xi32>
        %select_n3A_1564 = arith.select %lt3A_905, %get3A_902, %broadcast_in_dim3A_1563 : vector<16xi1>, vector<16xi32>
        %add3A_1565 = arith.constant 112 : i32
        %add3A_1566 = vector.broadcast %add3A_1565 : i32 to vector<16xi32>
        %add3A_1567 = arith.addi %add3A_1566, %iota3A : vector<16xi32>
        %scan3A_1568 = arith.constant 0 : i32
        %scan3A_1569 = arith.constant 0 : i32
        %scan3A_1570 = arith.constant 64 : i32
        %scan3A_1571 = arith.addi %scan3A_1569, %scan3A_1570 : i32
        %scan3A_1572 = arith.constant 1 : i32
        %scan3A_1573 = scf.for %scan3A_1575 = %scan3A_1569 to %scan3A_1571 step %scan3A_1572 iter_args(%scan3A_1576 = %scan3A_1568) -> (i32)  : i32 {
          %add3A_1577 = vector.broadcast %scan3A_1575 : i32 to vector<16xi32>
          %add3A_1578 = arith.addi %broadcast_in_dim3A_160, %add3A_1577 : vector<16xi32>
          %gather3A = tpu.vector_load_idx %arg20[%select_n3A_1564, %add3A_1578] : memref<4x64xf32, #tpu.memory_space<vmem>>[vector<16xi32>, vector<16xi32>], vector<16xf32>,
          %shift_right_arithmetic3A = arith.constant 3 : i32
          %shift_right_arithmetic3A_1579 = vector.broadcast %shift_right_arithmetic3A : i32 to vector<16xi32>
          %shift_right_arithmetic3A_1580 = arith.shrsi %add3A_1578, %shift_right_arithmetic3A_1579 : vector<16xi32>
          %and3A_1581 = arith.constant 7 : i32
          %and3A_1582 = vector.broadcast %and3A_1581 : i32 to vector<16xi32>
          %and3A_1583 = arith.andi %add3A_1578, %and3A_1582 : vector<16xi32>
          tpu.vector_store_idx %arg15[%shift_right_arithmetic3A_1580, %and3A_1583, %add3A_1567], %gather3A masked %lt3A_905 {add = true} : memref<8x8x128xf32, #tpu.memory_space<vmem>>[vector<16xi32>, vector<16xi32>, vector<16xi32>], vector<16xf32>, vector<16xi1>
          %scan3A_1584 = arith.constant 0 : i32
          scf.yield %scan3A_1584 : i32
        }
        %scan3A_1574 = arith.constant 64 : i32
      } else {
      }
      %mul3A_914 = arith.constant 200 : i32
      %mul3A_915 = arith.muli %add3A, %mul3A_914 : i32
      %add3A_916 = arith.addi %mul3A_915, %add3A_778 : i32
      %jit3A_917 = arith.constant 32 : i32
      %div3A_918 = arith.divsi %add3A_916, %jit3A_917 : i32
      %sign3A_919 = arith.constant 0 : i32
      %sign3A_920 = arith.cmpi sgt, %add3A_916, %sign3A_919 : i32
      %sign3A_921 = arith.extui %sign3A_920 : i1 to i32
      %sign3A_922 = arith.constant 0 : i32
      %sign3A_923 = arith.cmpi slt, %add3A_916, %sign3A_922 : i32
      %sign3A_924 = arith.extui %sign3A_923 : i1 to i32
      %sign3A_925 = arith.subi %sign3A_921, %sign3A_924 : i32
      %sign3A_926 = arith.constant 0 : i32
      %sign3A_927 = arith.cmpi sgt, %jit3A_917, %sign3A_926 : i32
      %sign3A_928 = arith.extui %sign3A_927 : i1 to i32
      %sign3A_929 = arith.constant 0 : i32
      %sign3A_930 = arith.cmpi slt, %jit3A_917, %sign3A_929 : i32
      %sign3A_931 = arith.extui %sign3A_930 : i1 to i32
      %sign3A_932 = arith.subi %sign3A_928, %sign3A_931 : i32
      %ne3A_933 = arith.cmpi ne, %sign3A_925, %sign3A_932 : i32
      %rem3A_934 = arith.remsi %add3A_916, %jit3A_917 : i32
      %ne3A_935 = arith.constant 0 : i32
      %ne3A_936 = arith.cmpi ne, %rem3A_934, %ne3A_935 : i32
      %and3A_937 = arith.andi %ne3A_933, %ne3A_936 : i1
      %sub3A_938 = arith.constant 1 : i32
      %sub3A_939 = arith.subi %div3A_918, %sub3A_938 : i32
      %select_n3A_940 = arith.select %and3A_937, %sub3A_939, %div3A_918 : i32
      %jit3A_941 = arith.constant 32 : i32
      %eq3A_942 = arith.constant 0 : i32
      %eq3A_943 = arith.cmpi eq, %jit3A_941, %eq3A_942 : i32
      %jit3A_944 = arith.constant 1 : i32
      %select_n3A_945 = arith.select %eq3A_943, %jit3A_944, %jit3A_941 : i32
      %rem3A_946 = arith.remsi %add3A_916, %select_n3A_945 : i32
      %ne3A_947 = arith.constant 0 : i32
      %ne3A_948 = arith.cmpi ne, %rem3A_946, %ne3A_947 : i32
      %lt3A_949 = arith.constant 0 : i32
      %lt3A_950 = arith.cmpi slt, %rem3A_946, %lt3A_949 : i32
      %lt3A_951 = arith.constant 0 : i32
      %lt3A_952 = arith.cmpi slt, %select_n3A_945, %lt3A_951 : i32
      %ne3A_953 = arith.xori %lt3A_950, %lt3A_952 : i1
      %and3A_954 = arith.andi %ne3A_953, %ne3A_948 : i1
      %add3A_955 = arith.addi %rem3A_946, %select_n3A_945 : i32
      %select_n3A_956 = arith.select %and3A_954, %add3A_955, %rem3A_946 : i32
      %dma_start3A_957 = arith.constant 0 : i32
      %dma_start3A_958 = arith.constant 0 : i32
      %dma_start3A_959 = arith.constant 0 : i32
      %dma_start3A_960 = tpu.memref_slice %arg5[%select_n3A_940, %dma_start3A_957, %select_n3A_956, %dma_start3A_958, %dma_start3A_959] : memref<200x8x32x8x128xf32, #tpu.memory_space<hbm>> -> memref<1x8x1x8x128xf32, #tpu.memory_space<hbm>>
      %dma_start3A_961 = tpu.memref_squeeze %dma_start3A_960 : memref<1x8x1x8x128xf32, #tpu.memory_space<hbm>> -> memref<8x8x128xf32, #tpu.memory_space<hbm>>
      %dma_start3A_962 = arith.constant 0 : i32
      %dma_start3A_963 = arith.constant 0 : i32
      %dma_start3A_964 = arith.constant 0 : i32
      %dma_start3A_965 = tpu.memref_slice %arg5[%select_n3A_940, %dma_start3A_962, %select_n3A_956, %dma_start3A_963, %dma_start3A_964] : memref<200x8x32x8x128xf32, #tpu.memory_space<hbm>> -> memref<1x8x1x8x128xf32, #tpu.memory_space<hbm>>
      %dma_start3A_966 = tpu.memref_squeeze %dma_start3A_965 : memref<1x8x1x8x128xf32, #tpu.memory_space<hbm>> -> memref<8x8x128xf32, #tpu.memory_space<hbm>>
      tpu.enqueue_dma source(%arg15 : memref<8x8x128xf32, #tpu.memory_space<vmem>>) target(%dma_start3A_966 : memref<8x8x128xf32, #tpu.memory_space<hbm>>) target_semaphore(%arg25 : memref<!tpu.dma_semaphore, #tpu.memory_space<semaphore_mem>>)
      %mul3A_967 = arith.constant 4 : i32
      %mul3A_968 = arith.muli %scan3A_773, %mul3A_967 : i32
      %add3A_969 = arith.constant 1 : i32
      %add3A_970 = arith.addi %mul3A_968, %add3A_969 : i32
      %add3A_971 = arith.constant 4 : i32
      %add3A_972 = arith.addi %add3A_970, %add3A_971 : i32
      %sub3A_973 = arith.constant 1 : i32
      %sub3A_974 = arith.subi %add3A_972, %sub3A_973 : i32
      %lt3A_975 = arith.constant 200 : i32
      %lt3A_976 = arith.cmpi slt, %sub3A_974, %lt3A_975 : i32
      %convert_element_type3A_977 = arith.extui %lt3A_976 : i1 to i32
      %cond3A_978 = arith.constant 0 : i32
      %cond3A_979 = arith.cmpi ne, %convert_element_type3A_977, %cond3A_978 : i32
      scf.if %cond3A_979 {
        %ge3A_1562 = arith.constant 4 : i32
        %ge3A_1563 = arith.cmpi sge, %sub3A_974, %ge3A_1562 : i32
        %convert_element_type3A_1564 = arith.extui %ge3A_1563 : i1 to i32
        %cond3A_1565 = arith.constant 0 : i32
        %cond3A_1566 = arith.cmpi ne, %convert_element_type3A_1564, %cond3A_1565 : i32
        scf.if %cond3A_1566 {
          %sub3A_1692 = arith.constant 4 : i32
          %sub3A_1693 = arith.subi %sub3A_974, %sub3A_1692 : i32
          %mul3A_1694 = arith.constant 200 : i32
          %mul3A_1695 = arith.muli %add3A, %mul3A_1694 : i32
          %add3A_1696 = arith.addi %mul3A_1695, %sub3A_1693 : i32
          %jit3A_1697 = arith.constant 32 : i32
          %div3A_1698 = arith.divsi %add3A_1696, %jit3A_1697 : i32
          %sign3A_1699 = arith.constant 0 : i32
          %sign3A_1700 = arith.cmpi sgt, %add3A_1696, %sign3A_1699 : i32
          %sign3A_1701 = arith.extui %sign3A_1700 : i1 to i32
          %sign3A_1702 = arith.constant 0 : i32
          %sign3A_1703 = arith.cmpi slt, %add3A_1696, %sign3A_1702 : i32
          %sign3A_1704 = arith.extui %sign3A_1703 : i1 to i32
          %sign3A_1705 = arith.subi %sign3A_1701, %sign3A_1704 : i32
          %sign3A_1706 = arith.constant 0 : i32
          %sign3A_1707 = arith.cmpi sgt, %jit3A_1697, %sign3A_1706 : i32
          %sign3A_1708 = arith.extui %sign3A_1707 : i1 to i32
          %sign3A_1709 = arith.constant 0 : i32
          %sign3A_1710 = arith.cmpi slt, %jit3A_1697, %sign3A_1709 : i32
          %sign3A_1711 = arith.extui %sign3A_1710 : i1 to i32
          %sign3A_1712 = arith.subi %sign3A_1708, %sign3A_1711 : i32
          %ne3A_1713 = arith.cmpi ne, %sign3A_1705, %sign3A_1712 : i32
          %rem3A_1714 = arith.remsi %add3A_1696, %jit3A_1697 : i32
          %ne3A_1715 = arith.constant 0 : i32
          %ne3A_1716 = arith.cmpi ne, %rem3A_1714, %ne3A_1715 : i32
          %and3A_1717 = arith.andi %ne3A_1713, %ne3A_1716 : i1
          %sub3A_1718 = arith.constant 1 : i32
          %sub3A_1719 = arith.subi %div3A_1698, %sub3A_1718 : i32
          %select_n3A_1720 = arith.select %and3A_1717, %sub3A_1719, %div3A_1698 : i32
          %jit3A_1721 = arith.constant 32 : i32
          %eq3A_1722 = arith.constant 0 : i32
          %eq3A_1723 = arith.cmpi eq, %jit3A_1721, %eq3A_1722 : i32
          %jit3A_1724 = arith.constant 1 : i32
          %select_n3A_1725 = arith.select %eq3A_1723, %jit3A_1724, %jit3A_1721 : i32
          %rem3A_1726 = arith.remsi %add3A_1696, %select_n3A_1725 : i32
          %ne3A_1727 = arith.constant 0 : i32
          %ne3A_1728 = arith.cmpi ne, %rem3A_1726, %ne3A_1727 : i32
          %lt3A_1729 = arith.constant 0 : i32
          %lt3A_1730 = arith.cmpi slt, %rem3A_1726, %lt3A_1729 : i32
          %lt3A_1731 = arith.constant 0 : i32
          %lt3A_1732 = arith.cmpi slt, %select_n3A_1725, %lt3A_1731 : i32
          %ne3A_1733 = arith.xori %lt3A_1730, %lt3A_1732 : i1
          %and3A_1734 = arith.andi %ne3A_1733, %ne3A_1728 : i1
          %add3A_1735 = arith.addi %rem3A_1726, %select_n3A_1725 : i32
          %select_n3A_1736 = arith.select %and3A_1734, %add3A_1735, %rem3A_1726 : i32
          %dma_wait3A_1737 = arith.constant 0 : i32
          %dma_wait3A_1738 = arith.constant 0 : i32
          %dma_wait3A_1739 = arith.constant 0 : i32
          %dma_wait3A_1740 = tpu.memref_slice %arg5[%select_n3A_1720, %dma_wait3A_1737, %select_n3A_1736, %dma_wait3A_1738, %dma_wait3A_1739] : memref<200x8x32x8x128xf32, #tpu.memory_space<hbm>> -> memref<1x8x1x8x128xf32, #tpu.memory_space<hbm>>
          %dma_wait3A_1741 = tpu.memref_squeeze %dma_wait3A_1740 : memref<1x8x1x8x128xf32, #tpu.memory_space<hbm>> -> memref<8x8x128xf32, #tpu.memory_space<hbm>>
          %dma_wait3A_1742 = arith.constant 0 : i32
          %dma_wait3A_1743 = arith.constant 0 : i32
          %dma_wait3A_1744 = arith.constant 0 : i32
          %dma_wait3A_1745 = tpu.memref_slice %arg5[%select_n3A_1720, %dma_wait3A_1742, %select_n3A_1736, %dma_wait3A_1743, %dma_wait3A_1744] : memref<200x8x32x8x128xf32, #tpu.memory_space<hbm>> -> memref<1x8x1x8x128xf32, #tpu.memory_space<hbm>>
          %dma_wait3A_1746 = tpu.memref_squeeze %dma_wait3A_1745 : memref<1x8x1x8x128xf32, #tpu.memory_space<hbm>> -> memref<8x8x128xf32, #tpu.memory_space<hbm>>
          tpu.wait_dma2 semaphore(%arg25 : memref<!tpu.dma_semaphore, #tpu.memory_space<semaphore_mem>>) src(%arg15 : memref<8x8x128xf32, #tpu.memory_space<vmem>>) dst(%dma_wait3A_1746 : memref<8x8x128xf32, #tpu.memory_space<hbm>>)
        } else {
        }
        %mul3A_1567 = arith.constant 128 : i32
        %mul3A_1568 = arith.muli %sub3A_974, %mul3A_1567 : i32
        %add3A_1569 = arith.constant 0 : i32
        %add3A_1570 = arith.addi %mul3A_1568, %add3A_1569 : i32
        %get3A_1571 = arith.index_cast %add3A_1570 : i32 to index
        %get3A_1572 = tpu.vector_load %arg6[%get3A_1571] {strides = array<i32>} : memref<25600xi32, #tpu.memory_space<vmem>>, vector<16xi32>,
        %ge3A_1573 = arith.constant 4 : i32
        %ge3A_1574 = vector.broadcast %ge3A_1573 : i32 to vector<16xi32>
        %ge3A_1575 = arith.cmpi sge, %get3A_1572, %ge3A_1574 : vector<16xi32>
        %sub3A_1576 = arith.constant 4 : i32
        %sub3A_1577 = vector.broadcast %sub3A_1576 : i32 to vector<16xi32>
        %sub3A_1578 = arith.subi %get3A_1572, %sub3A_1577 : vector<16xi32>
        %jit3A_1579 = arith.constant 0 : i32
        %broadcast_in_dim3A_1580 = vector.broadcast %jit3A_1579 : i32 to vector<16xi32>
        %select_n3A_1581 = arith.select %ge3A_1575, %sub3A_1578, %broadcast_in_dim3A_1580 : vector<16xi1>, vector<16xi32>
        %swap3A_1582 = arith.constant 0 : index
        %swap3A_1583 = tpu.vector_load %arg7[%swap3A_1582] {strides = array<i32>} : memref<128xi32, #tpu.memory_space<vmem>>, vector<16xi32>,
        tpu.vector_store %arg7[%swap3A_1582], %select_n3A_1581 {strides = array<i32>} : memref<128xi32, #tpu.memory_space<vmem>>, vector<16xi32>,
        %add3A_1584 = arith.constant 16 : i32
        %add3A_1585 = arith.addi %mul3A_1568, %add3A_1584 : i32
        %get3A_1586 = arith.index_cast %add3A_1585 : i32 to index
        %get3A_1587 = tpu.vector_load %arg6[%get3A_1586] {strides = array<i32>} : memref<25600xi32, #tpu.memory_space<vmem>>, vector<16xi32>,
        %ge3A_1588 = arith.constant 4 : i32
        %ge3A_1589 = vector.broadcast %ge3A_1588 : i32 to vector<16xi32>
        %ge3A_1590 = arith.cmpi sge, %get3A_1587, %ge3A_1589 : vector<16xi32>
        %sub3A_1591 = arith.constant 4 : i32
        %sub3A_1592 = vector.broadcast %sub3A_1591 : i32 to vector<16xi32>
        %sub3A_1593 = arith.subi %get3A_1587, %sub3A_1592 : vector<16xi32>
        %jit3A_1594 = arith.constant 0 : i32
        %broadcast_in_dim3A_1595 = vector.broadcast %jit3A_1594 : i32 to vector<16xi32>
        %select_n3A_1596 = arith.select %ge3A_1590, %sub3A_1593, %broadcast_in_dim3A_1595 : vector<16xi1>, vector<16xi32>
        %swap3A_1597 = arith.constant 16 : index
        %swap3A_1598 = tpu.vector_load %arg7[%swap3A_1597] {strides = array<i32>} : memref<128xi32, #tpu.memory_space<vmem>>, vector<16xi32>,
        tpu.vector_store %arg7[%swap3A_1597], %select_n3A_1596 {strides = array<i32>} : memref<128xi32, #tpu.memory_space<vmem>>, vector<16xi32>,
        %add3A_1599 = arith.constant 32 : i32
        %add3A_1600 = arith.addi %mul3A_1568, %add3A_1599 : i32
        %get3A_1601 = arith.index_cast %add3A_1600 : i32 to index
        %get3A_1602 = tpu.vector_load %arg6[%get3A_1601] {strides = array<i32>} : memref<25600xi32, #tpu.memory_space<vmem>>, vector<16xi32>,
        %ge3A_1603 = arith.constant 4 : i32
        %ge3A_1604 = vector.broadcast %ge3A_1603 : i32 to vector<16xi32>
        %ge3A_1605 = arith.cmpi sge, %get3A_1602, %ge3A_1604 : vector<16xi32>
        %sub3A_1606 = arith.constant 4 : i32
        %sub3A_1607 = vector.broadcast %sub3A_1606 : i32 to vector<16xi32>
        %sub3A_1608 = arith.subi %get3A_1602, %sub3A_1607 : vector<16xi32>
        %jit3A_1609 = arith.constant 0 : i32
        %broadcast_in_dim3A_1610 = vector.broadcast %jit3A_1609 : i32 to vector<16xi32>
        %select_n3A_1611 = arith.select %ge3A_1605, %sub3A_1608, %broadcast_in_dim3A_1610 : vector<16xi1>, vector<16xi32>
        %swap3A_1612 = arith.constant 32 : index
        %swap3A_1613 = tpu.vector_load %arg7[%swap3A_1612] {strides = array<i32>} : memref<128xi32, #tpu.memory_space<vmem>>, vector<16xi32>,
        tpu.vector_store %arg7[%swap3A_1612], %select_n3A_1611 {strides = array<i32>} : memref<128xi32, #tpu.memory_space<vmem>>, vector<16xi32>,
        %add3A_1614 = arith.constant 48 : i32
        %add3A_1615 = arith.addi %mul3A_1568, %add3A_1614 : i32
        %get3A_1616 = arith.index_cast %add3A_1615 : i32 to index
        %get3A_1617 = tpu.vector_load %arg6[%get3A_1616] {strides = array<i32>} : memref<25600xi32, #tpu.memory_space<vmem>>, vector<16xi32>,
        %ge3A_1618 = arith.constant 4 : i32
        %ge3A_1619 = vector.broadcast %ge3A_1618 : i32 to vector<16xi32>
        %ge3A_1620 = arith.cmpi sge, %get3A_1617, %ge3A_1619 : vector<16xi32>
        %sub3A_1621 = arith.constant 4 : i32
        %sub3A_1622 = vector.broadcast %sub3A_1621 : i32 to vector<16xi32>
        %sub3A_1623 = arith.subi %get3A_1617, %sub3A_1622 : vector<16xi32>
        %jit3A_1624 = arith.constant 0 : i32
        %broadcast_in_dim3A_1625 = vector.broadcast %jit3A_1624 : i32 to vector<16xi32>
        %select_n3A_1626 = arith.select %ge3A_1620, %sub3A_1623, %broadcast_in_dim3A_1625 : vector<16xi1>, vector<16xi32>
        %swap3A_1627 = arith.constant 48 : index
        %swap3A_1628 = tpu.vector_load %arg7[%swap3A_1627] {strides = array<i32>} : memref<128xi32, #tpu.memory_space<vmem>>, vector<16xi32>,
        tpu.vector_store %arg7[%swap3A_1627], %select_n3A_1626 {strides = array<i32>} : memref<128xi32, #tpu.memory_space<vmem>>, vector<16xi32>,
        %add3A_1629 = arith.constant 64 : i32
        %add3A_1630 = arith.addi %mul3A_1568, %add3A_1629 : i32
        %get3A_1631 = arith.index_cast %add3A_1630 : i32 to index
        %get3A_1632 = tpu.vector_load %arg6[%get3A_1631] {strides = array<i32>} : memref<25600xi32, #tpu.memory_space<vmem>>, vector<16xi32>,
        %ge3A_1633 = arith.constant 4 : i32
        %ge3A_1634 = vector.broadcast %ge3A_1633 : i32 to vector<16xi32>
        %ge3A_1635 = arith.cmpi sge, %get3A_1632, %ge3A_1634 : vector<16xi32>
        %sub3A_1636 = arith.constant 4 : i32
        %sub3A_1637 = vector.broadcast %sub3A_1636 : i32 to vector<16xi32>
        %sub3A_1638 = arith.subi %get3A_1632, %sub3A_1637 : vector<16xi32>
        %jit3A_1639 = arith.constant 0 : i32
        %broadcast_in_dim3A_1640 = vector.broadcast %jit3A_1639 : i32 to vector<16xi32>
        %select_n3A_1641 = arith.select %ge3A_1635, %sub3A_1638, %broadcast_in_dim3A_1640 : vector<16xi1>, vector<16xi32>
        %swap3A_1642 = arith.constant 64 : index
        %swap3A_1643 = tpu.vector_load %arg7[%swap3A_1642] {strides = array<i32>} : memref<128xi32, #tpu.memory_space<vmem>>, vector<16xi32>,
        tpu.vector_store %arg7[%swap3A_1642], %select_n3A_1641 {strides = array<i32>} : memref<128xi32, #tpu.memory_space<vmem>>, vector<16xi32>,
        %add3A_1644 = arith.constant 80 : i32
        %add3A_1645 = arith.addi %mul3A_1568, %add3A_1644 : i32
        %get3A_1646 = arith.index_cast %add3A_1645 : i32 to index
        %get3A_1647 = tpu.vector_load %arg6[%get3A_1646] {strides = array<i32>} : memref<25600xi32, #tpu.memory_space<vmem>>, vector<16xi32>,
        %ge3A_1648 = arith.constant 4 : i32
        %ge3A_1649 = vector.broadcast %ge3A_1648 : i32 to vector<16xi32>
        %ge3A_1650 = arith.cmpi sge, %get3A_1647, %ge3A_1649 : vector<16xi32>
        %sub3A_1651 = arith.constant 4 : i32
        %sub3A_1652 = vector.broadcast %sub3A_1651 : i32 to vector<16xi32>
        %sub3A_1653 = arith.subi %get3A_1647, %sub3A_1652 : vector<16xi32>
        %jit3A_1654 = arith.constant 0 : i32
        %broadcast_in_dim3A_1655 = vector.broadcast %jit3A_1654 : i32 to vector<16xi32>
        %select_n3A_1656 = arith.select %ge3A_1650, %sub3A_1653, %broadcast_in_dim3A_1655 : vector<16xi1>, vector<16xi32>
        %swap3A_1657 = arith.constant 80 : index
        %swap3A_1658 = tpu.vector_load %arg7[%swap3A_1657] {strides = array<i32>} : memref<128xi32, #tpu.memory_space<vmem>>, vector<16xi32>,
        tpu.vector_store %arg7[%swap3A_1657], %select_n3A_1656 {strides = array<i32>} : memref<128xi32, #tpu.memory_space<vmem>>, vector<16xi32>,
        %add3A_1659 = arith.constant 96 : i32
        %add3A_1660 = arith.addi %mul3A_1568, %add3A_1659 : i32
        %get3A_1661 = arith.index_cast %add3A_1660 : i32 to index
        %get3A_1662 = tpu.vector_load %arg6[%get3A_1661] {strides = array<i32>} : memref<25600xi32, #tpu.memory_space<vmem>>, vector<16xi32>,
        %ge3A_1663 = arith.constant 4 : i32
        %ge3A_1664 = vector.broadcast %ge3A_1663 : i32 to vector<16xi32>
        %ge3A_1665 = arith.cmpi sge, %get3A_1662, %ge3A_1664 : vector<16xi32>
        %sub3A_1666 = arith.constant 4 : i32
        %sub3A_1667 = vector.broadcast %sub3A_1666 : i32 to vector<16xi32>
        %sub3A_1668 = arith.subi %get3A_1662, %sub3A_1667 : vector<16xi32>
        %jit3A_1669 = arith.constant 0 : i32
        %broadcast_in_dim3A_1670 = vector.broadcast %jit3A_1669 : i32 to vector<16xi32>
        %select_n3A_1671 = arith.select %ge3A_1665, %sub3A_1668, %broadcast_in_dim3A_1670 : vector<16xi1>, vector<16xi32>
        %swap3A_1672 = arith.constant 96 : index
        %swap3A_1673 = tpu.vector_load %arg7[%swap3A_1672] {strides = array<i32>} : memref<128xi32, #tpu.memory_space<vmem>>, vector<16xi32>,
        tpu.vector_store %arg7[%swap3A_1672], %select_n3A_1671 {strides = array<i32>} : memref<128xi32, #tpu.memory_space<vmem>>, vector<16xi32>,
        %add3A_1674 = arith.constant 112 : i32
        %add3A_1675 = arith.addi %mul3A_1568, %add3A_1674 : i32
        %get3A_1676 = arith.index_cast %add3A_1675 : i32 to index
        %get3A_1677 = tpu.vector_load %arg6[%get3A_1676] {strides = array<i32>} : memref<25600xi32, #tpu.memory_space<vmem>>, vector<16xi32>,
        %ge3A_1678 = arith.constant 4 : i32
        %ge3A_1679 = vector.broadcast %ge3A_1678 : i32 to vector<16xi32>
        %ge3A_1680 = arith.cmpi sge, %get3A_1677, %ge3A_1679 : vector<16xi32>
        %sub3A_1681 = arith.constant 4 : i32
        %sub3A_1682 = vector.broadcast %sub3A_1681 : i32 to vector<16xi32>
        %sub3A_1683 = arith.subi %get3A_1677, %sub3A_1682 : vector<16xi32>
        %jit3A_1684 = arith.constant 0 : i32
        %broadcast_in_dim3A_1685 = vector.broadcast %jit3A_1684 : i32 to vector<16xi32>
        %select_n3A_1686 = arith.select %ge3A_1680, %sub3A_1683, %broadcast_in_dim3A_1685 : vector<16xi1>, vector<16xi32>
        %swap3A_1687 = arith.constant 112 : index
        %swap3A_1688 = tpu.vector_load %arg7[%swap3A_1687] {strides = array<i32>} : memref<128xi32, #tpu.memory_space<vmem>>, vector<16xi32>,
        tpu.vector_store %arg7[%swap3A_1687], %select_n3A_1686 {strides = array<i32>} : memref<128xi32, #tpu.memory_space<vmem>>, vector<16xi32>,
        %dma_start3A_1689 = arith.constant 0 : i32
        %dma_start3A_1690 = arith.constant 0 : i32
        %dma_start3A_1691 = tpu.memref_slice %arg3[%dma_start3A_1689, %dma_start3A_1690] : memref<1000000x64xf32, #tpu.memory_space<hbm>> -> memref<1000000x64xf32, #tpu.memory_space<hbm>>
        tpu.enqueue_indirect_dma source(%dma_start3A_1691 : memref<1000000x64xf32, #tpu.memory_space<hbm>>) target(%arg11 : memref<128x64xf32, #tpu.memory_space<vmem>>) offsets(%arg7 : memref<128xi32, #tpu.memory_space<vmem>>) semaphore(%arg21 : memref<!tpu.dma_semaphore, #tpu.memory_space<semaphore_mem>>)
      } else {
      }
      %dma_wait3A_980 = arith.constant 0 : i32
      %dma_wait3A_981 = arith.constant 0 : i32
      %dma_wait3A_982 = tpu.memref_slice %arg3[%dma_wait3A_980, %dma_wait3A_981] : memref<1000000x64xf32, #tpu.memory_space<hbm>> -> memref<1000000x64xf32, #tpu.memory_space<hbm>>
      tpu.wait_indirect_dma semaphore(%arg22 : memref<!tpu.dma_semaphore, #tpu.memory_space<semaphore_mem>>) src(%dma_wait3A_982 : memref<1000000x64xf32, #tpu.memory_space<hbm>>) dst(%arg12 : memref<128x64xf32, #tpu.memory_space<vmem>>)
      %mul3A_983 = arith.constant 128 : i32
      %mul3A_984 = arith.muli %add3A_970, %mul3A_983 : i32
      %scan3A_985 = arith.constant 0 : i32
      %scan3A_986 = arith.constant 0 : i32
      %scan3A_987 = arith.constant 64 : i32
      %scan3A_988 = arith.addi %scan3A_986, %scan3A_987 : i32
      %scan3A_989 = arith.constant 1 : i32
      %scan3A_990 = scf.for %scan3A_1562 = %scan3A_986 to %scan3A_988 step %scan3A_989 iter_args(%scan3A_1563 = %scan3A_985) -> (i32)  : i32 {
        %add3A_1564 = vector.broadcast %scan3A_1562 : i32 to vector<16xi32>
        %add3A_1565 = arith.addi %add3A_1564, %iota3A : vector<16xi32>
        %and3A_1566 = arith.constant 63 : i32
        %and3A_1567 = vector.broadcast %and3A_1566 : i32 to vector<16xi32>
        %and3A_1568 = arith.andi %add3A_1565, %and3A_1567 : vector<16xi32>
        %gather3A = tpu.vector_load_idx %arg19[%broadcast_in_dim3A_160, %and3A_1568] : memref<4x64xf32, #tpu.memory_space<vmem>>[vector<16xi32>, vector<16xi32>], vector<16xf32>,
        %shift_right_arithmetic3A = arith.constant 3 : i32
        %shift_right_arithmetic3A_1569 = vector.broadcast %shift_right_arithmetic3A : i32 to vector<16xi32>
        %shift_right_arithmetic3A_1570 = arith.shrsi %and3A_1568, %shift_right_arithmetic3A_1569 : vector<16xi32>
        %and3A_1571 = arith.constant 7 : i32
        %and3A_1572 = vector.broadcast %and3A_1571 : i32 to vector<16xi32>
        %and3A_1573 = arith.andi %and3A_1568, %and3A_1572 : vector<16xi32>
        %gather3A_1574 = tpu.vector_load_idx %arg12[%add3A_163, %and3A_1568] : memref<128x64xf32, #tpu.memory_space<vmem>>[vector<16xi32>, vector<16xi32>], vector<16xf32>,
        %add3A_1575 = arith.addf %gather3A_1574, %gather3A : vector<16xf32>
        tpu.vector_store_idx %arg16[%shift_right_arithmetic3A_1570, %and3A_1573, %add3A_163], %add3A_1575 : memref<8x8x128xf32, #tpu.memory_space<vmem>>[vector<16xi32>, vector<16xi32>, vector<16xi32>], vector<16xf32>,
        %gather3A_1576 = tpu.vector_load_idx %arg12[%add3A_166, %and3A_1568] : memref<128x64xf32, #tpu.memory_space<vmem>>[vector<16xi32>, vector<16xi32>], vector<16xf32>,
        %add3A_1577 = arith.addf %gather3A_1576, %gather3A : vector<16xf32>
        tpu.vector_store_idx %arg16[%shift_right_arithmetic3A_1570, %and3A_1573, %add3A_166], %add3A_1577 : memref<8x8x128xf32, #tpu.memory_space<vmem>>[vector<16xi32>, vector<16xi32>, vector<16xi32>], vector<16xf32>,
        %gather3A_1578 = tpu.vector_load_idx %arg12[%add3A_169, %and3A_1568] : memref<128x64xf32, #tpu.memory_space<vmem>>[vector<16xi32>, vector<16xi32>], vector<16xf32>,
        %add3A_1579 = arith.addf %gather3A_1578, %gather3A : vector<16xf32>
        tpu.vector_store_idx %arg16[%shift_right_arithmetic3A_1570, %and3A_1573, %add3A_169], %add3A_1579 : memref<8x8x128xf32, #tpu.memory_space<vmem>>[vector<16xi32>, vector<16xi32>, vector<16xi32>], vector<16xf32>,
        %gather3A_1580 = tpu.vector_load_idx %arg12[%add3A_172, %and3A_1568] : memref<128x64xf32, #tpu.memory_space<vmem>>[vector<16xi32>, vector<16xi32>], vector<16xf32>,
        %add3A_1581 = arith.addf %gather3A_1580, %gather3A : vector<16xf32>
        tpu.vector_store_idx %arg16[%shift_right_arithmetic3A_1570, %and3A_1573, %add3A_172], %add3A_1581 : memref<8x8x128xf32, #tpu.memory_space<vmem>>[vector<16xi32>, vector<16xi32>, vector<16xi32>], vector<16xf32>,
        %gather3A_1582 = tpu.vector_load_idx %arg12[%add3A_175, %and3A_1568] : memref<128x64xf32, #tpu.memory_space<vmem>>[vector<16xi32>, vector<16xi32>], vector<16xf32>,
        %add3A_1583 = arith.addf %gather3A_1582, %gather3A : vector<16xf32>
        tpu.vector_store_idx %arg16[%shift_right_arithmetic3A_1570, %and3A_1573, %add3A_175], %add3A_1583 : memref<8x8x128xf32, #tpu.memory_space<vmem>>[vector<16xi32>, vector<16xi32>, vector<16xi32>], vector<16xf32>,
        %gather3A_1584 = tpu.vector_load_idx %arg12[%add3A_178, %and3A_1568] : memref<128x64xf32, #tpu.memory_space<vmem>>[vector<16xi32>, vector<16xi32>], vector<16xf32>,
        %add3A_1585 = arith.addf %gather3A_1584, %gather3A : vector<16xf32>
        tpu.vector_store_idx %arg16[%shift_right_arithmetic3A_1570, %and3A_1573, %add3A_178], %add3A_1585 : memref<8x8x128xf32, #tpu.memory_space<vmem>>[vector<16xi32>, vector<16xi32>, vector<16xi32>], vector<16xf32>,
        %gather3A_1586 = tpu.vector_load_idx %arg12[%add3A_181, %and3A_1568] : memref<128x64xf32, #tpu.memory_space<vmem>>[vector<16xi32>, vector<16xi32>], vector<16xf32>,
        %add3A_1587 = arith.addf %gather3A_1586, %gather3A : vector<16xf32>
        tpu.vector_store_idx %arg16[%shift_right_arithmetic3A_1570, %and3A_1573, %add3A_181], %add3A_1587 : memref<8x8x128xf32, #tpu.memory_space<vmem>>[vector<16xi32>, vector<16xi32>, vector<16xi32>], vector<16xf32>,
        %gather3A_1588 = tpu.vector_load_idx %arg12[%add3A_184, %and3A_1568] : memref<128x64xf32, #tpu.memory_space<vmem>>[vector<16xi32>, vector<16xi32>], vector<16xf32>,
        %add3A_1589 = arith.addf %gather3A_1588, %gather3A : vector<16xf32>
        tpu.vector_store_idx %arg16[%shift_right_arithmetic3A_1570, %and3A_1573, %add3A_184], %add3A_1589 : memref<8x8x128xf32, #tpu.memory_space<vmem>>[vector<16xi32>, vector<16xi32>, vector<16xi32>], vector<16xf32>,
        %scan3A_1590 = arith.constant 0 : i32
        scf.yield %scan3A_1590 : i32
      }
      %scan3A_991 = arith.constant 64 : i32
      %add3A_992 = arith.constant 0 : i32
      %add3A_993 = arith.addi %mul3A_984, %add3A_992 : i32
      %get3A_994 = arith.index_cast %add3A_993 : i32 to index
      %get3A_995 = tpu.vector_load %arg6[%get3A_994] {strides = array<i32>} : memref<25600xi32, #tpu.memory_space<vmem>>, vector<16xi32>,
      %lt3A_996 = arith.constant 4 : i32
      %lt3A_997 = vector.broadcast %lt3A_996 : i32 to vector<16xi32>
      %lt3A_998 = arith.cmpi slt, %get3A_995, %lt3A_997 : vector<16xi32>
      %all_reduce_population_count3A_999 = tpu.all_reduce %lt3A_998 {dim = 0 : i64, kind = #tpu.reduction_kind<sum>} : vector<16xi1> -> vector<16xi32>
      %slice3A_1000 = vector.extract_strided_slice %all_reduce_population_count3A_999 {offsets = [0], sizes = [1], strides = [1]} : vector<16xi32> to vector<1xi32>
      %squeeze3A_1001 = vector.extract %slice3A_1000[0] : i32 from vector<1xi32>
      %gt3A_1002 = arith.constant 0 : i32
      %gt3A_1003 = arith.cmpi sgt, %squeeze3A_1001, %gt3A_1002 : i32
      %convert_element_type3A_1004 = arith.extui %gt3A_1003 : i1 to i32
      %cond3A_1005 = arith.constant 0 : i32
      %cond3A_1006 = arith.cmpi ne, %convert_element_type3A_1004, %cond3A_1005 : i32
      scf.if %cond3A_1006 {
        %jit3A_1562 = arith.constant 0 : i32
        %broadcast_in_dim3A_1563 = vector.broadcast %jit3A_1562 : i32 to vector<16xi32>
        %select_n3A_1564 = arith.select %lt3A_998, %get3A_995, %broadcast_in_dim3A_1563 : vector<16xi1>, vector<16xi32>
        %add3A_1565 = arith.constant 0 : i32
        %add3A_1566 = vector.broadcast %add3A_1565 : i32 to vector<16xi32>
        %add3A_1567 = arith.addi %add3A_1566, %iota3A : vector<16xi32>
        %scan3A_1568 = arith.constant 0 : i32
        %scan3A_1569 = arith.constant 0 : i32
        %scan3A_1570 = arith.constant 64 : i32
        %scan3A_1571 = arith.addi %scan3A_1569, %scan3A_1570 : i32
        %scan3A_1572 = arith.constant 1 : i32
        %scan3A_1573 = scf.for %scan3A_1575 = %scan3A_1569 to %scan3A_1571 step %scan3A_1572 iter_args(%scan3A_1576 = %scan3A_1568) -> (i32)  : i32 {
          %add3A_1577 = vector.broadcast %scan3A_1575 : i32 to vector<16xi32>
          %add3A_1578 = arith.addi %broadcast_in_dim3A_160, %add3A_1577 : vector<16xi32>
          %gather3A = tpu.vector_load_idx %arg20[%select_n3A_1564, %add3A_1578] : memref<4x64xf32, #tpu.memory_space<vmem>>[vector<16xi32>, vector<16xi32>], vector<16xf32>,
          %shift_right_arithmetic3A = arith.constant 3 : i32
          %shift_right_arithmetic3A_1579 = vector.broadcast %shift_right_arithmetic3A : i32 to vector<16xi32>
          %shift_right_arithmetic3A_1580 = arith.shrsi %add3A_1578, %shift_right_arithmetic3A_1579 : vector<16xi32>
          %and3A_1581 = arith.constant 7 : i32
          %and3A_1582 = vector.broadcast %and3A_1581 : i32 to vector<16xi32>
          %and3A_1583 = arith.andi %add3A_1578, %and3A_1582 : vector<16xi32>
          tpu.vector_store_idx %arg16[%shift_right_arithmetic3A_1580, %and3A_1583, %add3A_1567], %gather3A masked %lt3A_998 {add = true} : memref<8x8x128xf32, #tpu.memory_space<vmem>>[vector<16xi32>, vector<16xi32>, vector<16xi32>], vector<16xf32>, vector<16xi1>
          %scan3A_1584 = arith.constant 0 : i32
          scf.yield %scan3A_1584 : i32
        }
        %scan3A_1574 = arith.constant 64 : i32
      } else {
      }
      %add3A_1007 = arith.constant 16 : i32
      %add3A_1008 = arith.addi %mul3A_984, %add3A_1007 : i32
      %get3A_1009 = arith.index_cast %add3A_1008 : i32 to index
      %get3A_1010 = tpu.vector_load %arg6[%get3A_1009] {strides = array<i32>} : memref<25600xi32, #tpu.memory_space<vmem>>, vector<16xi32>,
      %lt3A_1011 = arith.constant 4 : i32
      %lt3A_1012 = vector.broadcast %lt3A_1011 : i32 to vector<16xi32>
      %lt3A_1013 = arith.cmpi slt, %get3A_1010, %lt3A_1012 : vector<16xi32>
      %all_reduce_population_count3A_1014 = tpu.all_reduce %lt3A_1013 {dim = 0 : i64, kind = #tpu.reduction_kind<sum>} : vector<16xi1> -> vector<16xi32>
      %slice3A_1015 = vector.extract_strided_slice %all_reduce_population_count3A_1014 {offsets = [0], sizes = [1], strides = [1]} : vector<16xi32> to vector<1xi32>
      %squeeze3A_1016 = vector.extract %slice3A_1015[0] : i32 from vector<1xi32>
      %gt3A_1017 = arith.constant 0 : i32
      %gt3A_1018 = arith.cmpi sgt, %squeeze3A_1016, %gt3A_1017 : i32
      %convert_element_type3A_1019 = arith.extui %gt3A_1018 : i1 to i32
      %cond3A_1020 = arith.constant 0 : i32
      %cond3A_1021 = arith.cmpi ne, %convert_element_type3A_1019, %cond3A_1020 : i32
      scf.if %cond3A_1021 {
        %jit3A_1562 = arith.constant 0 : i32
        %broadcast_in_dim3A_1563 = vector.broadcast %jit3A_1562 : i32 to vector<16xi32>
        %select_n3A_1564 = arith.select %lt3A_1013, %get3A_1010, %broadcast_in_dim3A_1563 : vector<16xi1>, vector<16xi32>
        %add3A_1565 = arith.constant 16 : i32
        %add3A_1566 = vector.broadcast %add3A_1565 : i32 to vector<16xi32>
        %add3A_1567 = arith.addi %add3A_1566, %iota3A : vector<16xi32>
        %scan3A_1568 = arith.constant 0 : i32
        %scan3A_1569 = arith.constant 0 : i32
        %scan3A_1570 = arith.constant 64 : i32
        %scan3A_1571 = arith.addi %scan3A_1569, %scan3A_1570 : i32
        %scan3A_1572 = arith.constant 1 : i32
        %scan3A_1573 = scf.for %scan3A_1575 = %scan3A_1569 to %scan3A_1571 step %scan3A_1572 iter_args(%scan3A_1576 = %scan3A_1568) -> (i32)  : i32 {
          %add3A_1577 = vector.broadcast %scan3A_1575 : i32 to vector<16xi32>
          %add3A_1578 = arith.addi %broadcast_in_dim3A_160, %add3A_1577 : vector<16xi32>
          %gather3A = tpu.vector_load_idx %arg20[%select_n3A_1564, %add3A_1578] : memref<4x64xf32, #tpu.memory_space<vmem>>[vector<16xi32>, vector<16xi32>], vector<16xf32>,
          %shift_right_arithmetic3A = arith.constant 3 : i32
          %shift_right_arithmetic3A_1579 = vector.broadcast %shift_right_arithmetic3A : i32 to vector<16xi32>
          %shift_right_arithmetic3A_1580 = arith.shrsi %add3A_1578, %shift_right_arithmetic3A_1579 : vector<16xi32>
          %and3A_1581 = arith.constant 7 : i32
          %and3A_1582 = vector.broadcast %and3A_1581 : i32 to vector<16xi32>
          %and3A_1583 = arith.andi %add3A_1578, %and3A_1582 : vector<16xi32>
          tpu.vector_store_idx %arg16[%shift_right_arithmetic3A_1580, %and3A_1583, %add3A_1567], %gather3A masked %lt3A_1013 {add = true} : memref<8x8x128xf32, #tpu.memory_space<vmem>>[vector<16xi32>, vector<16xi32>, vector<16xi32>], vector<16xf32>, vector<16xi1>
          %scan3A_1584 = arith.constant 0 : i32
          scf.yield %scan3A_1584 : i32
        }
        %scan3A_1574 = arith.constant 64 : i32
      } else {
      }
      %add3A_1022 = arith.constant 32 : i32
      %add3A_1023 = arith.addi %mul3A_984, %add3A_1022 : i32
      %get3A_1024 = arith.index_cast %add3A_1023 : i32 to index
      %get3A_1025 = tpu.vector_load %arg6[%get3A_1024] {strides = array<i32>} : memref<25600xi32, #tpu.memory_space<vmem>>, vector<16xi32>,
      %lt3A_1026 = arith.constant 4 : i32
      %lt3A_1027 = vector.broadcast %lt3A_1026 : i32 to vector<16xi32>
      %lt3A_1028 = arith.cmpi slt, %get3A_1025, %lt3A_1027 : vector<16xi32>
      %all_reduce_population_count3A_1029 = tpu.all_reduce %lt3A_1028 {dim = 0 : i64, kind = #tpu.reduction_kind<sum>} : vector<16xi1> -> vector<16xi32>
      %slice3A_1030 = vector.extract_strided_slice %all_reduce_population_count3A_1029 {offsets = [0], sizes = [1], strides = [1]} : vector<16xi32> to vector<1xi32>
      %squeeze3A_1031 = vector.extract %slice3A_1030[0] : i32 from vector<1xi32>
      %gt3A_1032 = arith.constant 0 : i32
      %gt3A_1033 = arith.cmpi sgt, %squeeze3A_1031, %gt3A_1032 : i32
      %convert_element_type3A_1034 = arith.extui %gt3A_1033 : i1 to i32
      %cond3A_1035 = arith.constant 0 : i32
      %cond3A_1036 = arith.cmpi ne, %convert_element_type3A_1034, %cond3A_1035 : i32
      scf.if %cond3A_1036 {
        %jit3A_1562 = arith.constant 0 : i32
        %broadcast_in_dim3A_1563 = vector.broadcast %jit3A_1562 : i32 to vector<16xi32>
        %select_n3A_1564 = arith.select %lt3A_1028, %get3A_1025, %broadcast_in_dim3A_1563 : vector<16xi1>, vector<16xi32>
        %add3A_1565 = arith.constant 32 : i32
        %add3A_1566 = vector.broadcast %add3A_1565 : i32 to vector<16xi32>
        %add3A_1567 = arith.addi %add3A_1566, %iota3A : vector<16xi32>
        %scan3A_1568 = arith.constant 0 : i32
        %scan3A_1569 = arith.constant 0 : i32
        %scan3A_1570 = arith.constant 64 : i32
        %scan3A_1571 = arith.addi %scan3A_1569, %scan3A_1570 : i32
        %scan3A_1572 = arith.constant 1 : i32
        %scan3A_1573 = scf.for %scan3A_1575 = %scan3A_1569 to %scan3A_1571 step %scan3A_1572 iter_args(%scan3A_1576 = %scan3A_1568) -> (i32)  : i32 {
          %add3A_1577 = vector.broadcast %scan3A_1575 : i32 to vector<16xi32>
          %add3A_1578 = arith.addi %broadcast_in_dim3A_160, %add3A_1577 : vector<16xi32>
          %gather3A = tpu.vector_load_idx %arg20[%select_n3A_1564, %add3A_1578] : memref<4x64xf32, #tpu.memory_space<vmem>>[vector<16xi32>, vector<16xi32>], vector<16xf32>,
          %shift_right_arithmetic3A = arith.constant 3 : i32
          %shift_right_arithmetic3A_1579 = vector.broadcast %shift_right_arithmetic3A : i32 to vector<16xi32>
          %shift_right_arithmetic3A_1580 = arith.shrsi %add3A_1578, %shift_right_arithmetic3A_1579 : vector<16xi32>
          %and3A_1581 = arith.constant 7 : i32
          %and3A_1582 = vector.broadcast %and3A_1581 : i32 to vector<16xi32>
          %and3A_1583 = arith.andi %add3A_1578, %and3A_1582 : vector<16xi32>
          tpu.vector_store_idx %arg16[%shift_right_arithmetic3A_1580, %and3A_1583, %add3A_1567], %gather3A masked %lt3A_1028 {add = true} : memref<8x8x128xf32, #tpu.memory_space<vmem>>[vector<16xi32>, vector<16xi32>, vector<16xi32>], vector<16xf32>, vector<16xi1>
          %scan3A_1584 = arith.constant 0 : i32
          scf.yield %scan3A_1584 : i32
        }
        %scan3A_1574 = arith.constant 64 : i32
      } else {
      }
      %add3A_1037 = arith.constant 48 : i32
      %add3A_1038 = arith.addi %mul3A_984, %add3A_1037 : i32
      %get3A_1039 = arith.index_cast %add3A_1038 : i32 to index
      %get3A_1040 = tpu.vector_load %arg6[%get3A_1039] {strides = array<i32>} : memref<25600xi32, #tpu.memory_space<vmem>>, vector<16xi32>,
      %lt3A_1041 = arith.constant 4 : i32
      %lt3A_1042 = vector.broadcast %lt3A_1041 : i32 to vector<16xi32>
      %lt3A_1043 = arith.cmpi slt, %get3A_1040, %lt3A_1042 : vector<16xi32>
      %all_reduce_population_count3A_1044 = tpu.all_reduce %lt3A_1043 {dim = 0 : i64, kind = #tpu.reduction_kind<sum>} : vector<16xi1> -> vector<16xi32>
      %slice3A_1045 = vector.extract_strided_slice %all_reduce_population_count3A_1044 {offsets = [0], sizes = [1], strides = [1]} : vector<16xi32> to vector<1xi32>
      %squeeze3A_1046 = vector.extract %slice3A_1045[0] : i32 from vector<1xi32>
      %gt3A_1047 = arith.constant 0 : i32
      %gt3A_1048 = arith.cmpi sgt, %squeeze3A_1046, %gt3A_1047 : i32
      %convert_element_type3A_1049 = arith.extui %gt3A_1048 : i1 to i32
      %cond3A_1050 = arith.constant 0 : i32
      %cond3A_1051 = arith.cmpi ne, %convert_element_type3A_1049, %cond3A_1050 : i32
      scf.if %cond3A_1051 {
        %jit3A_1562 = arith.constant 0 : i32
        %broadcast_in_dim3A_1563 = vector.broadcast %jit3A_1562 : i32 to vector<16xi32>
        %select_n3A_1564 = arith.select %lt3A_1043, %get3A_1040, %broadcast_in_dim3A_1563 : vector<16xi1>, vector<16xi32>
        %add3A_1565 = arith.constant 48 : i32
        %add3A_1566 = vector.broadcast %add3A_1565 : i32 to vector<16xi32>
        %add3A_1567 = arith.addi %add3A_1566, %iota3A : vector<16xi32>
        %scan3A_1568 = arith.constant 0 : i32
        %scan3A_1569 = arith.constant 0 : i32
        %scan3A_1570 = arith.constant 64 : i32
        %scan3A_1571 = arith.addi %scan3A_1569, %scan3A_1570 : i32
        %scan3A_1572 = arith.constant 1 : i32
        %scan3A_1573 = scf.for %scan3A_1575 = %scan3A_1569 to %scan3A_1571 step %scan3A_1572 iter_args(%scan3A_1576 = %scan3A_1568) -> (i32)  : i32 {
          %add3A_1577 = vector.broadcast %scan3A_1575 : i32 to vector<16xi32>
          %add3A_1578 = arith.addi %broadcast_in_dim3A_160, %add3A_1577 : vector<16xi32>
          %gather3A = tpu.vector_load_idx %arg20[%select_n3A_1564, %add3A_1578] : memref<4x64xf32, #tpu.memory_space<vmem>>[vector<16xi32>, vector<16xi32>], vector<16xf32>,
          %shift_right_arithmetic3A = arith.constant 3 : i32
          %shift_right_arithmetic3A_1579 = vector.broadcast %shift_right_arithmetic3A : i32 to vector<16xi32>
          %shift_right_arithmetic3A_1580 = arith.shrsi %add3A_1578, %shift_right_arithmetic3A_1579 : vector<16xi32>
          %and3A_1581 = arith.constant 7 : i32
          %and3A_1582 = vector.broadcast %and3A_1581 : i32 to vector<16xi32>
          %and3A_1583 = arith.andi %add3A_1578, %and3A_1582 : vector<16xi32>
          tpu.vector_store_idx %arg16[%shift_right_arithmetic3A_1580, %and3A_1583, %add3A_1567], %gather3A masked %lt3A_1043 {add = true} : memref<8x8x128xf32, #tpu.memory_space<vmem>>[vector<16xi32>, vector<16xi32>, vector<16xi32>], vector<16xf32>, vector<16xi1>
          %scan3A_1584 = arith.constant 0 : i32
          scf.yield %scan3A_1584 : i32
        }
        %scan3A_1574 = arith.constant 64 : i32
      } else {
      }
      %add3A_1052 = arith.constant 64 : i32
      %add3A_1053 = arith.addi %mul3A_984, %add3A_1052 : i32
      %get3A_1054 = arith.index_cast %add3A_1053 : i32 to index
      %get3A_1055 = tpu.vector_load %arg6[%get3A_1054] {strides = array<i32>} : memref<25600xi32, #tpu.memory_space<vmem>>, vector<16xi32>,
      %lt3A_1056 = arith.constant 4 : i32
      %lt3A_1057 = vector.broadcast %lt3A_1056 : i32 to vector<16xi32>
      %lt3A_1058 = arith.cmpi slt, %get3A_1055, %lt3A_1057 : vector<16xi32>
      %all_reduce_population_count3A_1059 = tpu.all_reduce %lt3A_1058 {dim = 0 : i64, kind = #tpu.reduction_kind<sum>} : vector<16xi1> -> vector<16xi32>
      %slice3A_1060 = vector.extract_strided_slice %all_reduce_population_count3A_1059 {offsets = [0], sizes = [1], strides = [1]} : vector<16xi32> to vector<1xi32>
      %squeeze3A_1061 = vector.extract %slice3A_1060[0] : i32 from vector<1xi32>
      %gt3A_1062 = arith.constant 0 : i32
      %gt3A_1063 = arith.cmpi sgt, %squeeze3A_1061, %gt3A_1062 : i32
      %convert_element_type3A_1064 = arith.extui %gt3A_1063 : i1 to i32
      %cond3A_1065 = arith.constant 0 : i32
      %cond3A_1066 = arith.cmpi ne, %convert_element_type3A_1064, %cond3A_1065 : i32
      scf.if %cond3A_1066 {
        %jit3A_1562 = arith.constant 0 : i32
        %broadcast_in_dim3A_1563 = vector.broadcast %jit3A_1562 : i32 to vector<16xi32>
        %select_n3A_1564 = arith.select %lt3A_1058, %get3A_1055, %broadcast_in_dim3A_1563 : vector<16xi1>, vector<16xi32>
        %add3A_1565 = arith.constant 64 : i32
        %add3A_1566 = vector.broadcast %add3A_1565 : i32 to vector<16xi32>
        %add3A_1567 = arith.addi %add3A_1566, %iota3A : vector<16xi32>
        %scan3A_1568 = arith.constant 0 : i32
        %scan3A_1569 = arith.constant 0 : i32
        %scan3A_1570 = arith.constant 64 : i32
        %scan3A_1571 = arith.addi %scan3A_1569, %scan3A_1570 : i32
        %scan3A_1572 = arith.constant 1 : i32
        %scan3A_1573 = scf.for %scan3A_1575 = %scan3A_1569 to %scan3A_1571 step %scan3A_1572 iter_args(%scan3A_1576 = %scan3A_1568) -> (i32)  : i32 {
          %add3A_1577 = vector.broadcast %scan3A_1575 : i32 to vector<16xi32>
          %add3A_1578 = arith.addi %broadcast_in_dim3A_160, %add3A_1577 : vector<16xi32>
          %gather3A = tpu.vector_load_idx %arg20[%select_n3A_1564, %add3A_1578] : memref<4x64xf32, #tpu.memory_space<vmem>>[vector<16xi32>, vector<16xi32>], vector<16xf32>,
          %shift_right_arithmetic3A = arith.constant 3 : i32
          %shift_right_arithmetic3A_1579 = vector.broadcast %shift_right_arithmetic3A : i32 to vector<16xi32>
          %shift_right_arithmetic3A_1580 = arith.shrsi %add3A_1578, %shift_right_arithmetic3A_1579 : vector<16xi32>
          %and3A_1581 = arith.constant 7 : i32
          %and3A_1582 = vector.broadcast %and3A_1581 : i32 to vector<16xi32>
          %and3A_1583 = arith.andi %add3A_1578, %and3A_1582 : vector<16xi32>
          tpu.vector_store_idx %arg16[%shift_right_arithmetic3A_1580, %and3A_1583, %add3A_1567], %gather3A masked %lt3A_1058 {add = true} : memref<8x8x128xf32, #tpu.memory_space<vmem>>[vector<16xi32>, vector<16xi32>, vector<16xi32>], vector<16xf32>, vector<16xi1>
          %scan3A_1584 = arith.constant 0 : i32
          scf.yield %scan3A_1584 : i32
        }
        %scan3A_1574 = arith.constant 64 : i32
      } else {
      }
      %add3A_1067 = arith.constant 80 : i32
      %add3A_1068 = arith.addi %mul3A_984, %add3A_1067 : i32
      %get3A_1069 = arith.index_cast %add3A_1068 : i32 to index
      %get3A_1070 = tpu.vector_load %arg6[%get3A_1069] {strides = array<i32>} : memref<25600xi32, #tpu.memory_space<vmem>>, vector<16xi32>,
      %lt3A_1071 = arith.constant 4 : i32
      %lt3A_1072 = vector.broadcast %lt3A_1071 : i32 to vector<16xi32>
      %lt3A_1073 = arith.cmpi slt, %get3A_1070, %lt3A_1072 : vector<16xi32>
      %all_reduce_population_count3A_1074 = tpu.all_reduce %lt3A_1073 {dim = 0 : i64, kind = #tpu.reduction_kind<sum>} : vector<16xi1> -> vector<16xi32>
      %slice3A_1075 = vector.extract_strided_slice %all_reduce_population_count3A_1074 {offsets = [0], sizes = [1], strides = [1]} : vector<16xi32> to vector<1xi32>
      %squeeze3A_1076 = vector.extract %slice3A_1075[0] : i32 from vector<1xi32>
      %gt3A_1077 = arith.constant 0 : i32
      %gt3A_1078 = arith.cmpi sgt, %squeeze3A_1076, %gt3A_1077 : i32
      %convert_element_type3A_1079 = arith.extui %gt3A_1078 : i1 to i32
      %cond3A_1080 = arith.constant 0 : i32
      %cond3A_1081 = arith.cmpi ne, %convert_element_type3A_1079, %cond3A_1080 : i32
      scf.if %cond3A_1081 {
        %jit3A_1562 = arith.constant 0 : i32
        %broadcast_in_dim3A_1563 = vector.broadcast %jit3A_1562 : i32 to vector<16xi32>
        %select_n3A_1564 = arith.select %lt3A_1073, %get3A_1070, %broadcast_in_dim3A_1563 : vector<16xi1>, vector<16xi32>
        %add3A_1565 = arith.constant 80 : i32
        %add3A_1566 = vector.broadcast %add3A_1565 : i32 to vector<16xi32>
        %add3A_1567 = arith.addi %add3A_1566, %iota3A : vector<16xi32>
        %scan3A_1568 = arith.constant 0 : i32
        %scan3A_1569 = arith.constant 0 : i32
        %scan3A_1570 = arith.constant 64 : i32
        %scan3A_1571 = arith.addi %scan3A_1569, %scan3A_1570 : i32
        %scan3A_1572 = arith.constant 1 : i32
        %scan3A_1573 = scf.for %scan3A_1575 = %scan3A_1569 to %scan3A_1571 step %scan3A_1572 iter_args(%scan3A_1576 = %scan3A_1568) -> (i32)  : i32 {
          %add3A_1577 = vector.broadcast %scan3A_1575 : i32 to vector<16xi32>
          %add3A_1578 = arith.addi %broadcast_in_dim3A_160, %add3A_1577 : vector<16xi32>
          %gather3A = tpu.vector_load_idx %arg20[%select_n3A_1564, %add3A_1578] : memref<4x64xf32, #tpu.memory_space<vmem>>[vector<16xi32>, vector<16xi32>], vector<16xf32>,
          %shift_right_arithmetic3A = arith.constant 3 : i32
          %shift_right_arithmetic3A_1579 = vector.broadcast %shift_right_arithmetic3A : i32 to vector<16xi32>
          %shift_right_arithmetic3A_1580 = arith.shrsi %add3A_1578, %shift_right_arithmetic3A_1579 : vector<16xi32>
          %and3A_1581 = arith.constant 7 : i32
          %and3A_1582 = vector.broadcast %and3A_1581 : i32 to vector<16xi32>
          %and3A_1583 = arith.andi %add3A_1578, %and3A_1582 : vector<16xi32>
          tpu.vector_store_idx %arg16[%shift_right_arithmetic3A_1580, %and3A_1583, %add3A_1567], %gather3A masked %lt3A_1073 {add = true} : memref<8x8x128xf32, #tpu.memory_space<vmem>>[vector<16xi32>, vector<16xi32>, vector<16xi32>], vector<16xf32>, vector<16xi1>
          %scan3A_1584 = arith.constant 0 : i32
          scf.yield %scan3A_1584 : i32
        }
        %scan3A_1574 = arith.constant 64 : i32
      } else {
      }
      %add3A_1082 = arith.constant 96 : i32
      %add3A_1083 = arith.addi %mul3A_984, %add3A_1082 : i32
      %get3A_1084 = arith.index_cast %add3A_1083 : i32 to index
      %get3A_1085 = tpu.vector_load %arg6[%get3A_1084] {strides = array<i32>} : memref<25600xi32, #tpu.memory_space<vmem>>, vector<16xi32>,
      %lt3A_1086 = arith.constant 4 : i32
      %lt3A_1087 = vector.broadcast %lt3A_1086 : i32 to vector<16xi32>
      %lt3A_1088 = arith.cmpi slt, %get3A_1085, %lt3A_1087 : vector<16xi32>
      %all_reduce_population_count3A_1089 = tpu.all_reduce %lt3A_1088 {dim = 0 : i64, kind = #tpu.reduction_kind<sum>} : vector<16xi1> -> vector<16xi32>
      %slice3A_1090 = vector.extract_strided_slice %all_reduce_population_count3A_1089 {offsets = [0], sizes = [1], strides = [1]} : vector<16xi32> to vector<1xi32>
      %squeeze3A_1091 = vector.extract %slice3A_1090[0] : i32 from vector<1xi32>
      %gt3A_1092 = arith.constant 0 : i32
      %gt3A_1093 = arith.cmpi sgt, %squeeze3A_1091, %gt3A_1092 : i32
      %convert_element_type3A_1094 = arith.extui %gt3A_1093 : i1 to i32
      %cond3A_1095 = arith.constant 0 : i32
      %cond3A_1096 = arith.cmpi ne, %convert_element_type3A_1094, %cond3A_1095 : i32
      scf.if %cond3A_1096 {
        %jit3A_1562 = arith.constant 0 : i32
        %broadcast_in_dim3A_1563 = vector.broadcast %jit3A_1562 : i32 to vector<16xi32>
        %select_n3A_1564 = arith.select %lt3A_1088, %get3A_1085, %broadcast_in_dim3A_1563 : vector<16xi1>, vector<16xi32>
        %add3A_1565 = arith.constant 96 : i32
        %add3A_1566 = vector.broadcast %add3A_1565 : i32 to vector<16xi32>
        %add3A_1567 = arith.addi %add3A_1566, %iota3A : vector<16xi32>
        %scan3A_1568 = arith.constant 0 : i32
        %scan3A_1569 = arith.constant 0 : i32
        %scan3A_1570 = arith.constant 64 : i32
        %scan3A_1571 = arith.addi %scan3A_1569, %scan3A_1570 : i32
        %scan3A_1572 = arith.constant 1 : i32
        %scan3A_1573 = scf.for %scan3A_1575 = %scan3A_1569 to %scan3A_1571 step %scan3A_1572 iter_args(%scan3A_1576 = %scan3A_1568) -> (i32)  : i32 {
          %add3A_1577 = vector.broadcast %scan3A_1575 : i32 to vector<16xi32>
          %add3A_1578 = arith.addi %broadcast_in_dim3A_160, %add3A_1577 : vector<16xi32>
          %gather3A = tpu.vector_load_idx %arg20[%select_n3A_1564, %add3A_1578] : memref<4x64xf32, #tpu.memory_space<vmem>>[vector<16xi32>, vector<16xi32>], vector<16xf32>,
          %shift_right_arithmetic3A = arith.constant 3 : i32
          %shift_right_arithmetic3A_1579 = vector.broadcast %shift_right_arithmetic3A : i32 to vector<16xi32>
          %shift_right_arithmetic3A_1580 = arith.shrsi %add3A_1578, %shift_right_arithmetic3A_1579 : vector<16xi32>
          %and3A_1581 = arith.constant 7 : i32
          %and3A_1582 = vector.broadcast %and3A_1581 : i32 to vector<16xi32>
          %and3A_1583 = arith.andi %add3A_1578, %and3A_1582 : vector<16xi32>
          tpu.vector_store_idx %arg16[%shift_right_arithmetic3A_1580, %and3A_1583, %add3A_1567], %gather3A masked %lt3A_1088 {add = true} : memref<8x8x128xf32, #tpu.memory_space<vmem>>[vector<16xi32>, vector<16xi32>, vector<16xi32>], vector<16xf32>, vector<16xi1>
          %scan3A_1584 = arith.constant 0 : i32
          scf.yield %scan3A_1584 : i32
        }
        %scan3A_1574 = arith.constant 64 : i32
      } else {
      }
      %add3A_1097 = arith.constant 112 : i32
      %add3A_1098 = arith.addi %mul3A_984, %add3A_1097 : i32
      %get3A_1099 = arith.index_cast %add3A_1098 : i32 to index
      %get3A_1100 = tpu.vector_load %arg6[%get3A_1099] {strides = array<i32>} : memref<25600xi32, #tpu.memory_space<vmem>>, vector<16xi32>,
      %lt3A_1101 = arith.constant 4 : i32
      %lt3A_1102 = vector.broadcast %lt3A_1101 : i32 to vector<16xi32>
      %lt3A_1103 = arith.cmpi slt, %get3A_1100, %lt3A_1102 : vector<16xi32>
      %all_reduce_population_count3A_1104 = tpu.all_reduce %lt3A_1103 {dim = 0 : i64, kind = #tpu.reduction_kind<sum>} : vector<16xi1> -> vector<16xi32>
      %slice3A_1105 = vector.extract_strided_slice %all_reduce_population_count3A_1104 {offsets = [0], sizes = [1], strides = [1]} : vector<16xi32> to vector<1xi32>
      %squeeze3A_1106 = vector.extract %slice3A_1105[0] : i32 from vector<1xi32>
      %gt3A_1107 = arith.constant 0 : i32
      %gt3A_1108 = arith.cmpi sgt, %squeeze3A_1106, %gt3A_1107 : i32
      %convert_element_type3A_1109 = arith.extui %gt3A_1108 : i1 to i32
      %cond3A_1110 = arith.constant 0 : i32
      %cond3A_1111 = arith.cmpi ne, %convert_element_type3A_1109, %cond3A_1110 : i32
      scf.if %cond3A_1111 {
        %jit3A_1562 = arith.constant 0 : i32
        %broadcast_in_dim3A_1563 = vector.broadcast %jit3A_1562 : i32 to vector<16xi32>
        %select_n3A_1564 = arith.select %lt3A_1103, %get3A_1100, %broadcast_in_dim3A_1563 : vector<16xi1>, vector<16xi32>
        %add3A_1565 = arith.constant 112 : i32
        %add3A_1566 = vector.broadcast %add3A_1565 : i32 to vector<16xi32>
        %add3A_1567 = arith.addi %add3A_1566, %iota3A : vector<16xi32>
        %scan3A_1568 = arith.constant 0 : i32
        %scan3A_1569 = arith.constant 0 : i32
        %scan3A_1570 = arith.constant 64 : i32
        %scan3A_1571 = arith.addi %scan3A_1569, %scan3A_1570 : i32
        %scan3A_1572 = arith.constant 1 : i32
        %scan3A_1573 = scf.for %scan3A_1575 = %scan3A_1569 to %scan3A_1571 step %scan3A_1572 iter_args(%scan3A_1576 = %scan3A_1568) -> (i32)  : i32 {
          %add3A_1577 = vector.broadcast %scan3A_1575 : i32 to vector<16xi32>
          %add3A_1578 = arith.addi %broadcast_in_dim3A_160, %add3A_1577 : vector<16xi32>
          %gather3A = tpu.vector_load_idx %arg20[%select_n3A_1564, %add3A_1578] : memref<4x64xf32, #tpu.memory_space<vmem>>[vector<16xi32>, vector<16xi32>], vector<16xf32>,
          %shift_right_arithmetic3A = arith.constant 3 : i32
          %shift_right_arithmetic3A_1579 = vector.broadcast %shift_right_arithmetic3A : i32 to vector<16xi32>
          %shift_right_arithmetic3A_1580 = arith.shrsi %add3A_1578, %shift_right_arithmetic3A_1579 : vector<16xi32>
          %and3A_1581 = arith.constant 7 : i32
          %and3A_1582 = vector.broadcast %and3A_1581 : i32 to vector<16xi32>
          %and3A_1583 = arith.andi %add3A_1578, %and3A_1582 : vector<16xi32>
          tpu.vector_store_idx %arg16[%shift_right_arithmetic3A_1580, %and3A_1583, %add3A_1567], %gather3A masked %lt3A_1103 {add = true} : memref<8x8x128xf32, #tpu.memory_space<vmem>>[vector<16xi32>, vector<16xi32>, vector<16xi32>], vector<16xf32>, vector<16xi1>
          %scan3A_1584 = arith.constant 0 : i32
          scf.yield %scan3A_1584 : i32
        }
        %scan3A_1574 = arith.constant 64 : i32
      } else {
      }
      %mul3A_1112 = arith.constant 200 : i32
      %mul3A_1113 = arith.muli %add3A, %mul3A_1112 : i32
      %add3A_1114 = arith.addi %mul3A_1113, %add3A_970 : i32
      %jit3A_1115 = arith.constant 32 : i32
      %div3A_1116 = arith.divsi %add3A_1114, %jit3A_1115 : i32
      %sign3A_1117 = arith.constant 0 : i32
      %sign3A_1118 = arith.cmpi sgt, %add3A_1114, %sign3A_1117 : i32
      %sign3A_1119 = arith.extui %sign3A_1118 : i1 to i32
      %sign3A_1120 = arith.constant 0 : i32
      %sign3A_1121 = arith.cmpi slt, %add3A_1114, %sign3A_1120 : i32
      %sign3A_1122 = arith.extui %sign3A_1121 : i1 to i32
      %sign3A_1123 = arith.subi %sign3A_1119, %sign3A_1122 : i32
      %sign3A_1124 = arith.constant 0 : i32
      %sign3A_1125 = arith.cmpi sgt, %jit3A_1115, %sign3A_1124 : i32
      %sign3A_1126 = arith.extui %sign3A_1125 : i1 to i32
      %sign3A_1127 = arith.constant 0 : i32
      %sign3A_1128 = arith.cmpi slt, %jit3A_1115, %sign3A_1127 : i32
      %sign3A_1129 = arith.extui %sign3A_1128 : i1 to i32
      %sign3A_1130 = arith.subi %sign3A_1126, %sign3A_1129 : i32
      %ne3A_1131 = arith.cmpi ne, %sign3A_1123, %sign3A_1130 : i32
      %rem3A_1132 = arith.remsi %add3A_1114, %jit3A_1115 : i32
      %ne3A_1133 = arith.constant 0 : i32
      %ne3A_1134 = arith.cmpi ne, %rem3A_1132, %ne3A_1133 : i32
      %and3A_1135 = arith.andi %ne3A_1131, %ne3A_1134 : i1
      %sub3A_1136 = arith.constant 1 : i32
      %sub3A_1137 = arith.subi %div3A_1116, %sub3A_1136 : i32
      %select_n3A_1138 = arith.select %and3A_1135, %sub3A_1137, %div3A_1116 : i32
      %jit3A_1139 = arith.constant 32 : i32
      %eq3A_1140 = arith.constant 0 : i32
      %eq3A_1141 = arith.cmpi eq, %jit3A_1139, %eq3A_1140 : i32
      %jit3A_1142 = arith.constant 1 : i32
      %select_n3A_1143 = arith.select %eq3A_1141, %jit3A_1142, %jit3A_1139 : i32
      %rem3A_1144 = arith.remsi %add3A_1114, %select_n3A_1143 : i32
      %ne3A_1145 = arith.constant 0 : i32
      %ne3A_1146 = arith.cmpi ne, %rem3A_1144, %ne3A_1145 : i32
      %lt3A_1147 = arith.constant 0 : i32
      %lt3A_1148 = arith.cmpi slt, %rem3A_1144, %lt3A_1147 : i32
      %lt3A_1149 = arith.constant 0 : i32
      %lt3A_1150 = arith.cmpi slt, %select_n3A_1143, %lt3A_1149 : i32
      %ne3A_1151 = arith.xori %lt3A_1148, %lt3A_1150 : i1
      %and3A_1152 = arith.andi %ne3A_1151, %ne3A_1146 : i1
      %add3A_1153 = arith.addi %rem3A_1144, %select_n3A_1143 : i32
      %select_n3A_1154 = arith.select %and3A_1152, %add3A_1153, %rem3A_1144 : i32
      %dma_start3A_1155 = arith.constant 0 : i32
      %dma_start3A_1156 = arith.constant 0 : i32
      %dma_start3A_1157 = arith.constant 0 : i32
      %dma_start3A_1158 = tpu.memref_slice %arg5[%select_n3A_1138, %dma_start3A_1155, %select_n3A_1154, %dma_start3A_1156, %dma_start3A_1157] : memref<200x8x32x8x128xf32, #tpu.memory_space<hbm>> -> memref<1x8x1x8x128xf32, #tpu.memory_space<hbm>>
      %dma_start3A_1159 = tpu.memref_squeeze %dma_start3A_1158 : memref<1x8x1x8x128xf32, #tpu.memory_space<hbm>> -> memref<8x8x128xf32, #tpu.memory_space<hbm>>
      %dma_start3A_1160 = arith.constant 0 : i32
      %dma_start3A_1161 = arith.constant 0 : i32
      %dma_start3A_1162 = arith.constant 0 : i32
      %dma_start3A_1163 = tpu.memref_slice %arg5[%select_n3A_1138, %dma_start3A_1160, %select_n3A_1154, %dma_start3A_1161, %dma_start3A_1162] : memref<200x8x32x8x128xf32, #tpu.memory_space<hbm>> -> memref<1x8x1x8x128xf32, #tpu.memory_space<hbm>>
      %dma_start3A_1164 = tpu.memref_squeeze %dma_start3A_1163 : memref<1x8x1x8x128xf32, #tpu.memory_space<hbm>> -> memref<8x8x128xf32, #tpu.memory_space<hbm>>
      tpu.enqueue_dma source(%arg16 : memref<8x8x128xf32, #tpu.memory_space<vmem>>) target(%dma_start3A_1164 : memref<8x8x128xf32, #tpu.memory_space<hbm>>) target_semaphore(%arg26 : memref<!tpu.dma_semaphore, #tpu.memory_space<semaphore_mem>>)
      %mul3A_1165 = arith.constant 4 : i32
      %mul3A_1166 = arith.muli %scan3A_773, %mul3A_1165 : i32
      %add3A_1167 = arith.constant 2 : i32
      %add3A_1168 = arith.addi %mul3A_1166, %add3A_1167 : i32
      %add3A_1169 = arith.constant 4 : i32
      %add3A_1170 = arith.addi %add3A_1168, %add3A_1169 : i32
      %sub3A_1171 = arith.constant 1 : i32
      %sub3A_1172 = arith.subi %add3A_1170, %sub3A_1171 : i32
      %lt3A_1173 = arith.constant 200 : i32
      %lt3A_1174 = arith.cmpi slt, %sub3A_1172, %lt3A_1173 : i32
      %convert_element_type3A_1175 = arith.extui %lt3A_1174 : i1 to i32
      %cond3A_1176 = arith.constant 0 : i32
      %cond3A_1177 = arith.cmpi ne, %convert_element_type3A_1175, %cond3A_1176 : i32
      scf.if %cond3A_1177 {
        %ge3A_1562 = arith.constant 4 : i32
        %ge3A_1563 = arith.cmpi sge, %sub3A_1172, %ge3A_1562 : i32
        %convert_element_type3A_1564 = arith.extui %ge3A_1563 : i1 to i32
        %cond3A_1565 = arith.constant 0 : i32
        %cond3A_1566 = arith.cmpi ne, %convert_element_type3A_1564, %cond3A_1565 : i32
        scf.if %cond3A_1566 {
          %sub3A_1692 = arith.constant 4 : i32
          %sub3A_1693 = arith.subi %sub3A_1172, %sub3A_1692 : i32
          %mul3A_1694 = arith.constant 200 : i32
          %mul3A_1695 = arith.muli %add3A, %mul3A_1694 : i32
          %add3A_1696 = arith.addi %mul3A_1695, %sub3A_1693 : i32
          %jit3A_1697 = arith.constant 32 : i32
          %div3A_1698 = arith.divsi %add3A_1696, %jit3A_1697 : i32
          %sign3A_1699 = arith.constant 0 : i32
          %sign3A_1700 = arith.cmpi sgt, %add3A_1696, %sign3A_1699 : i32
          %sign3A_1701 = arith.extui %sign3A_1700 : i1 to i32
          %sign3A_1702 = arith.constant 0 : i32
          %sign3A_1703 = arith.cmpi slt, %add3A_1696, %sign3A_1702 : i32
          %sign3A_1704 = arith.extui %sign3A_1703 : i1 to i32
          %sign3A_1705 = arith.subi %sign3A_1701, %sign3A_1704 : i32
          %sign3A_1706 = arith.constant 0 : i32
          %sign3A_1707 = arith.cmpi sgt, %jit3A_1697, %sign3A_1706 : i32
          %sign3A_1708 = arith.extui %sign3A_1707 : i1 to i32
          %sign3A_1709 = arith.constant 0 : i32
          %sign3A_1710 = arith.cmpi slt, %jit3A_1697, %sign3A_1709 : i32
          %sign3A_1711 = arith.extui %sign3A_1710 : i1 to i32
          %sign3A_1712 = arith.subi %sign3A_1708, %sign3A_1711 : i32
          %ne3A_1713 = arith.cmpi ne, %sign3A_1705, %sign3A_1712 : i32
          %rem3A_1714 = arith.remsi %add3A_1696, %jit3A_1697 : i32
          %ne3A_1715 = arith.constant 0 : i32
          %ne3A_1716 = arith.cmpi ne, %rem3A_1714, %ne3A_1715 : i32
          %and3A_1717 = arith.andi %ne3A_1713, %ne3A_1716 : i1
          %sub3A_1718 = arith.constant 1 : i32
          %sub3A_1719 = arith.subi %div3A_1698, %sub3A_1718 : i32
          %select_n3A_1720 = arith.select %and3A_1717, %sub3A_1719, %div3A_1698 : i32
          %jit3A_1721 = arith.constant 32 : i32
          %eq3A_1722 = arith.constant 0 : i32
          %eq3A_1723 = arith.cmpi eq, %jit3A_1721, %eq3A_1722 : i32
          %jit3A_1724 = arith.constant 1 : i32
          %select_n3A_1725 = arith.select %eq3A_1723, %jit3A_1724, %jit3A_1721 : i32
          %rem3A_1726 = arith.remsi %add3A_1696, %select_n3A_1725 : i32
          %ne3A_1727 = arith.constant 0 : i32
          %ne3A_1728 = arith.cmpi ne, %rem3A_1726, %ne3A_1727 : i32
          %lt3A_1729 = arith.constant 0 : i32
          %lt3A_1730 = arith.cmpi slt, %rem3A_1726, %lt3A_1729 : i32
          %lt3A_1731 = arith.constant 0 : i32
          %lt3A_1732 = arith.cmpi slt, %select_n3A_1725, %lt3A_1731 : i32
          %ne3A_1733 = arith.xori %lt3A_1730, %lt3A_1732 : i1
          %and3A_1734 = arith.andi %ne3A_1733, %ne3A_1728 : i1
          %add3A_1735 = arith.addi %rem3A_1726, %select_n3A_1725 : i32
          %select_n3A_1736 = arith.select %and3A_1734, %add3A_1735, %rem3A_1726 : i32
          %dma_wait3A_1737 = arith.constant 0 : i32
          %dma_wait3A_1738 = arith.constant 0 : i32
          %dma_wait3A_1739 = arith.constant 0 : i32
          %dma_wait3A_1740 = tpu.memref_slice %arg5[%select_n3A_1720, %dma_wait3A_1737, %select_n3A_1736, %dma_wait3A_1738, %dma_wait3A_1739] : memref<200x8x32x8x128xf32, #tpu.memory_space<hbm>> -> memref<1x8x1x8x128xf32, #tpu.memory_space<hbm>>
          %dma_wait3A_1741 = tpu.memref_squeeze %dma_wait3A_1740 : memref<1x8x1x8x128xf32, #tpu.memory_space<hbm>> -> memref<8x8x128xf32, #tpu.memory_space<hbm>>
          %dma_wait3A_1742 = arith.constant 0 : i32
          %dma_wait3A_1743 = arith.constant 0 : i32
          %dma_wait3A_1744 = arith.constant 0 : i32
          %dma_wait3A_1745 = tpu.memref_slice %arg5[%select_n3A_1720, %dma_wait3A_1742, %select_n3A_1736, %dma_wait3A_1743, %dma_wait3A_1744] : memref<200x8x32x8x128xf32, #tpu.memory_space<hbm>> -> memref<1x8x1x8x128xf32, #tpu.memory_space<hbm>>
          %dma_wait3A_1746 = tpu.memref_squeeze %dma_wait3A_1745 : memref<1x8x1x8x128xf32, #tpu.memory_space<hbm>> -> memref<8x8x128xf32, #tpu.memory_space<hbm>>
          tpu.wait_dma2 semaphore(%arg26 : memref<!tpu.dma_semaphore, #tpu.memory_space<semaphore_mem>>) src(%arg16 : memref<8x8x128xf32, #tpu.memory_space<vmem>>) dst(%dma_wait3A_1746 : memref<8x8x128xf32, #tpu.memory_space<hbm>>)
        } else {
        }
        %mul3A_1567 = arith.constant 128 : i32
        %mul3A_1568 = arith.muli %sub3A_1172, %mul3A_1567 : i32
        %add3A_1569 = arith.constant 0 : i32
        %add3A_1570 = arith.addi %mul3A_1568, %add3A_1569 : i32
        %get3A_1571 = arith.index_cast %add3A_1570 : i32 to index
        %get3A_1572 = tpu.vector_load %arg6[%get3A_1571] {strides = array<i32>} : memref<25600xi32, #tpu.memory_space<vmem>>, vector<16xi32>,
        %ge3A_1573 = arith.constant 4 : i32
        %ge3A_1574 = vector.broadcast %ge3A_1573 : i32 to vector<16xi32>
        %ge3A_1575 = arith.cmpi sge, %get3A_1572, %ge3A_1574 : vector<16xi32>
        %sub3A_1576 = arith.constant 4 : i32
        %sub3A_1577 = vector.broadcast %sub3A_1576 : i32 to vector<16xi32>
        %sub3A_1578 = arith.subi %get3A_1572, %sub3A_1577 : vector<16xi32>
        %jit3A_1579 = arith.constant 0 : i32
        %broadcast_in_dim3A_1580 = vector.broadcast %jit3A_1579 : i32 to vector<16xi32>
        %select_n3A_1581 = arith.select %ge3A_1575, %sub3A_1578, %broadcast_in_dim3A_1580 : vector<16xi1>, vector<16xi32>
        %swap3A_1582 = arith.constant 0 : index
        %swap3A_1583 = tpu.vector_load %arg8[%swap3A_1582] {strides = array<i32>} : memref<128xi32, #tpu.memory_space<vmem>>, vector<16xi32>,
        tpu.vector_store %arg8[%swap3A_1582], %select_n3A_1581 {strides = array<i32>} : memref<128xi32, #tpu.memory_space<vmem>>, vector<16xi32>,
        %add3A_1584 = arith.constant 16 : i32
        %add3A_1585 = arith.addi %mul3A_1568, %add3A_1584 : i32
        %get3A_1586 = arith.index_cast %add3A_1585 : i32 to index
        %get3A_1587 = tpu.vector_load %arg6[%get3A_1586] {strides = array<i32>} : memref<25600xi32, #tpu.memory_space<vmem>>, vector<16xi32>,
        %ge3A_1588 = arith.constant 4 : i32
        %ge3A_1589 = vector.broadcast %ge3A_1588 : i32 to vector<16xi32>
        %ge3A_1590 = arith.cmpi sge, %get3A_1587, %ge3A_1589 : vector<16xi32>
        %sub3A_1591 = arith.constant 4 : i32
        %sub3A_1592 = vector.broadcast %sub3A_1591 : i32 to vector<16xi32>
        %sub3A_1593 = arith.subi %get3A_1587, %sub3A_1592 : vector<16xi32>
        %jit3A_1594 = arith.constant 0 : i32
        %broadcast_in_dim3A_1595 = vector.broadcast %jit3A_1594 : i32 to vector<16xi32>
        %select_n3A_1596 = arith.select %ge3A_1590, %sub3A_1593, %broadcast_in_dim3A_1595 : vector<16xi1>, vector<16xi32>
        %swap3A_1597 = arith.constant 16 : index
        %swap3A_1598 = tpu.vector_load %arg8[%swap3A_1597] {strides = array<i32>} : memref<128xi32, #tpu.memory_space<vmem>>, vector<16xi32>,
        tpu.vector_store %arg8[%swap3A_1597], %select_n3A_1596 {strides = array<i32>} : memref<128xi32, #tpu.memory_space<vmem>>, vector<16xi32>,
        %add3A_1599 = arith.constant 32 : i32
        %add3A_1600 = arith.addi %mul3A_1568, %add3A_1599 : i32
        %get3A_1601 = arith.index_cast %add3A_1600 : i32 to index
        %get3A_1602 = tpu.vector_load %arg6[%get3A_1601] {strides = array<i32>} : memref<25600xi32, #tpu.memory_space<vmem>>, vector<16xi32>,
        %ge3A_1603 = arith.constant 4 : i32
        %ge3A_1604 = vector.broadcast %ge3A_1603 : i32 to vector<16xi32>
        %ge3A_1605 = arith.cmpi sge, %get3A_1602, %ge3A_1604 : vector<16xi32>
        %sub3A_1606 = arith.constant 4 : i32
        %sub3A_1607 = vector.broadcast %sub3A_1606 : i32 to vector<16xi32>
        %sub3A_1608 = arith.subi %get3A_1602, %sub3A_1607 : vector<16xi32>
        %jit3A_1609 = arith.constant 0 : i32
        %broadcast_in_dim3A_1610 = vector.broadcast %jit3A_1609 : i32 to vector<16xi32>
        %select_n3A_1611 = arith.select %ge3A_1605, %sub3A_1608, %broadcast_in_dim3A_1610 : vector<16xi1>, vector<16xi32>
        %swap3A_1612 = arith.constant 32 : index
        %swap3A_1613 = tpu.vector_load %arg8[%swap3A_1612] {strides = array<i32>} : memref<128xi32, #tpu.memory_space<vmem>>, vector<16xi32>,
        tpu.vector_store %arg8[%swap3A_1612], %select_n3A_1611 {strides = array<i32>} : memref<128xi32, #tpu.memory_space<vmem>>, vector<16xi32>,
        %add3A_1614 = arith.constant 48 : i32
        %add3A_1615 = arith.addi %mul3A_1568, %add3A_1614 : i32
        %get3A_1616 = arith.index_cast %add3A_1615 : i32 to index
        %get3A_1617 = tpu.vector_load %arg6[%get3A_1616] {strides = array<i32>} : memref<25600xi32, #tpu.memory_space<vmem>>, vector<16xi32>,
        %ge3A_1618 = arith.constant 4 : i32
        %ge3A_1619 = vector.broadcast %ge3A_1618 : i32 to vector<16xi32>
        %ge3A_1620 = arith.cmpi sge, %get3A_1617, %ge3A_1619 : vector<16xi32>
        %sub3A_1621 = arith.constant 4 : i32
        %sub3A_1622 = vector.broadcast %sub3A_1621 : i32 to vector<16xi32>
        %sub3A_1623 = arith.subi %get3A_1617, %sub3A_1622 : vector<16xi32>
        %jit3A_1624 = arith.constant 0 : i32
        %broadcast_in_dim3A_1625 = vector.broadcast %jit3A_1624 : i32 to vector<16xi32>
        %select_n3A_1626 = arith.select %ge3A_1620, %sub3A_1623, %broadcast_in_dim3A_1625 : vector<16xi1>, vector<16xi32>
        %swap3A_1627 = arith.constant 48 : index
        %swap3A_1628 = tpu.vector_load %arg8[%swap3A_1627] {strides = array<i32>} : memref<128xi32, #tpu.memory_space<vmem>>, vector<16xi32>,
        tpu.vector_store %arg8[%swap3A_1627], %select_n3A_1626 {strides = array<i32>} : memref<128xi32, #tpu.memory_space<vmem>>, vector<16xi32>,
        %add3A_1629 = arith.constant 64 : i32
        %add3A_1630 = arith.addi %mul3A_1568, %add3A_1629 : i32
        %get3A_1631 = arith.index_cast %add3A_1630 : i32 to index
        %get3A_1632 = tpu.vector_load %arg6[%get3A_1631] {strides = array<i32>} : memref<25600xi32, #tpu.memory_space<vmem>>, vector<16xi32>,
        %ge3A_1633 = arith.constant 4 : i32
        %ge3A_1634 = vector.broadcast %ge3A_1633 : i32 to vector<16xi32>
        %ge3A_1635 = arith.cmpi sge, %get3A_1632, %ge3A_1634 : vector<16xi32>
        %sub3A_1636 = arith.constant 4 : i32
        %sub3A_1637 = vector.broadcast %sub3A_1636 : i32 to vector<16xi32>
        %sub3A_1638 = arith.subi %get3A_1632, %sub3A_1637 : vector<16xi32>
        %jit3A_1639 = arith.constant 0 : i32
        %broadcast_in_dim3A_1640 = vector.broadcast %jit3A_1639 : i32 to vector<16xi32>
        %select_n3A_1641 = arith.select %ge3A_1635, %sub3A_1638, %broadcast_in_dim3A_1640 : vector<16xi1>, vector<16xi32>
        %swap3A_1642 = arith.constant 64 : index
        %swap3A_1643 = tpu.vector_load %arg8[%swap3A_1642] {strides = array<i32>} : memref<128xi32, #tpu.memory_space<vmem>>, vector<16xi32>,
        tpu.vector_store %arg8[%swap3A_1642], %select_n3A_1641 {strides = array<i32>} : memref<128xi32, #tpu.memory_space<vmem>>, vector<16xi32>,
        %add3A_1644 = arith.constant 80 : i32
        %add3A_1645 = arith.addi %mul3A_1568, %add3A_1644 : i32
        %get3A_1646 = arith.index_cast %add3A_1645 : i32 to index
        %get3A_1647 = tpu.vector_load %arg6[%get3A_1646] {strides = array<i32>} : memref<25600xi32, #tpu.memory_space<vmem>>, vector<16xi32>,
        %ge3A_1648 = arith.constant 4 : i32
        %ge3A_1649 = vector.broadcast %ge3A_1648 : i32 to vector<16xi32>
        %ge3A_1650 = arith.cmpi sge, %get3A_1647, %ge3A_1649 : vector<16xi32>
        %sub3A_1651 = arith.constant 4 : i32
        %sub3A_1652 = vector.broadcast %sub3A_1651 : i32 to vector<16xi32>
        %sub3A_1653 = arith.subi %get3A_1647, %sub3A_1652 : vector<16xi32>
        %jit3A_1654 = arith.constant 0 : i32
        %broadcast_in_dim3A_1655 = vector.broadcast %jit3A_1654 : i32 to vector<16xi32>
        %select_n3A_1656 = arith.select %ge3A_1650, %sub3A_1653, %broadcast_in_dim3A_1655 : vector<16xi1>, vector<16xi32>
        %swap3A_1657 = arith.constant 80 : index
        %swap3A_1658 = tpu.vector_load %arg8[%swap3A_1657] {strides = array<i32>} : memref<128xi32, #tpu.memory_space<vmem>>, vector<16xi32>,
        tpu.vector_store %arg8[%swap3A_1657], %select_n3A_1656 {strides = array<i32>} : memref<128xi32, #tpu.memory_space<vmem>>, vector<16xi32>,
        %add3A_1659 = arith.constant 96 : i32
        %add3A_1660 = arith.addi %mul3A_1568, %add3A_1659 : i32
        %get3A_1661 = arith.index_cast %add3A_1660 : i32 to index
        %get3A_1662 = tpu.vector_load %arg6[%get3A_1661] {strides = array<i32>} : memref<25600xi32, #tpu.memory_space<vmem>>, vector<16xi32>,
        %ge3A_1663 = arith.constant 4 : i32
        %ge3A_1664 = vector.broadcast %ge3A_1663 : i32 to vector<16xi32>
        %ge3A_1665 = arith.cmpi sge, %get3A_1662, %ge3A_1664 : vector<16xi32>
        %sub3A_1666 = arith.constant 4 : i32
        %sub3A_1667 = vector.broadcast %sub3A_1666 : i32 to vector<16xi32>
        %sub3A_1668 = arith.subi %get3A_1662, %sub3A_1667 : vector<16xi32>
        %jit3A_1669 = arith.constant 0 : i32
        %broadcast_in_dim3A_1670 = vector.broadcast %jit3A_1669 : i32 to vector<16xi32>
        %select_n3A_1671 = arith.select %ge3A_1665, %sub3A_1668, %broadcast_in_dim3A_1670 : vector<16xi1>, vector<16xi32>
        %swap3A_1672 = arith.constant 96 : index
        %swap3A_1673 = tpu.vector_load %arg8[%swap3A_1672] {strides = array<i32>} : memref<128xi32, #tpu.memory_space<vmem>>, vector<16xi32>,
        tpu.vector_store %arg8[%swap3A_1672], %select_n3A_1671 {strides = array<i32>} : memref<128xi32, #tpu.memory_space<vmem>>, vector<16xi32>,
        %add3A_1674 = arith.constant 112 : i32
        %add3A_1675 = arith.addi %mul3A_1568, %add3A_1674 : i32
        %get3A_1676 = arith.index_cast %add3A_1675 : i32 to index
        %get3A_1677 = tpu.vector_load %arg6[%get3A_1676] {strides = array<i32>} : memref<25600xi32, #tpu.memory_space<vmem>>, vector<16xi32>,
        %ge3A_1678 = arith.constant 4 : i32
        %ge3A_1679 = vector.broadcast %ge3A_1678 : i32 to vector<16xi32>
        %ge3A_1680 = arith.cmpi sge, %get3A_1677, %ge3A_1679 : vector<16xi32>
        %sub3A_1681 = arith.constant 4 : i32
        %sub3A_1682 = vector.broadcast %sub3A_1681 : i32 to vector<16xi32>
        %sub3A_1683 = arith.subi %get3A_1677, %sub3A_1682 : vector<16xi32>
        %jit3A_1684 = arith.constant 0 : i32
        %broadcast_in_dim3A_1685 = vector.broadcast %jit3A_1684 : i32 to vector<16xi32>
        %select_n3A_1686 = arith.select %ge3A_1680, %sub3A_1683, %broadcast_in_dim3A_1685 : vector<16xi1>, vector<16xi32>
        %swap3A_1687 = arith.constant 112 : index
        %swap3A_1688 = tpu.vector_load %arg8[%swap3A_1687] {strides = array<i32>} : memref<128xi32, #tpu.memory_space<vmem>>, vector<16xi32>,
        tpu.vector_store %arg8[%swap3A_1687], %select_n3A_1686 {strides = array<i32>} : memref<128xi32, #tpu.memory_space<vmem>>, vector<16xi32>,
        %dma_start3A_1689 = arith.constant 0 : i32
        %dma_start3A_1690 = arith.constant 0 : i32
        %dma_start3A_1691 = tpu.memref_slice %arg3[%dma_start3A_1689, %dma_start3A_1690] : memref<1000000x64xf32, #tpu.memory_space<hbm>> -> memref<1000000x64xf32, #tpu.memory_space<hbm>>
        tpu.enqueue_indirect_dma source(%dma_start3A_1691 : memref<1000000x64xf32, #tpu.memory_space<hbm>>) target(%arg12 : memref<128x64xf32, #tpu.memory_space<vmem>>) offsets(%arg8 : memref<128xi32, #tpu.memory_space<vmem>>) semaphore(%arg22 : memref<!tpu.dma_semaphore, #tpu.memory_space<semaphore_mem>>)
      } else {
      }
      %dma_wait3A_1178 = arith.constant 0 : i32
      %dma_wait3A_1179 = arith.constant 0 : i32
      %dma_wait3A_1180 = tpu.memref_slice %arg3[%dma_wait3A_1178, %dma_wait3A_1179] : memref<1000000x64xf32, #tpu.memory_space<hbm>> -> memref<1000000x64xf32, #tpu.memory_space<hbm>>
      tpu.wait_indirect_dma semaphore(%arg23 : memref<!tpu.dma_semaphore, #tpu.memory_space<semaphore_mem>>) src(%dma_wait3A_1180 : memref<1000000x64xf32, #tpu.memory_space<hbm>>) dst(%arg13 : memref<128x64xf32, #tpu.memory_space<vmem>>)
      %mul3A_1181 = arith.constant 128 : i32
      %mul3A_1182 = arith.muli %add3A_1168, %mul3A_1181 : i32
      %scan3A_1183 = arith.constant 0 : i32
      %scan3A_1184 = arith.constant 0 : i32
      %scan3A_1185 = arith.constant 64 : i32
      %scan3A_1186 = arith.addi %scan3A_1184, %scan3A_1185 : i32
      %scan3A_1187 = arith.constant 1 : i32
      %scan3A_1188 = scf.for %scan3A_1562 = %scan3A_1184 to %scan3A_1186 step %scan3A_1187 iter_args(%scan3A_1563 = %scan3A_1183) -> (i32)  : i32 {
        %add3A_1564 = vector.broadcast %scan3A_1562 : i32 to vector<16xi32>
        %add3A_1565 = arith.addi %add3A_1564, %iota3A : vector<16xi32>
        %and3A_1566 = arith.constant 63 : i32
        %and3A_1567 = vector.broadcast %and3A_1566 : i32 to vector<16xi32>
        %and3A_1568 = arith.andi %add3A_1565, %and3A_1567 : vector<16xi32>
        %gather3A = tpu.vector_load_idx %arg19[%broadcast_in_dim3A_160, %and3A_1568] : memref<4x64xf32, #tpu.memory_space<vmem>>[vector<16xi32>, vector<16xi32>], vector<16xf32>,
        %shift_right_arithmetic3A = arith.constant 3 : i32
        %shift_right_arithmetic3A_1569 = vector.broadcast %shift_right_arithmetic3A : i32 to vector<16xi32>
        %shift_right_arithmetic3A_1570 = arith.shrsi %and3A_1568, %shift_right_arithmetic3A_1569 : vector<16xi32>
        %and3A_1571 = arith.constant 7 : i32
        %and3A_1572 = vector.broadcast %and3A_1571 : i32 to vector<16xi32>
        %and3A_1573 = arith.andi %and3A_1568, %and3A_1572 : vector<16xi32>
        %gather3A_1574 = tpu.vector_load_idx %arg13[%add3A_163, %and3A_1568] : memref<128x64xf32, #tpu.memory_space<vmem>>[vector<16xi32>, vector<16xi32>], vector<16xf32>,
        %add3A_1575 = arith.addf %gather3A_1574, %gather3A : vector<16xf32>
        tpu.vector_store_idx %arg17[%shift_right_arithmetic3A_1570, %and3A_1573, %add3A_163], %add3A_1575 : memref<8x8x128xf32, #tpu.memory_space<vmem>>[vector<16xi32>, vector<16xi32>, vector<16xi32>], vector<16xf32>,
        %gather3A_1576 = tpu.vector_load_idx %arg13[%add3A_166, %and3A_1568] : memref<128x64xf32, #tpu.memory_space<vmem>>[vector<16xi32>, vector<16xi32>], vector<16xf32>,
        %add3A_1577 = arith.addf %gather3A_1576, %gather3A : vector<16xf32>
        tpu.vector_store_idx %arg17[%shift_right_arithmetic3A_1570, %and3A_1573, %add3A_166], %add3A_1577 : memref<8x8x128xf32, #tpu.memory_space<vmem>>[vector<16xi32>, vector<16xi32>, vector<16xi32>], vector<16xf32>,
        %gather3A_1578 = tpu.vector_load_idx %arg13[%add3A_169, %and3A_1568] : memref<128x64xf32, #tpu.memory_space<vmem>>[vector<16xi32>, vector<16xi32>], vector<16xf32>,
        %add3A_1579 = arith.addf %gather3A_1578, %gather3A : vector<16xf32>
        tpu.vector_store_idx %arg17[%shift_right_arithmetic3A_1570, %and3A_1573, %add3A_169], %add3A_1579 : memref<8x8x128xf32, #tpu.memory_space<vmem>>[vector<16xi32>, vector<16xi32>, vector<16xi32>], vector<16xf32>,
        %gather3A_1580 = tpu.vector_load_idx %arg13[%add3A_172, %and3A_1568] : memref<128x64xf32, #tpu.memory_space<vmem>>[vector<16xi32>, vector<16xi32>], vector<16xf32>,
        %add3A_1581 = arith.addf %gather3A_1580, %gather3A : vector<16xf32>
        tpu.vector_store_idx %arg17[%shift_right_arithmetic3A_1570, %and3A_1573, %add3A_172], %add3A_1581 : memref<8x8x128xf32, #tpu.memory_space<vmem>>[vector<16xi32>, vector<16xi32>, vector<16xi32>], vector<16xf32>,
        %gather3A_1582 = tpu.vector_load_idx %arg13[%add3A_175, %and3A_1568] : memref<128x64xf32, #tpu.memory_space<vmem>>[vector<16xi32>, vector<16xi32>], vector<16xf32>,
        %add3A_1583 = arith.addf %gather3A_1582, %gather3A : vector<16xf32>
        tpu.vector_store_idx %arg17[%shift_right_arithmetic3A_1570, %and3A_1573, %add3A_175], %add3A_1583 : memref<8x8x128xf32, #tpu.memory_space<vmem>>[vector<16xi32>, vector<16xi32>, vector<16xi32>], vector<16xf32>,
        %gather3A_1584 = tpu.vector_load_idx %arg13[%add3A_178, %and3A_1568] : memref<128x64xf32, #tpu.memory_space<vmem>>[vector<16xi32>, vector<16xi32>], vector<16xf32>,
        %add3A_1585 = arith.addf %gather3A_1584, %gather3A : vector<16xf32>
        tpu.vector_store_idx %arg17[%shift_right_arithmetic3A_1570, %and3A_1573, %add3A_178], %add3A_1585 : memref<8x8x128xf32, #tpu.memory_space<vmem>>[vector<16xi32>, vector<16xi32>, vector<16xi32>], vector<16xf32>,
        %gather3A_1586 = tpu.vector_load_idx %arg13[%add3A_181, %and3A_1568] : memref<128x64xf32, #tpu.memory_space<vmem>>[vector<16xi32>, vector<16xi32>], vector<16xf32>,
        %add3A_1587 = arith.addf %gather3A_1586, %gather3A : vector<16xf32>
        tpu.vector_store_idx %arg17[%shift_right_arithmetic3A_1570, %and3A_1573, %add3A_181], %add3A_1587 : memref<8x8x128xf32, #tpu.memory_space<vmem>>[vector<16xi32>, vector<16xi32>, vector<16xi32>], vector<16xf32>,
        %gather3A_1588 = tpu.vector_load_idx %arg13[%add3A_184, %and3A_1568] : memref<128x64xf32, #tpu.memory_space<vmem>>[vector<16xi32>, vector<16xi32>], vector<16xf32>,
        %add3A_1589 = arith.addf %gather3A_1588, %gather3A : vector<16xf32>
        tpu.vector_store_idx %arg17[%shift_right_arithmetic3A_1570, %and3A_1573, %add3A_184], %add3A_1589 : memref<8x8x128xf32, #tpu.memory_space<vmem>>[vector<16xi32>, vector<16xi32>, vector<16xi32>], vector<16xf32>,
        %scan3A_1590 = arith.constant 0 : i32
        scf.yield %scan3A_1590 : i32
      }
      %scan3A_1189 = arith.constant 64 : i32
      %add3A_1190 = arith.constant 0 : i32
      %add3A_1191 = arith.addi %mul3A_1182, %add3A_1190 : i32
      %get3A_1192 = arith.index_cast %add3A_1191 : i32 to index
      %get3A_1193 = tpu.vector_load %arg6[%get3A_1192] {strides = array<i32>} : memref<25600xi32, #tpu.memory_space<vmem>>, vector<16xi32>,
      %lt3A_1194 = arith.constant 4 : i32
      %lt3A_1195 = vector.broadcast %lt3A_1194 : i32 to vector<16xi32>
      %lt3A_1196 = arith.cmpi slt, %get3A_1193, %lt3A_1195 : vector<16xi32>
      %all_reduce_population_count3A_1197 = tpu.all_reduce %lt3A_1196 {dim = 0 : i64, kind = #tpu.reduction_kind<sum>} : vector<16xi1> -> vector<16xi32>
      %slice3A_1198 = vector.extract_strided_slice %all_reduce_population_count3A_1197 {offsets = [0], sizes = [1], strides = [1]} : vector<16xi32> to vector<1xi32>
      %squeeze3A_1199 = vector.extract %slice3A_1198[0] : i32 from vector<1xi32>
      %gt3A_1200 = arith.constant 0 : i32
      %gt3A_1201 = arith.cmpi sgt, %squeeze3A_1199, %gt3A_1200 : i32
      %convert_element_type3A_1202 = arith.extui %gt3A_1201 : i1 to i32
      %cond3A_1203 = arith.constant 0 : i32
      %cond3A_1204 = arith.cmpi ne, %convert_element_type3A_1202, %cond3A_1203 : i32
      scf.if %cond3A_1204 {
        %jit3A_1562 = arith.constant 0 : i32
        %broadcast_in_dim3A_1563 = vector.broadcast %jit3A_1562 : i32 to vector<16xi32>
        %select_n3A_1564 = arith.select %lt3A_1196, %get3A_1193, %broadcast_in_dim3A_1563 : vector<16xi1>, vector<16xi32>
        %add3A_1565 = arith.constant 0 : i32
        %add3A_1566 = vector.broadcast %add3A_1565 : i32 to vector<16xi32>
        %add3A_1567 = arith.addi %add3A_1566, %iota3A : vector<16xi32>
        %scan3A_1568 = arith.constant 0 : i32
        %scan3A_1569 = arith.constant 0 : i32
        %scan3A_1570 = arith.constant 64 : i32
        %scan3A_1571 = arith.addi %scan3A_1569, %scan3A_1570 : i32
        %scan3A_1572 = arith.constant 1 : i32
        %scan3A_1573 = scf.for %scan3A_1575 = %scan3A_1569 to %scan3A_1571 step %scan3A_1572 iter_args(%scan3A_1576 = %scan3A_1568) -> (i32)  : i32 {
          %add3A_1577 = vector.broadcast %scan3A_1575 : i32 to vector<16xi32>
          %add3A_1578 = arith.addi %broadcast_in_dim3A_160, %add3A_1577 : vector<16xi32>
          %gather3A = tpu.vector_load_idx %arg20[%select_n3A_1564, %add3A_1578] : memref<4x64xf32, #tpu.memory_space<vmem>>[vector<16xi32>, vector<16xi32>], vector<16xf32>,
          %shift_right_arithmetic3A = arith.constant 3 : i32
          %shift_right_arithmetic3A_1579 = vector.broadcast %shift_right_arithmetic3A : i32 to vector<16xi32>
          %shift_right_arithmetic3A_1580 = arith.shrsi %add3A_1578, %shift_right_arithmetic3A_1579 : vector<16xi32>
          %and3A_1581 = arith.constant 7 : i32
          %and3A_1582 = vector.broadcast %and3A_1581 : i32 to vector<16xi32>
          %and3A_1583 = arith.andi %add3A_1578, %and3A_1582 : vector<16xi32>
          tpu.vector_store_idx %arg17[%shift_right_arithmetic3A_1580, %and3A_1583, %add3A_1567], %gather3A masked %lt3A_1196 {add = true} : memref<8x8x128xf32, #tpu.memory_space<vmem>>[vector<16xi32>, vector<16xi32>, vector<16xi32>], vector<16xf32>, vector<16xi1>
          %scan3A_1584 = arith.constant 0 : i32
          scf.yield %scan3A_1584 : i32
        }
        %scan3A_1574 = arith.constant 64 : i32
      } else {
      }
      %add3A_1205 = arith.constant 16 : i32
      %add3A_1206 = arith.addi %mul3A_1182, %add3A_1205 : i32
      %get3A_1207 = arith.index_cast %add3A_1206 : i32 to index
      %get3A_1208 = tpu.vector_load %arg6[%get3A_1207] {strides = array<i32>} : memref<25600xi32, #tpu.memory_space<vmem>>, vector<16xi32>,
      %lt3A_1209 = arith.constant 4 : i32
      %lt3A_1210 = vector.broadcast %lt3A_1209 : i32 to vector<16xi32>
      %lt3A_1211 = arith.cmpi slt, %get3A_1208, %lt3A_1210 : vector<16xi32>
      %all_reduce_population_count3A_1212 = tpu.all_reduce %lt3A_1211 {dim = 0 : i64, kind = #tpu.reduction_kind<sum>} : vector<16xi1> -> vector<16xi32>
      %slice3A_1213 = vector.extract_strided_slice %all_reduce_population_count3A_1212 {offsets = [0], sizes = [1], strides = [1]} : vector<16xi32> to vector<1xi32>
      %squeeze3A_1214 = vector.extract %slice3A_1213[0] : i32 from vector<1xi32>
      %gt3A_1215 = arith.constant 0 : i32
      %gt3A_1216 = arith.cmpi sgt, %squeeze3A_1214, %gt3A_1215 : i32
      %convert_element_type3A_1217 = arith.extui %gt3A_1216 : i1 to i32
      %cond3A_1218 = arith.constant 0 : i32
      %cond3A_1219 = arith.cmpi ne, %convert_element_type3A_1217, %cond3A_1218 : i32
      scf.if %cond3A_1219 {
        %jit3A_1562 = arith.constant 0 : i32
        %broadcast_in_dim3A_1563 = vector.broadcast %jit3A_1562 : i32 to vector<16xi32>
        %select_n3A_1564 = arith.select %lt3A_1211, %get3A_1208, %broadcast_in_dim3A_1563 : vector<16xi1>, vector<16xi32>
        %add3A_1565 = arith.constant 16 : i32
        %add3A_1566 = vector.broadcast %add3A_1565 : i32 to vector<16xi32>
        %add3A_1567 = arith.addi %add3A_1566, %iota3A : vector<16xi32>
        %scan3A_1568 = arith.constant 0 : i32
        %scan3A_1569 = arith.constant 0 : i32
        %scan3A_1570 = arith.constant 64 : i32
        %scan3A_1571 = arith.addi %scan3A_1569, %scan3A_1570 : i32
        %scan3A_1572 = arith.constant 1 : i32
        %scan3A_1573 = scf.for %scan3A_1575 = %scan3A_1569 to %scan3A_1571 step %scan3A_1572 iter_args(%scan3A_1576 = %scan3A_1568) -> (i32)  : i32 {
          %add3A_1577 = vector.broadcast %scan3A_1575 : i32 to vector<16xi32>
          %add3A_1578 = arith.addi %broadcast_in_dim3A_160, %add3A_1577 : vector<16xi32>
          %gather3A = tpu.vector_load_idx %arg20[%select_n3A_1564, %add3A_1578] : memref<4x64xf32, #tpu.memory_space<vmem>>[vector<16xi32>, vector<16xi32>], vector<16xf32>,
          %shift_right_arithmetic3A = arith.constant 3 : i32
          %shift_right_arithmetic3A_1579 = vector.broadcast %shift_right_arithmetic3A : i32 to vector<16xi32>
          %shift_right_arithmetic3A_1580 = arith.shrsi %add3A_1578, %shift_right_arithmetic3A_1579 : vector<16xi32>
          %and3A_1581 = arith.constant 7 : i32
          %and3A_1582 = vector.broadcast %and3A_1581 : i32 to vector<16xi32>
          %and3A_1583 = arith.andi %add3A_1578, %and3A_1582 : vector<16xi32>
          tpu.vector_store_idx %arg17[%shift_right_arithmetic3A_1580, %and3A_1583, %add3A_1567], %gather3A masked %lt3A_1211 {add = true} : memref<8x8x128xf32, #tpu.memory_space<vmem>>[vector<16xi32>, vector<16xi32>, vector<16xi32>], vector<16xf32>, vector<16xi1>
          %scan3A_1584 = arith.constant 0 : i32
          scf.yield %scan3A_1584 : i32
        }
        %scan3A_1574 = arith.constant 64 : i32
      } else {
      }
      %add3A_1220 = arith.constant 32 : i32
      %add3A_1221 = arith.addi %mul3A_1182, %add3A_1220 : i32
      %get3A_1222 = arith.index_cast %add3A_1221 : i32 to index
      %get3A_1223 = tpu.vector_load %arg6[%get3A_1222] {strides = array<i32>} : memref<25600xi32, #tpu.memory_space<vmem>>, vector<16xi32>,
      %lt3A_1224 = arith.constant 4 : i32
      %lt3A_1225 = vector.broadcast %lt3A_1224 : i32 to vector<16xi32>
      %lt3A_1226 = arith.cmpi slt, %get3A_1223, %lt3A_1225 : vector<16xi32>
      %all_reduce_population_count3A_1227 = tpu.all_reduce %lt3A_1226 {dim = 0 : i64, kind = #tpu.reduction_kind<sum>} : vector<16xi1> -> vector<16xi32>
      %slice3A_1228 = vector.extract_strided_slice %all_reduce_population_count3A_1227 {offsets = [0], sizes = [1], strides = [1]} : vector<16xi32> to vector<1xi32>
      %squeeze3A_1229 = vector.extract %slice3A_1228[0] : i32 from vector<1xi32>
      %gt3A_1230 = arith.constant 0 : i32
      %gt3A_1231 = arith.cmpi sgt, %squeeze3A_1229, %gt3A_1230 : i32
      %convert_element_type3A_1232 = arith.extui %gt3A_1231 : i1 to i32
      %cond3A_1233 = arith.constant 0 : i32
      %cond3A_1234 = arith.cmpi ne, %convert_element_type3A_1232, %cond3A_1233 : i32
      scf.if %cond3A_1234 {
        %jit3A_1562 = arith.constant 0 : i32
        %broadcast_in_dim3A_1563 = vector.broadcast %jit3A_1562 : i32 to vector<16xi32>
        %select_n3A_1564 = arith.select %lt3A_1226, %get3A_1223, %broadcast_in_dim3A_1563 : vector<16xi1>, vector<16xi32>
        %add3A_1565 = arith.constant 32 : i32
        %add3A_1566 = vector.broadcast %add3A_1565 : i32 to vector<16xi32>
        %add3A_1567 = arith.addi %add3A_1566, %iota3A : vector<16xi32>
        %scan3A_1568 = arith.constant 0 : i32
        %scan3A_1569 = arith.constant 0 : i32
        %scan3A_1570 = arith.constant 64 : i32
        %scan3A_1571 = arith.addi %scan3A_1569, %scan3A_1570 : i32
        %scan3A_1572 = arith.constant 1 : i32
        %scan3A_1573 = scf.for %scan3A_1575 = %scan3A_1569 to %scan3A_1571 step %scan3A_1572 iter_args(%scan3A_1576 = %scan3A_1568) -> (i32)  : i32 {
          %add3A_1577 = vector.broadcast %scan3A_1575 : i32 to vector<16xi32>
          %add3A_1578 = arith.addi %broadcast_in_dim3A_160, %add3A_1577 : vector<16xi32>
          %gather3A = tpu.vector_load_idx %arg20[%select_n3A_1564, %add3A_1578] : memref<4x64xf32, #tpu.memory_space<vmem>>[vector<16xi32>, vector<16xi32>], vector<16xf32>,
          %shift_right_arithmetic3A = arith.constant 3 : i32
          %shift_right_arithmetic3A_1579 = vector.broadcast %shift_right_arithmetic3A : i32 to vector<16xi32>
          %shift_right_arithmetic3A_1580 = arith.shrsi %add3A_1578, %shift_right_arithmetic3A_1579 : vector<16xi32>
          %and3A_1581 = arith.constant 7 : i32
          %and3A_1582 = vector.broadcast %and3A_1581 : i32 to vector<16xi32>
          %and3A_1583 = arith.andi %add3A_1578, %and3A_1582 : vector<16xi32>
          tpu.vector_store_idx %arg17[%shift_right_arithmetic3A_1580, %and3A_1583, %add3A_1567], %gather3A masked %lt3A_1226 {add = true} : memref<8x8x128xf32, #tpu.memory_space<vmem>>[vector<16xi32>, vector<16xi32>, vector<16xi32>], vector<16xf32>, vector<16xi1>
          %scan3A_1584 = arith.constant 0 : i32
          scf.yield %scan3A_1584 : i32
        }
        %scan3A_1574 = arith.constant 64 : i32
      } else {
      }
      %add3A_1235 = arith.constant 48 : i32
      %add3A_1236 = arith.addi %mul3A_1182, %add3A_1235 : i32
      %get3A_1237 = arith.index_cast %add3A_1236 : i32 to index
      %get3A_1238 = tpu.vector_load %arg6[%get3A_1237] {strides = array<i32>} : memref<25600xi32, #tpu.memory_space<vmem>>, vector<16xi32>,
      %lt3A_1239 = arith.constant 4 : i32
      %lt3A_1240 = vector.broadcast %lt3A_1239 : i32 to vector<16xi32>
      %lt3A_1241 = arith.cmpi slt, %get3A_1238, %lt3A_1240 : vector<16xi32>
      %all_reduce_population_count3A_1242 = tpu.all_reduce %lt3A_1241 {dim = 0 : i64, kind = #tpu.reduction_kind<sum>} : vector<16xi1> -> vector<16xi32>
      %slice3A_1243 = vector.extract_strided_slice %all_reduce_population_count3A_1242 {offsets = [0], sizes = [1], strides = [1]} : vector<16xi32> to vector<1xi32>
      %squeeze3A_1244 = vector.extract %slice3A_1243[0] : i32 from vector<1xi32>
      %gt3A_1245 = arith.constant 0 : i32
      %gt3A_1246 = arith.cmpi sgt, %squeeze3A_1244, %gt3A_1245 : i32
      %convert_element_type3A_1247 = arith.extui %gt3A_1246 : i1 to i32
      %cond3A_1248 = arith.constant 0 : i32
      %cond3A_1249 = arith.cmpi ne, %convert_element_type3A_1247, %cond3A_1248 : i32
      scf.if %cond3A_1249 {
        %jit3A_1562 = arith.constant 0 : i32
        %broadcast_in_dim3A_1563 = vector.broadcast %jit3A_1562 : i32 to vector<16xi32>
        %select_n3A_1564 = arith.select %lt3A_1241, %get3A_1238, %broadcast_in_dim3A_1563 : vector<16xi1>, vector<16xi32>
        %add3A_1565 = arith.constant 48 : i32
        %add3A_1566 = vector.broadcast %add3A_1565 : i32 to vector<16xi32>
        %add3A_1567 = arith.addi %add3A_1566, %iota3A : vector<16xi32>
        %scan3A_1568 = arith.constant 0 : i32
        %scan3A_1569 = arith.constant 0 : i32
        %scan3A_1570 = arith.constant 64 : i32
        %scan3A_1571 = arith.addi %scan3A_1569, %scan3A_1570 : i32
        %scan3A_1572 = arith.constant 1 : i32
        %scan3A_1573 = scf.for %scan3A_1575 = %scan3A_1569 to %scan3A_1571 step %scan3A_1572 iter_args(%scan3A_1576 = %scan3A_1568) -> (i32)  : i32 {
          %add3A_1577 = vector.broadcast %scan3A_1575 : i32 to vector<16xi32>
          %add3A_1578 = arith.addi %broadcast_in_dim3A_160, %add3A_1577 : vector<16xi32>
          %gather3A = tpu.vector_load_idx %arg20[%select_n3A_1564, %add3A_1578] : memref<4x64xf32, #tpu.memory_space<vmem>>[vector<16xi32>, vector<16xi32>], vector<16xf32>,
          %shift_right_arithmetic3A = arith.constant 3 : i32
          %shift_right_arithmetic3A_1579 = vector.broadcast %shift_right_arithmetic3A : i32 to vector<16xi32>
          %shift_right_arithmetic3A_1580 = arith.shrsi %add3A_1578, %shift_right_arithmetic3A_1579 : vector<16xi32>
          %and3A_1581 = arith.constant 7 : i32
          %and3A_1582 = vector.broadcast %and3A_1581 : i32 to vector<16xi32>
          %and3A_1583 = arith.andi %add3A_1578, %and3A_1582 : vector<16xi32>
          tpu.vector_store_idx %arg17[%shift_right_arithmetic3A_1580, %and3A_1583, %add3A_1567], %gather3A masked %lt3A_1241 {add = true} : memref<8x8x128xf32, #tpu.memory_space<vmem>>[vector<16xi32>, vector<16xi32>, vector<16xi32>], vector<16xf32>, vector<16xi1>
          %scan3A_1584 = arith.constant 0 : i32
          scf.yield %scan3A_1584 : i32
        }
        %scan3A_1574 = arith.constant 64 : i32
      } else {
      }
      %add3A_1250 = arith.constant 64 : i32
      %add3A_1251 = arith.addi %mul3A_1182, %add3A_1250 : i32
      %get3A_1252 = arith.index_cast %add3A_1251 : i32 to index
      %get3A_1253 = tpu.vector_load %arg6[%get3A_1252] {strides = array<i32>} : memref<25600xi32, #tpu.memory_space<vmem>>, vector<16xi32>,
      %lt3A_1254 = arith.constant 4 : i32
      %lt3A_1255 = vector.broadcast %lt3A_1254 : i32 to vector<16xi32>
      %lt3A_1256 = arith.cmpi slt, %get3A_1253, %lt3A_1255 : vector<16xi32>
      %all_reduce_population_count3A_1257 = tpu.all_reduce %lt3A_1256 {dim = 0 : i64, kind = #tpu.reduction_kind<sum>} : vector<16xi1> -> vector<16xi32>
      %slice3A_1258 = vector.extract_strided_slice %all_reduce_population_count3A_1257 {offsets = [0], sizes = [1], strides = [1]} : vector<16xi32> to vector<1xi32>
      %squeeze3A_1259 = vector.extract %slice3A_1258[0] : i32 from vector<1xi32>
      %gt3A_1260 = arith.constant 0 : i32
      %gt3A_1261 = arith.cmpi sgt, %squeeze3A_1259, %gt3A_1260 : i32
      %convert_element_type3A_1262 = arith.extui %gt3A_1261 : i1 to i32
      %cond3A_1263 = arith.constant 0 : i32
      %cond3A_1264 = arith.cmpi ne, %convert_element_type3A_1262, %cond3A_1263 : i32
      scf.if %cond3A_1264 {
        %jit3A_1562 = arith.constant 0 : i32
        %broadcast_in_dim3A_1563 = vector.broadcast %jit3A_1562 : i32 to vector<16xi32>
        %select_n3A_1564 = arith.select %lt3A_1256, %get3A_1253, %broadcast_in_dim3A_1563 : vector<16xi1>, vector<16xi32>
        %add3A_1565 = arith.constant 64 : i32
        %add3A_1566 = vector.broadcast %add3A_1565 : i32 to vector<16xi32>
        %add3A_1567 = arith.addi %add3A_1566, %iota3A : vector<16xi32>
        %scan3A_1568 = arith.constant 0 : i32
        %scan3A_1569 = arith.constant 0 : i32
        %scan3A_1570 = arith.constant 64 : i32
        %scan3A_1571 = arith.addi %scan3A_1569, %scan3A_1570 : i32
        %scan3A_1572 = arith.constant 1 : i32
        %scan3A_1573 = scf.for %scan3A_1575 = %scan3A_1569 to %scan3A_1571 step %scan3A_1572 iter_args(%scan3A_1576 = %scan3A_1568) -> (i32)  : i32 {
          %add3A_1577 = vector.broadcast %scan3A_1575 : i32 to vector<16xi32>
          %add3A_1578 = arith.addi %broadcast_in_dim3A_160, %add3A_1577 : vector<16xi32>
          %gather3A = tpu.vector_load_idx %arg20[%select_n3A_1564, %add3A_1578] : memref<4x64xf32, #tpu.memory_space<vmem>>[vector<16xi32>, vector<16xi32>], vector<16xf32>,
          %shift_right_arithmetic3A = arith.constant 3 : i32
          %shift_right_arithmetic3A_1579 = vector.broadcast %shift_right_arithmetic3A : i32 to vector<16xi32>
          %shift_right_arithmetic3A_1580 = arith.shrsi %add3A_1578, %shift_right_arithmetic3A_1579 : vector<16xi32>
          %and3A_1581 = arith.constant 7 : i32
          %and3A_1582 = vector.broadcast %and3A_1581 : i32 to vector<16xi32>
          %and3A_1583 = arith.andi %add3A_1578, %and3A_1582 : vector<16xi32>
          tpu.vector_store_idx %arg17[%shift_right_arithmetic3A_1580, %and3A_1583, %add3A_1567], %gather3A masked %lt3A_1256 {add = true} : memref<8x8x128xf32, #tpu.memory_space<vmem>>[vector<16xi32>, vector<16xi32>, vector<16xi32>], vector<16xf32>, vector<16xi1>
          %scan3A_1584 = arith.constant 0 : i32
          scf.yield %scan3A_1584 : i32
        }
        %scan3A_1574 = arith.constant 64 : i32
      } else {
      }
      %add3A_1265 = arith.constant 80 : i32
      %add3A_1266 = arith.addi %mul3A_1182, %add3A_1265 : i32
      %get3A_1267 = arith.index_cast %add3A_1266 : i32 to index
      %get3A_1268 = tpu.vector_load %arg6[%get3A_1267] {strides = array<i32>} : memref<25600xi32, #tpu.memory_space<vmem>>, vector<16xi32>,
      %lt3A_1269 = arith.constant 4 : i32
      %lt3A_1270 = vector.broadcast %lt3A_1269 : i32 to vector<16xi32>
      %lt3A_1271 = arith.cmpi slt, %get3A_1268, %lt3A_1270 : vector<16xi32>
      %all_reduce_population_count3A_1272 = tpu.all_reduce %lt3A_1271 {dim = 0 : i64, kind = #tpu.reduction_kind<sum>} : vector<16xi1> -> vector<16xi32>
      %slice3A_1273 = vector.extract_strided_slice %all_reduce_population_count3A_1272 {offsets = [0], sizes = [1], strides = [1]} : vector<16xi32> to vector<1xi32>
      %squeeze3A_1274 = vector.extract %slice3A_1273[0] : i32 from vector<1xi32>
      %gt3A_1275 = arith.constant 0 : i32
      %gt3A_1276 = arith.cmpi sgt, %squeeze3A_1274, %gt3A_1275 : i32
      %convert_element_type3A_1277 = arith.extui %gt3A_1276 : i1 to i32
      %cond3A_1278 = arith.constant 0 : i32
      %cond3A_1279 = arith.cmpi ne, %convert_element_type3A_1277, %cond3A_1278 : i32
      scf.if %cond3A_1279 {
        %jit3A_1562 = arith.constant 0 : i32
        %broadcast_in_dim3A_1563 = vector.broadcast %jit3A_1562 : i32 to vector<16xi32>
        %select_n3A_1564 = arith.select %lt3A_1271, %get3A_1268, %broadcast_in_dim3A_1563 : vector<16xi1>, vector<16xi32>
        %add3A_1565 = arith.constant 80 : i32
        %add3A_1566 = vector.broadcast %add3A_1565 : i32 to vector<16xi32>
        %add3A_1567 = arith.addi %add3A_1566, %iota3A : vector<16xi32>
        %scan3A_1568 = arith.constant 0 : i32
        %scan3A_1569 = arith.constant 0 : i32
        %scan3A_1570 = arith.constant 64 : i32
        %scan3A_1571 = arith.addi %scan3A_1569, %scan3A_1570 : i32
        %scan3A_1572 = arith.constant 1 : i32
        %scan3A_1573 = scf.for %scan3A_1575 = %scan3A_1569 to %scan3A_1571 step %scan3A_1572 iter_args(%scan3A_1576 = %scan3A_1568) -> (i32)  : i32 {
          %add3A_1577 = vector.broadcast %scan3A_1575 : i32 to vector<16xi32>
          %add3A_1578 = arith.addi %broadcast_in_dim3A_160, %add3A_1577 : vector<16xi32>
          %gather3A = tpu.vector_load_idx %arg20[%select_n3A_1564, %add3A_1578] : memref<4x64xf32, #tpu.memory_space<vmem>>[vector<16xi32>, vector<16xi32>], vector<16xf32>,
          %shift_right_arithmetic3A = arith.constant 3 : i32
          %shift_right_arithmetic3A_1579 = vector.broadcast %shift_right_arithmetic3A : i32 to vector<16xi32>
          %shift_right_arithmetic3A_1580 = arith.shrsi %add3A_1578, %shift_right_arithmetic3A_1579 : vector<16xi32>
          %and3A_1581 = arith.constant 7 : i32
          %and3A_1582 = vector.broadcast %and3A_1581 : i32 to vector<16xi32>
          %and3A_1583 = arith.andi %add3A_1578, %and3A_1582 : vector<16xi32>
          tpu.vector_store_idx %arg17[%shift_right_arithmetic3A_1580, %and3A_1583, %add3A_1567], %gather3A masked %lt3A_1271 {add = true} : memref<8x8x128xf32, #tpu.memory_space<vmem>>[vector<16xi32>, vector<16xi32>, vector<16xi32>], vector<16xf32>, vector<16xi1>
          %scan3A_1584 = arith.constant 0 : i32
          scf.yield %scan3A_1584 : i32
        }
        %scan3A_1574 = arith.constant 64 : i32
      } else {
      }
      %add3A_1280 = arith.constant 96 : i32
      %add3A_1281 = arith.addi %mul3A_1182, %add3A_1280 : i32
      %get3A_1282 = arith.index_cast %add3A_1281 : i32 to index
      %get3A_1283 = tpu.vector_load %arg6[%get3A_1282] {strides = array<i32>} : memref<25600xi32, #tpu.memory_space<vmem>>, vector<16xi32>,
      %lt3A_1284 = arith.constant 4 : i32
      %lt3A_1285 = vector.broadcast %lt3A_1284 : i32 to vector<16xi32>
      %lt3A_1286 = arith.cmpi slt, %get3A_1283, %lt3A_1285 : vector<16xi32>
      %all_reduce_population_count3A_1287 = tpu.all_reduce %lt3A_1286 {dim = 0 : i64, kind = #tpu.reduction_kind<sum>} : vector<16xi1> -> vector<16xi32>
      %slice3A_1288 = vector.extract_strided_slice %all_reduce_population_count3A_1287 {offsets = [0], sizes = [1], strides = [1]} : vector<16xi32> to vector<1xi32>
      %squeeze3A_1289 = vector.extract %slice3A_1288[0] : i32 from vector<1xi32>
      %gt3A_1290 = arith.constant 0 : i32
      %gt3A_1291 = arith.cmpi sgt, %squeeze3A_1289, %gt3A_1290 : i32
      %convert_element_type3A_1292 = arith.extui %gt3A_1291 : i1 to i32
      %cond3A_1293 = arith.constant 0 : i32
      %cond3A_1294 = arith.cmpi ne, %convert_element_type3A_1292, %cond3A_1293 : i32
      scf.if %cond3A_1294 {
        %jit3A_1562 = arith.constant 0 : i32
        %broadcast_in_dim3A_1563 = vector.broadcast %jit3A_1562 : i32 to vector<16xi32>
        %select_n3A_1564 = arith.select %lt3A_1286, %get3A_1283, %broadcast_in_dim3A_1563 : vector<16xi1>, vector<16xi32>
        %add3A_1565 = arith.constant 96 : i32
        %add3A_1566 = vector.broadcast %add3A_1565 : i32 to vector<16xi32>
        %add3A_1567 = arith.addi %add3A_1566, %iota3A : vector<16xi32>
        %scan3A_1568 = arith.constant 0 : i32
        %scan3A_1569 = arith.constant 0 : i32
        %scan3A_1570 = arith.constant 64 : i32
        %scan3A_1571 = arith.addi %scan3A_1569, %scan3A_1570 : i32
        %scan3A_1572 = arith.constant 1 : i32
        %scan3A_1573 = scf.for %scan3A_1575 = %scan3A_1569 to %scan3A_1571 step %scan3A_1572 iter_args(%scan3A_1576 = %scan3A_1568) -> (i32)  : i32 {
          %add3A_1577 = vector.broadcast %scan3A_1575 : i32 to vector<16xi32>
          %add3A_1578 = arith.addi %broadcast_in_dim3A_160, %add3A_1577 : vector<16xi32>
          %gather3A = tpu.vector_load_idx %arg20[%select_n3A_1564, %add3A_1578] : memref<4x64xf32, #tpu.memory_space<vmem>>[vector<16xi32>, vector<16xi32>], vector<16xf32>,
          %shift_right_arithmetic3A = arith.constant 3 : i32
          %shift_right_arithmetic3A_1579 = vector.broadcast %shift_right_arithmetic3A : i32 to vector<16xi32>
          %shift_right_arithmetic3A_1580 = arith.shrsi %add3A_1578, %shift_right_arithmetic3A_1579 : vector<16xi32>
          %and3A_1581 = arith.constant 7 : i32
          %and3A_1582 = vector.broadcast %and3A_1581 : i32 to vector<16xi32>
          %and3A_1583 = arith.andi %add3A_1578, %and3A_1582 : vector<16xi32>
          tpu.vector_store_idx %arg17[%shift_right_arithmetic3A_1580, %and3A_1583, %add3A_1567], %gather3A masked %lt3A_1286 {add = true} : memref<8x8x128xf32, #tpu.memory_space<vmem>>[vector<16xi32>, vector<16xi32>, vector<16xi32>], vector<16xf32>, vector<16xi1>
          %scan3A_1584 = arith.constant 0 : i32
          scf.yield %scan3A_1584 : i32
        }
        %scan3A_1574 = arith.constant 64 : i32
      } else {
      }
      %add3A_1295 = arith.constant 112 : i32
      %add3A_1296 = arith.addi %mul3A_1182, %add3A_1295 : i32
      %get3A_1297 = arith.index_cast %add3A_1296 : i32 to index
      %get3A_1298 = tpu.vector_load %arg6[%get3A_1297] {strides = array<i32>} : memref<25600xi32, #tpu.memory_space<vmem>>, vector<16xi32>,
      %lt3A_1299 = arith.constant 4 : i32
      %lt3A_1300 = vector.broadcast %lt3A_1299 : i32 to vector<16xi32>
      %lt3A_1301 = arith.cmpi slt, %get3A_1298, %lt3A_1300 : vector<16xi32>
      %all_reduce_population_count3A_1302 = tpu.all_reduce %lt3A_1301 {dim = 0 : i64, kind = #tpu.reduction_kind<sum>} : vector<16xi1> -> vector<16xi32>
      %slice3A_1303 = vector.extract_strided_slice %all_reduce_population_count3A_1302 {offsets = [0], sizes = [1], strides = [1]} : vector<16xi32> to vector<1xi32>
      %squeeze3A_1304 = vector.extract %slice3A_1303[0] : i32 from vector<1xi32>
      %gt3A_1305 = arith.constant 0 : i32
      %gt3A_1306 = arith.cmpi sgt, %squeeze3A_1304, %gt3A_1305 : i32
      %convert_element_type3A_1307 = arith.extui %gt3A_1306 : i1 to i32
      %cond3A_1308 = arith.constant 0 : i32
      %cond3A_1309 = arith.cmpi ne, %convert_element_type3A_1307, %cond3A_1308 : i32
      scf.if %cond3A_1309 {
        %jit3A_1562 = arith.constant 0 : i32
        %broadcast_in_dim3A_1563 = vector.broadcast %jit3A_1562 : i32 to vector<16xi32>
        %select_n3A_1564 = arith.select %lt3A_1301, %get3A_1298, %broadcast_in_dim3A_1563 : vector<16xi1>, vector<16xi32>
        %add3A_1565 = arith.constant 112 : i32
        %add3A_1566 = vector.broadcast %add3A_1565 : i32 to vector<16xi32>
        %add3A_1567 = arith.addi %add3A_1566, %iota3A : vector<16xi32>
        %scan3A_1568 = arith.constant 0 : i32
        %scan3A_1569 = arith.constant 0 : i32
        %scan3A_1570 = arith.constant 64 : i32
        %scan3A_1571 = arith.addi %scan3A_1569, %scan3A_1570 : i32
        %scan3A_1572 = arith.constant 1 : i32
        %scan3A_1573 = scf.for %scan3A_1575 = %scan3A_1569 to %scan3A_1571 step %scan3A_1572 iter_args(%scan3A_1576 = %scan3A_1568) -> (i32)  : i32 {
          %add3A_1577 = vector.broadcast %scan3A_1575 : i32 to vector<16xi32>
          %add3A_1578 = arith.addi %broadcast_in_dim3A_160, %add3A_1577 : vector<16xi32>
          %gather3A = tpu.vector_load_idx %arg20[%select_n3A_1564, %add3A_1578] : memref<4x64xf32, #tpu.memory_space<vmem>>[vector<16xi32>, vector<16xi32>], vector<16xf32>,
          %shift_right_arithmetic3A = arith.constant 3 : i32
          %shift_right_arithmetic3A_1579 = vector.broadcast %shift_right_arithmetic3A : i32 to vector<16xi32>
          %shift_right_arithmetic3A_1580 = arith.shrsi %add3A_1578, %shift_right_arithmetic3A_1579 : vector<16xi32>
          %and3A_1581 = arith.constant 7 : i32
          %and3A_1582 = vector.broadcast %and3A_1581 : i32 to vector<16xi32>
          %and3A_1583 = arith.andi %add3A_1578, %and3A_1582 : vector<16xi32>
          tpu.vector_store_idx %arg17[%shift_right_arithmetic3A_1580, %and3A_1583, %add3A_1567], %gather3A masked %lt3A_1301 {add = true} : memref<8x8x128xf32, #tpu.memory_space<vmem>>[vector<16xi32>, vector<16xi32>, vector<16xi32>], vector<16xf32>, vector<16xi1>
          %scan3A_1584 = arith.constant 0 : i32
          scf.yield %scan3A_1584 : i32
        }
        %scan3A_1574 = arith.constant 64 : i32
      } else {
      }
      %mul3A_1310 = arith.constant 200 : i32
      %mul3A_1311 = arith.muli %add3A, %mul3A_1310 : i32
      %add3A_1312 = arith.addi %mul3A_1311, %add3A_1168 : i32
      %jit3A_1313 = arith.constant 32 : i32
      %div3A_1314 = arith.divsi %add3A_1312, %jit3A_1313 : i32
      %sign3A_1315 = arith.constant 0 : i32
      %sign3A_1316 = arith.cmpi sgt, %add3A_1312, %sign3A_1315 : i32
      %sign3A_1317 = arith.extui %sign3A_1316 : i1 to i32
      %sign3A_1318 = arith.constant 0 : i32
      %sign3A_1319 = arith.cmpi slt, %add3A_1312, %sign3A_1318 : i32
      %sign3A_1320 = arith.extui %sign3A_1319 : i1 to i32
      %sign3A_1321 = arith.subi %sign3A_1317, %sign3A_1320 : i32
      %sign3A_1322 = arith.constant 0 : i32
      %sign3A_1323 = arith.cmpi sgt, %jit3A_1313, %sign3A_1322 : i32
      %sign3A_1324 = arith.extui %sign3A_1323 : i1 to i32
      %sign3A_1325 = arith.constant 0 : i32
      %sign3A_1326 = arith.cmpi slt, %jit3A_1313, %sign3A_1325 : i32
      %sign3A_1327 = arith.extui %sign3A_1326 : i1 to i32
      %sign3A_1328 = arith.subi %sign3A_1324, %sign3A_1327 : i32
      %ne3A_1329 = arith.cmpi ne, %sign3A_1321, %sign3A_1328 : i32
      %rem3A_1330 = arith.remsi %add3A_1312, %jit3A_1313 : i32
      %ne3A_1331 = arith.constant 0 : i32
      %ne3A_1332 = arith.cmpi ne, %rem3A_1330, %ne3A_1331 : i32
      %and3A_1333 = arith.andi %ne3A_1329, %ne3A_1332 : i1
      %sub3A_1334 = arith.constant 1 : i32
      %sub3A_1335 = arith.subi %div3A_1314, %sub3A_1334 : i32
      %select_n3A_1336 = arith.select %and3A_1333, %sub3A_1335, %div3A_1314 : i32
      %jit3A_1337 = arith.constant 32 : i32
      %eq3A_1338 = arith.constant 0 : i32
      %eq3A_1339 = arith.cmpi eq, %jit3A_1337, %eq3A_1338 : i32
      %jit3A_1340 = arith.constant 1 : i32
      %select_n3A_1341 = arith.select %eq3A_1339, %jit3A_1340, %jit3A_1337 : i32
      %rem3A_1342 = arith.remsi %add3A_1312, %select_n3A_1341 : i32
      %ne3A_1343 = arith.constant 0 : i32
      %ne3A_1344 = arith.cmpi ne, %rem3A_1342, %ne3A_1343 : i32
      %lt3A_1345 = arith.constant 0 : i32
      %lt3A_1346 = arith.cmpi slt, %rem3A_1342, %lt3A_1345 : i32
      %lt3A_1347 = arith.constant 0 : i32
      %lt3A_1348 = arith.cmpi slt, %select_n3A_1341, %lt3A_1347 : i32
      %ne3A_1349 = arith.xori %lt3A_1346, %lt3A_1348 : i1
      %and3A_1350 = arith.andi %ne3A_1349, %ne3A_1344 : i1
      %add3A_1351 = arith.addi %rem3A_1342, %select_n3A_1341 : i32
      %select_n3A_1352 = arith.select %and3A_1350, %add3A_1351, %rem3A_1342 : i32
      %dma_start3A_1353 = arith.constant 0 : i32
      %dma_start3A_1354 = arith.constant 0 : i32
      %dma_start3A_1355 = arith.constant 0 : i32
      %dma_start3A_1356 = tpu.memref_slice %arg5[%select_n3A_1336, %dma_start3A_1353, %select_n3A_1352, %dma_start3A_1354, %dma_start3A_1355] : memref<200x8x32x8x128xf32, #tpu.memory_space<hbm>> -> memref<1x8x1x8x128xf32, #tpu.memory_space<hbm>>
      %dma_start3A_1357 = tpu.memref_squeeze %dma_start3A_1356 : memref<1x8x1x8x128xf32, #tpu.memory_space<hbm>> -> memref<8x8x128xf32, #tpu.memory_space<hbm>>
      %dma_start3A_1358 = arith.constant 0 : i32
      %dma_start3A_1359 = arith.constant 0 : i32
      %dma_start3A_1360 = arith.constant 0 : i32
      %dma_start3A_1361 = tpu.memref_slice %arg5[%select_n3A_1336, %dma_start3A_1358, %select_n3A_1352, %dma_start3A_1359, %dma_start3A_1360] : memref<200x8x32x8x128xf32, #tpu.memory_space<hbm>> -> memref<1x8x1x8x128xf32, #tpu.memory_space<hbm>>
      %dma_start3A_1362 = tpu.memref_squeeze %dma_start3A_1361 : memref<1x8x1x8x128xf32, #tpu.memory_space<hbm>> -> memref<8x8x128xf32, #tpu.memory_space<hbm>>
      tpu.enqueue_dma source(%arg17 : memref<8x8x128xf32, #tpu.memory_space<vmem>>) target(%dma_start3A_1362 : memref<8x8x128xf32, #tpu.memory_space<hbm>>) target_semaphore(%arg27 : memref<!tpu.dma_semaphore, #tpu.memory_space<semaphore_mem>>)
      %mul3A_1363 = arith.constant 4 : i32
      %mul3A_1364 = arith.muli %scan3A_773, %mul3A_1363 : i32
      %add3A_1365 = arith.constant 3 : i32
      %add3A_1366 = arith.addi %mul3A_1364, %add3A_1365 : i32
      %add3A_1367 = arith.constant 4 : i32
      %add3A_1368 = arith.addi %add3A_1366, %add3A_1367 : i32
      %sub3A_1369 = arith.constant 1 : i32
      %sub3A_1370 = arith.subi %add3A_1368, %sub3A_1369 : i32
      %lt3A_1371 = arith.constant 200 : i32
      %lt3A_1372 = arith.cmpi slt, %sub3A_1370, %lt3A_1371 : i32
      %convert_element_type3A_1373 = arith.extui %lt3A_1372 : i1 to i32
      %cond3A_1374 = arith.constant 0 : i32
      %cond3A_1375 = arith.cmpi ne, %convert_element_type3A_1373, %cond3A_1374 : i32
      scf.if %cond3A_1375 {
        %ge3A_1562 = arith.constant 4 : i32
        %ge3A_1563 = arith.cmpi sge, %sub3A_1370, %ge3A_1562 : i32
        %convert_element_type3A_1564 = arith.extui %ge3A_1563 : i1 to i32
        %cond3A_1565 = arith.constant 0 : i32
        %cond3A_1566 = arith.cmpi ne, %convert_element_type3A_1564, %cond3A_1565 : i32
        scf.if %cond3A_1566 {
          %sub3A_1692 = arith.constant 4 : i32
          %sub3A_1693 = arith.subi %sub3A_1370, %sub3A_1692 : i32
          %mul3A_1694 = arith.constant 200 : i32
          %mul3A_1695 = arith.muli %add3A, %mul3A_1694 : i32
          %add3A_1696 = arith.addi %mul3A_1695, %sub3A_1693 : i32
          %jit3A_1697 = arith.constant 32 : i32
          %div3A_1698 = arith.divsi %add3A_1696, %jit3A_1697 : i32
          %sign3A_1699 = arith.constant 0 : i32
          %sign3A_1700 = arith.cmpi sgt, %add3A_1696, %sign3A_1699 : i32
          %sign3A_1701 = arith.extui %sign3A_1700 : i1 to i32
          %sign3A_1702 = arith.constant 0 : i32
          %sign3A_1703 = arith.cmpi slt, %add3A_1696, %sign3A_1702 : i32
          %sign3A_1704 = arith.extui %sign3A_1703 : i1 to i32
          %sign3A_1705 = arith.subi %sign3A_1701, %sign3A_1704 : i32
          %sign3A_1706 = arith.constant 0 : i32
          %sign3A_1707 = arith.cmpi sgt, %jit3A_1697, %sign3A_1706 : i32
          %sign3A_1708 = arith.extui %sign3A_1707 : i1 to i32
          %sign3A_1709 = arith.constant 0 : i32
          %sign3A_1710 = arith.cmpi slt, %jit3A_1697, %sign3A_1709 : i32
          %sign3A_1711 = arith.extui %sign3A_1710 : i1 to i32
          %sign3A_1712 = arith.subi %sign3A_1708, %sign3A_1711 : i32
          %ne3A_1713 = arith.cmpi ne, %sign3A_1705, %sign3A_1712 : i32
          %rem3A_1714 = arith.remsi %add3A_1696, %jit3A_1697 : i32
          %ne3A_1715 = arith.constant 0 : i32
          %ne3A_1716 = arith.cmpi ne, %rem3A_1714, %ne3A_1715 : i32
          %and3A_1717 = arith.andi %ne3A_1713, %ne3A_1716 : i1
          %sub3A_1718 = arith.constant 1 : i32
          %sub3A_1719 = arith.subi %div3A_1698, %sub3A_1718 : i32
          %select_n3A_1720 = arith.select %and3A_1717, %sub3A_1719, %div3A_1698 : i32
          %jit3A_1721 = arith.constant 32 : i32
          %eq3A_1722 = arith.constant 0 : i32
          %eq3A_1723 = arith.cmpi eq, %jit3A_1721, %eq3A_1722 : i32
          %jit3A_1724 = arith.constant 1 : i32
          %select_n3A_1725 = arith.select %eq3A_1723, %jit3A_1724, %jit3A_1721 : i32
          %rem3A_1726 = arith.remsi %add3A_1696, %select_n3A_1725 : i32
          %ne3A_1727 = arith.constant 0 : i32
          %ne3A_1728 = arith.cmpi ne, %rem3A_1726, %ne3A_1727 : i32
          %lt3A_1729 = arith.constant 0 : i32
          %lt3A_1730 = arith.cmpi slt, %rem3A_1726, %lt3A_1729 : i32
          %lt3A_1731 = arith.constant 0 : i32
          %lt3A_1732 = arith.cmpi slt, %select_n3A_1725, %lt3A_1731 : i32
          %ne3A_1733 = arith.xori %lt3A_1730, %lt3A_1732 : i1
          %and3A_1734 = arith.andi %ne3A_1733, %ne3A_1728 : i1
          %add3A_1735 = arith.addi %rem3A_1726, %select_n3A_1725 : i32
          %select_n3A_1736 = arith.select %and3A_1734, %add3A_1735, %rem3A_1726 : i32
          %dma_wait3A_1737 = arith.constant 0 : i32
          %dma_wait3A_1738 = arith.constant 0 : i32
          %dma_wait3A_1739 = arith.constant 0 : i32
          %dma_wait3A_1740 = tpu.memref_slice %arg5[%select_n3A_1720, %dma_wait3A_1737, %select_n3A_1736, %dma_wait3A_1738, %dma_wait3A_1739] : memref<200x8x32x8x128xf32, #tpu.memory_space<hbm>> -> memref<1x8x1x8x128xf32, #tpu.memory_space<hbm>>
          %dma_wait3A_1741 = tpu.memref_squeeze %dma_wait3A_1740 : memref<1x8x1x8x128xf32, #tpu.memory_space<hbm>> -> memref<8x8x128xf32, #tpu.memory_space<hbm>>
          %dma_wait3A_1742 = arith.constant 0 : i32
          %dma_wait3A_1743 = arith.constant 0 : i32
          %dma_wait3A_1744 = arith.constant 0 : i32
          %dma_wait3A_1745 = tpu.memref_slice %arg5[%select_n3A_1720, %dma_wait3A_1742, %select_n3A_1736, %dma_wait3A_1743, %dma_wait3A_1744] : memref<200x8x32x8x128xf32, #tpu.memory_space<hbm>> -> memref<1x8x1x8x128xf32, #tpu.memory_space<hbm>>
          %dma_wait3A_1746 = tpu.memref_squeeze %dma_wait3A_1745 : memref<1x8x1x8x128xf32, #tpu.memory_space<hbm>> -> memref<8x8x128xf32, #tpu.memory_space<hbm>>
          tpu.wait_dma2 semaphore(%arg27 : memref<!tpu.dma_semaphore, #tpu.memory_space<semaphore_mem>>) src(%arg17 : memref<8x8x128xf32, #tpu.memory_space<vmem>>) dst(%dma_wait3A_1746 : memref<8x8x128xf32, #tpu.memory_space<hbm>>)
        } else {
        }
        %mul3A_1567 = arith.constant 128 : i32
        %mul3A_1568 = arith.muli %sub3A_1370, %mul3A_1567 : i32
        %add3A_1569 = arith.constant 0 : i32
        %add3A_1570 = arith.addi %mul3A_1568, %add3A_1569 : i32
        %get3A_1571 = arith.index_cast %add3A_1570 : i32 to index
        %get3A_1572 = tpu.vector_load %arg6[%get3A_1571] {strides = array<i32>} : memref<25600xi32, #tpu.memory_space<vmem>>, vector<16xi32>,
        %ge3A_1573 = arith.constant 4 : i32
        %ge3A_1574 = vector.broadcast %ge3A_1573 : i32 to vector<16xi32>
        %ge3A_1575 = arith.cmpi sge, %get3A_1572, %ge3A_1574 : vector<16xi32>
        %sub3A_1576 = arith.constant 4 : i32
        %sub3A_1577 = vector.broadcast %sub3A_1576 : i32 to vector<16xi32>
        %sub3A_1578 = arith.subi %get3A_1572, %sub3A_1577 : vector<16xi32>
        %jit3A_1579 = arith.constant 0 : i32
        %broadcast_in_dim3A_1580 = vector.broadcast %jit3A_1579 : i32 to vector<16xi32>
        %select_n3A_1581 = arith.select %ge3A_1575, %sub3A_1578, %broadcast_in_dim3A_1580 : vector<16xi1>, vector<16xi32>
        %swap3A_1582 = arith.constant 0 : index
        %swap3A_1583 = tpu.vector_load %arg9[%swap3A_1582] {strides = array<i32>} : memref<128xi32, #tpu.memory_space<vmem>>, vector<16xi32>,
        tpu.vector_store %arg9[%swap3A_1582], %select_n3A_1581 {strides = array<i32>} : memref<128xi32, #tpu.memory_space<vmem>>, vector<16xi32>,
        %add3A_1584 = arith.constant 16 : i32
        %add3A_1585 = arith.addi %mul3A_1568, %add3A_1584 : i32
        %get3A_1586 = arith.index_cast %add3A_1585 : i32 to index
        %get3A_1587 = tpu.vector_load %arg6[%get3A_1586] {strides = array<i32>} : memref<25600xi32, #tpu.memory_space<vmem>>, vector<16xi32>,
        %ge3A_1588 = arith.constant 4 : i32
        %ge3A_1589 = vector.broadcast %ge3A_1588 : i32 to vector<16xi32>
        %ge3A_1590 = arith.cmpi sge, %get3A_1587, %ge3A_1589 : vector<16xi32>
        %sub3A_1591 = arith.constant 4 : i32
        %sub3A_1592 = vector.broadcast %sub3A_1591 : i32 to vector<16xi32>
        %sub3A_1593 = arith.subi %get3A_1587, %sub3A_1592 : vector<16xi32>
        %jit3A_1594 = arith.constant 0 : i32
        %broadcast_in_dim3A_1595 = vector.broadcast %jit3A_1594 : i32 to vector<16xi32>
        %select_n3A_1596 = arith.select %ge3A_1590, %sub3A_1593, %broadcast_in_dim3A_1595 : vector<16xi1>, vector<16xi32>
        %swap3A_1597 = arith.constant 16 : index
        %swap3A_1598 = tpu.vector_load %arg9[%swap3A_1597] {strides = array<i32>} : memref<128xi32, #tpu.memory_space<vmem>>, vector<16xi32>,
        tpu.vector_store %arg9[%swap3A_1597], %select_n3A_1596 {strides = array<i32>} : memref<128xi32, #tpu.memory_space<vmem>>, vector<16xi32>,
        %add3A_1599 = arith.constant 32 : i32
        %add3A_1600 = arith.addi %mul3A_1568, %add3A_1599 : i32
        %get3A_1601 = arith.index_cast %add3A_1600 : i32 to index
        %get3A_1602 = tpu.vector_load %arg6[%get3A_1601] {strides = array<i32>} : memref<25600xi32, #tpu.memory_space<vmem>>, vector<16xi32>,
        %ge3A_1603 = arith.constant 4 : i32
        %ge3A_1604 = vector.broadcast %ge3A_1603 : i32 to vector<16xi32>
        %ge3A_1605 = arith.cmpi sge, %get3A_1602, %ge3A_1604 : vector<16xi32>
        %sub3A_1606 = arith.constant 4 : i32
        %sub3A_1607 = vector.broadcast %sub3A_1606 : i32 to vector<16xi32>
        %sub3A_1608 = arith.subi %get3A_1602, %sub3A_1607 : vector<16xi32>
        %jit3A_1609 = arith.constant 0 : i32
        %broadcast_in_dim3A_1610 = vector.broadcast %jit3A_1609 : i32 to vector<16xi32>
        %select_n3A_1611 = arith.select %ge3A_1605, %sub3A_1608, %broadcast_in_dim3A_1610 : vector<16xi1>, vector<16xi32>
        %swap3A_1612 = arith.constant 32 : index
        %swap3A_1613 = tpu.vector_load %arg9[%swap3A_1612] {strides = array<i32>} : memref<128xi32, #tpu.memory_space<vmem>>, vector<16xi32>,
        tpu.vector_store %arg9[%swap3A_1612], %select_n3A_1611 {strides = array<i32>} : memref<128xi32, #tpu.memory_space<vmem>>, vector<16xi32>,
        %add3A_1614 = arith.constant 48 : i32
        %add3A_1615 = arith.addi %mul3A_1568, %add3A_1614 : i32
        %get3A_1616 = arith.index_cast %add3A_1615 : i32 to index
        %get3A_1617 = tpu.vector_load %arg6[%get3A_1616] {strides = array<i32>} : memref<25600xi32, #tpu.memory_space<vmem>>, vector<16xi32>,
        %ge3A_1618 = arith.constant 4 : i32
        %ge3A_1619 = vector.broadcast %ge3A_1618 : i32 to vector<16xi32>
        %ge3A_1620 = arith.cmpi sge, %get3A_1617, %ge3A_1619 : vector<16xi32>
        %sub3A_1621 = arith.constant 4 : i32
        %sub3A_1622 = vector.broadcast %sub3A_1621 : i32 to vector<16xi32>
        %sub3A_1623 = arith.subi %get3A_1617, %sub3A_1622 : vector<16xi32>
        %jit3A_1624 = arith.constant 0 : i32
        %broadcast_in_dim3A_1625 = vector.broadcast %jit3A_1624 : i32 to vector<16xi32>
        %select_n3A_1626 = arith.select %ge3A_1620, %sub3A_1623, %broadcast_in_dim3A_1625 : vector<16xi1>, vector<16xi32>
        %swap3A_1627 = arith.constant 48 : index
        %swap3A_1628 = tpu.vector_load %arg9[%swap3A_1627] {strides = array<i32>} : memref<128xi32, #tpu.memory_space<vmem>>, vector<16xi32>,
        tpu.vector_store %arg9[%swap3A_1627], %select_n3A_1626 {strides = array<i32>} : memref<128xi32, #tpu.memory_space<vmem>>, vector<16xi32>,
        %add3A_1629 = arith.constant 64 : i32
        %add3A_1630 = arith.addi %mul3A_1568, %add3A_1629 : i32
        %get3A_1631 = arith.index_cast %add3A_1630 : i32 to index
        %get3A_1632 = tpu.vector_load %arg6[%get3A_1631] {strides = array<i32>} : memref<25600xi32, #tpu.memory_space<vmem>>, vector<16xi32>,
        %ge3A_1633 = arith.constant 4 : i32
        %ge3A_1634 = vector.broadcast %ge3A_1633 : i32 to vector<16xi32>
        %ge3A_1635 = arith.cmpi sge, %get3A_1632, %ge3A_1634 : vector<16xi32>
        %sub3A_1636 = arith.constant 4 : i32
        %sub3A_1637 = vector.broadcast %sub3A_1636 : i32 to vector<16xi32>
        %sub3A_1638 = arith.subi %get3A_1632, %sub3A_1637 : vector<16xi32>
        %jit3A_1639 = arith.constant 0 : i32
        %broadcast_in_dim3A_1640 = vector.broadcast %jit3A_1639 : i32 to vector<16xi32>
        %select_n3A_1641 = arith.select %ge3A_1635, %sub3A_1638, %broadcast_in_dim3A_1640 : vector<16xi1>, vector<16xi32>
        %swap3A_1642 = arith.constant 64 : index
        %swap3A_1643 = tpu.vector_load %arg9[%swap3A_1642] {strides = array<i32>} : memref<128xi32, #tpu.memory_space<vmem>>, vector<16xi32>,
        tpu.vector_store %arg9[%swap3A_1642], %select_n3A_1641 {strides = array<i32>} : memref<128xi32, #tpu.memory_space<vmem>>, vector<16xi32>,
        %add3A_1644 = arith.constant 80 : i32
        %add3A_1645 = arith.addi %mul3A_1568, %add3A_1644 : i32
        %get3A_1646 = arith.index_cast %add3A_1645 : i32 to index
        %get3A_1647 = tpu.vector_load %arg6[%get3A_1646] {strides = array<i32>} : memref<25600xi32, #tpu.memory_space<vmem>>, vector<16xi32>,
        %ge3A_1648 = arith.constant 4 : i32
        %ge3A_1649 = vector.broadcast %ge3A_1648 : i32 to vector<16xi32>
        %ge3A_1650 = arith.cmpi sge, %get3A_1647, %ge3A_1649 : vector<16xi32>
        %sub3A_1651 = arith.constant 4 : i32
        %sub3A_1652 = vector.broadcast %sub3A_1651 : i32 to vector<16xi32>
        %sub3A_1653 = arith.subi %get3A_1647, %sub3A_1652 : vector<16xi32>
        %jit3A_1654 = arith.constant 0 : i32
        %broadcast_in_dim3A_1655 = vector.broadcast %jit3A_1654 : i32 to vector<16xi32>
        %select_n3A_1656 = arith.select %ge3A_1650, %sub3A_1653, %broadcast_in_dim3A_1655 : vector<16xi1>, vector<16xi32>
        %swap3A_1657 = arith.constant 80 : index
        %swap3A_1658 = tpu.vector_load %arg9[%swap3A_1657] {strides = array<i32>} : memref<128xi32, #tpu.memory_space<vmem>>, vector<16xi32>,
        tpu.vector_store %arg9[%swap3A_1657], %select_n3A_1656 {strides = array<i32>} : memref<128xi32, #tpu.memory_space<vmem>>, vector<16xi32>,
        %add3A_1659 = arith.constant 96 : i32
        %add3A_1660 = arith.addi %mul3A_1568, %add3A_1659 : i32
        %get3A_1661 = arith.index_cast %add3A_1660 : i32 to index
        %get3A_1662 = tpu.vector_load %arg6[%get3A_1661] {strides = array<i32>} : memref<25600xi32, #tpu.memory_space<vmem>>, vector<16xi32>,
        %ge3A_1663 = arith.constant 4 : i32
        %ge3A_1664 = vector.broadcast %ge3A_1663 : i32 to vector<16xi32>
        %ge3A_1665 = arith.cmpi sge, %get3A_1662, %ge3A_1664 : vector<16xi32>
        %sub3A_1666 = arith.constant 4 : i32
        %sub3A_1667 = vector.broadcast %sub3A_1666 : i32 to vector<16xi32>
        %sub3A_1668 = arith.subi %get3A_1662, %sub3A_1667 : vector<16xi32>
        %jit3A_1669 = arith.constant 0 : i32
        %broadcast_in_dim3A_1670 = vector.broadcast %jit3A_1669 : i32 to vector<16xi32>
        %select_n3A_1671 = arith.select %ge3A_1665, %sub3A_1668, %broadcast_in_dim3A_1670 : vector<16xi1>, vector<16xi32>
        %swap3A_1672 = arith.constant 96 : index
        %swap3A_1673 = tpu.vector_load %arg9[%swap3A_1672] {strides = array<i32>} : memref<128xi32, #tpu.memory_space<vmem>>, vector<16xi32>,
        tpu.vector_store %arg9[%swap3A_1672], %select_n3A_1671 {strides = array<i32>} : memref<128xi32, #tpu.memory_space<vmem>>, vector<16xi32>,
        %add3A_1674 = arith.constant 112 : i32
        %add3A_1675 = arith.addi %mul3A_1568, %add3A_1674 : i32
        %get3A_1676 = arith.index_cast %add3A_1675 : i32 to index
        %get3A_1677 = tpu.vector_load %arg6[%get3A_1676] {strides = array<i32>} : memref<25600xi32, #tpu.memory_space<vmem>>, vector<16xi32>,
        %ge3A_1678 = arith.constant 4 : i32
        %ge3A_1679 = vector.broadcast %ge3A_1678 : i32 to vector<16xi32>
        %ge3A_1680 = arith.cmpi sge, %get3A_1677, %ge3A_1679 : vector<16xi32>
        %sub3A_1681 = arith.constant 4 : i32
        %sub3A_1682 = vector.broadcast %sub3A_1681 : i32 to vector<16xi32>
        %sub3A_1683 = arith.subi %get3A_1677, %sub3A_1682 : vector<16xi32>
        %jit3A_1684 = arith.constant 0 : i32
        %broadcast_in_dim3A_1685 = vector.broadcast %jit3A_1684 : i32 to vector<16xi32>
        %select_n3A_1686 = arith.select %ge3A_1680, %sub3A_1683, %broadcast_in_dim3A_1685 : vector<16xi1>, vector<16xi32>
        %swap3A_1687 = arith.constant 112 : index
        %swap3A_1688 = tpu.vector_load %arg9[%swap3A_1687] {strides = array<i32>} : memref<128xi32, #tpu.memory_space<vmem>>, vector<16xi32>,
        tpu.vector_store %arg9[%swap3A_1687], %select_n3A_1686 {strides = array<i32>} : memref<128xi32, #tpu.memory_space<vmem>>, vector<16xi32>,
        %dma_start3A_1689 = arith.constant 0 : i32
        %dma_start3A_1690 = arith.constant 0 : i32
        %dma_start3A_1691 = tpu.memref_slice %arg3[%dma_start3A_1689, %dma_start3A_1690] : memref<1000000x64xf32, #tpu.memory_space<hbm>> -> memref<1000000x64xf32, #tpu.memory_space<hbm>>
        tpu.enqueue_indirect_dma source(%dma_start3A_1691 : memref<1000000x64xf32, #tpu.memory_space<hbm>>) target(%arg13 : memref<128x64xf32, #tpu.memory_space<vmem>>) offsets(%arg9 : memref<128xi32, #tpu.memory_space<vmem>>) semaphore(%arg23 : memref<!tpu.dma_semaphore, #tpu.memory_space<semaphore_mem>>)
      } else {
      }
      %dma_wait3A_1376 = arith.constant 0 : i32
      %dma_wait3A_1377 = arith.constant 0 : i32
      %dma_wait3A_1378 = tpu.memref_slice %arg3[%dma_wait3A_1376, %dma_wait3A_1377] : memref<1000000x64xf32, #tpu.memory_space<hbm>> -> memref<1000000x64xf32, #tpu.memory_space<hbm>>
      tpu.wait_indirect_dma semaphore(%arg24 : memref<!tpu.dma_semaphore, #tpu.memory_space<semaphore_mem>>) src(%dma_wait3A_1378 : memref<1000000x64xf32, #tpu.memory_space<hbm>>) dst(%arg14 : memref<128x64xf32, #tpu.memory_space<vmem>>)
      %mul3A_1379 = arith.constant 128 : i32
      %mul3A_1380 = arith.muli %add3A_1366, %mul3A_1379 : i32
      %scan3A_1381 = arith.constant 0 : i32
      %scan3A_1382 = arith.constant 0 : i32
      %scan3A_1383 = arith.constant 64 : i32
      %scan3A_1384 = arith.addi %scan3A_1382, %scan3A_1383 : i32
      %scan3A_1385 = arith.constant 1 : i32
      %scan3A_1386 = scf.for %scan3A_1562 = %scan3A_1382 to %scan3A_1384 step %scan3A_1385 iter_args(%scan3A_1563 = %scan3A_1381) -> (i32)  : i32 {
        %add3A_1564 = vector.broadcast %scan3A_1562 : i32 to vector<16xi32>
        %add3A_1565 = arith.addi %add3A_1564, %iota3A : vector<16xi32>
        %and3A_1566 = arith.constant 63 : i32
        %and3A_1567 = vector.broadcast %and3A_1566 : i32 to vector<16xi32>
        %and3A_1568 = arith.andi %add3A_1565, %and3A_1567 : vector<16xi32>
        %gather3A = tpu.vector_load_idx %arg19[%broadcast_in_dim3A_160, %and3A_1568] : memref<4x64xf32, #tpu.memory_space<vmem>>[vector<16xi32>, vector<16xi32>], vector<16xf32>,
        %shift_right_arithmetic3A = arith.constant 3 : i32
        %shift_right_arithmetic3A_1569 = vector.broadcast %shift_right_arithmetic3A : i32 to vector<16xi32>
        %shift_right_arithmetic3A_1570 = arith.shrsi %and3A_1568, %shift_right_arithmetic3A_1569 : vector<16xi32>
        %and3A_1571 = arith.constant 7 : i32
        %and3A_1572 = vector.broadcast %and3A_1571 : i32 to vector<16xi32>
        %and3A_1573 = arith.andi %and3A_1568, %and3A_1572 : vector<16xi32>
        %gather3A_1574 = tpu.vector_load_idx %arg14[%add3A_163, %and3A_1568] : memref<128x64xf32, #tpu.memory_space<vmem>>[vector<16xi32>, vector<16xi32>], vector<16xf32>,
        %add3A_1575 = arith.addf %gather3A_1574, %gather3A : vector<16xf32>
        tpu.vector_store_idx %arg18[%shift_right_arithmetic3A_1570, %and3A_1573, %add3A_163], %add3A_1575 : memref<8x8x128xf32, #tpu.memory_space<vmem>>[vector<16xi32>, vector<16xi32>, vector<16xi32>], vector<16xf32>,
        %gather3A_1576 = tpu.vector_load_idx %arg14[%add3A_166, %and3A_1568] : memref<128x64xf32, #tpu.memory_space<vmem>>[vector<16xi32>, vector<16xi32>], vector<16xf32>,
        %add3A_1577 = arith.addf %gather3A_1576, %gather3A : vector<16xf32>
        tpu.vector_store_idx %arg18[%shift_right_arithmetic3A_1570, %and3A_1573, %add3A_166], %add3A_1577 : memref<8x8x128xf32, #tpu.memory_space<vmem>>[vector<16xi32>, vector<16xi32>, vector<16xi32>], vector<16xf32>,
        %gather3A_1578 = tpu.vector_load_idx %arg14[%add3A_169, %and3A_1568] : memref<128x64xf32, #tpu.memory_space<vmem>>[vector<16xi32>, vector<16xi32>], vector<16xf32>,
        %add3A_1579 = arith.addf %gather3A_1578, %gather3A : vector<16xf32>
        tpu.vector_store_idx %arg18[%shift_right_arithmetic3A_1570, %and3A_1573, %add3A_169], %add3A_1579 : memref<8x8x128xf32, #tpu.memory_space<vmem>>[vector<16xi32>, vector<16xi32>, vector<16xi32>], vector<16xf32>,
        %gather3A_1580 = tpu.vector_load_idx %arg14[%add3A_172, %and3A_1568] : memref<128x64xf32, #tpu.memory_space<vmem>>[vector<16xi32>, vector<16xi32>], vector<16xf32>,
        %add3A_1581 = arith.addf %gather3A_1580, %gather3A : vector<16xf32>
        tpu.vector_store_idx %arg18[%shift_right_arithmetic3A_1570, %and3A_1573, %add3A_172], %add3A_1581 : memref<8x8x128xf32, #tpu.memory_space<vmem>>[vector<16xi32>, vector<16xi32>, vector<16xi32>], vector<16xf32>,
        %gather3A_1582 = tpu.vector_load_idx %arg14[%add3A_175, %and3A_1568] : memref<128x64xf32, #tpu.memory_space<vmem>>[vector<16xi32>, vector<16xi32>], vector<16xf32>,
        %add3A_1583 = arith.addf %gather3A_1582, %gather3A : vector<16xf32>
        tpu.vector_store_idx %arg18[%shift_right_arithmetic3A_1570, %and3A_1573, %add3A_175], %add3A_1583 : memref<8x8x128xf32, #tpu.memory_space<vmem>>[vector<16xi32>, vector<16xi32>, vector<16xi32>], vector<16xf32>,
        %gather3A_1584 = tpu.vector_load_idx %arg14[%add3A_178, %and3A_1568] : memref<128x64xf32, #tpu.memory_space<vmem>>[vector<16xi32>, vector<16xi32>], vector<16xf32>,
        %add3A_1585 = arith.addf %gather3A_1584, %gather3A : vector<16xf32>
        tpu.vector_store_idx %arg18[%shift_right_arithmetic3A_1570, %and3A_1573, %add3A_178], %add3A_1585 : memref<8x8x128xf32, #tpu.memory_space<vmem>>[vector<16xi32>, vector<16xi32>, vector<16xi32>], vector<16xf32>,
        %gather3A_1586 = tpu.vector_load_idx %arg14[%add3A_181, %and3A_1568] : memref<128x64xf32, #tpu.memory_space<vmem>>[vector<16xi32>, vector<16xi32>], vector<16xf32>,
        %add3A_1587 = arith.addf %gather3A_1586, %gather3A : vector<16xf32>
        tpu.vector_store_idx %arg18[%shift_right_arithmetic3A_1570, %and3A_1573, %add3A_181], %add3A_1587 : memref<8x8x128xf32, #tpu.memory_space<vmem>>[vector<16xi32>, vector<16xi32>, vector<16xi32>], vector<16xf32>,
        %gather3A_1588 = tpu.vector_load_idx %arg14[%add3A_184, %and3A_1568] : memref<128x64xf32, #tpu.memory_space<vmem>>[vector<16xi32>, vector<16xi32>], vector<16xf32>,
        %add3A_1589 = arith.addf %gather3A_1588, %gather3A : vector<16xf32>
        tpu.vector_store_idx %arg18[%shift_right_arithmetic3A_1570, %and3A_1573, %add3A_184], %add3A_1589 : memref<8x8x128xf32, #tpu.memory_space<vmem>>[vector<16xi32>, vector<16xi32>, vector<16xi32>], vector<16xf32>,
        %scan3A_1590 = arith.constant 0 : i32
        scf.yield %scan3A_1590 : i32
      }
      %scan3A_1387 = arith.constant 64 : i32
      %add3A_1388 = arith.constant 0 : i32
      %add3A_1389 = arith.addi %mul3A_1380, %add3A_1388 : i32
      %get3A_1390 = arith.index_cast %add3A_1389 : i32 to index
      %get3A_1391 = tpu.vector_load %arg6[%get3A_1390] {strides = array<i32>} : memref<25600xi32, #tpu.memory_space<vmem>>, vector<16xi32>,
      %lt3A_1392 = arith.constant 4 : i32
      %lt3A_1393 = vector.broadcast %lt3A_1392 : i32 to vector<16xi32>
      %lt3A_1394 = arith.cmpi slt, %get3A_1391, %lt3A_1393 : vector<16xi32>
      %all_reduce_population_count3A_1395 = tpu.all_reduce %lt3A_1394 {dim = 0 : i64, kind = #tpu.reduction_kind<sum>} : vector<16xi1> -> vector<16xi32>
      %slice3A_1396 = vector.extract_strided_slice %all_reduce_population_count3A_1395 {offsets = [0], sizes = [1], strides = [1]} : vector<16xi32> to vector<1xi32>
      %squeeze3A_1397 = vector.extract %slice3A_1396[0] : i32 from vector<1xi32>
      %gt3A_1398 = arith.constant 0 : i32
      %gt3A_1399 = arith.cmpi sgt, %squeeze3A_1397, %gt3A_1398 : i32
      %convert_element_type3A_1400 = arith.extui %gt3A_1399 : i1 to i32
      %cond3A_1401 = arith.constant 0 : i32
      %cond3A_1402 = arith.cmpi ne, %convert_element_type3A_1400, %cond3A_1401 : i32
      scf.if %cond3A_1402 {
        %jit3A_1562 = arith.constant 0 : i32
        %broadcast_in_dim3A_1563 = vector.broadcast %jit3A_1562 : i32 to vector<16xi32>
        %select_n3A_1564 = arith.select %lt3A_1394, %get3A_1391, %broadcast_in_dim3A_1563 : vector<16xi1>, vector<16xi32>
        %add3A_1565 = arith.constant 0 : i32
        %add3A_1566 = vector.broadcast %add3A_1565 : i32 to vector<16xi32>
        %add3A_1567 = arith.addi %add3A_1566, %iota3A : vector<16xi32>
        %scan3A_1568 = arith.constant 0 : i32
        %scan3A_1569 = arith.constant 0 : i32
        %scan3A_1570 = arith.constant 64 : i32
        %scan3A_1571 = arith.addi %scan3A_1569, %scan3A_1570 : i32
        %scan3A_1572 = arith.constant 1 : i32
        %scan3A_1573 = scf.for %scan3A_1575 = %scan3A_1569 to %scan3A_1571 step %scan3A_1572 iter_args(%scan3A_1576 = %scan3A_1568) -> (i32)  : i32 {
          %add3A_1577 = vector.broadcast %scan3A_1575 : i32 to vector<16xi32>
          %add3A_1578 = arith.addi %broadcast_in_dim3A_160, %add3A_1577 : vector<16xi32>
          %gather3A = tpu.vector_load_idx %arg20[%select_n3A_1564, %add3A_1578] : memref<4x64xf32, #tpu.memory_space<vmem>>[vector<16xi32>, vector<16xi32>], vector<16xf32>,
          %shift_right_arithmetic3A = arith.constant 3 : i32
          %shift_right_arithmetic3A_1579 = vector.broadcast %shift_right_arithmetic3A : i32 to vector<16xi32>
          %shift_right_arithmetic3A_1580 = arith.shrsi %add3A_1578, %shift_right_arithmetic3A_1579 : vector<16xi32>
          %and3A_1581 = arith.constant 7 : i32
          %and3A_1582 = vector.broadcast %and3A_1581 : i32 to vector<16xi32>
          %and3A_1583 = arith.andi %add3A_1578, %and3A_1582 : vector<16xi32>
          tpu.vector_store_idx %arg18[%shift_right_arithmetic3A_1580, %and3A_1583, %add3A_1567], %gather3A masked %lt3A_1394 {add = true} : memref<8x8x128xf32, #tpu.memory_space<vmem>>[vector<16xi32>, vector<16xi32>, vector<16xi32>], vector<16xf32>, vector<16xi1>
          %scan3A_1584 = arith.constant 0 : i32
          scf.yield %scan3A_1584 : i32
        }
        %scan3A_1574 = arith.constant 64 : i32
      } else {
      }
      %add3A_1403 = arith.constant 16 : i32
      %add3A_1404 = arith.addi %mul3A_1380, %add3A_1403 : i32
      %get3A_1405 = arith.index_cast %add3A_1404 : i32 to index
      %get3A_1406 = tpu.vector_load %arg6[%get3A_1405] {strides = array<i32>} : memref<25600xi32, #tpu.memory_space<vmem>>, vector<16xi32>,
      %lt3A_1407 = arith.constant 4 : i32
      %lt3A_1408 = vector.broadcast %lt3A_1407 : i32 to vector<16xi32>
      %lt3A_1409 = arith.cmpi slt, %get3A_1406, %lt3A_1408 : vector<16xi32>
      %all_reduce_population_count3A_1410 = tpu.all_reduce %lt3A_1409 {dim = 0 : i64, kind = #tpu.reduction_kind<sum>} : vector<16xi1> -> vector<16xi32>
      %slice3A_1411 = vector.extract_strided_slice %all_reduce_population_count3A_1410 {offsets = [0], sizes = [1], strides = [1]} : vector<16xi32> to vector<1xi32>
      %squeeze3A_1412 = vector.extract %slice3A_1411[0] : i32 from vector<1xi32>
      %gt3A_1413 = arith.constant 0 : i32
      %gt3A_1414 = arith.cmpi sgt, %squeeze3A_1412, %gt3A_1413 : i32
      %convert_element_type3A_1415 = arith.extui %gt3A_1414 : i1 to i32
      %cond3A_1416 = arith.constant 0 : i32
      %cond3A_1417 = arith.cmpi ne, %convert_element_type3A_1415, %cond3A_1416 : i32
      scf.if %cond3A_1417 {
        %jit3A_1562 = arith.constant 0 : i32
        %broadcast_in_dim3A_1563 = vector.broadcast %jit3A_1562 : i32 to vector<16xi32>
        %select_n3A_1564 = arith.select %lt3A_1409, %get3A_1406, %broadcast_in_dim3A_1563 : vector<16xi1>, vector<16xi32>
        %add3A_1565 = arith.constant 16 : i32
        %add3A_1566 = vector.broadcast %add3A_1565 : i32 to vector<16xi32>
        %add3A_1567 = arith.addi %add3A_1566, %iota3A : vector<16xi32>
        %scan3A_1568 = arith.constant 0 : i32
        %scan3A_1569 = arith.constant 0 : i32
        %scan3A_1570 = arith.constant 64 : i32
        %scan3A_1571 = arith.addi %scan3A_1569, %scan3A_1570 : i32
        %scan3A_1572 = arith.constant 1 : i32
        %scan3A_1573 = scf.for %scan3A_1575 = %scan3A_1569 to %scan3A_1571 step %scan3A_1572 iter_args(%scan3A_1576 = %scan3A_1568) -> (i32)  : i32 {
          %add3A_1577 = vector.broadcast %scan3A_1575 : i32 to vector<16xi32>
          %add3A_1578 = arith.addi %broadcast_in_dim3A_160, %add3A_1577 : vector<16xi32>
          %gather3A = tpu.vector_load_idx %arg20[%select_n3A_1564, %add3A_1578] : memref<4x64xf32, #tpu.memory_space<vmem>>[vector<16xi32>, vector<16xi32>], vector<16xf32>,
          %shift_right_arithmetic3A = arith.constant 3 : i32
          %shift_right_arithmetic3A_1579 = vector.broadcast %shift_right_arithmetic3A : i32 to vector<16xi32>
          %shift_right_arithmetic3A_1580 = arith.shrsi %add3A_1578, %shift_right_arithmetic3A_1579 : vector<16xi32>
          %and3A_1581 = arith.constant 7 : i32
          %and3A_1582 = vector.broadcast %and3A_1581 : i32 to vector<16xi32>
          %and3A_1583 = arith.andi %add3A_1578, %and3A_1582 : vector<16xi32>
          tpu.vector_store_idx %arg18[%shift_right_arithmetic3A_1580, %and3A_1583, %add3A_1567], %gather3A masked %lt3A_1409 {add = true} : memref<8x8x128xf32, #tpu.memory_space<vmem>>[vector<16xi32>, vector<16xi32>, vector<16xi32>], vector<16xf32>, vector<16xi1>
          %scan3A_1584 = arith.constant 0 : i32
          scf.yield %scan3A_1584 : i32
        }
        %scan3A_1574 = arith.constant 64 : i32
      } else {
      }
      %add3A_1418 = arith.constant 32 : i32
      %add3A_1419 = arith.addi %mul3A_1380, %add3A_1418 : i32
      %get3A_1420 = arith.index_cast %add3A_1419 : i32 to index
      %get3A_1421 = tpu.vector_load %arg6[%get3A_1420] {strides = array<i32>} : memref<25600xi32, #tpu.memory_space<vmem>>, vector<16xi32>,
      %lt3A_1422 = arith.constant 4 : i32
      %lt3A_1423 = vector.broadcast %lt3A_1422 : i32 to vector<16xi32>
      %lt3A_1424 = arith.cmpi slt, %get3A_1421, %lt3A_1423 : vector<16xi32>
      %all_reduce_population_count3A_1425 = tpu.all_reduce %lt3A_1424 {dim = 0 : i64, kind = #tpu.reduction_kind<sum>} : vector<16xi1> -> vector<16xi32>
      %slice3A_1426 = vector.extract_strided_slice %all_reduce_population_count3A_1425 {offsets = [0], sizes = [1], strides = [1]} : vector<16xi32> to vector<1xi32>
      %squeeze3A_1427 = vector.extract %slice3A_1426[0] : i32 from vector<1xi32>
      %gt3A_1428 = arith.constant 0 : i32
      %gt3A_1429 = arith.cmpi sgt, %squeeze3A_1427, %gt3A_1428 : i32
      %convert_element_type3A_1430 = arith.extui %gt3A_1429 : i1 to i32
      %cond3A_1431 = arith.constant 0 : i32
      %cond3A_1432 = arith.cmpi ne, %convert_element_type3A_1430, %cond3A_1431 : i32
      scf.if %cond3A_1432 {
        %jit3A_1562 = arith.constant 0 : i32
        %broadcast_in_dim3A_1563 = vector.broadcast %jit3A_1562 : i32 to vector<16xi32>
        %select_n3A_1564 = arith.select %lt3A_1424, %get3A_1421, %broadcast_in_dim3A_1563 : vector<16xi1>, vector<16xi32>
        %add3A_1565 = arith.constant 32 : i32
        %add3A_1566 = vector.broadcast %add3A_1565 : i32 to vector<16xi32>
        %add3A_1567 = arith.addi %add3A_1566, %iota3A : vector<16xi32>
        %scan3A_1568 = arith.constant 0 : i32
        %scan3A_1569 = arith.constant 0 : i32
        %scan3A_1570 = arith.constant 64 : i32
        %scan3A_1571 = arith.addi %scan3A_1569, %scan3A_1570 : i32
        %scan3A_1572 = arith.constant 1 : i32
        %scan3A_1573 = scf.for %scan3A_1575 = %scan3A_1569 to %scan3A_1571 step %scan3A_1572 iter_args(%scan3A_1576 = %scan3A_1568) -> (i32)  : i32 {
          %add3A_1577 = vector.broadcast %scan3A_1575 : i32 to vector<16xi32>
          %add3A_1578 = arith.addi %broadcast_in_dim3A_160, %add3A_1577 : vector<16xi32>
          %gather3A = tpu.vector_load_idx %arg20[%select_n3A_1564, %add3A_1578] : memref<4x64xf32, #tpu.memory_space<vmem>>[vector<16xi32>, vector<16xi32>], vector<16xf32>,
          %shift_right_arithmetic3A = arith.constant 3 : i32
          %shift_right_arithmetic3A_1579 = vector.broadcast %shift_right_arithmetic3A : i32 to vector<16xi32>
          %shift_right_arithmetic3A_1580 = arith.shrsi %add3A_1578, %shift_right_arithmetic3A_1579 : vector<16xi32>
          %and3A_1581 = arith.constant 7 : i32
          %and3A_1582 = vector.broadcast %and3A_1581 : i32 to vector<16xi32>
          %and3A_1583 = arith.andi %add3A_1578, %and3A_1582 : vector<16xi32>
          tpu.vector_store_idx %arg18[%shift_right_arithmetic3A_1580, %and3A_1583, %add3A_1567], %gather3A masked %lt3A_1424 {add = true} : memref<8x8x128xf32, #tpu.memory_space<vmem>>[vector<16xi32>, vector<16xi32>, vector<16xi32>], vector<16xf32>, vector<16xi1>
          %scan3A_1584 = arith.constant 0 : i32
          scf.yield %scan3A_1584 : i32
        }
        %scan3A_1574 = arith.constant 64 : i32
      } else {
      }
      %add3A_1433 = arith.constant 48 : i32
      %add3A_1434 = arith.addi %mul3A_1380, %add3A_1433 : i32
      %get3A_1435 = arith.index_cast %add3A_1434 : i32 to index
      %get3A_1436 = tpu.vector_load %arg6[%get3A_1435] {strides = array<i32>} : memref<25600xi32, #tpu.memory_space<vmem>>, vector<16xi32>,
      %lt3A_1437 = arith.constant 4 : i32
      %lt3A_1438 = vector.broadcast %lt3A_1437 : i32 to vector<16xi32>
      %lt3A_1439 = arith.cmpi slt, %get3A_1436, %lt3A_1438 : vector<16xi32>
      %all_reduce_population_count3A_1440 = tpu.all_reduce %lt3A_1439 {dim = 0 : i64, kind = #tpu.reduction_kind<sum>} : vector<16xi1> -> vector<16xi32>
      %slice3A_1441 = vector.extract_strided_slice %all_reduce_population_count3A_1440 {offsets = [0], sizes = [1], strides = [1]} : vector<16xi32> to vector<1xi32>
      %squeeze3A_1442 = vector.extract %slice3A_1441[0] : i32 from vector<1xi32>
      %gt3A_1443 = arith.constant 0 : i32
      %gt3A_1444 = arith.cmpi sgt, %squeeze3A_1442, %gt3A_1443 : i32
      %convert_element_type3A_1445 = arith.extui %gt3A_1444 : i1 to i32
      %cond3A_1446 = arith.constant 0 : i32
      %cond3A_1447 = arith.cmpi ne, %convert_element_type3A_1445, %cond3A_1446 : i32
      scf.if %cond3A_1447 {
        %jit3A_1562 = arith.constant 0 : i32
        %broadcast_in_dim3A_1563 = vector.broadcast %jit3A_1562 : i32 to vector<16xi32>
        %select_n3A_1564 = arith.select %lt3A_1439, %get3A_1436, %broadcast_in_dim3A_1563 : vector<16xi1>, vector<16xi32>
        %add3A_1565 = arith.constant 48 : i32
        %add3A_1566 = vector.broadcast %add3A_1565 : i32 to vector<16xi32>
        %add3A_1567 = arith.addi %add3A_1566, %iota3A : vector<16xi32>
        %scan3A_1568 = arith.constant 0 : i32
        %scan3A_1569 = arith.constant 0 : i32
        %scan3A_1570 = arith.constant 64 : i32
        %scan3A_1571 = arith.addi %scan3A_1569, %scan3A_1570 : i32
        %scan3A_1572 = arith.constant 1 : i32
        %scan3A_1573 = scf.for %scan3A_1575 = %scan3A_1569 to %scan3A_1571 step %scan3A_1572 iter_args(%scan3A_1576 = %scan3A_1568) -> (i32)  : i32 {
          %add3A_1577 = vector.broadcast %scan3A_1575 : i32 to vector<16xi32>
          %add3A_1578 = arith.addi %broadcast_in_dim3A_160, %add3A_1577 : vector<16xi32>
          %gather3A = tpu.vector_load_idx %arg20[%select_n3A_1564, %add3A_1578] : memref<4x64xf32, #tpu.memory_space<vmem>>[vector<16xi32>, vector<16xi32>], vector<16xf32>,
          %shift_right_arithmetic3A = arith.constant 3 : i32
          %shift_right_arithmetic3A_1579 = vector.broadcast %shift_right_arithmetic3A : i32 to vector<16xi32>
          %shift_right_arithmetic3A_1580 = arith.shrsi %add3A_1578, %shift_right_arithmetic3A_1579 : vector<16xi32>
          %and3A_1581 = arith.constant 7 : i32
          %and3A_1582 = vector.broadcast %and3A_1581 : i32 to vector<16xi32>
          %and3A_1583 = arith.andi %add3A_1578, %and3A_1582 : vector<16xi32>
          tpu.vector_store_idx %arg18[%shift_right_arithmetic3A_1580, %and3A_1583, %add3A_1567], %gather3A masked %lt3A_1439 {add = true} : memref<8x8x128xf32, #tpu.memory_space<vmem>>[vector<16xi32>, vector<16xi32>, vector<16xi32>], vector<16xf32>, vector<16xi1>
          %scan3A_1584 = arith.constant 0 : i32
          scf.yield %scan3A_1584 : i32
        }
        %scan3A_1574 = arith.constant 64 : i32
      } else {
      }
      %add3A_1448 = arith.constant 64 : i32
      %add3A_1449 = arith.addi %mul3A_1380, %add3A_1448 : i32
      %get3A_1450 = arith.index_cast %add3A_1449 : i32 to index
      %get3A_1451 = tpu.vector_load %arg6[%get3A_1450] {strides = array<i32>} : memref<25600xi32, #tpu.memory_space<vmem>>, vector<16xi32>,
      %lt3A_1452 = arith.constant 4 : i32
      %lt3A_1453 = vector.broadcast %lt3A_1452 : i32 to vector<16xi32>
      %lt3A_1454 = arith.cmpi slt, %get3A_1451, %lt3A_1453 : vector<16xi32>
      %all_reduce_population_count3A_1455 = tpu.all_reduce %lt3A_1454 {dim = 0 : i64, kind = #tpu.reduction_kind<sum>} : vector<16xi1> -> vector<16xi32>
      %slice3A_1456 = vector.extract_strided_slice %all_reduce_population_count3A_1455 {offsets = [0], sizes = [1], strides = [1]} : vector<16xi32> to vector<1xi32>
      %squeeze3A_1457 = vector.extract %slice3A_1456[0] : i32 from vector<1xi32>
      %gt3A_1458 = arith.constant 0 : i32
      %gt3A_1459 = arith.cmpi sgt, %squeeze3A_1457, %gt3A_1458 : i32
      %convert_element_type3A_1460 = arith.extui %gt3A_1459 : i1 to i32
      %cond3A_1461 = arith.constant 0 : i32
      %cond3A_1462 = arith.cmpi ne, %convert_element_type3A_1460, %cond3A_1461 : i32
      scf.if %cond3A_1462 {
        %jit3A_1562 = arith.constant 0 : i32
        %broadcast_in_dim3A_1563 = vector.broadcast %jit3A_1562 : i32 to vector<16xi32>
        %select_n3A_1564 = arith.select %lt3A_1454, %get3A_1451, %broadcast_in_dim3A_1563 : vector<16xi1>, vector<16xi32>
        %add3A_1565 = arith.constant 64 : i32
        %add3A_1566 = vector.broadcast %add3A_1565 : i32 to vector<16xi32>
        %add3A_1567 = arith.addi %add3A_1566, %iota3A : vector<16xi32>
        %scan3A_1568 = arith.constant 0 : i32
        %scan3A_1569 = arith.constant 0 : i32
        %scan3A_1570 = arith.constant 64 : i32
        %scan3A_1571 = arith.addi %scan3A_1569, %scan3A_1570 : i32
        %scan3A_1572 = arith.constant 1 : i32
        %scan3A_1573 = scf.for %scan3A_1575 = %scan3A_1569 to %scan3A_1571 step %scan3A_1572 iter_args(%scan3A_1576 = %scan3A_1568) -> (i32)  : i32 {
          %add3A_1577 = vector.broadcast %scan3A_1575 : i32 to vector<16xi32>
          %add3A_1578 = arith.addi %broadcast_in_dim3A_160, %add3A_1577 : vector<16xi32>
          %gather3A = tpu.vector_load_idx %arg20[%select_n3A_1564, %add3A_1578] : memref<4x64xf32, #tpu.memory_space<vmem>>[vector<16xi32>, vector<16xi32>], vector<16xf32>,
          %shift_right_arithmetic3A = arith.constant 3 : i32
          %shift_right_arithmetic3A_1579 = vector.broadcast %shift_right_arithmetic3A : i32 to vector<16xi32>
          %shift_right_arithmetic3A_1580 = arith.shrsi %add3A_1578, %shift_right_arithmetic3A_1579 : vector<16xi32>
          %and3A_1581 = arith.constant 7 : i32
          %and3A_1582 = vector.broadcast %and3A_1581 : i32 to vector<16xi32>
          %and3A_1583 = arith.andi %add3A_1578, %and3A_1582 : vector<16xi32>
          tpu.vector_store_idx %arg18[%shift_right_arithmetic3A_1580, %and3A_1583, %add3A_1567], %gather3A masked %lt3A_1454 {add = true} : memref<8x8x128xf32, #tpu.memory_space<vmem>>[vector<16xi32>, vector<16xi32>, vector<16xi32>], vector<16xf32>, vector<16xi1>
          %scan3A_1584 = arith.constant 0 : i32
          scf.yield %scan3A_1584 : i32
        }
        %scan3A_1574 = arith.constant 64 : i32
      } else {
      }
      %add3A_1463 = arith.constant 80 : i32
      %add3A_1464 = arith.addi %mul3A_1380, %add3A_1463 : i32
      %get3A_1465 = arith.index_cast %add3A_1464 : i32 to index
      %get3A_1466 = tpu.vector_load %arg6[%get3A_1465] {strides = array<i32>} : memref<25600xi32, #tpu.memory_space<vmem>>, vector<16xi32>,
      %lt3A_1467 = arith.constant 4 : i32
      %lt3A_1468 = vector.broadcast %lt3A_1467 : i32 to vector<16xi32>
      %lt3A_1469 = arith.cmpi slt, %get3A_1466, %lt3A_1468 : vector<16xi32>
      %all_reduce_population_count3A_1470 = tpu.all_reduce %lt3A_1469 {dim = 0 : i64, kind = #tpu.reduction_kind<sum>} : vector<16xi1> -> vector<16xi32>
      %slice3A_1471 = vector.extract_strided_slice %all_reduce_population_count3A_1470 {offsets = [0], sizes = [1], strides = [1]} : vector<16xi32> to vector<1xi32>
      %squeeze3A_1472 = vector.extract %slice3A_1471[0] : i32 from vector<1xi32>
      %gt3A_1473 = arith.constant 0 : i32
      %gt3A_1474 = arith.cmpi sgt, %squeeze3A_1472, %gt3A_1473 : i32
      %convert_element_type3A_1475 = arith.extui %gt3A_1474 : i1 to i32
      %cond3A_1476 = arith.constant 0 : i32
      %cond3A_1477 = arith.cmpi ne, %convert_element_type3A_1475, %cond3A_1476 : i32
      scf.if %cond3A_1477 {
        %jit3A_1562 = arith.constant 0 : i32
        %broadcast_in_dim3A_1563 = vector.broadcast %jit3A_1562 : i32 to vector<16xi32>
        %select_n3A_1564 = arith.select %lt3A_1469, %get3A_1466, %broadcast_in_dim3A_1563 : vector<16xi1>, vector<16xi32>
        %add3A_1565 = arith.constant 80 : i32
        %add3A_1566 = vector.broadcast %add3A_1565 : i32 to vector<16xi32>
        %add3A_1567 = arith.addi %add3A_1566, %iota3A : vector<16xi32>
        %scan3A_1568 = arith.constant 0 : i32
        %scan3A_1569 = arith.constant 0 : i32
        %scan3A_1570 = arith.constant 64 : i32
        %scan3A_1571 = arith.addi %scan3A_1569, %scan3A_1570 : i32
        %scan3A_1572 = arith.constant 1 : i32
        %scan3A_1573 = scf.for %scan3A_1575 = %scan3A_1569 to %scan3A_1571 step %scan3A_1572 iter_args(%scan3A_1576 = %scan3A_1568) -> (i32)  : i32 {
          %add3A_1577 = vector.broadcast %scan3A_1575 : i32 to vector<16xi32>
          %add3A_1578 = arith.addi %broadcast_in_dim3A_160, %add3A_1577 : vector<16xi32>
          %gather3A = tpu.vector_load_idx %arg20[%select_n3A_1564, %add3A_1578] : memref<4x64xf32, #tpu.memory_space<vmem>>[vector<16xi32>, vector<16xi32>], vector<16xf32>,
          %shift_right_arithmetic3A = arith.constant 3 : i32
          %shift_right_arithmetic3A_1579 = vector.broadcast %shift_right_arithmetic3A : i32 to vector<16xi32>
          %shift_right_arithmetic3A_1580 = arith.shrsi %add3A_1578, %shift_right_arithmetic3A_1579 : vector<16xi32>
          %and3A_1581 = arith.constant 7 : i32
          %and3A_1582 = vector.broadcast %and3A_1581 : i32 to vector<16xi32>
          %and3A_1583 = arith.andi %add3A_1578, %and3A_1582 : vector<16xi32>
          tpu.vector_store_idx %arg18[%shift_right_arithmetic3A_1580, %and3A_1583, %add3A_1567], %gather3A masked %lt3A_1469 {add = true} : memref<8x8x128xf32, #tpu.memory_space<vmem>>[vector<16xi32>, vector<16xi32>, vector<16xi32>], vector<16xf32>, vector<16xi1>
          %scan3A_1584 = arith.constant 0 : i32
          scf.yield %scan3A_1584 : i32
        }
        %scan3A_1574 = arith.constant 64 : i32
      } else {
      }
      %add3A_1478 = arith.constant 96 : i32
      %add3A_1479 = arith.addi %mul3A_1380, %add3A_1478 : i32
      %get3A_1480 = arith.index_cast %add3A_1479 : i32 to index
      %get3A_1481 = tpu.vector_load %arg6[%get3A_1480] {strides = array<i32>} : memref<25600xi32, #tpu.memory_space<vmem>>, vector<16xi32>,
      %lt3A_1482 = arith.constant 4 : i32
      %lt3A_1483 = vector.broadcast %lt3A_1482 : i32 to vector<16xi32>
      %lt3A_1484 = arith.cmpi slt, %get3A_1481, %lt3A_1483 : vector<16xi32>
      %all_reduce_population_count3A_1485 = tpu.all_reduce %lt3A_1484 {dim = 0 : i64, kind = #tpu.reduction_kind<sum>} : vector<16xi1> -> vector<16xi32>
      %slice3A_1486 = vector.extract_strided_slice %all_reduce_population_count3A_1485 {offsets = [0], sizes = [1], strides = [1]} : vector<16xi32> to vector<1xi32>
      %squeeze3A_1487 = vector.extract %slice3A_1486[0] : i32 from vector<1xi32>
      %gt3A_1488 = arith.constant 0 : i32
      %gt3A_1489 = arith.cmpi sgt, %squeeze3A_1487, %gt3A_1488 : i32
      %convert_element_type3A_1490 = arith.extui %gt3A_1489 : i1 to i32
      %cond3A_1491 = arith.constant 0 : i32
      %cond3A_1492 = arith.cmpi ne, %convert_element_type3A_1490, %cond3A_1491 : i32
      scf.if %cond3A_1492 {
        %jit3A_1562 = arith.constant 0 : i32
        %broadcast_in_dim3A_1563 = vector.broadcast %jit3A_1562 : i32 to vector<16xi32>
        %select_n3A_1564 = arith.select %lt3A_1484, %get3A_1481, %broadcast_in_dim3A_1563 : vector<16xi1>, vector<16xi32>
        %add3A_1565 = arith.constant 96 : i32
        %add3A_1566 = vector.broadcast %add3A_1565 : i32 to vector<16xi32>
        %add3A_1567 = arith.addi %add3A_1566, %iota3A : vector<16xi32>
        %scan3A_1568 = arith.constant 0 : i32
        %scan3A_1569 = arith.constant 0 : i32
        %scan3A_1570 = arith.constant 64 : i32
        %scan3A_1571 = arith.addi %scan3A_1569, %scan3A_1570 : i32
        %scan3A_1572 = arith.constant 1 : i32
        %scan3A_1573 = scf.for %scan3A_1575 = %scan3A_1569 to %scan3A_1571 step %scan3A_1572 iter_args(%scan3A_1576 = %scan3A_1568) -> (i32)  : i32 {
          %add3A_1577 = vector.broadcast %scan3A_1575 : i32 to vector<16xi32>
          %add3A_1578 = arith.addi %broadcast_in_dim3A_160, %add3A_1577 : vector<16xi32>
          %gather3A = tpu.vector_load_idx %arg20[%select_n3A_1564, %add3A_1578] : memref<4x64xf32, #tpu.memory_space<vmem>>[vector<16xi32>, vector<16xi32>], vector<16xf32>,
          %shift_right_arithmetic3A = arith.constant 3 : i32
          %shift_right_arithmetic3A_1579 = vector.broadcast %shift_right_arithmetic3A : i32 to vector<16xi32>
          %shift_right_arithmetic3A_1580 = arith.shrsi %add3A_1578, %shift_right_arithmetic3A_1579 : vector<16xi32>
          %and3A_1581 = arith.constant 7 : i32
          %and3A_1582 = vector.broadcast %and3A_1581 : i32 to vector<16xi32>
          %and3A_1583 = arith.andi %add3A_1578, %and3A_1582 : vector<16xi32>
          tpu.vector_store_idx %arg18[%shift_right_arithmetic3A_1580, %and3A_1583, %add3A_1567], %gather3A masked %lt3A_1484 {add = true} : memref<8x8x128xf32, #tpu.memory_space<vmem>>[vector<16xi32>, vector<16xi32>, vector<16xi32>], vector<16xf32>, vector<16xi1>
          %scan3A_1584 = arith.constant 0 : i32
          scf.yield %scan3A_1584 : i32
        }
        %scan3A_1574 = arith.constant 64 : i32
      } else {
      }
      %add3A_1493 = arith.constant 112 : i32
      %add3A_1494 = arith.addi %mul3A_1380, %add3A_1493 : i32
      %get3A_1495 = arith.index_cast %add3A_1494 : i32 to index
      %get3A_1496 = tpu.vector_load %arg6[%get3A_1495] {strides = array<i32>} : memref<25600xi32, #tpu.memory_space<vmem>>, vector<16xi32>,
      %lt3A_1497 = arith.constant 4 : i32
      %lt3A_1498 = vector.broadcast %lt3A_1497 : i32 to vector<16xi32>
      %lt3A_1499 = arith.cmpi slt, %get3A_1496, %lt3A_1498 : vector<16xi32>
      %all_reduce_population_count3A_1500 = tpu.all_reduce %lt3A_1499 {dim = 0 : i64, kind = #tpu.reduction_kind<sum>} : vector<16xi1> -> vector<16xi32>
      %slice3A_1501 = vector.extract_strided_slice %all_reduce_population_count3A_1500 {offsets = [0], sizes = [1], strides = [1]} : vector<16xi32> to vector<1xi32>
      %squeeze3A_1502 = vector.extract %slice3A_1501[0] : i32 from vector<1xi32>
      %gt3A_1503 = arith.constant 0 : i32
      %gt3A_1504 = arith.cmpi sgt, %squeeze3A_1502, %gt3A_1503 : i32
      %convert_element_type3A_1505 = arith.extui %gt3A_1504 : i1 to i32
      %cond3A_1506 = arith.constant 0 : i32
      %cond3A_1507 = arith.cmpi ne, %convert_element_type3A_1505, %cond3A_1506 : i32
      scf.if %cond3A_1507 {
        %jit3A_1562 = arith.constant 0 : i32
        %broadcast_in_dim3A_1563 = vector.broadcast %jit3A_1562 : i32 to vector<16xi32>
        %select_n3A_1564 = arith.select %lt3A_1499, %get3A_1496, %broadcast_in_dim3A_1563 : vector<16xi1>, vector<16xi32>
        %add3A_1565 = arith.constant 112 : i32
        %add3A_1566 = vector.broadcast %add3A_1565 : i32 to vector<16xi32>
        %add3A_1567 = arith.addi %add3A_1566, %iota3A : vector<16xi32>
        %scan3A_1568 = arith.constant 0 : i32
        %scan3A_1569 = arith.constant 0 : i32
        %scan3A_1570 = arith.constant 64 : i32
        %scan3A_1571 = arith.addi %scan3A_1569, %scan3A_1570 : i32
        %scan3A_1572 = arith.constant 1 : i32
        %scan3A_1573 = scf.for %scan3A_1575 = %scan3A_1569 to %scan3A_1571 step %scan3A_1572 iter_args(%scan3A_1576 = %scan3A_1568) -> (i32)  : i32 {
          %add3A_1577 = vector.broadcast %scan3A_1575 : i32 to vector<16xi32>
          %add3A_1578 = arith.addi %broadcast_in_dim3A_160, %add3A_1577 : vector<16xi32>
          %gather3A = tpu.vector_load_idx %arg20[%select_n3A_1564, %add3A_1578] : memref<4x64xf32, #tpu.memory_space<vmem>>[vector<16xi32>, vector<16xi32>], vector<16xf32>,
          %shift_right_arithmetic3A = arith.constant 3 : i32
          %shift_right_arithmetic3A_1579 = vector.broadcast %shift_right_arithmetic3A : i32 to vector<16xi32>
          %shift_right_arithmetic3A_1580 = arith.shrsi %add3A_1578, %shift_right_arithmetic3A_1579 : vector<16xi32>
          %and3A_1581 = arith.constant 7 : i32
          %and3A_1582 = vector.broadcast %and3A_1581 : i32 to vector<16xi32>
          %and3A_1583 = arith.andi %add3A_1578, %and3A_1582 : vector<16xi32>
          tpu.vector_store_idx %arg18[%shift_right_arithmetic3A_1580, %and3A_1583, %add3A_1567], %gather3A masked %lt3A_1499 {add = true} : memref<8x8x128xf32, #tpu.memory_space<vmem>>[vector<16xi32>, vector<16xi32>, vector<16xi32>], vector<16xf32>, vector<16xi1>
          %scan3A_1584 = arith.constant 0 : i32
          scf.yield %scan3A_1584 : i32
        }
        %scan3A_1574 = arith.constant 64 : i32
      } else {
      }
      %mul3A_1508 = arith.constant 200 : i32
      %mul3A_1509 = arith.muli %add3A, %mul3A_1508 : i32
      %add3A_1510 = arith.addi %mul3A_1509, %add3A_1366 : i32
      %jit3A_1511 = arith.constant 32 : i32
      %div3A_1512 = arith.divsi %add3A_1510, %jit3A_1511 : i32
      %sign3A_1513 = arith.constant 0 : i32
      %sign3A_1514 = arith.cmpi sgt, %add3A_1510, %sign3A_1513 : i32
      %sign3A_1515 = arith.extui %sign3A_1514 : i1 to i32
      %sign3A_1516 = arith.constant 0 : i32
      %sign3A_1517 = arith.cmpi slt, %add3A_1510, %sign3A_1516 : i32
      %sign3A_1518 = arith.extui %sign3A_1517 : i1 to i32
      %sign3A_1519 = arith.subi %sign3A_1515, %sign3A_1518 : i32
      %sign3A_1520 = arith.constant 0 : i32
      %sign3A_1521 = arith.cmpi sgt, %jit3A_1511, %sign3A_1520 : i32
      %sign3A_1522 = arith.extui %sign3A_1521 : i1 to i32
      %sign3A_1523 = arith.constant 0 : i32
      %sign3A_1524 = arith.cmpi slt, %jit3A_1511, %sign3A_1523 : i32
      %sign3A_1525 = arith.extui %sign3A_1524 : i1 to i32
      %sign3A_1526 = arith.subi %sign3A_1522, %sign3A_1525 : i32
      %ne3A_1527 = arith.cmpi ne, %sign3A_1519, %sign3A_1526 : i32
      %rem3A_1528 = arith.remsi %add3A_1510, %jit3A_1511 : i32
      %ne3A_1529 = arith.constant 0 : i32
      %ne3A_1530 = arith.cmpi ne, %rem3A_1528, %ne3A_1529 : i32
      %and3A_1531 = arith.andi %ne3A_1527, %ne3A_1530 : i1
      %sub3A_1532 = arith.constant 1 : i32
      %sub3A_1533 = arith.subi %div3A_1512, %sub3A_1532 : i32
      %select_n3A_1534 = arith.select %and3A_1531, %sub3A_1533, %div3A_1512 : i32
      %jit3A_1535 = arith.constant 32 : i32
      %eq3A_1536 = arith.constant 0 : i32
      %eq3A_1537 = arith.cmpi eq, %jit3A_1535, %eq3A_1536 : i32
      %jit3A_1538 = arith.constant 1 : i32
      %select_n3A_1539 = arith.select %eq3A_1537, %jit3A_1538, %jit3A_1535 : i32
      %rem3A_1540 = arith.remsi %add3A_1510, %select_n3A_1539 : i32
      %ne3A_1541 = arith.constant 0 : i32
      %ne3A_1542 = arith.cmpi ne, %rem3A_1540, %ne3A_1541 : i32
      %lt3A_1543 = arith.constant 0 : i32
      %lt3A_1544 = arith.cmpi slt, %rem3A_1540, %lt3A_1543 : i32
      %lt3A_1545 = arith.constant 0 : i32
      %lt3A_1546 = arith.cmpi slt, %select_n3A_1539, %lt3A_1545 : i32
      %ne3A_1547 = arith.xori %lt3A_1544, %lt3A_1546 : i1
      %and3A_1548 = arith.andi %ne3A_1547, %ne3A_1542 : i1
      %add3A_1549 = arith.addi %rem3A_1540, %select_n3A_1539 : i32
      %select_n3A_1550 = arith.select %and3A_1548, %add3A_1549, %rem3A_1540 : i32
      %dma_start3A_1551 = arith.constant 0 : i32
      %dma_start3A_1552 = arith.constant 0 : i32
      %dma_start3A_1553 = arith.constant 0 : i32
      %dma_start3A_1554 = tpu.memref_slice %arg5[%select_n3A_1534, %dma_start3A_1551, %select_n3A_1550, %dma_start3A_1552, %dma_start3A_1553] : memref<200x8x32x8x128xf32, #tpu.memory_space<hbm>> -> memref<1x8x1x8x128xf32, #tpu.memory_space<hbm>>
      %dma_start3A_1555 = tpu.memref_squeeze %dma_start3A_1554 : memref<1x8x1x8x128xf32, #tpu.memory_space<hbm>> -> memref<8x8x128xf32, #tpu.memory_space<hbm>>
      %dma_start3A_1556 = arith.constant 0 : i32
      %dma_start3A_1557 = arith.constant 0 : i32
      %dma_start3A_1558 = arith.constant 0 : i32
      %dma_start3A_1559 = tpu.memref_slice %arg5[%select_n3A_1534, %dma_start3A_1556, %select_n3A_1550, %dma_start3A_1557, %dma_start3A_1558] : memref<200x8x32x8x128xf32, #tpu.memory_space<hbm>> -> memref<1x8x1x8x128xf32, #tpu.memory_space<hbm>>
      %dma_start3A_1560 = tpu.memref_squeeze %dma_start3A_1559 : memref<1x8x1x8x128xf32, #tpu.memory_space<hbm>> -> memref<8x8x128xf32, #tpu.memory_space<hbm>>
      tpu.enqueue_dma source(%arg18 : memref<8x8x128xf32, #tpu.memory_space<vmem>>) target(%dma_start3A_1560 : memref<8x8x128xf32, #tpu.memory_space<hbm>>) target_semaphore(%arg28 : memref<!tpu.dma_semaphore, #tpu.memory_space<semaphore_mem>>)
      %scan3A_1561 = arith.constant 0 : i32
      scf.yield %scan3A_1561 : i32
    }
    %scan3A_564 = arith.constant 50 : i32
    %mul3A_565 = arith.constant 200 : i32
    %mul3A_566 = arith.muli %add3A, %mul3A_565 : i32
    %add3A_567 = arith.constant 196 : i32
    %add3A_568 = arith.addi %mul3A_566, %add3A_567 : i32
    %jit3A_569 = arith.constant 32 : i32
    %div3A = arith.divsi %add3A_568, %jit3A_569 : i32
    %sign3A = arith.constant 0 : i32
    %sign3A_570 = arith.cmpi sgt, %add3A_568, %sign3A : i32
    %sign3A_571 = arith.extui %sign3A_570 : i1 to i32
    %sign3A_572 = arith.constant 0 : i32
    %sign3A_573 = arith.cmpi slt, %add3A_568, %sign3A_572 : i32
    %sign3A_574 = arith.extui %sign3A_573 : i1 to i32
    %sign3A_575 = arith.subi %sign3A_571, %sign3A_574 : i32
    %sign3A_576 = arith.constant 0 : i32
    %sign3A_577 = arith.cmpi sgt, %jit3A_569, %sign3A_576 : i32
    %sign3A_578 = arith.extui %sign3A_577 : i1 to i32
    %sign3A_579 = arith.constant 0 : i32
    %sign3A_580 = arith.cmpi slt, %jit3A_569, %sign3A_579 : i32
    %sign3A_581 = arith.extui %sign3A_580 : i1 to i32
    %sign3A_582 = arith.subi %sign3A_578, %sign3A_581 : i32
    %ne3A = arith.cmpi ne, %sign3A_575, %sign3A_582 : i32
    %rem3A = arith.remsi %add3A_568, %jit3A_569 : i32
    %ne3A_583 = arith.constant 0 : i32
    %ne3A_584 = arith.cmpi ne, %rem3A, %ne3A_583 : i32
    %and3A = arith.andi %ne3A, %ne3A_584 : i1
    %sub3A_585 = arith.constant 1 : i32
    %sub3A_586 = arith.subi %div3A, %sub3A_585 : i32
    %select_n3A_587 = arith.select %and3A, %sub3A_586, %div3A : i32
    %jit3A_588 = arith.constant 32 : i32
    %eq3A = arith.constant 0 : i32
    %eq3A_589 = arith.cmpi eq, %jit3A_588, %eq3A : i32
    %jit3A_590 = arith.constant 1 : i32
    %select_n3A_591 = arith.select %eq3A_589, %jit3A_590, %jit3A_588 : i32
    %rem3A_592 = arith.remsi %add3A_568, %select_n3A_591 : i32
    %ne3A_593 = arith.constant 0 : i32
    %ne3A_594 = arith.cmpi ne, %rem3A_592, %ne3A_593 : i32
    %lt3A = arith.constant 0 : i32
    %lt3A_595 = arith.cmpi slt, %rem3A_592, %lt3A : i32
    %lt3A_596 = arith.constant 0 : i32
    %lt3A_597 = arith.cmpi slt, %select_n3A_591, %lt3A_596 : i32
    %ne3A_598 = arith.xori %lt3A_595, %lt3A_597 : i1
    %and3A_599 = arith.andi %ne3A_598, %ne3A_594 : i1
    %add3A_600 = arith.addi %rem3A_592, %select_n3A_591 : i32
    %select_n3A_601 = arith.select %and3A_599, %add3A_600, %rem3A_592 : i32
    %dma_wait3A = arith.constant 0 : i32
    %dma_wait3A_602 = arith.constant 0 : i32
    %dma_wait3A_603 = arith.constant 0 : i32
    %dma_wait3A_604 = tpu.memref_slice %arg5[%select_n3A_587, %dma_wait3A, %select_n3A_601, %dma_wait3A_602, %dma_wait3A_603] : memref<200x8x32x8x128xf32, #tpu.memory_space<hbm>> -> memref<1x8x1x8x128xf32, #tpu.memory_space<hbm>>
    %dma_wait3A_605 = tpu.memref_squeeze %dma_wait3A_604 : memref<1x8x1x8x128xf32, #tpu.memory_space<hbm>> -> memref<8x8x128xf32, #tpu.memory_space<hbm>>
    %dma_wait3A_606 = arith.constant 0 : i32
    %dma_wait3A_607 = arith.constant 0 : i32
    %dma_wait3A_608 = arith.constant 0 : i32
    %dma_wait3A_609 = tpu.memref_slice %arg5[%select_n3A_587, %dma_wait3A_606, %select_n3A_601, %dma_wait3A_607, %dma_wait3A_608] : memref<200x8x32x8x128xf32, #tpu.memory_space<hbm>> -> memref<1x8x1x8x128xf32, #tpu.memory_space<hbm>>
    %dma_wait3A_610 = tpu.memref_squeeze %dma_wait3A_609 : memref<1x8x1x8x128xf32, #tpu.memory_space<hbm>> -> memref<8x8x128xf32, #tpu.memory_space<hbm>>
    tpu.wait_dma2 semaphore(%arg25 : memref<!tpu.dma_semaphore, #tpu.memory_space<semaphore_mem>>) src(%arg15 : memref<8x8x128xf32, #tpu.memory_space<vmem>>) dst(%dma_wait3A_610 : memref<8x8x128xf32, #tpu.memory_space<hbm>>)
    %mul3A_611 = arith.constant 200 : i32
    %mul3A_612 = arith.muli %add3A, %mul3A_611 : i32
    %add3A_613 = arith.constant 197 : i32
    %add3A_614 = arith.addi %mul3A_612, %add3A_613 : i32
    %jit3A_615 = arith.constant 32 : i32
    %div3A_616 = arith.divsi %add3A_614, %jit3A_615 : i32
    %sign3A_617 = arith.constant 0 : i32
    %sign3A_618 = arith.cmpi sgt, %add3A_614, %sign3A_617 : i32
    %sign3A_619 = arith.extui %sign3A_618 : i1 to i32
    %sign3A_620 = arith.constant 0 : i32
    %sign3A_621 = arith.cmpi slt, %add3A_614, %sign3A_620 : i32
    %sign3A_622 = arith.extui %sign3A_621 : i1 to i32
    %sign3A_623 = arith.subi %sign3A_619, %sign3A_622 : i32
    %sign3A_624 = arith.constant 0 : i32
    %sign3A_625 = arith.cmpi sgt, %jit3A_615, %sign3A_624 : i32
    %sign3A_626 = arith.extui %sign3A_625 : i1 to i32
    %sign3A_627 = arith.constant 0 : i32
    %sign3A_628 = arith.cmpi slt, %jit3A_615, %sign3A_627 : i32
    %sign3A_629 = arith.extui %sign3A_628 : i1 to i32
    %sign3A_630 = arith.subi %sign3A_626, %sign3A_629 : i32
    %ne3A_631 = arith.cmpi ne, %sign3A_623, %sign3A_630 : i32
    %rem3A_632 = arith.remsi %add3A_614, %jit3A_615 : i32
    %ne3A_633 = arith.constant 0 : i32
    %ne3A_634 = arith.cmpi ne, %rem3A_632, %ne3A_633 : i32
    %and3A_635 = arith.andi %ne3A_631, %ne3A_634 : i1
    %sub3A_636 = arith.constant 1 : i32
    %sub3A_637 = arith.subi %div3A_616, %sub3A_636 : i32
    %select_n3A_638 = arith.select %and3A_635, %sub3A_637, %div3A_616 : i32
    %jit3A_639 = arith.constant 32 : i32
    %eq3A_640 = arith.constant 0 : i32
    %eq3A_641 = arith.cmpi eq, %jit3A_639, %eq3A_640 : i32
    %jit3A_642 = arith.constant 1 : i32
    %select_n3A_643 = arith.select %eq3A_641, %jit3A_642, %jit3A_639 : i32
    %rem3A_644 = arith.remsi %add3A_614, %select_n3A_643 : i32
    %ne3A_645 = arith.constant 0 : i32
    %ne3A_646 = arith.cmpi ne, %rem3A_644, %ne3A_645 : i32
    %lt3A_647 = arith.constant 0 : i32
    %lt3A_648 = arith.cmpi slt, %rem3A_644, %lt3A_647 : i32
    %lt3A_649 = arith.constant 0 : i32
    %lt3A_650 = arith.cmpi slt, %select_n3A_643, %lt3A_649 : i32
    %ne3A_651 = arith.xori %lt3A_648, %lt3A_650 : i1
    %and3A_652 = arith.andi %ne3A_651, %ne3A_646 : i1
    %add3A_653 = arith.addi %rem3A_644, %select_n3A_643 : i32
    %select_n3A_654 = arith.select %and3A_652, %add3A_653, %rem3A_644 : i32
    %dma_wait3A_655 = arith.constant 0 : i32
    %dma_wait3A_656 = arith.constant 0 : i32
    %dma_wait3A_657 = arith.constant 0 : i32
    %dma_wait3A_658 = tpu.memref_slice %arg5[%select_n3A_638, %dma_wait3A_655, %select_n3A_654, %dma_wait3A_656, %dma_wait3A_657] : memref<200x8x32x8x128xf32, #tpu.memory_space<hbm>> -> memref<1x8x1x8x128xf32, #tpu.memory_space<hbm>>
    %dma_wait3A_659 = tpu.memref_squeeze %dma_wait3A_658 : memref<1x8x1x8x128xf32, #tpu.memory_space<hbm>> -> memref<8x8x128xf32, #tpu.memory_space<hbm>>
    %dma_wait3A_660 = arith.constant 0 : i32
    %dma_wait3A_661 = arith.constant 0 : i32
    %dma_wait3A_662 = arith.constant 0 : i32
    %dma_wait3A_663 = tpu.memref_slice %arg5[%select_n3A_638, %dma_wait3A_660, %select_n3A_654, %dma_wait3A_661, %dma_wait3A_662] : memref<200x8x32x8x128xf32, #tpu.memory_space<hbm>> -> memref<1x8x1x8x128xf32, #tpu.memory_space<hbm>>
    %dma_wait3A_664 = tpu.memref_squeeze %dma_wait3A_663 : memref<1x8x1x8x128xf32, #tpu.memory_space<hbm>> -> memref<8x8x128xf32, #tpu.memory_space<hbm>>
    tpu.wait_dma2 semaphore(%arg26 : memref<!tpu.dma_semaphore, #tpu.memory_space<semaphore_mem>>) src(%arg16 : memref<8x8x128xf32, #tpu.memory_space<vmem>>) dst(%dma_wait3A_664 : memref<8x8x128xf32, #tpu.memory_space<hbm>>)
    %mul3A_665 = arith.constant 200 : i32
    %mul3A_666 = arith.muli %add3A, %mul3A_665 : i32
    %add3A_667 = arith.constant 198 : i32
    %add3A_668 = arith.addi %mul3A_666, %add3A_667 : i32
    %jit3A_669 = arith.constant 32 : i32
    %div3A_670 = arith.divsi %add3A_668, %jit3A_669 : i32
    %sign3A_671 = arith.constant 0 : i32
    %sign3A_672 = arith.cmpi sgt, %add3A_668, %sign3A_671 : i32
    %sign3A_673 = arith.extui %sign3A_672 : i1 to i32
    %sign3A_674 = arith.constant 0 : i32
    %sign3A_675 = arith.cmpi slt, %add3A_668, %sign3A_674 : i32
    %sign3A_676 = arith.extui %sign3A_675 : i1 to i32
    %sign3A_677 = arith.subi %sign3A_673, %sign3A_676 : i32
    %sign3A_678 = arith.constant 0 : i32
    %sign3A_679 = arith.cmpi sgt, %jit3A_669, %sign3A_678 : i32
    %sign3A_680 = arith.extui %sign3A_679 : i1 to i32
    %sign3A_681 = arith.constant 0 : i32
    %sign3A_682 = arith.cmpi slt, %jit3A_669, %sign3A_681 : i32
    %sign3A_683 = arith.extui %sign3A_682 : i1 to i32
    %sign3A_684 = arith.subi %sign3A_680, %sign3A_683 : i32
    %ne3A_685 = arith.cmpi ne, %sign3A_677, %sign3A_684 : i32
    %rem3A_686 = arith.remsi %add3A_668, %jit3A_669 : i32
    %ne3A_687 = arith.constant 0 : i32
    %ne3A_688 = arith.cmpi ne, %rem3A_686, %ne3A_687 : i32
    %and3A_689 = arith.andi %ne3A_685, %ne3A_688 : i1
    %sub3A_690 = arith.constant 1 : i32
    %sub3A_691 = arith.subi %div3A_670, %sub3A_690 : i32
    %select_n3A_692 = arith.select %and3A_689, %sub3A_691, %div3A_670 : i32
    %jit3A_693 = arith.constant 32 : i32
    %eq3A_694 = arith.constant 0 : i32
    %eq3A_695 = arith.cmpi eq, %jit3A_693, %eq3A_694 : i32
    %jit3A_696 = arith.constant 1 : i32
    %select_n3A_697 = arith.select %eq3A_695, %jit3A_696, %jit3A_693 : i32
    %rem3A_698 = arith.remsi %add3A_668, %select_n3A_697 : i32
    %ne3A_699 = arith.constant 0 : i32
    %ne3A_700 = arith.cmpi ne, %rem3A_698, %ne3A_699 : i32
    %lt3A_701 = arith.constant 0 : i32
    %lt3A_702 = arith.cmpi slt, %rem3A_698, %lt3A_701 : i32
    %lt3A_703 = arith.constant 0 : i32
    %lt3A_704 = arith.cmpi slt, %select_n3A_697, %lt3A_703 : i32
    %ne3A_705 = arith.xori %lt3A_702, %lt3A_704 : i1
    %and3A_706 = arith.andi %ne3A_705, %ne3A_700 : i1
    %add3A_707 = arith.addi %rem3A_698, %select_n3A_697 : i32
    %select_n3A_708 = arith.select %and3A_706, %add3A_707, %rem3A_698 : i32
    %dma_wait3A_709 = arith.constant 0 : i32
    %dma_wait3A_710 = arith.constant 0 : i32
    %dma_wait3A_711 = arith.constant 0 : i32
    %dma_wait3A_712 = tpu.memref_slice %arg5[%select_n3A_692, %dma_wait3A_709, %select_n3A_708, %dma_wait3A_710, %dma_wait3A_711] : memref<200x8x32x8x128xf32, #tpu.memory_space<hbm>> -> memref<1x8x1x8x128xf32, #tpu.memory_space<hbm>>
    %dma_wait3A_713 = tpu.memref_squeeze %dma_wait3A_712 : memref<1x8x1x8x128xf32, #tpu.memory_space<hbm>> -> memref<8x8x128xf32, #tpu.memory_space<hbm>>
    %dma_wait3A_714 = arith.constant 0 : i32
    %dma_wait3A_715 = arith.constant 0 : i32
    %dma_wait3A_716 = arith.constant 0 : i32
    %dma_wait3A_717 = tpu.memref_slice %arg5[%select_n3A_692, %dma_wait3A_714, %select_n3A_708, %dma_wait3A_715, %dma_wait3A_716] : memref<200x8x32x8x128xf32, #tpu.memory_space<hbm>> -> memref<1x8x1x8x128xf32, #tpu.memory_space<hbm>>
    %dma_wait3A_718 = tpu.memref_squeeze %dma_wait3A_717 : memref<1x8x1x8x128xf32, #tpu.memory_space<hbm>> -> memref<8x8x128xf32, #tpu.memory_space<hbm>>
    tpu.wait_dma2 semaphore(%arg27 : memref<!tpu.dma_semaphore, #tpu.memory_space<semaphore_mem>>) src(%arg17 : memref<8x8x128xf32, #tpu.memory_space<vmem>>) dst(%dma_wait3A_718 : memref<8x8x128xf32, #tpu.memory_space<hbm>>)
    %mul3A_719 = arith.constant 200 : i32
    %mul3A_720 = arith.muli %add3A, %mul3A_719 : i32
    %add3A_721 = arith.constant 199 : i32
    %add3A_722 = arith.addi %mul3A_720, %add3A_721 : i32
    %jit3A_723 = arith.constant 32 : i32
    %div3A_724 = arith.divsi %add3A_722, %jit3A_723 : i32
    %sign3A_725 = arith.constant 0 : i32
    %sign3A_726 = arith.cmpi sgt, %add3A_722, %sign3A_725 : i32
    %sign3A_727 = arith.extui %sign3A_726 : i1 to i32
    %sign3A_728 = arith.constant 0 : i32
    %sign3A_729 = arith.cmpi slt, %add3A_722, %sign3A_728 : i32
    %sign3A_730 = arith.extui %sign3A_729 : i1 to i32
    %sign3A_731 = arith.subi %sign3A_727, %sign3A_730 : i32
    %sign3A_732 = arith.constant 0 : i32
    %sign3A_733 = arith.cmpi sgt, %jit3A_723, %sign3A_732 : i32
    %sign3A_734 = arith.extui %sign3A_733 : i1 to i32
    %sign3A_735 = arith.constant 0 : i32
    %sign3A_736 = arith.cmpi slt, %jit3A_723, %sign3A_735 : i32
    %sign3A_737 = arith.extui %sign3A_736 : i1 to i32
    %sign3A_738 = arith.subi %sign3A_734, %sign3A_737 : i32
    %ne3A_739 = arith.cmpi ne, %sign3A_731, %sign3A_738 : i32
    %rem3A_740 = arith.remsi %add3A_722, %jit3A_723 : i32
    %ne3A_741 = arith.constant 0 : i32
    %ne3A_742 = arith.cmpi ne, %rem3A_740, %ne3A_741 : i32
    %and3A_743 = arith.andi %ne3A_739, %ne3A_742 : i1
    %sub3A_744 = arith.constant 1 : i32
    %sub3A_745 = arith.subi %div3A_724, %sub3A_744 : i32
    %select_n3A_746 = arith.select %and3A_743, %sub3A_745, %div3A_724 : i32
    %jit3A_747 = arith.constant 32 : i32
    %eq3A_748 = arith.constant 0 : i32
    %eq3A_749 = arith.cmpi eq, %jit3A_747, %eq3A_748 : i32
    %jit3A_750 = arith.constant 1 : i32
    %select_n3A_751 = arith.select %eq3A_749, %jit3A_750, %jit3A_747 : i32
    %rem3A_752 = arith.remsi %add3A_722, %select_n3A_751 : i32
    %ne3A_753 = arith.constant 0 : i32
    %ne3A_754 = arith.cmpi ne, %rem3A_752, %ne3A_753 : i32
    %lt3A_755 = arith.constant 0 : i32
    %lt3A_756 = arith.cmpi slt, %rem3A_752, %lt3A_755 : i32
    %lt3A_757 = arith.constant 0 : i32
    %lt3A_758 = arith.cmpi slt, %select_n3A_751, %lt3A_757 : i32
    %ne3A_759 = arith.xori %lt3A_756, %lt3A_758 : i1
    %and3A_760 = arith.andi %ne3A_759, %ne3A_754 : i1
    %add3A_761 = arith.addi %rem3A_752, %select_n3A_751 : i32
    %select_n3A_762 = arith.select %and3A_760, %add3A_761, %rem3A_752 : i32
    %dma_wait3A_763 = arith.constant 0 : i32
    %dma_wait3A_764 = arith.constant 0 : i32
    %dma_wait3A_765 = arith.constant 0 : i32
    %dma_wait3A_766 = tpu.memref_slice %arg5[%select_n3A_746, %dma_wait3A_763, %select_n3A_762, %dma_wait3A_764, %dma_wait3A_765] : memref<200x8x32x8x128xf32, #tpu.memory_space<hbm>> -> memref<1x8x1x8x128xf32, #tpu.memory_space<hbm>>
    %dma_wait3A_767 = tpu.memref_squeeze %dma_wait3A_766 : memref<1x8x1x8x128xf32, #tpu.memory_space<hbm>> -> memref<8x8x128xf32, #tpu.memory_space<hbm>>
    %dma_wait3A_768 = arith.constant 0 : i32
    %dma_wait3A_769 = arith.constant 0 : i32
    %dma_wait3A_770 = arith.constant 0 : i32
    %dma_wait3A_771 = tpu.memref_slice %arg5[%select_n3A_746, %dma_wait3A_768, %select_n3A_762, %dma_wait3A_769, %dma_wait3A_770] : memref<200x8x32x8x128xf32, #tpu.memory_space<hbm>> -> memref<1x8x1x8x128xf32, #tpu.memory_space<hbm>>
    %dma_wait3A_772 = tpu.memref_squeeze %dma_wait3A_771 : memref<1x8x1x8x128xf32, #tpu.memory_space<hbm>> -> memref<8x8x128xf32, #tpu.memory_space<hbm>>
    tpu.wait_dma2 semaphore(%arg28 : memref<!tpu.dma_semaphore, #tpu.memory_space<semaphore_mem>>) src(%arg18 : memref<8x8x128xf32, #tpu.memory_space<vmem>>) dst(%dma_wait3A_772 : memref<8x8x128xf32, #tpu.memory_space<hbm>>)
    return
  }
}

</mosaic_0001>

<sc_bundles>
// kernel: kernel.3.cloned.1.call-start
scs
__scs_entry_jumppad:
0x0: {  	(pc) =	sbr.rel $0x88, $3  }
0x1: {  	(tag) =	ssettag $0x0;
	lr =	simm.s32 $0x1  }
0x2: {  	[smem:$0x3F9E] =	sst lr;
	_ =	strace $0xD0000000  }
0x3: {  	_ = 	snop  }
0x4: {  	_ = 	snop  }
0x5: {  	_ = 	snop  }
0x6: {  	_ = 	snop  }
0x7: {  	_ = 	snop  }
__scs_overlays_trampoline_lowered:
0x8: {  	[smem:$0x3FAD] =	sst s0  }
0x9: {  	[smem:$0x3FAE] =	sst s1  }
0xa: {  	[smem:$0x3FAF] =	sst s2  }
0xb: {  	[smem:$0x3FB0] =	sst s3  }
0xc: {  	[smem:$0x3FB1] =	sst s4  }
0xd: {  	[smem:$0x3FB2] =	sst s5  }
0xe: {  	[smem:$0x3FB3] =	sst s6  }
0xf: {  	[smem:$0x3FB4] =	sst s7  }
0x10: {  	[smem:$0x3FB5] =	sst s8  }
0x11: {  	[smem:$0x3FB6] =	sst s9;
	s0 =	simm.s32 @!p0 $0x0  }
0x12: {  	s1 =	sld [smem:$0x3F9C];
	s0 =	simm.s32 @p0 $0x1  }
0x13: {  	[smem:$0x3FB7] =	sst s0;
	s0 =	simm.s32 @!p1 $0x0  }
0x14: {  	s2 =	sld [smem:$0x3F9B];
	s0 =	simm.s32 @p1 $0x1  }
0x15: {  	[smem:$0x3FB8] =	sst s0;
	s0 =	simm.s32 @!p2 $0x0  }
0x16: {  	s3 =	sld [smem:$0x3FDB];
	s0 =	simm.s32 @p2 $0x1  }
0x17: {  	s4 =	simm.s32 $0x1BF5;
	[smem:$0x3FBA] =	sst s0  }
0x18: {  	s0 =	sld [smem:$0x3F9D];
	_ =	swait.ge [sflag:s4], $0x0  }
0x19: {  	s7 =	sld [smem:$0x3F9E]  }
0x1a: {  	s8 =	sadd.s32 $0xFFFFE003, lr  }
0x1b: {  	s9 =	sadd.s32 $0xFFFFFEF7, lr;
	s5 =	simm.s32 $0xFFFFFFFF;
	p2 =	slt.u32 s8, $0xFFFFF086  }
0x1c: {  	p1 =	slt.u32 s9, $0xF7A;
	s5 =	simm.s32 @!p2 $0x0  }
0x1d: {  	s5 =	simm.s32 @p1 $0x1;
	p0 =	seq.s32 s7, s2  }
0x1e: {  	s7 =	smul.u32 @!p0 $0xF7A, s2;
	p2 =	seq.s32 @!p0 s5, $0x0  }
0x1f: {  	s9 =	smul.u32 $0xF7A, s1;
	s8 =	simm.s32 @!p0 $0x1BF5;
	p2 =	por !p2, p0  }
0x20: {  	[sflag:s8] =	ssyncset.s32 @!p0 $0xFFFFF086;
	s6 =	sadd.s32 @!p0 s3, s7;
	s7 =	simm.s32 @!p0 $0x108  }
0x21: {  	s3 =	sadd.s32 s3, s9;
	s6 =	sadd.s32 @!p0 $0x88, s6;
	s7 =	simm.s32 @p2 $0x1082  }
0x22: {  	[simem:s7], [sflag:s8] =	dma.local @!p0 [hbm:s6], $0xF7A  }
0x23: {  	s9 =	sor.u32 $0xD0000000, s2;
	s6 =	simm.s32 $0x108;
	_ =	swait.ge @!p0 [sflag:s8], $0x0  }
0x24: {  	s3 =	sadd.s32 $0x88, s3;
	s6 =	simm.s32 @!p1 $0x1082;
	[sflag:s4] =	ssyncset.s32 $0xFFFFF086  }
0x25: {  	[simem:s6], [sflag:s4] =	dma.local [hbm:s3], $0xF7A  }
0x26: {  	[smem:$0x3F9E] =	sst s1;
	(tag) =	ssettag s2;
	_ =	strace s9  }
0x27: {  	s1 =	sld [smem:$0x3FAE]  }
0x28: {  	s2 =	sld [smem:$0x3FAF]  }
0x29: {  	s4 =	sld [smem:$0x3FB1]  }
0x2a: {  	p0 =	seq.s32 s5, $0x0;
	s5 =	sld [smem:$0x3FB2]  }
0x2b: {  	s6 =	sld [smem:$0x3FB3]  }
0x2c: {  	s7 =	sld [smem:$0x3FB4]  }
0x2d: {  	s3 =	simm.s32 $0x108;
	s8 =	sld [smem:$0x3FB5]  }
0x2e: {  	s3 =	simm.s32 @!p0 $0x1082;
	s9 =	sld [smem:$0x3FB6]  }
0x2f: {  	lr =	sadd.s32 s0, s3;
	s0 =	sld [smem:$0x3FAD]  }
0x30: {  	s3 =	sld [smem:$0x3FB0]  }
0x31: {  	[smem:$0x3FB9] =	sst s10  }
0x32: {  	s10 =	sld [smem:$0x3FB7];
	_ =	sdelay $0x3  }
0x33: {  	p0 =	seq.s32 s10, $0x1;
	s10 =	sld [smem:$0x3FB9];
	_ =	sdelay $0x3  }
0x34: {  	[smem:$0x3FB9] =	sst s10  }
0x35: {  	s10 =	sld [smem:$0x3FB8];
	_ =	sdelay $0x3  }
0x36: {  	p1 =	seq.s32 s10, $0x1;
	s10 =	sld [smem:$0x3FB9];
	_ =	sdelay $0x3  }
0x37: {  	[smem:$0x3FB9] =	sst s10  }
0x38: {  	s10 =	sld [smem:$0x3FBA]  }
0x39: {  	_ = 	snop;
	(pc) =	sbr.ind lr, $3  }
0x3a: {  	_ = 	snop  }
0x3b: {  	_ = 	snop  }
0x3c: {  	p2 =	seq.s32 s10, $0x1;
	s10 =	sld [smem:$0x3FB9]  }
0x3d: {  	_ =	shalt  }
0x3e: {  	_ =	shalt  }
0x3f: {  	_ =	shalt  }
0x40: {  	_ =	shalt  }
0x41: {  	_ =	shalt  }
0x42: {  	_ =	shalt  }
0x43: {  	_ =	shalt  }
0x44: {  	_ =	shalt  }
0x45: {  	_ =	shalt  }
0x46: {  	_ =	shalt  }
0x47: {  	_ =	shalt  }
0x48: {  	_ =	shalt  }
0x49: {  	_ =	shalt  }
0x4a: {  	_ =	shalt  }
0x4b: {  	_ =	shalt  }
0x4c: {  	_ =	shalt  }
0x4d: {  	_ =	shalt  }
0x4e: {  	_ =	shalt  }
0x4f: {  	_ =	shalt  }
0x50: {  	_ =	shalt  }
0x51: {  	_ =	shalt  }
0x52: {  	_ =	shalt  }
0x53: {  	_ =	shalt  }
0x54: {  	_ =	shalt  }
0x55: {  	_ =	shalt  }
0x56: {  	_ =	shalt  }
0x57: {  	_ =	shalt  }
0x58: {  	_ =	shalt  }
0x59: {  	_ =	shalt  }
0x5a: {  	_ =	shalt  }
0x5b: {  	_ =	shalt  }
0x5c: {  	_ =	shalt  }
0x5d: {  	_ =	shalt  }
0x5e: {  	_ =	shalt  }
0x5f: {  	_ =	shalt  }
0x60: {  	_ =	shalt  }
0x61: {  	_ =	shalt  }
0x62: {  	_ =	shalt  }
0x63: {  	_ =	shalt  }
0x64: {  	_ =	shalt  }
0x65: {  	_ =	shalt  }
0x66: {  	_ =	shalt  }
0x67: {  	_ =	shalt  }
0x68: {  	_ =	shalt  }
0x69: {  	_ =	shalt  }
0x6a: {  	_ =	shalt  }
0x6b: {  	_ =	shalt  }
0x6c: {  	_ =	shalt  }
0x6d: {  	_ =	shalt  }
0x6e: {  	_ =	shalt  }
0x6f: {  	_ =	shalt  }
0x70: {  	_ =	shalt  }
0x71: {  	_ =	shalt  }
0x72: {  	_ =	shalt  }
0x73: {  	_ =	shalt  }
0x74: {  	_ =	shalt  }
0x75: {  	_ =	shalt  }
0x76: {  	_ =	shalt  }
0x77: {  	_ =	shalt  }
0x78: {  	_ =	shalt  }
0x79: {  	_ =	shalt  }
0x7a: {  	_ =	shalt  }
0x7b: {  	_ =	shalt  }
0x7c: {  	_ =	shalt  }
0x7d: {  	_ =	shalt  }
0x7e: {  	_ =	shalt  }
0x7f: {  	_ =	shalt  }
0x80: {  	_ =	shalt  }
0x81: {  	_ =	shalt  }
0x82: {  	_ =	shalt  }
0x83: {  	_ =	shalt  }
0x84: {  	_ =	shalt  }
0x85: {  	_ =	shalt  }
0x86: {  	_ =	shalt  }
0x87: {  	_ =	shalt  }
.Lfunc_end0:
.L_simem_size_0:
called_computation_lowered:
.L_overlay_start_0:
0x88: {  	s2 =	sld [smem:$0x3FD9]  }
0x89: {  	s3 =	sld [smem:$0x3FFE];
	_ =	sdelay $0x1  }
0x8a: {  	s1 =	srdreg.scid  }
0x8b: {  	s0 =	sand.u32 $0x1, s1  }
0x8c: {  	s17 =	sshll.u32 s0, $0xA;
	s2 =	sadd.s32 s3, s2  }
0x8d: {  	s2 =	sadd.s32 s2, s17  }
0x8e: {  	[smem:$0x3FC5] =	sst s2  }
0x8f: {  	_ = 	snop  }
0x90: {  	s2 =	sld [smem:$0x3FD0];
	(tm) =	ssettm $0x1  }
0x91: {  	s18 =	sld [smem:$0x3FFB];
	_ =	sdelay $0x3  }
0x92: {  	_ =	strace s18  }
0x93: {  	s3 =	sld [smem:$0x3FFC];
	_ =	sdelay $0x3  }
0x94: {  	_ =	strace s3  }
0x95: {  	s3 =	sld [smem:$0x3FFD];
	_ =	sdelay $0x3  }
0x96: {  	_ =	strace s3  }
0x97: {  	_ =	strace $0x8FFFFFFF  }
0x98: {  	s19 =	sld [smem:$0x3FDB];
	_ =	sdelay $0x1  }
0x99: {  	s4 =	simm.s32 $_scs_section_size  }
0x9a: {  	s5 =	simm.s32 $_size__tile_overlayer_lowered;
	s6 =	simm.s32 $_tile_overlayer_lowered  }
0x9b: {  	s22 =	simm.s32 $0x1BFF;
	s21 =	sshll.u32 s6, $0x1;
	s3 =	sadd.s32 s4, s19  }
0x9c: {  	s7 =	simm.s32 $0x0;
	s20 =	sshll.u32 s5, $0x1;
	s5 =	sadd.s32 s21, s3  }
0x9d: {  	[timem:s7], [sflag:s22] =	dma.local [hbm:s5], s20  }
0x9e: {  	_ =	swait.ge [sflag:s22], s20  }
0x9f: {  	s4 =	ssub.s32 $0x0, s20;
	[sflag:s22] =	ssyncset.done $0x0  }
0xa0: {  	[sflag:s22] =	ssyncadd.s32 s4;
	_ =	sdelay $0x1  }
0xa1: {  	s23 =	simm.s32 $0x1B8B  }
0xa2: {  	_ =	swait.ge [sflag:s23], $0x1  }
0xa3: {  	[sflag:s23] =	ssyncset.done $0x0  }
0xa4: {  	s25 =	simm.s32 $0x1B8E;
	s24 =	sld [smem:$0x3FFE];
	[sflag:s23] =	ssyncadd.s32 $0xFFFFFFFF  }
0xa5: {  	s26 =	simm.s32 $execute0_lowered;
	[smem:$0x3FD2] =	sst s25  }
0xa6: {  	s5 =	sshll.u32 s26, $0x1;
	_ =	strace $0x80000046;
	[dreg:$0x1] =	wrdreg $0xFFFFFFFF  }
0xa7: {  	s28 =	simm.s32 $_size_execute0_lowered;
	s3 =	sadd.s32 s3, s5;
	[dreg:$0x0] =	wrdreg $0x0  }
0xa8: {  	s5 =	sshll.u32 s28, $0x1;
	[dreg:$0x2] =	wrdreg s3  }
0xa9: {  	[dreg:$0x3] =	wrdreg s5  }
0xaa: {  	[dreg:$0x4] =	wrdreg $0xC0  }
0xab: {  	_ =	task [dreg:s7], $0x5FFFF  }
0xac: {  	[dreg:$0x1] =	wrdreg $0xFFFFFFFF  }
0xad: {  	[dreg:$0x0] =	wrdreg $0x60  }
0xae: {  	[dreg:$0x2] =	wrdreg s24  }
0xaf: {  	[dreg:$0x3] =	wrdreg s2  }
0xb0: {  	[dreg:$0x4] =	wrdreg $0x9  }
0xb1: {  	_ =	task.clear_ibuf [dreg:s7], $0x5FFFF;
	_ =	strace $0x90000046  }
0xb2: {  	s29 =	simm.s32 $0x9;
	_ =	strace $0x80000048  }
0xb3: {  	_ =	swait.ge [sflag:s29], $0x1  }
0xb4: {  	[sflag:s29] =	ssyncadd.s32 $0xFFFFFFFF  }
0xb5: {  	_ =	strace $0x90000048  }
0xb6: {  	_ =	sfence  }
0xb7: {  	s30 =	sld [smem:$0x0];
	_ =	sdelay $0x2  }
0xb8: {  	s31 =	sshll.u32 s1, $0xD;
	s1 =	sshrl.u32 s1, $0x2  }
0xb9: {  	s3 =	sand.u32 $0x4000, s31;
	s1 =	sadd.s32 s1, s30  }
0xba: {  	s0 =	sor.u32 s3, s0;
	s1 =	sshll.u32 s1, $0x11  }
0xbb: {  	s0 =	sor.u32 s1, s0  }
0xbc: {  	s0 =	sadd.s32 $0x8F2B, s0  }
0xbd: {  	[sflag:s0] =	ssyncadd.remote.s32 $0x1  }
0xbe: {  	_ =	sfence.sel $0xFFFF  }
0xbf: {  	[dreg:$0x0] =	wrdreg $0xFFFFFFFF;
	(pc) =	sbr.abs _section_cstart, $3  }
0xc0: {  	[dreg:$0x1] =	wrdreg $0xFFFFFFFF  }
0xc1: {  	_ =	task.clear_ibuf [dreg:s7], $0x2FFFF;
	_ =	strace $0x9FFFFFFF  }
0xc2: {  	(tm) =	ssettm $0x7FFFFFFF  }
0xc3: {  	_ =	shalt  }
tec
execute0_lowered:
.L_overlay_start_1:
0x0: {  	(tag) =	ssettag $0x1  }
0x1: {  	s0 =	srdreg.scid  }
0x2: {  	s2 =	stileid.u32;
	s1 =	rddreg [dreg:$0x0];
	s5 =	simm.s32 $0x0  }
0x3: {  	s10 =	simm.s32 $0x16600;
	s11 =	simm.s32 $0x80;
	s13 =	simm.s32 $0x6600  }
0x4: {  	s15 =	simm.s32 $0x8600;
	s17 =	simm.s32 $0xA600;
	s18 =	simm.s32 $0x6580  }
0x5: {  	s19 =	simm.s32 $0xC600;
	s20 =	simm.s32 $0x1;
	s21 =	simm.s32 $0xE600  }
0x6: {  	s22 =	simm.s32 $0x16700;
	s23 =	simm.s32 $0x400;
	s24 =	simm.s32 $0x8000  }
0x7: {  	s28 =	simm.s32 $0x3;
	s29 =	simm.s32 $0x12600;
	s30 =	simm.s32 $0x4  }
0x8: {  	s31 =	simm.s32 $0x14600;
	s0 =	sand.u32 $0x1, s0;
	s3 =	sshll.u32 s2, $0x1  }
0x9: {  	s16 =	simm.s32 $0x0;
	s3 =	sor.u32 s0, s3;
	s0 =	ssub.s32 $0x2, s0  }
0xa: {  	v0 =	vlaneseq.u32;
	s2 =	rddreg [dreg:$0x1];
	s4 =	smul.u32 $0xC80, s3;
	s6 =	sshrl.u32 s0, $0x1  }
.Ltmp0:
0xb: {  	[smem:$0x7FF] =	sst s5;
	v1 =	vmul.u32 $0x40, v0;
	v3 =	vor.u32 $0x10, v0;
	v5 =	vor.u32 $0x20, v0;
	s0 =	ssub.s32 s0, s6;
	(pc) =	sbr.rel .LBB2_1-.Ltmp0, $4  }
0xc: {  	v7 =	vor.u32 $0x30, v0;
	v9 =	vor.u32 $0x40, v0;
	v11 =	vor.u32 $0x50, v0;
	s25 =	sadd.s32 s4, s1;
	s4 =	sadd.s32 $0xF42C00, s1;
	s1 =	sadd.s32 $0x19800, s1  }
0xd: {  	v13 =	vor.u32 $0x60, v0;
	v15 =	vor.u32 $0x70, v0;
	_ =	strace $0x80000047;
	v2 =	vor.u32 $0x400, v1;
	s0 =	smax.u32 s0, $0x1;
	[dreg:$0x3] =	wrdreg s1  }
0xe: {  	s7 =	smul.u32 $0xC8, s3;
	v4 =	vor.u32 $0x800, v1;
	v6 =	vor.u32 $0xC00, v1;
	v8 =	vor.u32 $0x1000, v1;
	s26 =	sadd.s32 $0x800, s25;
	[dreg:$0x5] =	wrdreg s0  }
0xf: {  	v10 =	vor.u32 $0x1400, v1;
	v12 =	vor.u32 $0x1800, v1;
	v14 =	vor.u32 $0x1C00, v1;
	s25 =	simm.s32 $0x2;
	[dreg:$0x4] =	wrdreg s26;
	s26 =	simm.s32 $0x10600  }
.LBB2_139:
0x10: {  	s0 =	simm.s32 $0x5  }
0x11: {  	_ =	swait.ge [sflag:s0], $0x2000  }
0x12: {  	[sflag:s0] =	ssyncset.done $0x0  }
0x13: {  	s9 =	simm.s32 $0x6;
	[sflag:s0] =	ssyncadd.s32 $0xFFFFE000  }
0x14: {  	_ =	swait.ge [sflag:s9], $0x2000  }
0x15: {  	[sflag:s9] =	ssyncset.done $0x0  }
0x16: {  	s12 =	simm.s32 $0x7;
	[sflag:s9] =	ssyncadd.s32 $0xFFFFE000  }
0x17: {  	_ =	swait.ge [sflag:s12], $0x2000  }
0x18: {  	[sflag:s12] =	ssyncset.done $0x0  }
0x19: {  	s1 =	simm.s32 $0x8;
	[sflag:s12] =	ssyncadd.s32 $0xFFFFE000  }
0x1a: {  	_ =	swait.ge [sflag:s1], $0x2000  }
0x1b: {  	s16 =	sadd.s32 $0x1, s16;
	s14 =	rddreg [dreg:$0x5]  }
0x1c: {  	p0 =	sne.s32 s16, s14  }
.Ltmp1:
0x1d: {  	_ = 	snop;
	(pc) =	sbr.rel @!p0 .LBB2_140-.Ltmp1, $3  }
0x1e: {  	_ =	sdelay $0x1  }
0x1f: {  	[sflag:s1] =	ssyncset.done $0x0  }
0x20: {  	[sflag:s1] =	ssyncadd.s32 $0xFFFFE000  }
.LBB2_1:
0x21: {  	s0 =	simm.s32 $0x0;
	s1 =	rddreg [dreg:$0x4];
	s3 =	simm.s32 $0x9  }
0x22: {  	[tilespmem:s0], [sflag:$0x9] =	stream.linear.gather [hbm4b:s1+s0], $0x6400, $0x38;
	[tilespmem:$0x16800] =	vst v63  }
0x23: {  	_ =	swait.ge [sflag:s3], $0x6400  }
0x24: {  	[sflag:s3] =	ssyncset.done $0x0  }
0x25: {  	s8 =	rddreg [dreg:$0x3];
	[sflag:s3] =	ssyncadd.s32 $0xFFFF9C00  }
0x26: {  	[tilespmem:s10], [sflag:$0x9] =	stream.linear.gather [hbm4b:s8+s0], $0x100, $0x38;
	[tilespmem:$0x16800] =	vst v63  }
0x27: {  	_ =	swait.ge [sflag:s3], $0x100  }
0x28: {  	[sflag:s3] =	ssyncset.done $0x0  }
0x29: {  	[sflag:s3] =	ssyncadd.s32 $0xFFFFFF00  }
0x2a: {  	v16 =	vld [tilespmem:$0x16600]  }
0x2b: {  	v17 =	vld [tilespmem:$0x16640]  }
0x2c: {  	v18 =	vld [tilespmem:$0x16680]  }
0x2d: {  	v19 =	vld [tilespmem:$0x166C0]  }
0x2e: {  	v20 =	vld [tilespmem:$0x16610]  }
0x2f: {  	v21 =	vld [tilespmem:$0x16650]  }
0x30: {  	v23 =	vld [tilespmem:$0x16690];
	v22 =	vsub.f32 v16, v16  }
0x31: {  	v24 =	vld [tilespmem:$0x166D0];
	v17 =	vsub.f32 v17, v16  }
0x32: {  	v28 =	vld [tilespmem:$0x16620];
	v18 =	vsub.f32 v18, v16;
	[tilespmem:$0x16700] =	vst v22  }
0x33: {  	v30 =	vld [tilespmem:$0x166A0];
	v16 =	vsub.f32 v19, v16;
	[tilespmem:$0x16740] =	vst v17  }
0x34: {  	v29 =	vsub.f32 v20, v20;
	v17 =	vld [tilespmem:$0x16660];
	[tilespmem:$0x16780] =	vst v18  }
0x35: {  	v31 =	vld [tilespmem:$0x166E0];
	[tilespmem:$0x167C0] =	vst v16;
	v16 =	vsub.f32 v21, v20  }
0x36: {  	v33 =	vld [tilespmem:$0x16630];
	v32 =	vsub.f32 v23, v20;
	[tilespmem:$0x16710] =	vst v29  }
0x37: {  	v34 =	vld [tilespmem:$0x16670];
	[tilespmem:$0x16750] =	vst v16;
	v16 =	vsub.f32 v24, v20  }
0x38: {  	v36 =	vld [tilespmem:$0x166B0];
	v35 =	vsub.f32 v28, v28;
	[tilespmem:$0x16790] =	vst v32  }
0x39: {  	v38 =	vld [tilespmem:$0x0];
	[tilespmem:$0x167D0] =	vst v16;
	v16 =	vsub.f32 v17, v28  }
0x3a: {  	v37 =	vsub.f32 v30, v28;
	[tilespmem:$0x16720] =	vst v35;
	v17 =	vld [tilespmem:$0x166F0]  }
0x3b: {  	v39 =	vld [tilespmem:$0x10];
	[tilespmem:$0x16760] =	vst v16;
	v16 =	vsub.f32 v31, v28  }
0x3c: {  	v41 =	vld [tilespmem:$0x20];
	v40 =	vsub.f32 v33, v33;
	[tilespmem:$0x167A0] =	vst v37  }
0x3d: {  	v42 =	vld [tilespmem:$0x30];
	[tilespmem:$0x167E0] =	vst v16;
	v16 =	vsub.f32 v34, v33  }
0x3e: {  	v44 =	vld [tilespmem:$0x40];
	v43 =	vsub.f32 v36, v33;
	[tilespmem:$0x16730] =	vst v40  }
0x3f: {  	vm0 =	vgt.s32 v38, $0x4;
	[tilespmem:$0x16770] =	vst v16;
	v16 =	vsub.f32 v17, v33;
	v17 =	vld [tilespmem:$0x50]  }
0x40: {  	v46 =	vld [tilespmem:$0x60];
	vm5 =	vgt.s32 v39, $0x4;
	v45 =	vnsel vm0, $0x4, v38;
	[tilespmem:$0x167B0] =	vst v43  }
0x41: {  	v48 =	vld [tilespmem:$0x70];
	vm6 =	vgt.s32 v41, $0x4;
	v47 =	vnsel vm5, $0x4, v39;
	[tilespmem:$0x167F0] =	vst v16;
	v16 =	vadd.s32 $0xFFFFFFFC, v45  }
0x42: {  	vm7 =	vgt.s32 v42, $0x4;
	v49 =	vnsel vm6, $0x4, v41;
	[tilespmem:$0x6400] =	vst v16;
	v16 =	vadd.s32 $0xFFFFFFFC, v47  }
0x43: {  	vm8 =	vgt.s32 v44, $0x4;
	v50 =	vnsel vm7, $0x4, v42;
	[tilespmem:$0x6410] =	vst v16;
	v16 =	vadd.s32 $0xFFFFFFFC, v49  }
0x44: {  	v51 =	vnsel vm8, $0x4, v44;
	[tilespmem:$0x6420] =	vst v16;
	v16 =	vadd.s32 $0xFFFFFFFC, v50;
	vm9 =	vgt.s32 v17, $0x4  }
0x45: {  	vm10 =	vgt.s32 v46, $0x4;
	[tilespmem:$0x6430] =	vst v16;
	v16 =	vadd.s32 $0xFFFFFFFC, v51;
	v17 =	vnsel vm9, $0x4, v17  }
0x46: {  	vm11 =	vgt.s32 v48, $0x4;
	[tilespmem:$0x6440] =	vst v16;
	v16 =	vadd.s32 $0xFFFFFFFC, v17;
	v17 =	vnsel vm10, $0x4, v46  }
0x47: {  	[tilespmem:$0x6450] =	vst v16;
	v16 =	vadd.s32 $0xFFFFFFFC, v17;
	v17 =	vnsel vm11, $0x4, v48  }
0x48: {  	[tilespmem:$0x6460] =	vst v16;
	v16 =	vadd.s32 $0xFFFFFFFC, v17  }
0x49: {  	s9 =	simm.s32 $0x6400;
	[tilespmem:$0x6470] =	vst v16  }
0x4a: {  	[tilespmem:s13], [sflag:$0x1] =	stream.indirect.gather [hbm4b:s4+s11], $0x40, s9, s11, $0xb8;
	[tilespmem:$0x16800] =	vst v63  }
0x4b: {  	v16 =	vld [tilespmem:$0x80]  }
0x4c: {  	v17 =	vld [tilespmem:$0x90]  }
0x4d: {  	v52 =	vld [tilespmem:$0xA0]  }
0x4e: {  	v53 =	vld [tilespmem:$0xB0]  }
0x4f: {  	v54 =	vld [tilespmem:$0xC0]  }
0x50: {  	v55 =	vld [tilespmem:$0xD0];
	vm12 =	vgt.s32 v16, $0x4  }
0x51: {  	v56 =	vld [tilespmem:$0xE0];
	vm13 =	vgt.s32 v17, $0x4;
	v16 =	vnsel vm12, $0x4, v16  }
0x52: {  	v57 =	vld [tilespmem:$0xF0];
	vm14 =	vgt.s32 v52, $0x4;
	v17 =	vnsel vm13, $0x4, v17;
	v16 =	vadd.s32 $0xFFFFFFFC, v16  }
0x53: {  	vm15 =	vgt.s32 v53, $0x4;
	[tilespmem:$0x6480] =	vst v16;
	v16 =	vadd.s32 $0xFFFFFFFC, v17;
	v17 =	vnsel vm14, $0x4, v52  }
0x54: {  	vm4 =	vgt.s32 v54, $0x4;
	[tilespmem:$0x6490] =	vst v16;
	v16 =	vadd.s32 $0xFFFFFFFC, v17;
	v17 =	vnsel vm15, $0x4, v53  }
0x55: {  	vm5 =	vgt.s32 v55, $0x4;
	[tilespmem:$0x64A0] =	vst v16;
	v16 =	vadd.s32 $0xFFFFFFFC, v17;
	v17 =	vnsel vm4, $0x4, v54  }
0x56: {  	vm6 =	vgt.s32 v56, $0x4;
	[tilespmem:$0x64B0] =	vst v16;
	v16 =	vadd.s32 $0xFFFFFFFC, v17;
	v17 =	vnsel vm5, $0x4, v55  }
0x57: {  	vm7 =	vgt.s32 v57, $0x4;
	[tilespmem:$0x64C0] =	vst v16;
	v16 =	vadd.s32 $0xFFFFFFFC, v17;
	v17 =	vnsel vm6, $0x4, v56  }
0x58: {  	[tilespmem:$0x64D0] =	vst v16;
	v16 =	vadd.s32 $0xFFFFFFFC, v17;
	v17 =	vnsel vm7, $0x4, v57  }
0x59: {  	[tilespmem:$0x64E0] =	vst v16;
	v16 =	vadd.s32 $0xFFFFFFFC, v17  }
0x5a: {  	s12 =	simm.s32 $0x6480;
	[tilespmem:$0x64F0] =	vst v16  }
0x5b: {  	[tilespmem:s15], [sflag:$0x2] =	stream.indirect.gather [hbm4b:s4+s11], $0x40, s12, s11, $0xb8;
	[tilespmem:$0x16800] =	vst v63  }
0x5c: {  	v16 =	vld [tilespmem:$0x100]  }
0x5d: {  	v17 =	vld [tilespmem:$0x110]  }
0x5e: {  	v58 =	vld [tilespmem:$0x120]  }
0x5f: {  	v59 =	vld [tilespmem:$0x130]  }
0x60: {  	v60 =	vld [tilespmem:$0x140]  }
0x61: {  	v61 =	vld [tilespmem:$0x150];
	vm8 =	vgt.s32 v16, $0x4  }
0x62: {  	v62 =	vld [tilespmem:$0x160];
	vm9 =	vgt.s32 v17, $0x4;
	v16 =	vnsel vm8, $0x4, v16  }
0x63: {  	v63 =	vld [tilespmem:$0x170];
	vm10 =	vgt.s32 v58, $0x4;
	v17 =	vnsel vm9, $0x4, v17;
	v16 =	vadd.s32 $0xFFFFFFFC, v16  }
0x64: {  	vm11 =	vgt.s32 v59, $0x4;
	[tilespmem:$0x6500] =	vst v16;
	v16 =	vadd.s32 $0xFFFFFFFC, v17;
	v17 =	vnsel vm10, $0x4, v58  }
0x65: {  	vm12 =	vgt.s32 v60, $0x4;
	[tilespmem:$0x6510] =	vst v16;
	v16 =	vadd.s32 $0xFFFFFFFC, v17;
	v17 =	vnsel vm11, $0x4, v59  }
0x66: {  	vm13 =	vgt.s32 v61, $0x4;
	[tilespmem:$0x6520] =	vst v16;
	v16 =	vadd.s32 $0xFFFFFFFC, v17;
	v17 =	vnsel vm12, $0x4, v60  }
0x67: {  	vm14 =	vgt.s32 v62, $0x4;
	[tilespmem:$0x6530] =	vst v16;
	v16 =	vadd.s32 $0xFFFFFFFC, v17;
	v17 =	vnsel vm13, $0x4, v61  }
.Ltmp2:
0x68: {  	vm15 =	vgt.s32 v63, $0x4;
	[tilespmem:$0x6540] =	vst v16;
	v16 =	vadd.s32 $0xFFFFFFFC, v17;
	v17 =	vnsel vm14, $0x4, v62;
	(pc) =	sbr.rel .LBB2_2-.Ltmp2, $4  }
0x69: {  	[tilespmem:$0x6550] =	vst v16;
	v16 =	vnsel vm15, $0x4, v63;
	v17 =	vadd.s32 $0xFFFFFFFC, v17  }
0x6a: {  	[tilespmem:$0x6560] =	vst v17;
	v16 =	vadd.s32 $0xFFFFFFFC, v16  }
0x6b: {  	s14 =	simm.s32 $0x6500;
	s3 =	simm.s32 $0x0;
	[tilespmem:$0x6570] =	vst v16  }
0x6c: {  	[tilespmem:s17], [sflag:$0x3] =	stream.indirect.gather [hbm4b:s4+s11], $0x40, s14, s11, $0xb8;
	[tilespmem:$0x16800] =	vst v63  }
.LBB2_138:
0x6d: {  	s3 =	sadd.s32 $0x1, s3  }
0x6e: {  	s0 =	sadd.s32 s7, s5;
	p0 =	sne.s32 s3, $0x32  }
.Ltmp3:
0x6f: {  	s1 =	sshll.u32 s0, $0x7;
	(pc) =	sbr.rel @!p0 .LBB2_139-.Ltmp3, $4  }
0x70: {  	s0 =	sshll.u32 s0, $0xA;
	s1 =	sand.u32 $0xF80, s1  }
0x71: {  	s0 =	sand.u32 $0xFFF8000, s0;
	s1 =	sadd.s32 s2, s1  }
0x72: {  	s0 =	sadd.s32 s0, s1  }
0x73: {  	[hbm4b:s0+s23] =	stream.strided.scatter [tilespmem:s31], [sflag:$0x8], $0x2000, s24, s23, $0x38;
	[tilespmem:$0x16800] =	vst v63  }
.LBB2_2:
0x74: {  	p0 =	seq.s32 s3, $0x0  }
0x75: {  	s0 =	simm.s32 @!p0 $0x8  }
0x76: {  	s5 =	sshllo.u32 s3, $0x2;
	_ =	swait.ge @!p0 [sflag:s0], $0x2000  }
0x77: {  	s1 =	sshll.u32 s5, $0x7;
	[sflag:s0] =	ssyncset.done @!p0 $0x0  }
0x78: {  	s6 =	sand.u32 $0x3FFFFF80, s1;
	[sflag:s0] =	ssyncadd.s32 @!p0 $0xFFFFE000  }
0x79: {  	v16 =	vld [tilespmem:s6+$0x0];
	_ =	sdelay $0x4  }
0x7a: {  	vm0 =	vgt.s32 v16, $0x4  }
0x7b: {  	v16 =	vnsel vm0, $0x4, v16  }
0x7c: {  	v16 =	vadd.s32 $0xFFFFFFFC, v16  }
0x7d: {  	[tilespmem:$0x6580] =	vst v16  }
0x7e: {  	v16 =	vld [tilespmem:s6+$0x10];
	_ =	sdelay $0x4  }
0x7f: {  	vm9 =	vgt.s32 v16, $0x4  }
0x80: {  	v16 =	vnsel vm9, $0x4, v16  }
0x81: {  	v16 =	vadd.s32 $0xFFFFFFFC, v16  }
0x82: {  	[tilespmem:$0x6590] =	vst v16  }
0x83: {  	v16 =	vld [tilespmem:s6+$0x20];
	_ =	sdelay $0x4  }
0x84: {  	vm10 =	vgt.s32 v16, $0x4  }
0x85: {  	v16 =	vnsel vm10, $0x4, v16  }
0x86: {  	v16 =	vadd.s32 $0xFFFFFFFC, v16  }
0x87: {  	[tilespmem:$0x65A0] =	vst v16  }
0x88: {  	v16 =	vld [tilespmem:s6+$0x30];
	_ =	sdelay $0x4  }
0x89: {  	vm11 =	vgt.s32 v16, $0x4  }
0x8a: {  	v16 =	vnsel vm11, $0x4, v16  }
0x8b: {  	v16 =	vadd.s32 $0xFFFFFFFC, v16  }
0x8c: {  	[tilespmem:$0x65B0] =	vst v16  }
0x8d: {  	v16 =	vld [tilespmem:s6+$0x40];
	_ =	sdelay $0x4  }
0x8e: {  	vm12 =	vgt.s32 v16, $0x4  }
0x8f: {  	v16 =	vnsel vm12, $0x4, v16  }
0x90: {  	v16 =	vadd.s32 $0xFFFFFFFC, v16  }
0x91: {  	[tilespmem:$0x65C0] =	vst v16  }
0x92: {  	v16 =	vld [tilespmem:s6+$0x50];
	_ =	sdelay $0x4  }
0x93: {  	vm13 =	vgt.s32 v16, $0x4  }
0x94: {  	v16 =	vnsel vm13, $0x4, v16  }
0x95: {  	v16 =	vadd.s32 $0xFFFFFFFC, v16  }
0x96: {  	[tilespmem:$0x65D0] =	vst v16  }
0x97: {  	v16 =	vld [tilespmem:s6+$0x60];
	_ =	sdelay $0x4  }
0x98: {  	vm14 =	vgt.s32 v16, $0x4  }
0x99: {  	v16 =	vnsel vm14, $0x4, v16  }
0x9a: {  	v16 =	vadd.s32 $0xFFFFFFFC, v16  }
0x9b: {  	[tilespmem:$0x65E0] =	vst v16  }
0x9c: {  	v16 =	vld [tilespmem:s6+$0x70];
	_ =	sdelay $0x4  }
0x9d: {  	vm15 =	vgt.s32 v16, $0x4  }
0x9e: {  	s12 =	simm.s32 $0x0;
	v16 =	vnsel vm15, $0x4, v16  }
0x9f: {  	v17 =	vadd.s32 s12, v0;
	v16 =	vadd.s32 $0xFFFFFFFC, v16  }
0xa0: {  	[tilespmem:$0x65F0] =	vst v16;
	v16 =	vand.u32 $0x3F, v17  }
0xa1: {  	[tilespmem:s19], [sflag:$0x4] =	stream.indirect.gather [hbm4b:s4+s11], $0x40, s18, s11, $0xb8;
	v18 =	vor.u32 v1, v16;
	[tilespmem:$0x16800] =	vst v63  }
0xa2: {  	_ =	swait.ge [sflag:s20], $0x2000  }
0xa3: {  	[sflag:s20] =	ssyncset.done $0x0  }
0xa4: {  	[sflag:s20] =	ssyncadd.s32 $0xFFFFE000  }
0xa5: {  	v20 =	vld.idx.msk [tilespmem:v16+s10+$0x0], $0xffff  }
0xa6: {  	v17 =	vshll.u32 v17, $0x7;
	v18 =	vld.idx.msk [tilespmem:v18+s13+$0x0], $0xffff  }
0xa7: {  	v17 =	vand.u32 $0x1F80, v17  }
0xa8: {  	v19 =	vor.u32 v0, v17  }
0xa9: {  	v21 =	vor.u32 v2, v16;
	_ =	sdelay $0x1  }
0xaa: {  	v18 =	vadd.f32 v18, v20;
	_ =	sdelay $0x1  }
0xab: {  	[tilespmem:v19+s21+$0x0] =	vst.idx.msk $0xffff, v18  }
0xac: {  	v18 =	vld.idx.msk [tilespmem:v21+s13+$0x0], $0xffff;
	_ =	sdelay $0x1  }
0xad: {  	v19 =	vor.u32 v3, v17  }
0xae: {  	v21 =	vor.u32 v4, v16;
	_ =	sdelay $0x1  }
0xaf: {  	v18 =	vadd.f32 v18, v20;
	_ =	sdelay $0x1  }
0xb0: {  	[tilespmem:v19+s21+$0x0] =	vst.idx.msk $0xffff, v18  }
0xb1: {  	v18 =	vld.idx.msk [tilespmem:v21+s13+$0x0], $0xffff;
	_ =	sdelay $0x1  }
0xb2: {  	v19 =	vor.u32 v5, v17  }
0xb3: {  	v21 =	vor.u32 v6, v16;
	_ =	sdelay $0x1  }
0xb4: {  	v18 =	vadd.f32 v18, v20;
	_ =	sdelay $0x1  }
0xb5: {  	[tilespmem:v19+s21+$0x0] =	vst.idx.msk $0xffff, v18  }
0xb6: {  	v18 =	vld.idx.msk [tilespmem:v21+s13+$0x0], $0xffff;
	_ =	sdelay $0x1  }
0xb7: {  	v19 =	vor.u32 v7, v17  }
0xb8: {  	v21 =	vor.u32 v8, v16;
	_ =	sdelay $0x1  }
0xb9: {  	v18 =	vadd.f32 v18, v20;
	_ =	sdelay $0x1  }
0xba: {  	[tilespmem:v19+s21+$0x0] =	vst.idx.msk $0xffff, v18  }
0xbb: {  	v18 =	vld.idx.msk [tilespmem:v21+s13+$0x0], $0xffff;
	_ =	sdelay $0x1  }
0xbc: {  	v19 =	vor.u32 v9, v17  }
0xbd: {  	v21 =	vor.u32 v10, v16;
	_ =	sdelay $0x1  }
0xbe: {  	v18 =	vadd.f32 v18, v20;
	_ =	sdelay $0x1  }
0xbf: {  	[tilespmem:v19+s21+$0x0] =	vst.idx.msk $0xffff, v18  }
0xc0: {  	v18 =	vld.idx.msk [tilespmem:v21+s13+$0x0], $0xffff;
	_ =	sdelay $0x1  }
0xc1: {  	v19 =	vor.u32 v11, v17  }
0xc2: {  	v21 =	vor.u32 v12, v16;
	_ =	sdelay $0x1  }
0xc3: {  	v18 =	vadd.f32 v18, v20;
	_ =	sdelay $0x1  }
0xc4: {  	[tilespmem:v19+s21+$0x0] =	vst.idx.msk $0xffff, v18  }
0xc5: {  	v18 =	vld.idx.msk [tilespmem:v21+s13+$0x0], $0xffff;
	_ =	sdelay $0x1  }
0xc6: {  	v19 =	vor.u32 v13, v17  }
0xc7: {  	v16 =	vor.u32 v14, v16;
	_ =	sdelay $0x1  }
0xc8: {  	v18 =	vadd.f32 v18, v20;
	_ =	sdelay $0x1  }
0xc9: {  	[tilespmem:v19+s21+$0x0] =	vst.idx.msk $0xffff, v18  }
0xca: {  	v21 =	vld.idx.msk [tilespmem:v16+s13+$0x0], $0xffff  }
0xcb: {  	s14 =	simm.s32 $0x1  }
0xcc: {  	v18 =	vor.u32 v15, v17;
	v16 =	vadd.s32 s14, v0  }
0xcd: {  	v17 =	vand.u32 $0x3F, v16  }
0xce: {  	v16 =	vshll.u32 v16, $0x7;
	v19 =	vor.u32 v1, v17  }
0xcf: {  	s1 =	sshll.u32 s3, $0x2;
	s0 =	simm.s32 $0x2;
	v16 =	vand.u32 $0x1F80, v16;
	v20 =	vadd.f32 v21, v20  }
.LBB2_3:
0xd0: {  	_ = 	snop  }
0xd1: {  	p0 =	sne.s32 s0, $0x3F;
	s8 =	smov.u32 s0;
	s0 =	sadd.s32 $0x1, s0;
	[tilespmem:v18+s21+$0x0] =	vst.idx.msk $0xffff, v20  }
0xd2: {  	v20 =	vld.idx.msk [tilespmem:v17+s10+$0x0], $0xffff  }
0xd3: {  	v18 =	vld.idx.msk [tilespmem:v19+s13+$0x0], $0xffff;
	_ =	sdelay $0x2  }
0xd4: {  	v19 =	vor.u32 v0, v16  }
0xd5: {  	v21 =	vor.u32 v2, v17;
	_ =	sdelay $0x1  }
0xd6: {  	v18 =	vadd.f32 v18, v20;
	_ =	sdelay $0x1  }
0xd7: {  	[tilespmem:v19+s21+$0x0] =	vst.idx.msk $0xffff, v18  }
0xd8: {  	v18 =	vld.idx.msk [tilespmem:v21+s13+$0x0], $0xffff;
	_ =	sdelay $0x2  }
0xd9: {  	v19 =	vor.u32 v3, v16  }
0xda: {  	v21 =	vor.u32 v4, v17;
	_ =	sdelay $0x1  }
0xdb: {  	v18 =	vadd.f32 v18, v20;
	_ =	sdelay $0x1  }
0xdc: {  	[tilespmem:v19+s21+$0x0] =	vst.idx.msk $0xffff, v18  }
0xdd: {  	v18 =	vld.idx.msk [tilespmem:v21+s13+$0x0], $0xffff;
	_ =	sdelay $0x2  }
0xde: {  	v19 =	vor.u32 v5, v16  }
0xdf: {  	v21 =	vor.u32 v6, v17;
	_ =	sdelay $0x1  }
0xe0: {  	v18 =	vadd.f32 v18, v20;
	_ =	sdelay $0x1  }
0xe1: {  	[tilespmem:v19+s21+$0x0] =	vst.idx.msk $0xffff, v18  }
0xe2: {  	v18 =	vld.idx.msk [tilespmem:v21+s13+$0x0], $0xffff;
	_ =	sdelay $0x2  }
0xe3: {  	v19 =	vor.u32 v7, v16  }
0xe4: {  	v21 =	vor.u32 v8, v17;
	_ =	sdelay $0x1  }
0xe5: {  	v18 =	vadd.f32 v18, v20;
	_ =	sdelay $0x1  }
0xe6: {  	[tilespmem:v19+s21+$0x0] =	vst.idx.msk $0xffff, v18  }
0xe7: {  	v18 =	vld.idx.msk [tilespmem:v21+s13+$0x0], $0xffff;
	_ =	sdelay $0x2  }
0xe8: {  	v19 =	vor.u32 v9, v16  }
0xe9: {  	v21 =	vor.u32 v10, v17;
	_ =	sdelay $0x1  }
0xea: {  	v18 =	vadd.f32 v18, v20;
	_ =	sdelay $0x1  }
0xeb: {  	[tilespmem:v19+s21+$0x0] =	vst.idx.msk $0xffff, v18  }
0xec: {  	v18 =	vld.idx.msk [tilespmem:v21+s13+$0x0], $0xffff;
	_ =	sdelay $0x2  }
0xed: {  	v19 =	vor.u32 v11, v16  }
0xee: {  	v21 =	vor.u32 v12, v17;
	_ =	sdelay $0x1  }
0xef: {  	v18 =	vadd.f32 v18, v20;
	_ =	sdelay $0x1  }
0xf0: {  	[tilespmem:v19+s21+$0x0] =	vst.idx.msk $0xffff, v18  }
0xf1: {  	v18 =	vld.idx.msk [tilespmem:v21+s13+$0x0], $0xffff;
	_ =	sdelay $0x2  }
0xf2: {  	v19 =	vor.u32 v13, v16  }
0xf3: {  	v17 =	vor.u32 v14, v17;
	_ =	sdelay $0x1  }
0xf4: {  	v18 =	vadd.f32 v18, v20;
	_ =	sdelay $0x1  }
0xf5: {  	[tilespmem:v19+s21+$0x0] =	vst.idx.msk $0xffff, v18  }
0xf6: {  	v21 =	vld.idx.msk [tilespmem:v17+s13+$0x0], $0xffff;
	_ =	sdelay $0x1  }
.Ltmp4:
0xf7: {  	(pc) =	sbr.rel @p0 .LBB2_3-.Ltmp4, $4  }
0xf8: {  	v19 =	vadd.s32 s8, v0;
	v18 =	vor.u32 v15, v16  }
0xf9: {  	v17 =	vand.u32 $0x3F, v19;
	v16 =	vshll.u32 v19, $0x7  }
0xfa: {  	v19 =	vor.u32 v1, v17;
	v16 =	vand.u32 $0x1F80, v16  }
0xfb: {  	v20 =	vadd.f32 v21, v20  }
0xfc: {  	_ =	sdelay $0x3  }
0xfd: {  	[tilespmem:v18+s21+$0x0] =	vst.idx.msk $0xffff, v20  }
0xfe: {  	v18 =	vld.idx.msk [tilespmem:v17+s10+$0x0], $0xffff  }
0xff: {  	v19 =	vld.idx.msk [tilespmem:v19+s13+$0x0], $0xffff;
	_ =	sdelay $0x1  }
0x100: {  	v52 =	vor.u32 v0, v16  }
0x101: {  	v21 =	vor.u32 v2, v17;
	_ =	sdelay $0x1  }
0x102: {  	v19 =	vadd.f32 v19, v18;
	_ =	sdelay $0x1  }
0x103: {  	[tilespmem:v52+s21+$0x0] =	vst.idx.msk $0xffff, v19  }
0x104: {  	v19 =	vld.idx.msk [tilespmem:v21+s13+$0x0], $0xffff;
	_ =	sdelay $0x1  }
0x105: {  	v53 =	vor.u32 v3, v16  }
0x106: {  	v54 =	vor.u32 v4, v17;
	_ =	sdelay $0x1  }
0x107: {  	v19 =	vadd.f32 v19, v18;
	_ =	sdelay $0x1  }
0x108: {  	[tilespmem:v53+s21+$0x0] =	vst.idx.msk $0xffff, v19  }
0x109: {  	v19 =	vld.idx.msk [tilespmem:v54+s13+$0x0], $0xffff;
	_ =	sdelay $0x1  }
0x10a: {  	v55 =	vor.u32 v5, v16  }
0x10b: {  	v56 =	vor.u32 v6, v17;
	_ =	sdelay $0x1  }
0x10c: {  	v19 =	vadd.f32 v19, v18;
	_ =	sdelay $0x1  }
0x10d: {  	[tilespmem:v55+s21+$0x0] =	vst.idx.msk $0xffff, v19  }
0x10e: {  	v19 =	vld.idx.msk [tilespmem:v56+s13+$0x0], $0xffff;
	_ =	sdelay $0x1  }
0x10f: {  	v57 =	vor.u32 v7, v16  }
0x110: {  	v58 =	vor.u32 v8, v17;
	_ =	sdelay $0x1  }
0x111: {  	v19 =	vadd.f32 v19, v18;
	_ =	sdelay $0x1  }
0x112: {  	[tilespmem:v57+s21+$0x0] =	vst.idx.msk $0xffff, v19  }
0x113: {  	v19 =	vld.idx.msk [tilespmem:v58+s13+$0x0], $0xffff;
	_ =	sdelay $0x1  }
0x114: {  	v59 =	vor.u32 v9, v16  }
0x115: {  	v60 =	vor.u32 v10, v17;
	_ =	sdelay $0x1  }
0x116: {  	v19 =	vadd.f32 v19, v18;
	_ =	sdelay $0x1  }
0x117: {  	[tilespmem:v59+s21+$0x0] =	vst.idx.msk $0xffff, v19  }
0x118: {  	v19 =	vld.idx.msk [tilespmem:v60+s13+$0x0], $0xffff;
	_ =	sdelay $0x1  }
0x119: {  	v61 =	vor.u32 v11, v16  }
0x11a: {  	v62 =	vor.u32 v12, v17;
	_ =	sdelay $0x1  }
0x11b: {  	v19 =	vadd.f32 v19, v18;
	_ =	sdelay $0x1  }
0x11c: {  	[tilespmem:v61+s21+$0x0] =	vst.idx.msk $0xffff, v19  }
0x11d: {  	v19 =	vld.idx.msk [tilespmem:v62+s13+$0x0], $0xffff;
	_ =	sdelay $0x1  }
0x11e: {  	v63 =	vor.u32 v13, v16  }
0x11f: {  	v17 =	vor.u32 v14, v17;
	_ =	sdelay $0x1  }
0x120: {  	v19 =	vadd.f32 v19, v18;
	_ =	sdelay $0x1  }
0x121: {  	[tilespmem:v63+s21+$0x0] =	vst.idx.msk $0xffff, v19  }
0x122: {  	v17 =	vld.idx.msk [tilespmem:v17+s13+$0x0], $0xffff;
	_ =	sdelay $0x1  }
0x123: {  	v16 =	vor.u32 v15, v16;
	_ =	sdelay $0x2  }
0x124: {  	v17 =	vadd.f32 v17, v18  }
0x125: {  	s0 =	sshll.u32 s3, $0xB  }
0x126: {  	s8 =	sshra.s32 s0, $0x2;
	[tilespmem:v16+s21+$0x0] =	vst.idx.msk $0xffff, v17  }
0x127: {  	v16 =	vld [tilespmem:s8+$0x0];
	_ =	sdelay $0x4  }
0x128: {  	vm0 =	vlt.s32 v16, $0x4  }
0x129: {  	v17 =	vmpcnt.ones.xlane vm0;
	_ =	sdelay $0x1  }
0x12a: {  	(v2sf) =	vpush v17, $0x0;
	_ =	sdelay $0xe  }
0x12b: {  	s14 =	spop (v2sf)  }
0x12c: {  	p0 =	slt.s32 s14, $0x1  }
.Ltmp5:
0x12d: {  	_ = 	snop;
	(pc) =	sbr.rel @p0 .LBB2_8-.Ltmp5, $1  }
0x12e: {  	_ =	sdelay $0x3  }
0x12f: {  	v16 =	vshll.u32 v16, $0x6  }
0x130: {  	s0 =	simm.s32 $0x0;
	v16 =	vnsel vm0, $0x0, v16  }
0x131: {  	v17 =	vor.u32 s0, v16;
	_ =	sdelay $0x2  }
0x132: {  	v18 =	vmov s0  }
0x133: {  	v18 =	vshll.u32 v18, $0x7  }
0x134: {  	s0 =	simm.s32 $0x1;
	v19 =	vor.u32 v0, v18;
	v17 =	vld.idx.msk [tilespmem:v17+s22+$0x0], $0xffff  }
0x135: {  	s12 =	simm.s32 $0x2;
	v18 =	vor.u32 s0, v16  }
.LBB2_6:
0x136: {  	p0 =	sne.s32 s12, $0x3F;
	_ =	sdelay $0x1  }
.Ltmp6:
0x137: {  	(pc) =	sbr.rel @p0 .LBB2_6-.Ltmp6, $4  }
0x138: {  	v20 =	vmov s0;
	s0 =	smov.u32 s12;
	[tilespmem:v19+s21+$0x0] =	vst.idx.add.f32.msk vm0, v17  }
0x139: {  	v17 =	vld.idx.msk [tilespmem:v18+s22+$0x0], $0xffff;
	v18 =	vshll.u32 v20, $0x7  }
0x13a: {  	v19 =	vor.u32 v0, v18  }
0x13b: {  	s12 =	sadd.s32 $0x1, s12;
	v18 =	vor.u32 s0, v16  }
0x13c: {  	_ =	sdelay $0x3  }
0x13d: {  	v16 =	vmov s0  }
0x13e: {  	v16 =	vshll.u32 v16, $0x7;
	[tilespmem:v19+s21+$0x0] =	vst.idx.add.f32.msk vm0, v17  }
0x13f: {  	v16 =	vor.u32 v0, v16;
	v17 =	vld.idx.msk [tilespmem:v18+s22+$0x0], $0xffff;
	_ =	sdelay $0x4  }
0x140: {  	[tilespmem:v16+s21+$0x0] =	vst.idx.add.f32.msk vm0, v17  }
.LBB2_8:
0x141: {  	v16 =	vld [tilespmem:s8+$0x10];
	_ =	sdelay $0x4  }
0x142: {  	vm0 =	vlt.s32 v16, $0x4  }
0x143: {  	v17 =	vmpcnt.ones.xlane vm0;
	_ =	sdelay $0x1  }
0x144: {  	(v2sf) =	vpush v17, $0x0;
	_ =	sdelay $0xe  }
0x145: {  	s0 =	spop (v2sf)  }
0x146: {  	p0 =	slt.s32 s0, $0x1  }
.Ltmp7:
0x147: {  	_ = 	snop;
	(pc) =	sbr.rel @p0 .LBB2_12-.Ltmp7, $1  }
0x148: {  	_ =	sdelay $0x3  }
0x149: {  	v16 =	vshll.u32 v16, $0x6  }
0x14a: {  	s0 =	simm.s32 $0x0;
	v16 =	vnsel vm0, $0x0, v16  }
0x14b: {  	v17 =	vor.u32 s0, v16;
	_ =	sdelay $0x2  }
0x14c: {  	v18 =	vmov s0  }
0x14d: {  	v18 =	vshll.u32 v18, $0x7  }
0x14e: {  	s0 =	simm.s32 $0x1;
	v19 =	vor.u32 v3, v18;
	v17 =	vld.idx.msk [tilespmem:v17+s22+$0x0], $0xffff  }
0x14f: {  	s12 =	simm.s32 $0x2;
	v18 =	vor.u32 s0, v16  }
.LBB2_10:
0x150: {  	p0 =	sne.s32 s12, $0x3F;
	_ =	sdelay $0x1  }
.Ltmp8:
0x151: {  	(pc) =	sbr.rel @p0 .LBB2_10-.Ltmp8, $4  }
0x152: {  	v20 =	vmov s0;
	s0 =	smov.u32 s12;
	[tilespmem:v19+s21+$0x0] =	vst.idx.add.f32.msk vm0, v17  }
0x153: {  	v17 =	vld.idx.msk [tilespmem:v18+s22+$0x0], $0xffff;
	v18 =	vshll.u32 v20, $0x7  }
0x154: {  	v19 =	vor.u32 v3, v18  }
0x155: {  	s12 =	sadd.s32 $0x1, s12;
	v18 =	vor.u32 s0, v16  }
0x156: {  	_ =	sdelay $0x3  }
0x157: {  	v16 =	vmov s0  }
0x158: {  	v16 =	vshll.u32 v16, $0x7;
	[tilespmem:v19+s21+$0x0] =	vst.idx.add.f32.msk vm0, v17  }
0x159: {  	v16 =	vor.u32 v3, v16;
	v17 =	vld.idx.msk [tilespmem:v18+s22+$0x0], $0xffff;
	_ =	sdelay $0x4  }
0x15a: {  	[tilespmem:v16+s21+$0x0] =	vst.idx.add.f32.msk vm0, v17  }
.LBB2_12:
0x15b: {  	v16 =	vld [tilespmem:s8+$0x20];
	_ =	sdelay $0x4  }
0x15c: {  	vm0 =	vlt.s32 v16, $0x4  }
0x15d: {  	v17 =	vmpcnt.ones.xlane vm0;
	_ =	sdelay $0x1  }
0x15e: {  	(v2sf) =	vpush v17, $0x0;
	_ =	sdelay $0xe  }
0x15f: {  	s0 =	spop (v2sf)  }
0x160: {  	p0 =	slt.s32 s0, $0x1  }
.Ltmp9:
0x161: {  	_ = 	snop;
	(pc) =	sbr.rel @p0 .LBB2_16-.Ltmp9, $1  }
0x162: {  	_ =	sdelay $0x3  }
0x163: {  	v16 =	vshll.u32 v16, $0x6  }
0x164: {  	s0 =	simm.s32 $0x0;
	v16 =	vnsel vm0, $0x0, v16  }
0x165: {  	v17 =	vor.u32 s0, v16;
	_ =	sdelay $0x2  }
0x166: {  	v18 =	vmov s0  }
0x167: {  	v18 =	vshll.u32 v18, $0x7  }
0x168: {  	s0 =	simm.s32 $0x1;
	v19 =	vor.u32 v5, v18;
	v17 =	vld.idx.msk [tilespmem:v17+s22+$0x0], $0xffff  }
0x169: {  	s12 =	simm.s32 $0x2;
	v18 =	vor.u32 s0, v16  }
.LBB2_14:
0x16a: {  	p0 =	sne.s32 s12, $0x3F;
	_ =	sdelay $0x1  }
.Ltmp10:
0x16b: {  	(pc) =	sbr.rel @p0 .LBB2_14-.Ltmp10, $4  }
0x16c: {  	v20 =	vmov s0;
	s0 =	smov.u32 s12;
	[tilespmem:v19+s21+$0x0] =	vst.idx.add.f32.msk vm0, v17  }
0x16d: {  	v17 =	vld.idx.msk [tilespmem:v18+s22+$0x0], $0xffff;
	v18 =	vshll.u32 v20, $0x7  }
0x16e: {  	v19 =	vor.u32 v5, v18  }
0x16f: {  	s12 =	sadd.s32 $0x1, s12;
	v18 =	vor.u32 s0, v16  }
0x170: {  	_ =	sdelay $0x3  }
0x171: {  	v16 =	vmov s0  }
0x172: {  	v16 =	vshll.u32 v16, $0x7;
	[tilespmem:v19+s21+$0x0] =	vst.idx.add.f32.msk vm0, v17  }
0x173: {  	v16 =	vor.u32 v5, v16;
	v17 =	vld.idx.msk [tilespmem:v18+s22+$0x0], $0xffff;
	_ =	sdelay $0x4  }
0x174: {  	[tilespmem:v16+s21+$0x0] =	vst.idx.add.f32.msk vm0, v17  }
.LBB2_16:
0x175: {  	v16 =	vld [tilespmem:s8+$0x30];
	_ =	sdelay $0x4  }
0x176: {  	vm0 =	vlt.s32 v16, $0x4  }
0x177: {  	v17 =	vmpcnt.ones.xlane vm0;
	_ =	sdelay $0x1  }
0x178: {  	(v2sf) =	vpush v17, $0x0;
	_ =	sdelay $0xe  }
0x179: {  	s0 =	spop (v2sf)  }
0x17a: {  	p0 =	slt.s32 s0, $0x1  }
.Ltmp11:
0x17b: {  	_ = 	snop;
	(pc) =	sbr.rel @p0 .LBB2_20-.Ltmp11, $1  }
0x17c: {  	_ =	sdelay $0x3  }
0x17d: {  	v16 =	vshll.u32 v16, $0x6  }
0x17e: {  	s0 =	simm.s32 $0x0;
	v16 =	vnsel vm0, $0x0, v16  }
0x17f: {  	v17 =	vor.u32 s0, v16;
	_ =	sdelay $0x2  }
0x180: {  	v18 =	vmov s0  }
0x181: {  	v18 =	vshll.u32 v18, $0x7  }
0x182: {  	s0 =	simm.s32 $0x1;
	v19 =	vor.u32 v7, v18;
	v17 =	vld.idx.msk [tilespmem:v17+s22+$0x0], $0xffff  }
0x183: {  	s12 =	simm.s32 $0x2;
	v18 =	vor.u32 s0, v16  }
.LBB2_18:
0x184: {  	p0 =	sne.s32 s12, $0x3F;
	_ =	sdelay $0x1  }
.Ltmp12:
0x185: {  	(pc) =	sbr.rel @p0 .LBB2_18-.Ltmp12, $4  }
0x186: {  	v20 =	vmov s0;
	s0 =	smov.u32 s12;
	[tilespmem:v19+s21+$0x0] =	vst.idx.add.f32.msk vm0, v17  }
0x187: {  	v17 =	vld.idx.msk [tilespmem:v18+s22+$0x0], $0xffff;
	v18 =	vshll.u32 v20, $0x7  }
0x188: {  	v19 =	vor.u32 v7, v18  }
0x189: {  	s12 =	sadd.s32 $0x1, s12;
	v18 =	vor.u32 s0, v16  }
0x18a: {  	_ =	sdelay $0x3  }
0x18b: {  	v16 =	vmov s0  }
0x18c: {  	v16 =	vshll.u32 v16, $0x7;
	[tilespmem:v19+s21+$0x0] =	vst.idx.add.f32.msk vm0, v17  }
0x18d: {  	v16 =	vor.u32 v7, v16;
	v17 =	vld.idx.msk [tilespmem:v18+s22+$0x0], $0xffff;
	_ =	sdelay $0x4  }
0x18e: {  	[tilespmem:v16+s21+$0x0] =	vst.idx.add.f32.msk vm0, v17  }
.LBB2_20:
0x18f: {  	v16 =	vld [tilespmem:s8+$0x40];
	_ =	sdelay $0x4  }
0x190: {  	vm0 =	vlt.s32 v16, $0x4  }
0x191: {  	v17 =	vmpcnt.ones.xlane vm0;
	_ =	sdelay $0x1  }
0x192: {  	(v2sf) =	vpush v17, $0x0;
	_ =	sdelay $0xe  }
0x193: {  	s0 =	spop (v2sf)  }
0x194: {  	p0 =	slt.s32 s0, $0x1  }
.Ltmp13:
0x195: {  	_ = 	snop;
	(pc) =	sbr.rel @p0 .LBB2_24-.Ltmp13, $1  }
0x196: {  	_ =	sdelay $0x3  }
0x197: {  	v16 =	vshll.u32 v16, $0x6  }
0x198: {  	s0 =	simm.s32 $0x0;
	v16 =	vnsel vm0, $0x0, v16  }
0x199: {  	v17 =	vor.u32 s0, v16;
	_ =	sdelay $0x2  }
0x19a: {  	v18 =	vmov s0  }
0x19b: {  	v18 =	vshll.u32 v18, $0x7  }
0x19c: {  	s0 =	simm.s32 $0x1;
	v19 =	vor.u32 v9, v18;
	v17 =	vld.idx.msk [tilespmem:v17+s22+$0x0], $0xffff  }
0x19d: {  	s12 =	simm.s32 $0x2;
	v18 =	vor.u32 s0, v16  }
.LBB2_22:
0x19e: {  	p0 =	sne.s32 s12, $0x3F;
	_ =	sdelay $0x1  }
.Ltmp14:
0x19f: {  	(pc) =	sbr.rel @p0 .LBB2_22-.Ltmp14, $4  }
0x1a0: {  	v20 =	vmov s0;
	s0 =	smov.u32 s12;
	[tilespmem:v19+s21+$0x0] =	vst.idx.add.f32.msk vm0, v17  }
0x1a1: {  	v17 =	vld.idx.msk [tilespmem:v18+s22+$0x0], $0xffff;
	v18 =	vshll.u32 v20, $0x7  }
0x1a2: {  	v19 =	vor.u32 v9, v18  }
0x1a3: {  	s12 =	sadd.s32 $0x1, s12;
	v18 =	vor.u32 s0, v16  }
0x1a4: {  	_ =	sdelay $0x3  }
0x1a5: {  	v16 =	vmov s0  }
0x1a6: {  	v16 =	vshll.u32 v16, $0x7;
	[tilespmem:v19+s21+$0x0] =	vst.idx.add.f32.msk vm0, v17  }
0x1a7: {  	v16 =	vor.u32 v9, v16;
	v17 =	vld.idx.msk [tilespmem:v18+s22+$0x0], $0xffff;
	_ =	sdelay $0x4  }
0x1a8: {  	[tilespmem:v16+s21+$0x0] =	vst.idx.add.f32.msk vm0, v17  }
.LBB2_24:
0x1a9: {  	v16 =	vld [tilespmem:s8+$0x50];
	_ =	sdelay $0x4  }
0x1aa: {  	vm0 =	vlt.s32 v16, $0x4  }
0x1ab: {  	v17 =	vmpcnt.ones.xlane vm0;
	_ =	sdelay $0x1  }
0x1ac: {  	(v2sf) =	vpush v17, $0x0;
	_ =	sdelay $0xe  }
0x1ad: {  	s0 =	spop (v2sf)  }
0x1ae: {  	p0 =	slt.s32 s0, $0x1  }
.Ltmp15:
0x1af: {  	_ = 	snop;
	(pc) =	sbr.rel @p0 .LBB2_28-.Ltmp15, $1  }
0x1b0: {  	_ =	sdelay $0x3  }
0x1b1: {  	v16 =	vshll.u32 v16, $0x6  }
0x1b2: {  	s0 =	simm.s32 $0x0;
	v16 =	vnsel vm0, $0x0, v16  }
0x1b3: {  	v17 =	vor.u32 s0, v16;
	_ =	sdelay $0x2  }
0x1b4: {  	v18 =	vmov s0  }
0x1b5: {  	v18 =	vshll.u32 v18, $0x7  }
0x1b6: {  	s0 =	simm.s32 $0x1;
	v19 =	vor.u32 v11, v18;
	v17 =	vld.idx.msk [tilespmem:v17+s22+$0x0], $0xffff  }
0x1b7: {  	s12 =	simm.s32 $0x2;
	v18 =	vor.u32 s0, v16  }
.LBB2_26:
0x1b8: {  	p0 =	sne.s32 s12, $0x3F;
	_ =	sdelay $0x1  }
.Ltmp16:
0x1b9: {  	(pc) =	sbr.rel @p0 .LBB2_26-.Ltmp16, $4  }
0x1ba: {  	v20 =	vmov s0;
	s0 =	smov.u32 s12;
	[tilespmem:v19+s21+$0x0] =	vst.idx.add.f32.msk vm0, v17  }
0x1bb: {  	v17 =	vld.idx.msk [tilespmem:v18+s22+$0x0], $0xffff;
	v18 =	vshll.u32 v20, $0x7  }
0x1bc: {  	v19 =	vor.u32 v11, v18  }
0x1bd: {  	s12 =	sadd.s32 $0x1, s12;
	v18 =	vor.u32 s0, v16  }
0x1be: {  	_ =	sdelay $0x3  }
0x1bf: {  	v16 =	vmov s0  }
0x1c0: {  	v16 =	vshll.u32 v16, $0x7;
	[tilespmem:v19+s21+$0x0] =	vst.idx.add.f32.msk vm0, v17  }
0x1c1: {  	v16 =	vor.u32 v11, v16;
	v17 =	vld.idx.msk [tilespmem:v18+s22+$0x0], $0xffff;
	_ =	sdelay $0x4  }
0x1c2: {  	[tilespmem:v16+s21+$0x0] =	vst.idx.add.f32.msk vm0, v17  }
.LBB2_28:
0x1c3: {  	v16 =	vld [tilespmem:s8+$0x60];
	_ =	sdelay $0x4  }
0x1c4: {  	vm0 =	vlt.s32 v16, $0x4  }
0x1c5: {  	v17 =	vmpcnt.ones.xlane vm0;
	_ =	sdelay $0x1  }
0x1c6: {  	(v2sf) =	vpush v17, $0x0;
	_ =	sdelay $0xe  }
0x1c7: {  	s0 =	spop (v2sf)  }
0x1c8: {  	p0 =	slt.s32 s0, $0x1  }
.Ltmp17:
0x1c9: {  	_ = 	snop;
	(pc) =	sbr.rel @p0 .LBB2_32-.Ltmp17, $1  }
0x1ca: {  	_ =	sdelay $0x3  }
0x1cb: {  	v16 =	vshll.u32 v16, $0x6  }
0x1cc: {  	s0 =	simm.s32 $0x0;
	v16 =	vnsel vm0, $0x0, v16  }
0x1cd: {  	v17 =	vor.u32 s0, v16;
	_ =	sdelay $0x2  }
0x1ce: {  	v18 =	vmov s0  }
0x1cf: {  	v18 =	vshll.u32 v18, $0x7  }
0x1d0: {  	s0 =	simm.s32 $0x1;
	v19 =	vor.u32 v13, v18;
	v17 =	vld.idx.msk [tilespmem:v17+s22+$0x0], $0xffff  }
0x1d1: {  	s12 =	simm.s32 $0x2;
	v18 =	vor.u32 s0, v16  }
.LBB2_30:
0x1d2: {  	p0 =	sne.s32 s12, $0x3F;
	_ =	sdelay $0x1  }
.Ltmp18:
0x1d3: {  	(pc) =	sbr.rel @p0 .LBB2_30-.Ltmp18, $4  }
0x1d4: {  	v20 =	vmov s0;
	s0 =	smov.u32 s12;
	[tilespmem:v19+s21+$0x0] =	vst.idx.add.f32.msk vm0, v17  }
0x1d5: {  	v17 =	vld.idx.msk [tilespmem:v18+s22+$0x0], $0xffff;
	v18 =	vshll.u32 v20, $0x7  }
0x1d6: {  	v19 =	vor.u32 v13, v18  }
0x1d7: {  	s12 =	sadd.s32 $0x1, s12;
	v18 =	vor.u32 s0, v16  }
0x1d8: {  	_ =	sdelay $0x3  }
0x1d9: {  	v16 =	vmov s0  }
0x1da: {  	v16 =	vshll.u32 v16, $0x7;
	[tilespmem:v19+s21+$0x0] =	vst.idx.add.f32.msk vm0, v17  }
0x1db: {  	v16 =	vor.u32 v13, v16;
	v17 =	vld.idx.msk [tilespmem:v18+s22+$0x0], $0xffff;
	_ =	sdelay $0x4  }
0x1dc: {  	[tilespmem:v16+s21+$0x0] =	vst.idx.add.f32.msk vm0, v17  }
.LBB2_32:
0x1dd: {  	v16 =	vld [tilespmem:s8+$0x70];
	_ =	sdelay $0x4  }
0x1de: {  	vm0 =	vlt.s32 v16, $0x4  }
0x1df: {  	v17 =	vmpcnt.ones.xlane vm0;
	_ =	sdelay $0x1  }
0x1e0: {  	(v2sf) =	vpush v17, $0x0;
	_ =	sdelay $0xe  }
0x1e1: {  	s0 =	spop (v2sf)  }
0x1e2: {  	p0 =	slt.s32 s0, $0x1  }
.Ltmp19:
0x1e3: {  	_ = 	snop;
	(pc) =	sbr.rel @p0 .LBB2_36-.Ltmp19, $1  }
0x1e4: {  	_ =	sdelay $0x3  }
0x1e5: {  	v16 =	vshll.u32 v16, $0x6  }
0x1e6: {  	s0 =	simm.s32 $0x0;
	v16 =	vnsel vm0, $0x0, v16  }
0x1e7: {  	v17 =	vor.u32 s0, v16;
	_ =	sdelay $0x2  }
0x1e8: {  	v18 =	vmov s0  }
0x1e9: {  	v18 =	vshll.u32 v18, $0x7  }
0x1ea: {  	s0 =	simm.s32 $0x1;
	v19 =	vor.u32 v15, v18;
	v17 =	vld.idx.msk [tilespmem:v17+s22+$0x0], $0xffff  }
0x1eb: {  	s12 =	simm.s32 $0x2;
	v18 =	vor.u32 s0, v16  }
.LBB2_34:
0x1ec: {  	p0 =	sne.s32 s12, $0x3F;
	_ =	sdelay $0x1  }
.Ltmp20:
0x1ed: {  	(pc) =	sbr.rel @p0 .LBB2_34-.Ltmp20, $4  }
0x1ee: {  	v20 =	vmov s0;
	s0 =	smov.u32 s12;
	[tilespmem:v19+s21+$0x0] =	vst.idx.add.f32.msk vm0, v17  }
0x1ef: {  	v17 =	vld.idx.msk [tilespmem:v18+s22+$0x0], $0xffff;
	v18 =	vshll.u32 v20, $0x7  }
0x1f0: {  	v19 =	vor.u32 v15, v18  }
0x1f1: {  	s12 =	sadd.s32 $0x1, s12;
	v18 =	vor.u32 s0, v16  }
0x1f2: {  	_ =	sdelay $0x3  }
0x1f3: {  	v16 =	vmov s0  }
0x1f4: {  	v16 =	vshll.u32 v16, $0x7;
	[tilespmem:v19+s21+$0x0] =	vst.idx.add.f32.msk vm0, v17  }
0x1f5: {  	v16 =	vor.u32 v15, v16;
	v17 =	vld.idx.msk [tilespmem:v18+s22+$0x0], $0xffff;
	_ =	sdelay $0x4  }
0x1f6: {  	[tilespmem:v16+s21+$0x0] =	vst.idx.add.f32.msk vm0, v17  }
.LBB2_36:
0x1f7: {  	s0 =	sadd.s32 s7, s1  }
0x1f8: {  	s9 =	sshll.u32 s0, $0x7  }
0x1f9: {  	s0 =	sshll.u32 s0, $0xA;
	s9 =	sand.u32 $0xE00, s9  }
0x1fa: {  	s0 =	sand.u32 $0xFFF8000, s0;
	s9 =	sadd.s32 s2, s9  }
0x1fb: {  	p0 =	seq.s32 s3, $0x31;
	s0 =	sadd.s32 s0, s9  }
0x1fc: {  	[hbm4b:s0+s23] =	stream.strided.scatter [tilespmem:s21], [sflag:$0x5], $0x2000, s24, s23, $0x38;
	[tilespmem:$0x16800] =	vst v63  }
0x1fd: {  	s0 =	simm.s32 @!p0 $0x5  }
0x1fe: {  	_ =	swait.ge @!p0 [sflag:s0], $0x2000  }
0x1ff: {  	[sflag:s0] =	ssyncset.done @!p0 $0x0  }
0x200: {  	[sflag:s0] =	ssyncadd.s32 @!p0 $0xFFFFE000  }
0x201: {  	v16 =	vld @!p0 [tilespmem:s8+$0x200];
	_ =	sdelay $0x4  }
0x202: {  	vm0 =	vgt.s32 @!p0 v16, $0x4  }
0x203: {  	v16 =	vnsel @!p0 vm0, $0x4, v16  }
0x204: {  	v16 =	vadd.s32 @!p0 $0xFFFFFFFC, v16  }
0x205: {  	[tilespmem:$0x6400] =	vst @!p0 v16  }
0x206: {  	v16 =	vld @!p0 [tilespmem:s8+$0x210];
	_ =	sdelay $0x4  }
0x207: {  	vm0 =	vgt.s32 @!p0 v16, $0x4  }
0x208: {  	v16 =	vnsel @!p0 vm0, $0x4, v16  }
0x209: {  	v16 =	vadd.s32 @!p0 $0xFFFFFFFC, v16  }
0x20a: {  	[tilespmem:$0x6410] =	vst @!p0 v16  }
0x20b: {  	v16 =	vld @!p0 [tilespmem:s8+$0x220];
	_ =	sdelay $0x4  }
0x20c: {  	vm0 =	vgt.s32 @!p0 v16, $0x4  }
0x20d: {  	v16 =	vnsel @!p0 vm0, $0x4, v16  }
0x20e: {  	v16 =	vadd.s32 @!p0 $0xFFFFFFFC, v16  }
0x20f: {  	[tilespmem:$0x6420] =	vst @!p0 v16  }
0x210: {  	v16 =	vld @!p0 [tilespmem:s8+$0x230];
	_ =	sdelay $0x4  }
0x211: {  	vm0 =	vgt.s32 @!p0 v16, $0x4  }
0x212: {  	v16 =	vnsel @!p0 vm0, $0x4, v16  }
0x213: {  	v16 =	vadd.s32 @!p0 $0xFFFFFFFC, v16  }
0x214: {  	[tilespmem:$0x6430] =	vst @!p0 v16  }
0x215: {  	v16 =	vld @!p0 [tilespmem:s8+$0x240];
	_ =	sdelay $0x4  }
0x216: {  	vm0 =	vgt.s32 @!p0 v16, $0x4  }
0x217: {  	v16 =	vnsel @!p0 vm0, $0x4, v16  }
0x218: {  	v16 =	vadd.s32 @!p0 $0xFFFFFFFC, v16  }
0x219: {  	[tilespmem:$0x6440] =	vst @!p0 v16  }
0x21a: {  	v16 =	vld @!p0 [tilespmem:s8+$0x250];
	_ =	sdelay $0x4  }
0x21b: {  	vm0 =	vgt.s32 @!p0 v16, $0x4  }
0x21c: {  	v16 =	vnsel @!p0 vm0, $0x4, v16  }
0x21d: {  	v16 =	vadd.s32 @!p0 $0xFFFFFFFC, v16  }
0x21e: {  	[tilespmem:$0x6450] =	vst @!p0 v16  }
0x21f: {  	v16 =	vld @!p0 [tilespmem:s8+$0x260];
	_ =	sdelay $0x4  }
0x220: {  	vm0 =	vgt.s32 @!p0 v16, $0x4  }
0x221: {  	v16 =	vnsel @!p0 vm0, $0x4, v16  }
0x222: {  	v16 =	vadd.s32 @!p0 $0xFFFFFFFC, v16  }
0x223: {  	[tilespmem:$0x6460] =	vst @!p0 v16  }
0x224: {  	v16 =	vld @!p0 [tilespmem:s8+$0x270];
	_ =	sdelay $0x4  }
0x225: {  	vm0 =	vgt.s32 @!p0 v16, $0x4  }
0x226: {  	s12 =	simm.s32 $0x0;
	v16 =	vnsel @!p0 vm0, $0x4, v16  }
0x227: {  	v17 =	vadd.s32 s12, v0;
	v16 =	vadd.s32 @!p0 $0xFFFFFFFC, v16  }
0x228: {  	s12 =	simm.s32 @!p0 $0x6600;
	s9 =	simm.s32 @!p0 $0x6400;
	s0 =	simm.s32 @!p0 $0x80;
	[tilespmem:$0x6470] =	vst @!p0 v16;
	v16 =	vand.u32 $0x3F, v17  }
0x229: {  	[tilespmem:s12], [sflag:$0x1] =	stream.indirect.gather @!p0 [hbm4b:s4+s0], $0x40, s9, s0, $0xb8;
	v18 =	vor.u32 v1, v16;
	[tilespmem:$0x16800] =	vst v63  }
0x22a: {  	_ =	swait.ge [sflag:s25], $0x2000  }
0x22b: {  	[sflag:s25] =	ssyncset.done $0x0  }
0x22c: {  	[sflag:s25] =	ssyncadd.s32 $0xFFFFE000  }
0x22d: {  	v20 =	vld.idx.msk [tilespmem:v16+s10+$0x0], $0xffff  }
0x22e: {  	v17 =	vshll.u32 v17, $0x7;
	v18 =	vld.idx.msk [tilespmem:v18+s15+$0x0], $0xffff  }
0x22f: {  	v17 =	vand.u32 $0x1F80, v17  }
0x230: {  	v19 =	vor.u32 v0, v17  }
0x231: {  	v21 =	vor.u32 v2, v16;
	_ =	sdelay $0x1  }
0x232: {  	v18 =	vadd.f32 v18, v20;
	_ =	sdelay $0x1  }
0x233: {  	[tilespmem:v19+s26+$0x0] =	vst.idx.msk $0xffff, v18  }
0x234: {  	v18 =	vld.idx.msk [tilespmem:v21+s15+$0x0], $0xffff;
	_ =	sdelay $0x1  }
0x235: {  	v19 =	vor.u32 v3, v17  }
0x236: {  	v21 =	vor.u32 v4, v16;
	_ =	sdelay $0x1  }
0x237: {  	v18 =	vadd.f32 v18, v20;
	_ =	sdelay $0x1  }
0x238: {  	[tilespmem:v19+s26+$0x0] =	vst.idx.msk $0xffff, v18  }
0x239: {  	v18 =	vld.idx.msk [tilespmem:v21+s15+$0x0], $0xffff;
	_ =	sdelay $0x1  }
0x23a: {  	v19 =	vor.u32 v5, v17  }
0x23b: {  	v21 =	vor.u32 v6, v16;
	_ =	sdelay $0x1  }
0x23c: {  	v18 =	vadd.f32 v18, v20;
	_ =	sdelay $0x1  }
0x23d: {  	[tilespmem:v19+s26+$0x0] =	vst.idx.msk $0xffff, v18  }
0x23e: {  	v18 =	vld.idx.msk [tilespmem:v21+s15+$0x0], $0xffff;
	_ =	sdelay $0x1  }
0x23f: {  	v19 =	vor.u32 v7, v17  }
0x240: {  	v21 =	vor.u32 v8, v16;
	_ =	sdelay $0x1  }
0x241: {  	v18 =	vadd.f32 v18, v20;
	_ =	sdelay $0x1  }
0x242: {  	[tilespmem:v19+s26+$0x0] =	vst.idx.msk $0xffff, v18  }
0x243: {  	v18 =	vld.idx.msk [tilespmem:v21+s15+$0x0], $0xffff;
	_ =	sdelay $0x1  }
0x244: {  	v19 =	vor.u32 v9, v17  }
0x245: {  	v21 =	vor.u32 v10, v16;
	_ =	sdelay $0x1  }
0x246: {  	v18 =	vadd.f32 v18, v20;
	_ =	sdelay $0x1  }
0x247: {  	[tilespmem:v19+s26+$0x0] =	vst.idx.msk $0xffff, v18  }
0x248: {  	v18 =	vld.idx.msk [tilespmem:v21+s15+$0x0], $0xffff;
	_ =	sdelay $0x1  }
0x249: {  	v19 =	vor.u32 v11, v17  }
0x24a: {  	v21 =	vor.u32 v12, v16;
	_ =	sdelay $0x1  }
0x24b: {  	v18 =	vadd.f32 v18, v20;
	_ =	sdelay $0x1  }
0x24c: {  	[tilespmem:v19+s26+$0x0] =	vst.idx.msk $0xffff, v18  }
0x24d: {  	v18 =	vld.idx.msk [tilespmem:v21+s15+$0x0], $0xffff;
	_ =	sdelay $0x1  }
0x24e: {  	v19 =	vor.u32 v13, v17  }
0x24f: {  	v16 =	vor.u32 v14, v16;
	_ =	sdelay $0x1  }
0x250: {  	v18 =	vadd.f32 v18, v20;
	_ =	sdelay $0x1  }
0x251: {  	[tilespmem:v19+s26+$0x0] =	vst.idx.msk $0xffff, v18  }
0x252: {  	v21 =	vld.idx.msk [tilespmem:v16+s15+$0x0], $0xffff  }
0x253: {  	s14 =	simm.s32 $0x1  }
0x254: {  	v18 =	vor.u32 v15, v17;
	v16 =	vadd.s32 s14, v0  }
0x255: {  	v17 =	vand.u32 $0x3F, v16  }
0x256: {  	v16 =	vshll.u32 v16, $0x7;
	v19 =	vor.u32 v1, v17  }
0x257: {  	s0 =	sor.u32 $0x1, s1;
	s12 =	simm.s32 $0x2;
	v16 =	vand.u32 $0x1F80, v16;
	v20 =	vadd.f32 v21, v20  }
.LBB2_37:
0x258: {  	_ = 	snop  }
0x259: {  	p1 =	sne.s32 s12, $0x3F;
	s14 =	smov.u32 s12;
	s12 =	sadd.s32 $0x1, s12;
	[tilespmem:v18+s26+$0x0] =	vst.idx.msk $0xffff, v20  }
0x25a: {  	v20 =	vld.idx.msk [tilespmem:v17+s10+$0x0], $0xffff  }
0x25b: {  	v18 =	vld.idx.msk [tilespmem:v19+s15+$0x0], $0xffff;
	_ =	sdelay $0x2  }
0x25c: {  	v19 =	vor.u32 v0, v16  }
0x25d: {  	v21 =	vor.u32 v2, v17;
	_ =	sdelay $0x1  }
0x25e: {  	v18 =	vadd.f32 v18, v20;
	_ =	sdelay $0x1  }
0x25f: {  	[tilespmem:v19+s26+$0x0] =	vst.idx.msk $0xffff, v18  }
0x260: {  	v18 =	vld.idx.msk [tilespmem:v21+s15+$0x0], $0xffff;
	_ =	sdelay $0x2  }
0x261: {  	v19 =	vor.u32 v3, v16  }
0x262: {  	v21 =	vor.u32 v4, v17;
	_ =	sdelay $0x1  }
0x263: {  	v18 =	vadd.f32 v18, v20;
	_ =	sdelay $0x1  }
0x264: {  	[tilespmem:v19+s26+$0x0] =	vst.idx.msk $0xffff, v18  }
0x265: {  	v18 =	vld.idx.msk [tilespmem:v21+s15+$0x0], $0xffff;
	_ =	sdelay $0x2  }
0x266: {  	v19 =	vor.u32 v5, v16  }
0x267: {  	v21 =	vor.u32 v6, v17;
	_ =	sdelay $0x1  }
0x268: {  	v18 =	vadd.f32 v18, v20;
	_ =	sdelay $0x1  }
0x269: {  	[tilespmem:v19+s26+$0x0] =	vst.idx.msk $0xffff, v18  }
0x26a: {  	v18 =	vld.idx.msk [tilespmem:v21+s15+$0x0], $0xffff;
	_ =	sdelay $0x2  }
0x26b: {  	v19 =	vor.u32 v7, v16  }
0x26c: {  	v21 =	vor.u32 v8, v17;
	_ =	sdelay $0x1  }
0x26d: {  	v18 =	vadd.f32 v18, v20;
	_ =	sdelay $0x1  }
0x26e: {  	[tilespmem:v19+s26+$0x0] =	vst.idx.msk $0xffff, v18  }
0x26f: {  	v18 =	vld.idx.msk [tilespmem:v21+s15+$0x0], $0xffff;
	_ =	sdelay $0x2  }
0x270: {  	v19 =	vor.u32 v9, v16  }
0x271: {  	v21 =	vor.u32 v10, v17;
	_ =	sdelay $0x1  }
0x272: {  	v18 =	vadd.f32 v18, v20;
	_ =	sdelay $0x1  }
0x273: {  	[tilespmem:v19+s26+$0x0] =	vst.idx.msk $0xffff, v18  }
0x274: {  	v18 =	vld.idx.msk [tilespmem:v21+s15+$0x0], $0xffff;
	_ =	sdelay $0x2  }
0x275: {  	v19 =	vor.u32 v11, v16  }
0x276: {  	v21 =	vor.u32 v12, v17;
	_ =	sdelay $0x1  }
0x277: {  	v18 =	vadd.f32 v18, v20;
	_ =	sdelay $0x1  }
0x278: {  	[tilespmem:v19+s26+$0x0] =	vst.idx.msk $0xffff, v18  }
0x279: {  	v18 =	vld.idx.msk [tilespmem:v21+s15+$0x0], $0xffff;
	_ =	sdelay $0x2  }
0x27a: {  	v19 =	vor.u32 v13, v16  }
0x27b: {  	v17 =	vor.u32 v14, v17;
	_ =	sdelay $0x1  }
0x27c: {  	v18 =	vadd.f32 v18, v20;
	_ =	sdelay $0x1  }
0x27d: {  	[tilespmem:v19+s26+$0x0] =	vst.idx.msk $0xffff, v18  }
0x27e: {  	v21 =	vld.idx.msk [tilespmem:v17+s15+$0x0], $0xffff;
	_ =	sdelay $0x1  }
.Ltmp21:
0x27f: {  	(pc) =	sbr.rel @p1 .LBB2_37-.Ltmp21, $4  }
0x280: {  	v19 =	vadd.s32 s14, v0;
	v18 =	vor.u32 v15, v16  }
0x281: {  	v17 =	vand.u32 $0x3F, v19;
	v16 =	vshll.u32 v19, $0x7  }
0x282: {  	v19 =	vor.u32 v1, v17;
	v16 =	vand.u32 $0x1F80, v16  }
0x283: {  	v20 =	vadd.f32 v21, v20  }
0x284: {  	_ =	sdelay $0x3  }
0x285: {  	[tilespmem:v18+s26+$0x0] =	vst.idx.msk $0xffff, v20  }
0x286: {  	v18 =	vld.idx.msk [tilespmem:v17+s10+$0x0], $0xffff  }
0x287: {  	v19 =	vld.idx.msk [tilespmem:v19+s15+$0x0], $0xffff;
	_ =	sdelay $0x1  }
0x288: {  	v52 =	vor.u32 v0, v16  }
0x289: {  	v21 =	vor.u32 v2, v17;
	_ =	sdelay $0x1  }
0x28a: {  	v19 =	vadd.f32 v19, v18;
	_ =	sdelay $0x1  }
0x28b: {  	[tilespmem:v52+s26+$0x0] =	vst.idx.msk $0xffff, v19  }
0x28c: {  	v19 =	vld.idx.msk [tilespmem:v21+s15+$0x0], $0xffff;
	_ =	sdelay $0x1  }
0x28d: {  	v53 =	vor.u32 v3, v16  }
0x28e: {  	v54 =	vor.u32 v4, v17;
	_ =	sdelay $0x1  }
0x28f: {  	v19 =	vadd.f32 v19, v18;
	_ =	sdelay $0x1  }
0x290: {  	[tilespmem:v53+s26+$0x0] =	vst.idx.msk $0xffff, v19  }
0x291: {  	v19 =	vld.idx.msk [tilespmem:v54+s15+$0x0], $0xffff;
	_ =	sdelay $0x1  }
0x292: {  	v55 =	vor.u32 v5, v16  }
0x293: {  	v56 =	vor.u32 v6, v17;
	_ =	sdelay $0x1  }
0x294: {  	v19 =	vadd.f32 v19, v18;
	_ =	sdelay $0x1  }
0x295: {  	[tilespmem:v55+s26+$0x0] =	vst.idx.msk $0xffff, v19  }
0x296: {  	v19 =	vld.idx.msk [tilespmem:v56+s15+$0x0], $0xffff;
	_ =	sdelay $0x1  }
0x297: {  	v57 =	vor.u32 v7, v16  }
0x298: {  	v58 =	vor.u32 v8, v17;
	_ =	sdelay $0x1  }
0x299: {  	v19 =	vadd.f32 v19, v18;
	_ =	sdelay $0x1  }
0x29a: {  	[tilespmem:v57+s26+$0x0] =	vst.idx.msk $0xffff, v19  }
0x29b: {  	v19 =	vld.idx.msk [tilespmem:v58+s15+$0x0], $0xffff;
	_ =	sdelay $0x1  }
0x29c: {  	v59 =	vor.u32 v9, v16  }
0x29d: {  	v60 =	vor.u32 v10, v17;
	_ =	sdelay $0x1  }
0x29e: {  	v19 =	vadd.f32 v19, v18;
	_ =	sdelay $0x1  }
0x29f: {  	[tilespmem:v59+s26+$0x0] =	vst.idx.msk $0xffff, v19  }
0x2a0: {  	v19 =	vld.idx.msk [tilespmem:v60+s15+$0x0], $0xffff;
	_ =	sdelay $0x1  }
0x2a1: {  	v61 =	vor.u32 v11, v16  }
0x2a2: {  	v62 =	vor.u32 v12, v17;
	_ =	sdelay $0x1  }
0x2a3: {  	v19 =	vadd.f32 v19, v18;
	_ =	sdelay $0x1  }
0x2a4: {  	[tilespmem:v61+s26+$0x0] =	vst.idx.msk $0xffff, v19  }
0x2a5: {  	v19 =	vld.idx.msk [tilespmem:v62+s15+$0x0], $0xffff;
	_ =	sdelay $0x1  }
0x2a6: {  	v63 =	vor.u32 v13, v16  }
0x2a7: {  	v17 =	vor.u32 v14, v17;
	_ =	sdelay $0x1  }
0x2a8: {  	v19 =	vadd.f32 v19, v18;
	_ =	sdelay $0x1  }
0x2a9: {  	[tilespmem:v63+s26+$0x0] =	vst.idx.msk $0xffff, v19  }
0x2aa: {  	v17 =	vld.idx.msk [tilespmem:v17+s15+$0x0], $0xffff;
	_ =	sdelay $0x1  }
0x2ab: {  	v16 =	vor.u32 v15, v16;
	_ =	sdelay $0x2  }
0x2ac: {  	v17 =	vadd.f32 v17, v18  }
0x2ad: {  	s9 =	sshll.u32 s0, $0x7  }
0x2ae: {  	s12 =	sand.u32 $0x3FFFFF80, s9;
	[tilespmem:v16+s26+$0x0] =	vst.idx.msk $0xffff, v17  }
0x2af: {  	v16 =	vld [tilespmem:s12+$0x0];
	_ =	sdelay $0x4  }
0x2b0: {  	vm0 =	vlt.s32 v16, $0x4  }
0x2b1: {  	v17 =	vmpcnt.ones.xlane vm0;
	_ =	sdelay $0x1  }
0x2b2: {  	(v2sf) =	vpush v17, $0x0;
	_ =	sdelay $0xe  }
0x2b3: {  	s14 =	spop (v2sf)  }
0x2b4: {  	p1 =	slt.s32 s14, $0x1  }
.Ltmp22:
0x2b5: {  	_ = 	snop;
	(pc) =	sbr.rel @p1 .LBB2_42-.Ltmp22, $1  }
0x2b6: {  	_ =	sdelay $0x3  }
0x2b7: {  	v16 =	vshll.u32 v16, $0x6  }
0x2b8: {  	s9 =	simm.s32 $0x0;
	v16 =	vnsel vm0, $0x0, v16  }
0x2b9: {  	v17 =	vor.u32 s9, v16;
	_ =	sdelay $0x2  }
0x2ba: {  	v18 =	vmov s9  }
0x2bb: {  	v18 =	vshll.u32 v18, $0x7  }
0x2bc: {  	s14 =	simm.s32 $0x1;
	v19 =	vor.u32 v0, v18;
	v17 =	vld.idx.msk [tilespmem:v17+s22+$0x0], $0xffff  }
0x2bd: {  	s9 =	simm.s32 $0x2;
	v18 =	vor.u32 s14, v16  }
.LBB2_40:
0x2be: {  	p1 =	sne.s32 s9, $0x3F;
	_ =	sdelay $0x1  }
.Ltmp23:
0x2bf: {  	(pc) =	sbr.rel @p1 .LBB2_40-.Ltmp23, $4  }
0x2c0: {  	v20 =	vmov s14;
	s14 =	smov.u32 s9;
	[tilespmem:v19+s26+$0x0] =	vst.idx.add.f32.msk vm0, v17  }
0x2c1: {  	v17 =	vld.idx.msk [tilespmem:v18+s22+$0x0], $0xffff;
	v18 =	vshll.u32 v20, $0x7  }
0x2c2: {  	v19 =	vor.u32 v0, v18  }
0x2c3: {  	s9 =	sadd.s32 $0x1, s9;
	v18 =	vor.u32 s14, v16  }
0x2c4: {  	_ =	sdelay $0x3  }
0x2c5: {  	v16 =	vmov s14  }
0x2c6: {  	v16 =	vshll.u32 v16, $0x7;
	[tilespmem:v19+s26+$0x0] =	vst.idx.add.f32.msk vm0, v17  }
0x2c7: {  	v16 =	vor.u32 v0, v16;
	v17 =	vld.idx.msk [tilespmem:v18+s22+$0x0], $0xffff;
	_ =	sdelay $0x4  }
0x2c8: {  	[tilespmem:v16+s26+$0x0] =	vst.idx.add.f32.msk vm0, v17  }
.LBB2_42:
0x2c9: {  	v16 =	vld [tilespmem:s12+$0x10];
	_ =	sdelay $0x4  }
0x2ca: {  	vm0 =	vlt.s32 v16, $0x4  }
0x2cb: {  	v17 =	vmpcnt.ones.xlane vm0;
	_ =	sdelay $0x1  }
0x2cc: {  	(v2sf) =	vpush v17, $0x0;
	_ =	sdelay $0xe  }
0x2cd: {  	s9 =	spop (v2sf)  }
0x2ce: {  	p1 =	slt.s32 s9, $0x1  }
.Ltmp24:
0x2cf: {  	_ = 	snop;
	(pc) =	sbr.rel @p1 .LBB2_46-.Ltmp24, $1  }
0x2d0: {  	_ =	sdelay $0x3  }
0x2d1: {  	v16 =	vshll.u32 v16, $0x6  }
0x2d2: {  	s9 =	simm.s32 $0x0;
	v16 =	vnsel vm0, $0x0, v16  }
0x2d3: {  	v17 =	vor.u32 s9, v16;
	_ =	sdelay $0x2  }
0x2d4: {  	v18 =	vmov s9  }
0x2d5: {  	v18 =	vshll.u32 v18, $0x7  }
0x2d6: {  	s14 =	simm.s32 $0x1;
	v19 =	vor.u32 v3, v18;
	v17 =	vld.idx.msk [tilespmem:v17+s22+$0x0], $0xffff  }
0x2d7: {  	s9 =	simm.s32 $0x2;
	v18 =	vor.u32 s14, v16  }
.LBB2_44:
0x2d8: {  	p1 =	sne.s32 s9, $0x3F;
	_ =	sdelay $0x1  }
.Ltmp25:
0x2d9: {  	(pc) =	sbr.rel @p1 .LBB2_44-.Ltmp25, $4  }
0x2da: {  	v20 =	vmov s14;
	s14 =	smov.u32 s9;
	[tilespmem:v19+s26+$0x0] =	vst.idx.add.f32.msk vm0, v17  }
0x2db: {  	v17 =	vld.idx.msk [tilespmem:v18+s22+$0x0], $0xffff;
	v18 =	vshll.u32 v20, $0x7  }
0x2dc: {  	v19 =	vor.u32 v3, v18  }
0x2dd: {  	s9 =	sadd.s32 $0x1, s9;
	v18 =	vor.u32 s14, v16  }
0x2de: {  	_ =	sdelay $0x3  }
0x2df: {  	v16 =	vmov s14  }
0x2e0: {  	v16 =	vshll.u32 v16, $0x7;
	[tilespmem:v19+s26+$0x0] =	vst.idx.add.f32.msk vm0, v17  }
0x2e1: {  	v16 =	vor.u32 v3, v16;
	v17 =	vld.idx.msk [tilespmem:v18+s22+$0x0], $0xffff;
	_ =	sdelay $0x4  }
0x2e2: {  	[tilespmem:v16+s26+$0x0] =	vst.idx.add.f32.msk vm0, v17  }
.LBB2_46:
0x2e3: {  	v16 =	vld [tilespmem:s12+$0x20];
	_ =	sdelay $0x4  }
0x2e4: {  	vm0 =	vlt.s32 v16, $0x4  }
0x2e5: {  	v17 =	vmpcnt.ones.xlane vm0;
	_ =	sdelay $0x1  }
0x2e6: {  	(v2sf) =	vpush v17, $0x0;
	_ =	sdelay $0xe  }
0x2e7: {  	s9 =	spop (v2sf)  }
0x2e8: {  	p1 =	slt.s32 s9, $0x1  }
.Ltmp26:
0x2e9: {  	_ = 	snop;
	(pc) =	sbr.rel @p1 .LBB2_50-.Ltmp26, $1  }
0x2ea: {  	_ =	sdelay $0x3  }
0x2eb: {  	v16 =	vshll.u32 v16, $0x6  }
0x2ec: {  	s9 =	simm.s32 $0x0;
	v16 =	vnsel vm0, $0x0, v16  }
0x2ed: {  	v17 =	vor.u32 s9, v16;
	_ =	sdelay $0x2  }
0x2ee: {  	v18 =	vmov s9  }
0x2ef: {  	v18 =	vshll.u32 v18, $0x7  }
0x2f0: {  	s14 =	simm.s32 $0x1;
	v19 =	vor.u32 v5, v18;
	v17 =	vld.idx.msk [tilespmem:v17+s22+$0x0], $0xffff  }
0x2f1: {  	s9 =	simm.s32 $0x2;
	v18 =	vor.u32 s14, v16  }
.LBB2_48:
0x2f2: {  	p1 =	sne.s32 s9, $0x3F;
	_ =	sdelay $0x1  }
.Ltmp27:
0x2f3: {  	(pc) =	sbr.rel @p1 .LBB2_48-.Ltmp27, $4  }
0x2f4: {  	v20 =	vmov s14;
	s14 =	smov.u32 s9;
	[tilespmem:v19+s26+$0x0] =	vst.idx.add.f32.msk vm0, v17  }
0x2f5: {  	v17 =	vld.idx.msk [tilespmem:v18+s22+$0x0], $0xffff;
	v18 =	vshll.u32 v20, $0x7  }
0x2f6: {  	v19 =	vor.u32 v5, v18  }
0x2f7: {  	s9 =	sadd.s32 $0x1, s9;
	v18 =	vor.u32 s14, v16  }
0x2f8: {  	_ =	sdelay $0x3  }
0x2f9: {  	v16 =	vmov s14  }
0x2fa: {  	v16 =	vshll.u32 v16, $0x7;
	[tilespmem:v19+s26+$0x0] =	vst.idx.add.f32.msk vm0, v17  }
0x2fb: {  	v16 =	vor.u32 v5, v16;
	v17 =	vld.idx.msk [tilespmem:v18+s22+$0x0], $0xffff;
	_ =	sdelay $0x4  }
0x2fc: {  	[tilespmem:v16+s26+$0x0] =	vst.idx.add.f32.msk vm0, v17  }
.LBB2_50:
0x2fd: {  	v16 =	vld [tilespmem:s12+$0x30];
	_ =	sdelay $0x4  }
0x2fe: {  	vm0 =	vlt.s32 v16, $0x4  }
0x2ff: {  	v17 =	vmpcnt.ones.xlane vm0;
	_ =	sdelay $0x1  }
0x300: {  	(v2sf) =	vpush v17, $0x0;
	_ =	sdelay $0xe  }
0x301: {  	s9 =	spop (v2sf)  }
0x302: {  	p1 =	slt.s32 s9, $0x1  }
.Ltmp28:
0x303: {  	_ = 	snop;
	(pc) =	sbr.rel @p1 .LBB2_54-.Ltmp28, $1  }
0x304: {  	_ =	sdelay $0x3  }
0x305: {  	v16 =	vshll.u32 v16, $0x6  }
0x306: {  	s9 =	simm.s32 $0x0;
	v16 =	vnsel vm0, $0x0, v16  }
0x307: {  	v17 =	vor.u32 s9, v16;
	_ =	sdelay $0x2  }
0x308: {  	v18 =	vmov s9  }
0x309: {  	v18 =	vshll.u32 v18, $0x7  }
0x30a: {  	s14 =	simm.s32 $0x1;
	v19 =	vor.u32 v7, v18;
	v17 =	vld.idx.msk [tilespmem:v17+s22+$0x0], $0xffff  }
0x30b: {  	s9 =	simm.s32 $0x2;
	v18 =	vor.u32 s14, v16  }
.LBB2_52:
0x30c: {  	p1 =	sne.s32 s9, $0x3F;
	_ =	sdelay $0x1  }
.Ltmp29:
0x30d: {  	(pc) =	sbr.rel @p1 .LBB2_52-.Ltmp29, $4  }
0x30e: {  	v20 =	vmov s14;
	s14 =	smov.u32 s9;
	[tilespmem:v19+s26+$0x0] =	vst.idx.add.f32.msk vm0, v17  }
0x30f: {  	v17 =	vld.idx.msk [tilespmem:v18+s22+$0x0], $0xffff;
	v18 =	vshll.u32 v20, $0x7  }
0x310: {  	v19 =	vor.u32 v7, v18  }
0x311: {  	s9 =	sadd.s32 $0x1, s9;
	v18 =	vor.u32 s14, v16  }
0x312: {  	_ =	sdelay $0x3  }
0x313: {  	v16 =	vmov s14  }
0x314: {  	v16 =	vshll.u32 v16, $0x7;
	[tilespmem:v19+s26+$0x0] =	vst.idx.add.f32.msk vm0, v17  }
0x315: {  	v16 =	vor.u32 v7, v16;
	v17 =	vld.idx.msk [tilespmem:v18+s22+$0x0], $0xffff;
	_ =	sdelay $0x4  }
0x316: {  	[tilespmem:v16+s26+$0x0] =	vst.idx.add.f32.msk vm0, v17  }
.LBB2_54:
0x317: {  	v16 =	vld [tilespmem:s12+$0x40];
	_ =	sdelay $0x4  }
0x318: {  	vm0 =	vlt.s32 v16, $0x4  }
0x319: {  	v17 =	vmpcnt.ones.xlane vm0;
	_ =	sdelay $0x1  }
0x31a: {  	(v2sf) =	vpush v17, $0x0;
	_ =	sdelay $0xe  }
0x31b: {  	s9 =	spop (v2sf)  }
0x31c: {  	p1 =	slt.s32 s9, $0x1  }
.Ltmp30:
0x31d: {  	_ = 	snop;
	(pc) =	sbr.rel @p1 .LBB2_58-.Ltmp30, $1  }
0x31e: {  	_ =	sdelay $0x3  }
0x31f: {  	v16 =	vshll.u32 v16, $0x6  }
0x320: {  	s9 =	simm.s32 $0x0;
	v16 =	vnsel vm0, $0x0, v16  }
0x321: {  	v17 =	vor.u32 s9, v16;
	_ =	sdelay $0x2  }
0x322: {  	v18 =	vmov s9  }
0x323: {  	v18 =	vshll.u32 v18, $0x7  }
0x324: {  	s14 =	simm.s32 $0x1;
	v19 =	vor.u32 v9, v18;
	v17 =	vld.idx.msk [tilespmem:v17+s22+$0x0], $0xffff  }
0x325: {  	s9 =	simm.s32 $0x2;
	v18 =	vor.u32 s14, v16  }
.LBB2_56:
0x326: {  	p1 =	sne.s32 s9, $0x3F;
	_ =	sdelay $0x1  }
.Ltmp31:
0x327: {  	(pc) =	sbr.rel @p1 .LBB2_56-.Ltmp31, $4  }
0x328: {  	v20 =	vmov s14;
	s14 =	smov.u32 s9;
	[tilespmem:v19+s26+$0x0] =	vst.idx.add.f32.msk vm0, v17  }
0x329: {  	v17 =	vld.idx.msk [tilespmem:v18+s22+$0x0], $0xffff;
	v18 =	vshll.u32 v20, $0x7  }
0x32a: {  	v19 =	vor.u32 v9, v18  }
0x32b: {  	s9 =	sadd.s32 $0x1, s9;
	v18 =	vor.u32 s14, v16  }
0x32c: {  	_ =	sdelay $0x3  }
0x32d: {  	v16 =	vmov s14  }
0x32e: {  	v16 =	vshll.u32 v16, $0x7;
	[tilespmem:v19+s26+$0x0] =	vst.idx.add.f32.msk vm0, v17  }
0x32f: {  	v16 =	vor.u32 v9, v16;
	v17 =	vld.idx.msk [tilespmem:v18+s22+$0x0], $0xffff;
	_ =	sdelay $0x4  }
0x330: {  	[tilespmem:v16+s26+$0x0] =	vst.idx.add.f32.msk vm0, v17  }
.LBB2_58:
0x331: {  	v16 =	vld [tilespmem:s12+$0x50];
	_ =	sdelay $0x4  }
0x332: {  	vm0 =	vlt.s32 v16, $0x4  }
0x333: {  	v17 =	vmpcnt.ones.xlane vm0;
	_ =	sdelay $0x1  }
0x334: {  	(v2sf) =	vpush v17, $0x0;
	_ =	sdelay $0xe  }
0x335: {  	s9 =	spop (v2sf)  }
0x336: {  	p1 =	slt.s32 s9, $0x1  }
.Ltmp32:
0x337: {  	_ = 	snop;
	(pc) =	sbr.rel @p1 .LBB2_62-.Ltmp32, $1  }
0x338: {  	_ =	sdelay $0x3  }
0x339: {  	v16 =	vshll.u32 v16, $0x6  }
0x33a: {  	s9 =	simm.s32 $0x0;
	v16 =	vnsel vm0, $0x0, v16  }
0x33b: {  	v17 =	vor.u32 s9, v16;
	_ =	sdelay $0x2  }
0x33c: {  	v18 =	vmov s9  }
0x33d: {  	v18 =	vshll.u32 v18, $0x7  }
0x33e: {  	s14 =	simm.s32 $0x1;
	v19 =	vor.u32 v11, v18;
	v17 =	vld.idx.msk [tilespmem:v17+s22+$0x0], $0xffff  }
0x33f: {  	s9 =	simm.s32 $0x2;
	v18 =	vor.u32 s14, v16  }
.LBB2_60:
0x340: {  	p1 =	sne.s32 s9, $0x3F;
	_ =	sdelay $0x1  }
.Ltmp33:
0x341: {  	(pc) =	sbr.rel @p1 .LBB2_60-.Ltmp33, $4  }
0x342: {  	v20 =	vmov s14;
	s14 =	smov.u32 s9;
	[tilespmem:v19+s26+$0x0] =	vst.idx.add.f32.msk vm0, v17  }
0x343: {  	v17 =	vld.idx.msk [tilespmem:v18+s22+$0x0], $0xffff;
	v18 =	vshll.u32 v20, $0x7  }
0x344: {  	v19 =	vor.u32 v11, v18  }
0x345: {  	s9 =	sadd.s32 $0x1, s9;
	v18 =	vor.u32 s14, v16  }
0x346: {  	_ =	sdelay $0x3  }
0x347: {  	v16 =	vmov s14  }
0x348: {  	v16 =	vshll.u32 v16, $0x7;
	[tilespmem:v19+s26+$0x0] =	vst.idx.add.f32.msk vm0, v17  }
0x349: {  	v16 =	vor.u32 v11, v16;
	v17 =	vld.idx.msk [tilespmem:v18+s22+$0x0], $0xffff;
	_ =	sdelay $0x4  }
0x34a: {  	[tilespmem:v16+s26+$0x0] =	vst.idx.add.f32.msk vm0, v17  }
.LBB2_62:
0x34b: {  	v16 =	vld [tilespmem:s12+$0x60];
	_ =	sdelay $0x4  }
0x34c: {  	vm0 =	vlt.s32 v16, $0x4  }
0x34d: {  	v17 =	vmpcnt.ones.xlane vm0;
	_ =	sdelay $0x1  }
0x34e: {  	(v2sf) =	vpush v17, $0x0;
	_ =	sdelay $0xe  }
0x34f: {  	s9 =	spop (v2sf)  }
0x350: {  	p1 =	slt.s32 s9, $0x1  }
.Ltmp34:
0x351: {  	_ = 	snop;
	(pc) =	sbr.rel @p1 .LBB2_66-.Ltmp34, $1  }
0x352: {  	_ =	sdelay $0x3  }
0x353: {  	v16 =	vshll.u32 v16, $0x6  }
0x354: {  	s9 =	simm.s32 $0x0;
	v16 =	vnsel vm0, $0x0, v16  }
0x355: {  	v17 =	vor.u32 s9, v16;
	_ =	sdelay $0x2  }
0x356: {  	v18 =	vmov s9  }
0x357: {  	v18 =	vshll.u32 v18, $0x7  }
0x358: {  	s14 =	simm.s32 $0x1;
	v19 =	vor.u32 v13, v18;
	v17 =	vld.idx.msk [tilespmem:v17+s22+$0x0], $0xffff  }
0x359: {  	s9 =	simm.s32 $0x2;
	v18 =	vor.u32 s14, v16  }
.LBB2_64:
0x35a: {  	p1 =	sne.s32 s9, $0x3F;
	_ =	sdelay $0x1  }
.Ltmp35:
0x35b: {  	(pc) =	sbr.rel @p1 .LBB2_64-.Ltmp35, $4  }
0x35c: {  	v20 =	vmov s14;
	s14 =	smov.u32 s9;
	[tilespmem:v19+s26+$0x0] =	vst.idx.add.f32.msk vm0, v17  }
0x35d: {  	v17 =	vld.idx.msk [tilespmem:v18+s22+$0x0], $0xffff;
	v18 =	vshll.u32 v20, $0x7  }
0x35e: {  	v19 =	vor.u32 v13, v18  }
0x35f: {  	s9 =	sadd.s32 $0x1, s9;
	v18 =	vor.u32 s14, v16  }
0x360: {  	_ =	sdelay $0x3  }
0x361: {  	v16 =	vmov s14  }
0x362: {  	v16 =	vshll.u32 v16, $0x7;
	[tilespmem:v19+s26+$0x0] =	vst.idx.add.f32.msk vm0, v17  }
0x363: {  	v16 =	vor.u32 v13, v16;
	v17 =	vld.idx.msk [tilespmem:v18+s22+$0x0], $0xffff;
	_ =	sdelay $0x4  }
0x364: {  	[tilespmem:v16+s26+$0x0] =	vst.idx.add.f32.msk vm0, v17  }
.LBB2_66:
0x365: {  	v16 =	vld [tilespmem:s12+$0x70];
	_ =	sdelay $0x4  }
0x366: {  	vm0 =	vlt.s32 v16, $0x4  }
0x367: {  	v17 =	vmpcnt.ones.xlane vm0;
	_ =	sdelay $0x1  }
0x368: {  	(v2sf) =	vpush v17, $0x0;
	_ =	sdelay $0xe  }
0x369: {  	s9 =	spop (v2sf)  }
0x36a: {  	p1 =	slt.s32 s9, $0x1  }
.Ltmp36:
0x36b: {  	_ = 	snop;
	(pc) =	sbr.rel @p1 .LBB2_70-.Ltmp36, $1  }
0x36c: {  	_ =	sdelay $0x3  }
0x36d: {  	v16 =	vshll.u32 v16, $0x6  }
0x36e: {  	s9 =	simm.s32 $0x0;
	v16 =	vnsel vm0, $0x0, v16  }
0x36f: {  	v17 =	vor.u32 s9, v16;
	_ =	sdelay $0x2  }
0x370: {  	v18 =	vmov s9  }
0x371: {  	v18 =	vshll.u32 v18, $0x7  }
0x372: {  	s12 =	simm.s32 $0x1;
	v19 =	vor.u32 v15, v18;
	v17 =	vld.idx.msk [tilespmem:v17+s22+$0x0], $0xffff  }
0x373: {  	s9 =	simm.s32 $0x2;
	v18 =	vor.u32 s12, v16  }
.LBB2_68:
0x374: {  	p1 =	sne.s32 s9, $0x3F;
	_ =	sdelay $0x1  }
.Ltmp37:
0x375: {  	(pc) =	sbr.rel @p1 .LBB2_68-.Ltmp37, $4  }
0x376: {  	v20 =	vmov s12;
	s12 =	smov.u32 s9;
	[tilespmem:v19+s26+$0x0] =	vst.idx.add.f32.msk vm0, v17  }
0x377: {  	v17 =	vld.idx.msk [tilespmem:v18+s22+$0x0], $0xffff;
	v18 =	vshll.u32 v20, $0x7  }
0x378: {  	v19 =	vor.u32 v15, v18  }
0x379: {  	s9 =	sadd.s32 $0x1, s9;
	v18 =	vor.u32 s12, v16  }
0x37a: {  	_ =	sdelay $0x3  }
0x37b: {  	v16 =	vmov s12  }
0x37c: {  	v16 =	vshll.u32 v16, $0x7;
	[tilespmem:v19+s26+$0x0] =	vst.idx.add.f32.msk vm0, v17  }
0x37d: {  	v16 =	vor.u32 v15, v16;
	v17 =	vld.idx.msk [tilespmem:v18+s22+$0x0], $0xffff;
	_ =	sdelay $0x4  }
0x37e: {  	[tilespmem:v16+s26+$0x0] =	vst.idx.add.f32.msk vm0, v17  }
.LBB2_70:
0x37f: {  	s0 =	sadd.s32 s7, s0  }
0x380: {  	s9 =	sshll.u32 s0, $0x7  }
0x381: {  	s0 =	sshll.u32 s0, $0xA;
	s9 =	sand.u32 $0xE80, s9  }
0x382: {  	s0 =	sand.u32 $0xFFF8000, s0;
	s9 =	sadd.s32 s2, s9  }
0x383: {  	s0 =	sadd.s32 s0, s9  }
0x384: {  	[hbm4b:s0+s23] =	stream.strided.scatter [tilespmem:s26], [sflag:$0x6], $0x2000, s24, s23, $0x38;
	[tilespmem:$0x16800] =	vst v63  }
0x385: {  	s0 =	simm.s32 @!p0 $0x6  }
0x386: {  	_ =	swait.ge @!p0 [sflag:s0], $0x2000  }
0x387: {  	[sflag:s0] =	ssyncset.done @!p0 $0x0  }
0x388: {  	[sflag:s0] =	ssyncadd.s32 @!p0 $0xFFFFE000  }
0x389: {  	v16 =	vld @!p0 [tilespmem:s8+$0x280];
	_ =	sdelay $0x4  }
0x38a: {  	vm0 =	vgt.s32 @!p0 v16, $0x4  }
0x38b: {  	v16 =	vnsel @!p0 vm0, $0x4, v16  }
0x38c: {  	v16 =	vadd.s32 @!p0 $0xFFFFFFFC, v16  }
0x38d: {  	[tilespmem:$0x6480] =	vst @!p0 v16  }
0x38e: {  	v16 =	vld @!p0 [tilespmem:s8+$0x290];
	_ =	sdelay $0x4  }
0x38f: {  	vm0 =	vgt.s32 @!p0 v16, $0x4  }
0x390: {  	v16 =	vnsel @!p0 vm0, $0x4, v16  }
0x391: {  	v16 =	vadd.s32 @!p0 $0xFFFFFFFC, v16  }
0x392: {  	[tilespmem:$0x6490] =	vst @!p0 v16  }
0x393: {  	v16 =	vld @!p0 [tilespmem:s8+$0x2A0];
	_ =	sdelay $0x4  }
0x394: {  	vm0 =	vgt.s32 @!p0 v16, $0x4  }
0x395: {  	v16 =	vnsel @!p0 vm0, $0x4, v16  }
0x396: {  	v16 =	vadd.s32 @!p0 $0xFFFFFFFC, v16  }
0x397: {  	[tilespmem:$0x64A0] =	vst @!p0 v16  }
0x398: {  	v16 =	vld @!p0 [tilespmem:s8+$0x2B0];
	_ =	sdelay $0x4  }
0x399: {  	vm0 =	vgt.s32 @!p0 v16, $0x4  }
0x39a: {  	v16 =	vnsel @!p0 vm0, $0x4, v16  }
0x39b: {  	v16 =	vadd.s32 @!p0 $0xFFFFFFFC, v16  }
0x39c: {  	[tilespmem:$0x64B0] =	vst @!p0 v16  }
0x39d: {  	v16 =	vld @!p0 [tilespmem:s8+$0x2C0];
	_ =	sdelay $0x4  }
0x39e: {  	vm0 =	vgt.s32 @!p0 v16, $0x4  }
0x39f: {  	v16 =	vnsel @!p0 vm0, $0x4, v16  }
0x3a0: {  	v16 =	vadd.s32 @!p0 $0xFFFFFFFC, v16  }
0x3a1: {  	[tilespmem:$0x64C0] =	vst @!p0 v16  }
0x3a2: {  	v16 =	vld @!p0 [tilespmem:s8+$0x2D0];
	_ =	sdelay $0x4  }
0x3a3: {  	vm0 =	vgt.s32 @!p0 v16, $0x4  }
0x3a4: {  	v16 =	vnsel @!p0 vm0, $0x4, v16  }
0x3a5: {  	v16 =	vadd.s32 @!p0 $0xFFFFFFFC, v16  }
0x3a6: {  	[tilespmem:$0x64D0] =	vst @!p0 v16  }
0x3a7: {  	v16 =	vld @!p0 [tilespmem:s8+$0x2E0];
	_ =	sdelay $0x4  }
0x3a8: {  	vm0 =	vgt.s32 @!p0 v16, $0x4  }
0x3a9: {  	v16 =	vnsel @!p0 vm0, $0x4, v16  }
0x3aa: {  	v16 =	vadd.s32 @!p0 $0xFFFFFFFC, v16  }
0x3ab: {  	[tilespmem:$0x64E0] =	vst @!p0 v16  }
0x3ac: {  	v16 =	vld @!p0 [tilespmem:s8+$0x2F0];
	_ =	sdelay $0x4  }
0x3ad: {  	vm0 =	vgt.s32 @!p0 v16, $0x4  }
0x3ae: {  	s12 =	simm.s32 $0x0;
	v16 =	vnsel @!p0 vm0, $0x4, v16  }
0x3af: {  	v17 =	vadd.s32 s12, v0;
	v16 =	vadd.s32 @!p0 $0xFFFFFFFC, v16  }
0x3b0: {  	s12 =	simm.s32 @!p0 $0x8600;
	s9 =	simm.s32 @!p0 $0x6480;
	s0 =	simm.s32 @!p0 $0x80;
	[tilespmem:$0x64F0] =	vst @!p0 v16;
	v16 =	vand.u32 $0x3F, v17  }
0x3b1: {  	[tilespmem:s12], [sflag:$0x2] =	stream.indirect.gather @!p0 [hbm4b:s4+s0], $0x40, s9, s0, $0xb8;
	v18 =	vor.u32 v1, v16;
	[tilespmem:$0x16800] =	vst v63  }
0x3b2: {  	_ =	swait.ge [sflag:s28], $0x2000  }
0x3b3: {  	[sflag:s28] =	ssyncset.done $0x0  }
0x3b4: {  	[sflag:s28] =	ssyncadd.s32 $0xFFFFE000  }
0x3b5: {  	v20 =	vld.idx.msk [tilespmem:v16+s10+$0x0], $0xffff  }
0x3b6: {  	v17 =	vshll.u32 v17, $0x7;
	v18 =	vld.idx.msk [tilespmem:v18+s17+$0x0], $0xffff  }
0x3b7: {  	v17 =	vand.u32 $0x1F80, v17  }
0x3b8: {  	v19 =	vor.u32 v0, v17  }
0x3b9: {  	v21 =	vor.u32 v2, v16;
	_ =	sdelay $0x1  }
0x3ba: {  	v18 =	vadd.f32 v18, v20;
	_ =	sdelay $0x1  }
0x3bb: {  	[tilespmem:v19+s29+$0x0] =	vst.idx.msk $0xffff, v18  }
0x3bc: {  	v18 =	vld.idx.msk [tilespmem:v21+s17+$0x0], $0xffff;
	_ =	sdelay $0x1  }
0x3bd: {  	v19 =	vor.u32 v3, v17  }
0x3be: {  	v21 =	vor.u32 v4, v16;
	_ =	sdelay $0x1  }
0x3bf: {  	v18 =	vadd.f32 v18, v20;
	_ =	sdelay $0x1  }
0x3c0: {  	[tilespmem:v19+s29+$0x0] =	vst.idx.msk $0xffff, v18  }
0x3c1: {  	v18 =	vld.idx.msk [tilespmem:v21+s17+$0x0], $0xffff;
	_ =	sdelay $0x1  }
0x3c2: {  	v19 =	vor.u32 v5, v17  }
0x3c3: {  	v21 =	vor.u32 v6, v16;
	_ =	sdelay $0x1  }
0x3c4: {  	v18 =	vadd.f32 v18, v20;
	_ =	sdelay $0x1  }
0x3c5: {  	[tilespmem:v19+s29+$0x0] =	vst.idx.msk $0xffff, v18  }
0x3c6: {  	v18 =	vld.idx.msk [tilespmem:v21+s17+$0x0], $0xffff;
	_ =	sdelay $0x1  }
0x3c7: {  	v19 =	vor.u32 v7, v17  }
0x3c8: {  	v21 =	vor.u32 v8, v16;
	_ =	sdelay $0x1  }
0x3c9: {  	v18 =	vadd.f32 v18, v20;
	_ =	sdelay $0x1  }
0x3ca: {  	[tilespmem:v19+s29+$0x0] =	vst.idx.msk $0xffff, v18  }
0x3cb: {  	v18 =	vld.idx.msk [tilespmem:v21+s17+$0x0], $0xffff;
	_ =	sdelay $0x1  }
0x3cc: {  	v19 =	vor.u32 v9, v17  }
0x3cd: {  	v21 =	vor.u32 v10, v16;
	_ =	sdelay $0x1  }
0x3ce: {  	v18 =	vadd.f32 v18, v20;
	_ =	sdelay $0x1  }
0x3cf: {  	[tilespmem:v19+s29+$0x0] =	vst.idx.msk $0xffff, v18  }
0x3d0: {  	v18 =	vld.idx.msk [tilespmem:v21+s17+$0x0], $0xffff;
	_ =	sdelay $0x1  }
0x3d1: {  	v19 =	vor.u32 v11, v17  }
0x3d2: {  	v21 =	vor.u32 v12, v16;
	_ =	sdelay $0x1  }
0x3d3: {  	v18 =	vadd.f32 v18, v20;
	_ =	sdelay $0x1  }
0x3d4: {  	[tilespmem:v19+s29+$0x0] =	vst.idx.msk $0xffff, v18  }
0x3d5: {  	v18 =	vld.idx.msk [tilespmem:v21+s17+$0x0], $0xffff;
	_ =	sdelay $0x1  }
0x3d6: {  	v19 =	vor.u32 v13, v17  }
0x3d7: {  	v16 =	vor.u32 v14, v16;
	_ =	sdelay $0x1  }
0x3d8: {  	v18 =	vadd.f32 v18, v20;
	_ =	sdelay $0x1  }
0x3d9: {  	[tilespmem:v19+s29+$0x0] =	vst.idx.msk $0xffff, v18  }
0x3da: {  	v21 =	vld.idx.msk [tilespmem:v16+s17+$0x0], $0xffff  }
0x3db: {  	s14 =	simm.s32 $0x1  }
0x3dc: {  	v18 =	vor.u32 v15, v17;
	v16 =	vadd.s32 s14, v0  }
0x3dd: {  	v17 =	vand.u32 $0x3F, v16  }
0x3de: {  	v16 =	vshll.u32 v16, $0x7;
	v19 =	vor.u32 v1, v17  }
0x3df: {  	s0 =	sor.u32 $0x2, s1;
	s1 =	simm.s32 $0x2;
	v16 =	vand.u32 $0x1F80, v16;
	v20 =	vadd.f32 v21, v20  }
.LBB2_71:
0x3e0: {  	_ = 	snop  }
0x3e1: {  	p1 =	sne.s32 s1, $0x3F;
	s12 =	smov.u32 s1;
	s1 =	sadd.s32 $0x1, s1;
	[tilespmem:v18+s29+$0x0] =	vst.idx.msk $0xffff, v20  }
0x3e2: {  	v20 =	vld.idx.msk [tilespmem:v17+s10+$0x0], $0xffff  }
0x3e3: {  	v18 =	vld.idx.msk [tilespmem:v19+s17+$0x0], $0xffff;
	_ =	sdelay $0x2  }
0x3e4: {  	v19 =	vor.u32 v0, v16  }
0x3e5: {  	v21 =	vor.u32 v2, v17;
	_ =	sdelay $0x1  }
0x3e6: {  	v18 =	vadd.f32 v18, v20;
	_ =	sdelay $0x1  }
0x3e7: {  	[tilespmem:v19+s29+$0x0] =	vst.idx.msk $0xffff, v18  }
0x3e8: {  	v18 =	vld.idx.msk [tilespmem:v21+s17+$0x0], $0xffff;
	_ =	sdelay $0x2  }
0x3e9: {  	v19 =	vor.u32 v3, v16  }
0x3ea: {  	v21 =	vor.u32 v4, v17;
	_ =	sdelay $0x1  }
0x3eb: {  	v18 =	vadd.f32 v18, v20;
	_ =	sdelay $0x1  }
0x3ec: {  	[tilespmem:v19+s29+$0x0] =	vst.idx.msk $0xffff, v18  }
0x3ed: {  	v18 =	vld.idx.msk [tilespmem:v21+s17+$0x0], $0xffff;
	_ =	sdelay $0x2  }
0x3ee: {  	v19 =	vor.u32 v5, v16  }
0x3ef: {  	v21 =	vor.u32 v6, v17;
	_ =	sdelay $0x1  }
0x3f0: {  	v18 =	vadd.f32 v18, v20;
	_ =	sdelay $0x1  }
0x3f1: {  	[tilespmem:v19+s29+$0x0] =	vst.idx.msk $0xffff, v18  }
0x3f2: {  	v18 =	vld.idx.msk [tilespmem:v21+s17+$0x0], $0xffff;
	_ =	sdelay $0x2  }
0x3f3: {  	v19 =	vor.u32 v7, v16  }
0x3f4: {  	v21 =	vor.u32 v8, v17;
	_ =	sdelay $0x1  }
0x3f5: {  	v18 =	vadd.f32 v18, v20;
	_ =	sdelay $0x1  }
0x3f6: {  	[tilespmem:v19+s29+$0x0] =	vst.idx.msk $0xffff, v18  }
0x3f7: {  	v18 =	vld.idx.msk [tilespmem:v21+s17+$0x0], $0xffff;
	_ =	sdelay $0x2  }
0x3f8: {  	v19 =	vor.u32 v9, v16  }
0x3f9: {  	v21 =	vor.u32 v10, v17;
	_ =	sdelay $0x1  }
0x3fa: {  	v18 =	vadd.f32 v18, v20;
	_ =	sdelay $0x1  }
0x3fb: {  	[tilespmem:v19+s29+$0x0] =	vst.idx.msk $0xffff, v18  }
0x3fc: {  	v18 =	vld.idx.msk [tilespmem:v21+s17+$0x0], $0xffff;
	_ =	sdelay $0x2  }
0x3fd: {  	v19 =	vor.u32 v11, v16  }
0x3fe: {  	v21 =	vor.u32 v12, v17;
	_ =	sdelay $0x1  }
0x3ff: {  	v18 =	vadd.f32 v18, v20;
	_ =	sdelay $0x1  }
0x400: {  	[tilespmem:v19+s29+$0x0] =	vst.idx.msk $0xffff, v18  }
0x401: {  	v18 =	vld.idx.msk [tilespmem:v21+s17+$0x0], $0xffff;
	_ =	sdelay $0x2  }
0x402: {  	v19 =	vor.u32 v13, v16  }
0x403: {  	v17 =	vor.u32 v14, v17;
	_ =	sdelay $0x1  }
0x404: {  	v18 =	vadd.f32 v18, v20;
	_ =	sdelay $0x1  }
0x405: {  	[tilespmem:v19+s29+$0x0] =	vst.idx.msk $0xffff, v18  }
0x406: {  	v21 =	vld.idx.msk [tilespmem:v17+s17+$0x0], $0xffff;
	_ =	sdelay $0x1  }
.Ltmp38:
0x407: {  	(pc) =	sbr.rel @p1 .LBB2_71-.Ltmp38, $4  }
0x408: {  	v19 =	vadd.s32 s12, v0;
	v18 =	vor.u32 v15, v16  }
0x409: {  	v17 =	vand.u32 $0x3F, v19;
	v16 =	vshll.u32 v19, $0x7  }
0x40a: {  	v19 =	vor.u32 v1, v17;
	v16 =	vand.u32 $0x1F80, v16  }
0x40b: {  	v20 =	vadd.f32 v21, v20  }
0x40c: {  	_ =	sdelay $0x3  }
0x40d: {  	[tilespmem:v18+s29+$0x0] =	vst.idx.msk $0xffff, v20  }
0x40e: {  	v18 =	vld.idx.msk [tilespmem:v17+s10+$0x0], $0xffff  }
0x40f: {  	v19 =	vld.idx.msk [tilespmem:v19+s17+$0x0], $0xffff;
	_ =	sdelay $0x1  }
0x410: {  	v52 =	vor.u32 v0, v16  }
0x411: {  	v21 =	vor.u32 v2, v17;
	_ =	sdelay $0x1  }
0x412: {  	v19 =	vadd.f32 v19, v18;
	_ =	sdelay $0x1  }
0x413: {  	[tilespmem:v52+s29+$0x0] =	vst.idx.msk $0xffff, v19  }
0x414: {  	v19 =	vld.idx.msk [tilespmem:v21+s17+$0x0], $0xffff;
	_ =	sdelay $0x1  }
0x415: {  	v53 =	vor.u32 v3, v16  }
0x416: {  	v54 =	vor.u32 v4, v17;
	_ =	sdelay $0x1  }
0x417: {  	v19 =	vadd.f32 v19, v18;
	_ =	sdelay $0x1  }
0x418: {  	[tilespmem:v53+s29+$0x0] =	vst.idx.msk $0xffff, v19  }
0x419: {  	v19 =	vld.idx.msk [tilespmem:v54+s17+$0x0], $0xffff;
	_ =	sdelay $0x1  }
0x41a: {  	v55 =	vor.u32 v5, v16  }
0x41b: {  	v56 =	vor.u32 v6, v17;
	_ =	sdelay $0x1  }
0x41c: {  	v19 =	vadd.f32 v19, v18;
	_ =	sdelay $0x1  }
0x41d: {  	[tilespmem:v55+s29+$0x0] =	vst.idx.msk $0xffff, v19  }
0x41e: {  	v19 =	vld.idx.msk [tilespmem:v56+s17+$0x0], $0xffff;
	_ =	sdelay $0x1  }
0x41f: {  	v57 =	vor.u32 v7, v16  }
0x420: {  	v58 =	vor.u32 v8, v17;
	_ =	sdelay $0x1  }
0x421: {  	v19 =	vadd.f32 v19, v18;
	_ =	sdelay $0x1  }
0x422: {  	[tilespmem:v57+s29+$0x0] =	vst.idx.msk $0xffff, v19  }
0x423: {  	v19 =	vld.idx.msk [tilespmem:v58+s17+$0x0], $0xffff;
	_ =	sdelay $0x1  }
0x424: {  	v59 =	vor.u32 v9, v16  }
0x425: {  	v60 =	vor.u32 v10, v17;
	_ =	sdelay $0x1  }
0x426: {  	v19 =	vadd.f32 v19, v18;
	_ =	sdelay $0x1  }
0x427: {  	[tilespmem:v59+s29+$0x0] =	vst.idx.msk $0xffff, v19  }
0x428: {  	v19 =	vld.idx.msk [tilespmem:v60+s17+$0x0], $0xffff;
	_ =	sdelay $0x1  }
0x429: {  	v61 =	vor.u32 v11, v16  }
0x42a: {  	v62 =	vor.u32 v12, v17;
	_ =	sdelay $0x1  }
0x42b: {  	v19 =	vadd.f32 v19, v18;
	_ =	sdelay $0x1  }
0x42c: {  	[tilespmem:v61+s29+$0x0] =	vst.idx.msk $0xffff, v19  }
0x42d: {  	v19 =	vld.idx.msk [tilespmem:v62+s17+$0x0], $0xffff;
	_ =	sdelay $0x1  }
0x42e: {  	v63 =	vor.u32 v13, v16  }
0x42f: {  	v17 =	vor.u32 v14, v17;
	_ =	sdelay $0x1  }
0x430: {  	v19 =	vadd.f32 v19, v18;
	_ =	sdelay $0x1  }
0x431: {  	[tilespmem:v63+s29+$0x0] =	vst.idx.msk $0xffff, v19  }
0x432: {  	v17 =	vld.idx.msk [tilespmem:v17+s17+$0x0], $0xffff;
	_ =	sdelay $0x1  }
0x433: {  	v16 =	vor.u32 v15, v16;
	_ =	sdelay $0x2  }
0x434: {  	v17 =	vadd.f32 v17, v18  }
0x435: {  	s1 =	sshll.u32 s0, $0x7  }
0x436: {  	s1 =	sand.u32 $0x3FFFFF80, s1;
	[tilespmem:v16+s29+$0x0] =	vst.idx.msk $0xffff, v17  }
0x437: {  	v16 =	vld [tilespmem:s1+$0x0];
	_ =	sdelay $0x4  }
0x438: {  	vm0 =	vlt.s32 v16, $0x4  }
0x439: {  	v17 =	vmpcnt.ones.xlane vm0;
	_ =	sdelay $0x1  }
0x43a: {  	(v2sf) =	vpush v17, $0x0;
	_ =	sdelay $0xe  }
0x43b: {  	s9 =	spop (v2sf)  }
0x43c: {  	p1 =	slt.s32 s9, $0x1  }
.Ltmp39:
0x43d: {  	_ = 	snop;
	(pc) =	sbr.rel @p1 .LBB2_76-.Ltmp39, $1  }
0x43e: {  	_ =	sdelay $0x3  }
0x43f: {  	v16 =	vshll.u32 v16, $0x6  }
0x440: {  	s9 =	simm.s32 $0x0;
	v16 =	vnsel vm0, $0x0, v16  }
0x441: {  	v17 =	vor.u32 s9, v16;
	_ =	sdelay $0x2  }
0x442: {  	v18 =	vmov s9  }
0x443: {  	v18 =	vshll.u32 v18, $0x7  }
0x444: {  	s12 =	simm.s32 $0x1;
	v19 =	vor.u32 v0, v18;
	v17 =	vld.idx.msk [tilespmem:v17+s22+$0x0], $0xffff  }
0x445: {  	s9 =	simm.s32 $0x2;
	v18 =	vor.u32 s12, v16  }
.LBB2_74:
0x446: {  	p1 =	sne.s32 s9, $0x3F;
	_ =	sdelay $0x1  }
.Ltmp40:
0x447: {  	(pc) =	sbr.rel @p1 .LBB2_74-.Ltmp40, $4  }
0x448: {  	v20 =	vmov s12;
	s12 =	smov.u32 s9;
	[tilespmem:v19+s29+$0x0] =	vst.idx.add.f32.msk vm0, v17  }
0x449: {  	v17 =	vld.idx.msk [tilespmem:v18+s22+$0x0], $0xffff;
	v18 =	vshll.u32 v20, $0x7  }
0x44a: {  	v19 =	vor.u32 v0, v18  }
0x44b: {  	s9 =	sadd.s32 $0x1, s9;
	v18 =	vor.u32 s12, v16  }
0x44c: {  	_ =	sdelay $0x3  }
0x44d: {  	v16 =	vmov s12  }
0x44e: {  	v16 =	vshll.u32 v16, $0x7;
	[tilespmem:v19+s29+$0x0] =	vst.idx.add.f32.msk vm0, v17  }
0x44f: {  	v16 =	vor.u32 v0, v16;
	v17 =	vld.idx.msk [tilespmem:v18+s22+$0x0], $0xffff;
	_ =	sdelay $0x4  }
0x450: {  	[tilespmem:v16+s29+$0x0] =	vst.idx.add.f32.msk vm0, v17  }
.LBB2_76:
0x451: {  	v16 =	vld [tilespmem:s1+$0x10];
	_ =	sdelay $0x4  }
0x452: {  	vm0 =	vlt.s32 v16, $0x4  }
0x453: {  	v17 =	vmpcnt.ones.xlane vm0;
	_ =	sdelay $0x1  }
0x454: {  	(v2sf) =	vpush v17, $0x0;
	_ =	sdelay $0xe  }
0x455: {  	s9 =	spop (v2sf)  }
0x456: {  	p1 =	slt.s32 s9, $0x1  }
.Ltmp41:
0x457: {  	_ = 	snop;
	(pc) =	sbr.rel @p1 .LBB2_80-.Ltmp41, $1  }
0x458: {  	_ =	sdelay $0x3  }
0x459: {  	v16 =	vshll.u32 v16, $0x6  }
0x45a: {  	s9 =	simm.s32 $0x0;
	v16 =	vnsel vm0, $0x0, v16  }
0x45b: {  	v17 =	vor.u32 s9, v16;
	_ =	sdelay $0x2  }
0x45c: {  	v18 =	vmov s9  }
0x45d: {  	v18 =	vshll.u32 v18, $0x7  }
0x45e: {  	s12 =	simm.s32 $0x1;
	v19 =	vor.u32 v3, v18;
	v17 =	vld.idx.msk [tilespmem:v17+s22+$0x0], $0xffff  }
0x45f: {  	s9 =	simm.s32 $0x2;
	v18 =	vor.u32 s12, v16  }
.LBB2_78:
0x460: {  	p1 =	sne.s32 s9, $0x3F;
	_ =	sdelay $0x1  }
.Ltmp42:
0x461: {  	(pc) =	sbr.rel @p1 .LBB2_78-.Ltmp42, $4  }
0x462: {  	v20 =	vmov s12;
	s12 =	smov.u32 s9;
	[tilespmem:v19+s29+$0x0] =	vst.idx.add.f32.msk vm0, v17  }
0x463: {  	v17 =	vld.idx.msk [tilespmem:v18+s22+$0x0], $0xffff;
	v18 =	vshll.u32 v20, $0x7  }
0x464: {  	v19 =	vor.u32 v3, v18  }
0x465: {  	s9 =	sadd.s32 $0x1, s9;
	v18 =	vor.u32 s12, v16  }
0x466: {  	_ =	sdelay $0x3  }
0x467: {  	v16 =	vmov s12  }
0x468: {  	v16 =	vshll.u32 v16, $0x7;
	[tilespmem:v19+s29+$0x0] =	vst.idx.add.f32.msk vm0, v17  }
0x469: {  	v16 =	vor.u32 v3, v16;
	v17 =	vld.idx.msk [tilespmem:v18+s22+$0x0], $0xffff;
	_ =	sdelay $0x4  }
0x46a: {  	[tilespmem:v16+s29+$0x0] =	vst.idx.add.f32.msk vm0, v17  }
.LBB2_80:
0x46b: {  	v16 =	vld [tilespmem:s1+$0x20];
	_ =	sdelay $0x4  }
0x46c: {  	vm0 =	vlt.s32 v16, $0x4  }
0x46d: {  	v17 =	vmpcnt.ones.xlane vm0;
	_ =	sdelay $0x1  }
0x46e: {  	(v2sf) =	vpush v17, $0x0;
	_ =	sdelay $0xe  }
0x46f: {  	s9 =	spop (v2sf)  }
0x470: {  	p1 =	slt.s32 s9, $0x1  }
.Ltmp43:
0x471: {  	_ = 	snop;
	(pc) =	sbr.rel @p1 .LBB2_84-.Ltmp43, $1  }
0x472: {  	_ =	sdelay $0x3  }
0x473: {  	v16 =	vshll.u32 v16, $0x6  }
0x474: {  	s9 =	simm.s32 $0x0;
	v16 =	vnsel vm0, $0x0, v16  }
0x475: {  	v17 =	vor.u32 s9, v16;
	_ =	sdelay $0x2  }
0x476: {  	v18 =	vmov s9  }
0x477: {  	v18 =	vshll.u32 v18, $0x7  }
0x478: {  	s12 =	simm.s32 $0x1;
	v19 =	vor.u32 v5, v18;
	v17 =	vld.idx.msk [tilespmem:v17+s22+$0x0], $0xffff  }
0x479: {  	s9 =	simm.s32 $0x2;
	v18 =	vor.u32 s12, v16  }
.LBB2_82:
0x47a: {  	p1 =	sne.s32 s9, $0x3F;
	_ =	sdelay $0x1  }
.Ltmp44:
0x47b: {  	(pc) =	sbr.rel @p1 .LBB2_82-.Ltmp44, $4  }
0x47c: {  	v20 =	vmov s12;
	s12 =	smov.u32 s9;
	[tilespmem:v19+s29+$0x0] =	vst.idx.add.f32.msk vm0, v17  }
0x47d: {  	v17 =	vld.idx.msk [tilespmem:v18+s22+$0x0], $0xffff;
	v18 =	vshll.u32 v20, $0x7  }
0x47e: {  	v19 =	vor.u32 v5, v18  }
0x47f: {  	s9 =	sadd.s32 $0x1, s9;
	v18 =	vor.u32 s12, v16  }
0x480: {  	_ =	sdelay $0x3  }
0x481: {  	v16 =	vmov s12  }
0x482: {  	v16 =	vshll.u32 v16, $0x7;
	[tilespmem:v19+s29+$0x0] =	vst.idx.add.f32.msk vm0, v17  }
0x483: {  	v16 =	vor.u32 v5, v16;
	v17 =	vld.idx.msk [tilespmem:v18+s22+$0x0], $0xffff;
	_ =	sdelay $0x4  }
0x484: {  	[tilespmem:v16+s29+$0x0] =	vst.idx.add.f32.msk vm0, v17  }
.LBB2_84:
0x485: {  	v16 =	vld [tilespmem:s1+$0x30];
	_ =	sdelay $0x4  }
0x486: {  	vm0 =	vlt.s32 v16, $0x4  }
0x487: {  	v17 =	vmpcnt.ones.xlane vm0;
	_ =	sdelay $0x1  }
0x488: {  	(v2sf) =	vpush v17, $0x0;
	_ =	sdelay $0xe  }
0x489: {  	s9 =	spop (v2sf)  }
0x48a: {  	p1 =	slt.s32 s9, $0x1  }
.Ltmp45:
0x48b: {  	_ = 	snop;
	(pc) =	sbr.rel @p1 .LBB2_88-.Ltmp45, $1  }
0x48c: {  	_ =	sdelay $0x3  }
0x48d: {  	v16 =	vshll.u32 v16, $0x6  }
0x48e: {  	s9 =	simm.s32 $0x0;
	v16 =	vnsel vm0, $0x0, v16  }
0x48f: {  	v17 =	vor.u32 s9, v16;
	_ =	sdelay $0x2  }
0x490: {  	v18 =	vmov s9  }
0x491: {  	v18 =	vshll.u32 v18, $0x7  }
0x492: {  	s12 =	simm.s32 $0x1;
	v19 =	vor.u32 v7, v18;
	v17 =	vld.idx.msk [tilespmem:v17+s22+$0x0], $0xffff  }
0x493: {  	s9 =	simm.s32 $0x2;
	v18 =	vor.u32 s12, v16  }
.LBB2_86:
0x494: {  	p1 =	sne.s32 s9, $0x3F;
	_ =	sdelay $0x1  }
.Ltmp46:
0x495: {  	(pc) =	sbr.rel @p1 .LBB2_86-.Ltmp46, $4  }
0x496: {  	v20 =	vmov s12;
	s12 =	smov.u32 s9;
	[tilespmem:v19+s29+$0x0] =	vst.idx.add.f32.msk vm0, v17  }
0x497: {  	v17 =	vld.idx.msk [tilespmem:v18+s22+$0x0], $0xffff;
	v18 =	vshll.u32 v20, $0x7  }
0x498: {  	v19 =	vor.u32 v7, v18  }
0x499: {  	s9 =	sadd.s32 $0x1, s9;
	v18 =	vor.u32 s12, v16  }
0x49a: {  	_ =	sdelay $0x3  }
0x49b: {  	v16 =	vmov s12  }
0x49c: {  	v16 =	vshll.u32 v16, $0x7;
	[tilespmem:v19+s29+$0x0] =	vst.idx.add.f32.msk vm0, v17  }
0x49d: {  	v16 =	vor.u32 v7, v16;
	v17 =	vld.idx.msk [tilespmem:v18+s22+$0x0], $0xffff;
	_ =	sdelay $0x4  }
0x49e: {  	[tilespmem:v16+s29+$0x0] =	vst.idx.add.f32.msk vm0, v17  }
.LBB2_88:
0x49f: {  	v16 =	vld [tilespmem:s1+$0x40];
	_ =	sdelay $0x4  }
0x4a0: {  	vm0 =	vlt.s32 v16, $0x4  }
0x4a1: {  	v17 =	vmpcnt.ones.xlane vm0;
	_ =	sdelay $0x1  }
0x4a2: {  	(v2sf) =	vpush v17, $0x0;
	_ =	sdelay $0xe  }
0x4a3: {  	s9 =	spop (v2sf)  }
0x4a4: {  	p1 =	slt.s32 s9, $0x1  }
.Ltmp47:
0x4a5: {  	_ = 	snop;
	(pc) =	sbr.rel @p1 .LBB2_92-.Ltmp47, $1  }
0x4a6: {  	_ =	sdelay $0x3  }
0x4a7: {  	v16 =	vshll.u32 v16, $0x6  }
0x4a8: {  	s9 =	simm.s32 $0x0;
	v16 =	vnsel vm0, $0x0, v16  }
0x4a9: {  	v17 =	vor.u32 s9, v16;
	_ =	sdelay $0x2  }
0x4aa: {  	v18 =	vmov s9  }
0x4ab: {  	v18 =	vshll.u32 v18, $0x7  }
0x4ac: {  	s12 =	simm.s32 $0x1;
	v19 =	vor.u32 v9, v18;
	v17 =	vld.idx.msk [tilespmem:v17+s22+$0x0], $0xffff  }
0x4ad: {  	s9 =	simm.s32 $0x2;
	v18 =	vor.u32 s12, v16  }
.LBB2_90:
0x4ae: {  	p1 =	sne.s32 s9, $0x3F;
	_ =	sdelay $0x1  }
.Ltmp48:
0x4af: {  	(pc) =	sbr.rel @p1 .LBB2_90-.Ltmp48, $4  }
0x4b0: {  	v20 =	vmov s12;
	s12 =	smov.u32 s9;
	[tilespmem:v19+s29+$0x0] =	vst.idx.add.f32.msk vm0, v17  }
0x4b1: {  	v17 =	vld.idx.msk [tilespmem:v18+s22+$0x0], $0xffff;
	v18 =	vshll.u32 v20, $0x7  }
0x4b2: {  	v19 =	vor.u32 v9, v18  }
0x4b3: {  	s9 =	sadd.s32 $0x1, s9;
	v18 =	vor.u32 s12, v16  }
0x4b4: {  	_ =	sdelay $0x3  }
0x4b5: {  	v16 =	vmov s12  }
0x4b6: {  	v16 =	vshll.u32 v16, $0x7;
	[tilespmem:v19+s29+$0x0] =	vst.idx.add.f32.msk vm0, v17  }
0x4b7: {  	v16 =	vor.u32 v9, v16;
	v17 =	vld.idx.msk [tilespmem:v18+s22+$0x0], $0xffff;
	_ =	sdelay $0x4  }
0x4b8: {  	[tilespmem:v16+s29+$0x0] =	vst.idx.add.f32.msk vm0, v17  }
.LBB2_92:
0x4b9: {  	v16 =	vld [tilespmem:s1+$0x50];
	_ =	sdelay $0x4  }
0x4ba: {  	vm0 =	vlt.s32 v16, $0x4  }
0x4bb: {  	v17 =	vmpcnt.ones.xlane vm0;
	_ =	sdelay $0x1  }
0x4bc: {  	(v2sf) =	vpush v17, $0x0;
	_ =	sdelay $0xe  }
0x4bd: {  	s9 =	spop (v2sf)  }
0x4be: {  	p1 =	slt.s32 s9, $0x1  }
.Ltmp49:
0x4bf: {  	_ = 	snop;
	(pc) =	sbr.rel @p1 .LBB2_96-.Ltmp49, $1  }
0x4c0: {  	_ =	sdelay $0x3  }
0x4c1: {  	v16 =	vshll.u32 v16, $0x6  }
0x4c2: {  	s9 =	simm.s32 $0x0;
	v16 =	vnsel vm0, $0x0, v16  }
0x4c3: {  	v17 =	vor.u32 s9, v16;
	_ =	sdelay $0x2  }
0x4c4: {  	v18 =	vmov s9  }
0x4c5: {  	v18 =	vshll.u32 v18, $0x7  }
0x4c6: {  	s12 =	simm.s32 $0x1;
	v19 =	vor.u32 v11, v18;
	v17 =	vld.idx.msk [tilespmem:v17+s22+$0x0], $0xffff  }
0x4c7: {  	s9 =	simm.s32 $0x2;
	v18 =	vor.u32 s12, v16  }
.LBB2_94:
0x4c8: {  	p1 =	sne.s32 s9, $0x3F;
	_ =	sdelay $0x1  }
.Ltmp50:
0x4c9: {  	(pc) =	sbr.rel @p1 .LBB2_94-.Ltmp50, $4  }
0x4ca: {  	v20 =	vmov s12;
	s12 =	smov.u32 s9;
	[tilespmem:v19+s29+$0x0] =	vst.idx.add.f32.msk vm0, v17  }
0x4cb: {  	v17 =	vld.idx.msk [tilespmem:v18+s22+$0x0], $0xffff;
	v18 =	vshll.u32 v20, $0x7  }
0x4cc: {  	v19 =	vor.u32 v11, v18  }
0x4cd: {  	s9 =	sadd.s32 $0x1, s9;
	v18 =	vor.u32 s12, v16  }
0x4ce: {  	_ =	sdelay $0x3  }
0x4cf: {  	v16 =	vmov s12  }
0x4d0: {  	v16 =	vshll.u32 v16, $0x7;
	[tilespmem:v19+s29+$0x0] =	vst.idx.add.f32.msk vm0, v17  }
0x4d1: {  	v16 =	vor.u32 v11, v16;
	v17 =	vld.idx.msk [tilespmem:v18+s22+$0x0], $0xffff;
	_ =	sdelay $0x4  }
0x4d2: {  	[tilespmem:v16+s29+$0x0] =	vst.idx.add.f32.msk vm0, v17  }
.LBB2_96:
0x4d3: {  	v16 =	vld [tilespmem:s1+$0x60];
	_ =	sdelay $0x4  }
0x4d4: {  	vm0 =	vlt.s32 v16, $0x4  }
0x4d5: {  	v17 =	vmpcnt.ones.xlane vm0;
	_ =	sdelay $0x1  }
0x4d6: {  	(v2sf) =	vpush v17, $0x0;
	_ =	sdelay $0xe  }
0x4d7: {  	s9 =	spop (v2sf)  }
0x4d8: {  	p1 =	slt.s32 s9, $0x1  }
.Ltmp51:
0x4d9: {  	_ = 	snop;
	(pc) =	sbr.rel @p1 .LBB2_100-.Ltmp51, $1  }
0x4da: {  	_ =	sdelay $0x3  }
0x4db: {  	v16 =	vshll.u32 v16, $0x6  }
0x4dc: {  	s9 =	simm.s32 $0x0;
	v16 =	vnsel vm0, $0x0, v16  }
0x4dd: {  	v17 =	vor.u32 s9, v16;
	_ =	sdelay $0x2  }
0x4de: {  	v18 =	vmov s9  }
0x4df: {  	v18 =	vshll.u32 v18, $0x7  }
0x4e0: {  	s12 =	simm.s32 $0x1;
	v19 =	vor.u32 v13, v18;
	v17 =	vld.idx.msk [tilespmem:v17+s22+$0x0], $0xffff  }
0x4e1: {  	s9 =	simm.s32 $0x2;
	v18 =	vor.u32 s12, v16  }
.LBB2_98:
0x4e2: {  	p1 =	sne.s32 s9, $0x3F;
	_ =	sdelay $0x1  }
.Ltmp52:
0x4e3: {  	(pc) =	sbr.rel @p1 .LBB2_98-.Ltmp52, $4  }
0x4e4: {  	v20 =	vmov s12;
	s12 =	smov.u32 s9;
	[tilespmem:v19+s29+$0x0] =	vst.idx.add.f32.msk vm0, v17  }
0x4e5: {  	v17 =	vld.idx.msk [tilespmem:v18+s22+$0x0], $0xffff;
	v18 =	vshll.u32 v20, $0x7  }
0x4e6: {  	v19 =	vor.u32 v13, v18  }
0x4e7: {  	s9 =	sadd.s32 $0x1, s9;
	v18 =	vor.u32 s12, v16  }
0x4e8: {  	_ =	sdelay $0x3  }
0x4e9: {  	v16 =	vmov s12  }
0x4ea: {  	v16 =	vshll.u32 v16, $0x7;
	[tilespmem:v19+s29+$0x0] =	vst.idx.add.f32.msk vm0, v17  }
0x4eb: {  	v16 =	vor.u32 v13, v16;
	v17 =	vld.idx.msk [tilespmem:v18+s22+$0x0], $0xffff;
	_ =	sdelay $0x4  }
0x4ec: {  	[tilespmem:v16+s29+$0x0] =	vst.idx.add.f32.msk vm0, v17  }
.LBB2_100:
0x4ed: {  	v16 =	vld [tilespmem:s1+$0x70];
	_ =	sdelay $0x4  }
0x4ee: {  	vm0 =	vlt.s32 v16, $0x4  }
0x4ef: {  	v17 =	vmpcnt.ones.xlane vm0;
	_ =	sdelay $0x1  }
0x4f0: {  	(v2sf) =	vpush v17, $0x0;
	_ =	sdelay $0xe  }
0x4f1: {  	s14 =	spop (v2sf)  }
0x4f2: {  	p1 =	slt.s32 s14, $0x1  }
.Ltmp53:
0x4f3: {  	_ = 	snop;
	(pc) =	sbr.rel @p1 .LBB2_104-.Ltmp53, $1  }
0x4f4: {  	_ =	sdelay $0x3  }
0x4f5: {  	v16 =	vshll.u32 v16, $0x6  }
0x4f6: {  	s1 =	simm.s32 $0x0;
	v16 =	vnsel vm0, $0x0, v16  }
0x4f7: {  	v17 =	vor.u32 s1, v16;
	_ =	sdelay $0x2  }
0x4f8: {  	v18 =	vmov s1  }
0x4f9: {  	v18 =	vshll.u32 v18, $0x7  }
0x4fa: {  	s1 =	simm.s32 $0x1;
	v19 =	vor.u32 v15, v18;
	v17 =	vld.idx.msk [tilespmem:v17+s22+$0x0], $0xffff  }
0x4fb: {  	s9 =	simm.s32 $0x2;
	v18 =	vor.u32 s1, v16  }
.LBB2_102:
0x4fc: {  	p1 =	sne.s32 s9, $0x3F;
	_ =	sdelay $0x1  }
.Ltmp54:
0x4fd: {  	(pc) =	sbr.rel @p1 .LBB2_102-.Ltmp54, $4  }
0x4fe: {  	v20 =	vmov s1;
	s1 =	smov.u32 s9;
	[tilespmem:v19+s29+$0x0] =	vst.idx.add.f32.msk vm0, v17  }
0x4ff: {  	v17 =	vld.idx.msk [tilespmem:v18+s22+$0x0], $0xffff;
	v18 =	vshll.u32 v20, $0x7  }
0x500: {  	v19 =	vor.u32 v15, v18  }
0x501: {  	s9 =	sadd.s32 $0x1, s9;
	v18 =	vor.u32 s1, v16  }
0x502: {  	_ =	sdelay $0x3  }
0x503: {  	v16 =	vmov s1  }
0x504: {  	v16 =	vshll.u32 v16, $0x7;
	[tilespmem:v19+s29+$0x0] =	vst.idx.add.f32.msk vm0, v17  }
0x505: {  	v16 =	vor.u32 v15, v16;
	v17 =	vld.idx.msk [tilespmem:v18+s22+$0x0], $0xffff;
	_ =	sdelay $0x4  }
0x506: {  	[tilespmem:v16+s29+$0x0] =	vst.idx.add.f32.msk vm0, v17  }
.LBB2_104:
0x507: {  	s0 =	sadd.s32 s7, s0  }
0x508: {  	s1 =	sshll.u32 s0, $0x7  }
0x509: {  	s0 =	sshll.u32 s0, $0xA;
	s1 =	sand.u32 $0xF00, s1  }
0x50a: {  	s0 =	sand.u32 $0xFFF8000, s0;
	s1 =	sadd.s32 s2, s1  }
0x50b: {  	s0 =	sadd.s32 s0, s1  }
0x50c: {  	[hbm4b:s0+s23] =	stream.strided.scatter [tilespmem:s29], [sflag:$0x7], $0x2000, s24, s23, $0x38;
	[tilespmem:$0x16800] =	vst v63  }
0x50d: {  	s0 =	simm.s32 @!p0 $0x7  }
0x50e: {  	_ =	swait.ge @!p0 [sflag:s0], $0x2000  }
0x50f: {  	[sflag:s0] =	ssyncset.done @!p0 $0x0  }
0x510: {  	[sflag:s0] =	ssyncadd.s32 @!p0 $0xFFFFE000  }
0x511: {  	v16 =	vld @!p0 [tilespmem:s8+$0x300];
	_ =	sdelay $0x4  }
0x512: {  	vm0 =	vgt.s32 @!p0 v16, $0x4  }
0x513: {  	v16 =	vnsel @!p0 vm0, $0x4, v16  }
0x514: {  	v16 =	vadd.s32 @!p0 $0xFFFFFFFC, v16  }
0x515: {  	[tilespmem:$0x6500] =	vst @!p0 v16  }
0x516: {  	v16 =	vld @!p0 [tilespmem:s8+$0x310];
	_ =	sdelay $0x4  }
0x517: {  	vm0 =	vgt.s32 @!p0 v16, $0x4  }
0x518: {  	v16 =	vnsel @!p0 vm0, $0x4, v16  }
0x519: {  	v16 =	vadd.s32 @!p0 $0xFFFFFFFC, v16  }
0x51a: {  	[tilespmem:$0x6510] =	vst @!p0 v16  }
0x51b: {  	v16 =	vld @!p0 [tilespmem:s8+$0x320];
	_ =	sdelay $0x4  }
0x51c: {  	vm0 =	vgt.s32 @!p0 v16, $0x4  }
0x51d: {  	v16 =	vnsel @!p0 vm0, $0x4, v16  }
0x51e: {  	v16 =	vadd.s32 @!p0 $0xFFFFFFFC, v16  }
0x51f: {  	[tilespmem:$0x6520] =	vst @!p0 v16  }
0x520: {  	v16 =	vld @!p0 [tilespmem:s8+$0x330];
	_ =	sdelay $0x4  }
0x521: {  	vm0 =	vgt.s32 @!p0 v16, $0x4  }
0x522: {  	v16 =	vnsel @!p0 vm0, $0x4, v16  }
0x523: {  	v16 =	vadd.s32 @!p0 $0xFFFFFFFC, v16  }
0x524: {  	[tilespmem:$0x6530] =	vst @!p0 v16  }
0x525: {  	v16 =	vld @!p0 [tilespmem:s8+$0x340];
	_ =	sdelay $0x4  }
0x526: {  	vm0 =	vgt.s32 @!p0 v16, $0x4  }
0x527: {  	v16 =	vnsel @!p0 vm0, $0x4, v16  }
0x528: {  	v16 =	vadd.s32 @!p0 $0xFFFFFFFC, v16  }
0x529: {  	[tilespmem:$0x6540] =	vst @!p0 v16  }
0x52a: {  	v16 =	vld @!p0 [tilespmem:s8+$0x350];
	_ =	sdelay $0x4  }
0x52b: {  	vm0 =	vgt.s32 @!p0 v16, $0x4  }
0x52c: {  	v16 =	vnsel @!p0 vm0, $0x4, v16  }
0x52d: {  	v16 =	vadd.s32 @!p0 $0xFFFFFFFC, v16  }
0x52e: {  	[tilespmem:$0x6550] =	vst @!p0 v16  }
0x52f: {  	v16 =	vld @!p0 [tilespmem:s8+$0x360];
	_ =	sdelay $0x4  }
0x530: {  	vm0 =	vgt.s32 @!p0 v16, $0x4  }
0x531: {  	v16 =	vnsel @!p0 vm0, $0x4, v16  }
0x532: {  	v16 =	vadd.s32 @!p0 $0xFFFFFFFC, v16  }
0x533: {  	[tilespmem:$0x6560] =	vst @!p0 v16  }
0x534: {  	v16 =	vld @!p0 [tilespmem:s8+$0x370];
	_ =	sdelay $0x4  }
0x535: {  	vm0 =	vgt.s32 @!p0 v16, $0x4  }
0x536: {  	s12 =	simm.s32 $0x0;
	v16 =	vnsel @!p0 vm0, $0x4, v16  }
0x537: {  	v17 =	vadd.s32 s12, v0;
	v16 =	vadd.s32 @!p0 $0xFFFFFFFC, v16  }
0x538: {  	s1 =	simm.s32 @!p0 $0x6500;
	s0 =	simm.s32 @!p0 $0x80;
	s8 =	simm.s32 @!p0 $0xA600;
	[tilespmem:$0x6570] =	vst @!p0 v16;
	v16 =	vand.u32 $0x3F, v17  }
0x539: {  	[tilespmem:s8], [sflag:$0x3] =	stream.indirect.gather @!p0 [hbm4b:s4+s0], $0x40, s1, s0, $0xb8;
	v18 =	vor.u32 v1, v16;
	[tilespmem:$0x16800] =	vst v63  }
0x53a: {  	_ =	swait.ge [sflag:s30], $0x2000  }
0x53b: {  	[sflag:s30] =	ssyncset.done $0x0  }
0x53c: {  	[sflag:s30] =	ssyncadd.s32 $0xFFFFE000  }
0x53d: {  	v20 =	vld.idx.msk [tilespmem:v16+s10+$0x0], $0xffff  }
0x53e: {  	v17 =	vshll.u32 v17, $0x7;
	v18 =	vld.idx.msk [tilespmem:v18+s19+$0x0], $0xffff  }
0x53f: {  	v17 =	vand.u32 $0x1F80, v17  }
0x540: {  	v19 =	vor.u32 v0, v17  }
0x541: {  	v21 =	vor.u32 v2, v16;
	_ =	sdelay $0x1  }
0x542: {  	v18 =	vadd.f32 v18, v20;
	_ =	sdelay $0x1  }
0x543: {  	[tilespmem:v19+s31+$0x0] =	vst.idx.msk $0xffff, v18  }
0x544: {  	v18 =	vld.idx.msk [tilespmem:v21+s19+$0x0], $0xffff;
	_ =	sdelay $0x1  }
0x545: {  	v19 =	vor.u32 v3, v17  }
0x546: {  	v21 =	vor.u32 v4, v16;
	_ =	sdelay $0x1  }
0x547: {  	v18 =	vadd.f32 v18, v20;
	_ =	sdelay $0x1  }
0x548: {  	[tilespmem:v19+s31+$0x0] =	vst.idx.msk $0xffff, v18  }
0x549: {  	v18 =	vld.idx.msk [tilespmem:v21+s19+$0x0], $0xffff;
	_ =	sdelay $0x1  }
0x54a: {  	v19 =	vor.u32 v5, v17  }
0x54b: {  	v21 =	vor.u32 v6, v16;
	_ =	sdelay $0x1  }
0x54c: {  	v18 =	vadd.f32 v18, v20;
	_ =	sdelay $0x1  }
0x54d: {  	[tilespmem:v19+s31+$0x0] =	vst.idx.msk $0xffff, v18  }
0x54e: {  	v18 =	vld.idx.msk [tilespmem:v21+s19+$0x0], $0xffff;
	_ =	sdelay $0x1  }
0x54f: {  	v19 =	vor.u32 v7, v17  }
0x550: {  	v21 =	vor.u32 v8, v16;
	_ =	sdelay $0x1  }
0x551: {  	v18 =	vadd.f32 v18, v20;
	_ =	sdelay $0x1  }
0x552: {  	[tilespmem:v19+s31+$0x0] =	vst.idx.msk $0xffff, v18  }
0x553: {  	v18 =	vld.idx.msk [tilespmem:v21+s19+$0x0], $0xffff;
	_ =	sdelay $0x1  }
0x554: {  	v19 =	vor.u32 v9, v17  }
0x555: {  	v21 =	vor.u32 v10, v16;
	_ =	sdelay $0x1  }
0x556: {  	v18 =	vadd.f32 v18, v20;
	_ =	sdelay $0x1  }
0x557: {  	[tilespmem:v19+s31+$0x0] =	vst.idx.msk $0xffff, v18  }
0x558: {  	v18 =	vld.idx.msk [tilespmem:v21+s19+$0x0], $0xffff;
	_ =	sdelay $0x1  }
0x559: {  	v19 =	vor.u32 v11, v17  }
0x55a: {  	v21 =	vor.u32 v12, v16;
	_ =	sdelay $0x1  }
0x55b: {  	v18 =	vadd.f32 v18, v20;
	_ =	sdelay $0x1  }
0x55c: {  	[tilespmem:v19+s31+$0x0] =	vst.idx.msk $0xffff, v18  }
0x55d: {  	v18 =	vld.idx.msk [tilespmem:v21+s19+$0x0], $0xffff;
	_ =	sdelay $0x1  }
0x55e: {  	v19 =	vor.u32 v13, v17  }
0x55f: {  	v16 =	vor.u32 v14, v16;
	_ =	sdelay $0x1  }
0x560: {  	v18 =	vadd.f32 v18, v20;
	_ =	sdelay $0x1  }
0x561: {  	[tilespmem:v19+s31+$0x0] =	vst.idx.msk $0xffff, v18  }
0x562: {  	v21 =	vld.idx.msk [tilespmem:v16+s19+$0x0], $0xffff  }
0x563: {  	s14 =	simm.s32 $0x1  }
0x564: {  	v18 =	vor.u32 v15, v17;
	v16 =	vadd.s32 s14, v0  }
0x565: {  	v17 =	vand.u32 $0x3F, v16  }
0x566: {  	v16 =	vshll.u32 v16, $0x7;
	v19 =	vor.u32 v1, v17  }
0x567: {  	s0 =	simm.s32 $0x2;
	v16 =	vand.u32 $0x1F80, v16;
	v20 =	vadd.f32 v21, v20  }
.LBB2_105:
0x568: {  	_ = 	snop  }
0x569: {  	p0 =	sne.s32 s0, $0x3F;
	s1 =	smov.u32 s0;
	s0 =	sadd.s32 $0x1, s0;
	[tilespmem:v18+s31+$0x0] =	vst.idx.msk $0xffff, v20  }
0x56a: {  	v20 =	vld.idx.msk [tilespmem:v17+s10+$0x0], $0xffff  }
0x56b: {  	v18 =	vld.idx.msk [tilespmem:v19+s19+$0x0], $0xffff;
	_ =	sdelay $0x2  }
0x56c: {  	v19 =	vor.u32 v0, v16  }
0x56d: {  	v21 =	vor.u32 v2, v17;
	_ =	sdelay $0x1  }
0x56e: {  	v18 =	vadd.f32 v18, v20;
	_ =	sdelay $0x1  }
0x56f: {  	[tilespmem:v19+s31+$0x0] =	vst.idx.msk $0xffff, v18  }
0x570: {  	v18 =	vld.idx.msk [tilespmem:v21+s19+$0x0], $0xffff;
	_ =	sdelay $0x2  }
0x571: {  	v19 =	vor.u32 v3, v16  }
0x572: {  	v21 =	vor.u32 v4, v17;
	_ =	sdelay $0x1  }
0x573: {  	v18 =	vadd.f32 v18, v20;
	_ =	sdelay $0x1  }
0x574: {  	[tilespmem:v19+s31+$0x0] =	vst.idx.msk $0xffff, v18  }
0x575: {  	v18 =	vld.idx.msk [tilespmem:v21+s19+$0x0], $0xffff;
	_ =	sdelay $0x2  }
0x576: {  	v19 =	vor.u32 v5, v16  }
0x577: {  	v21 =	vor.u32 v6, v17;
	_ =	sdelay $0x1  }
0x578: {  	v18 =	vadd.f32 v18, v20;
	_ =	sdelay $0x1  }
0x579: {  	[tilespmem:v19+s31+$0x0] =	vst.idx.msk $0xffff, v18  }
0x57a: {  	v18 =	vld.idx.msk [tilespmem:v21+s19+$0x0], $0xffff;
	_ =	sdelay $0x2  }
0x57b: {  	v19 =	vor.u32 v7, v16  }
0x57c: {  	v21 =	vor.u32 v8, v17;
	_ =	sdelay $0x1  }
0x57d: {  	v18 =	vadd.f32 v18, v20;
	_ =	sdelay $0x1  }
0x57e: {  	[tilespmem:v19+s31+$0x0] =	vst.idx.msk $0xffff, v18  }
0x57f: {  	v18 =	vld.idx.msk [tilespmem:v21+s19+$0x0], $0xffff;
	_ =	sdelay $0x2  }
0x580: {  	v19 =	vor.u32 v9, v16  }
0x581: {  	v21 =	vor.u32 v10, v17;
	_ =	sdelay $0x1  }
0x582: {  	v18 =	vadd.f32 v18, v20;
	_ =	sdelay $0x1  }
0x583: {  	[tilespmem:v19+s31+$0x0] =	vst.idx.msk $0xffff, v18  }
0x584: {  	v18 =	vld.idx.msk [tilespmem:v21+s19+$0x0], $0xffff;
	_ =	sdelay $0x2  }
0x585: {  	v19 =	vor.u32 v11, v16  }
0x586: {  	v21 =	vor.u32 v12, v17;
	_ =	sdelay $0x1  }
0x587: {  	v18 =	vadd.f32 v18, v20;
	_ =	sdelay $0x1  }
0x588: {  	[tilespmem:v19+s31+$0x0] =	vst.idx.msk $0xffff, v18  }
0x589: {  	v18 =	vld.idx.msk [tilespmem:v21+s19+$0x0], $0xffff;
	_ =	sdelay $0x2  }
0x58a: {  	v19 =	vor.u32 v13, v16  }
0x58b: {  	v17 =	vor.u32 v14, v17;
	_ =	sdelay $0x1  }
0x58c: {  	v18 =	vadd.f32 v18, v20;
	_ =	sdelay $0x1  }
0x58d: {  	[tilespmem:v19+s31+$0x0] =	vst.idx.msk $0xffff, v18  }
0x58e: {  	v21 =	vld.idx.msk [tilespmem:v17+s19+$0x0], $0xffff;
	_ =	sdelay $0x1  }
.Ltmp55:
0x58f: {  	(pc) =	sbr.rel @p0 .LBB2_105-.Ltmp55, $4  }
0x590: {  	v19 =	vadd.s32 s1, v0;
	v18 =	vor.u32 v15, v16  }
0x591: {  	v17 =	vand.u32 $0x3F, v19;
	v16 =	vshll.u32 v19, $0x7  }
0x592: {  	v19 =	vor.u32 v1, v17;
	v16 =	vand.u32 $0x1F80, v16  }
0x593: {  	v20 =	vadd.f32 v21, v20  }
0x594: {  	_ =	sdelay $0x3  }
0x595: {  	[tilespmem:v18+s31+$0x0] =	vst.idx.msk $0xffff, v20  }
0x596: {  	v18 =	vld.idx.msk [tilespmem:v17+s10+$0x0], $0xffff  }
0x597: {  	v19 =	vld.idx.msk [tilespmem:v19+s19+$0x0], $0xffff;
	_ =	sdelay $0x1  }
0x598: {  	v52 =	vor.u32 v0, v16  }
0x599: {  	v21 =	vor.u32 v2, v17;
	_ =	sdelay $0x1  }
0x59a: {  	v19 =	vadd.f32 v19, v18;
	_ =	sdelay $0x1  }
0x59b: {  	[tilespmem:v52+s31+$0x0] =	vst.idx.msk $0xffff, v19  }
0x59c: {  	v19 =	vld.idx.msk [tilespmem:v21+s19+$0x0], $0xffff;
	_ =	sdelay $0x1  }
0x59d: {  	v53 =	vor.u32 v3, v16  }
0x59e: {  	v54 =	vor.u32 v4, v17;
	_ =	sdelay $0x1  }
0x59f: {  	v19 =	vadd.f32 v19, v18;
	_ =	sdelay $0x1  }
0x5a0: {  	[tilespmem:v53+s31+$0x0] =	vst.idx.msk $0xffff, v19  }
0x5a1: {  	v19 =	vld.idx.msk [tilespmem:v54+s19+$0x0], $0xffff;
	_ =	sdelay $0x1  }
0x5a2: {  	v55 =	vor.u32 v5, v16  }
0x5a3: {  	v56 =	vor.u32 v6, v17;
	_ =	sdelay $0x1  }
0x5a4: {  	v19 =	vadd.f32 v19, v18;
	_ =	sdelay $0x1  }
0x5a5: {  	[tilespmem:v55+s31+$0x0] =	vst.idx.msk $0xffff, v19  }
0x5a6: {  	v19 =	vld.idx.msk [tilespmem:v56+s19+$0x0], $0xffff;
	_ =	sdelay $0x1  }
0x5a7: {  	v57 =	vor.u32 v7, v16  }
0x5a8: {  	v58 =	vor.u32 v8, v17;
	_ =	sdelay $0x1  }
0x5a9: {  	v19 =	vadd.f32 v19, v18;
	_ =	sdelay $0x1  }
0x5aa: {  	[tilespmem:v57+s31+$0x0] =	vst.idx.msk $0xffff, v19  }
0x5ab: {  	v19 =	vld.idx.msk [tilespmem:v58+s19+$0x0], $0xffff;
	_ =	sdelay $0x1  }
0x5ac: {  	v59 =	vor.u32 v9, v16  }
0x5ad: {  	v60 =	vor.u32 v10, v17;
	_ =	sdelay $0x1  }
0x5ae: {  	v19 =	vadd.f32 v19, v18;
	_ =	sdelay $0x1  }
0x5af: {  	[tilespmem:v59+s31+$0x0] =	vst.idx.msk $0xffff, v19  }
0x5b0: {  	v19 =	vld.idx.msk [tilespmem:v60+s19+$0x0], $0xffff;
	_ =	sdelay $0x1  }
0x5b1: {  	v61 =	vor.u32 v11, v16  }
0x5b2: {  	v62 =	vor.u32 v12, v17;
	_ =	sdelay $0x1  }
0x5b3: {  	v19 =	vadd.f32 v19, v18;
	_ =	sdelay $0x1  }
0x5b4: {  	[tilespmem:v61+s31+$0x0] =	vst.idx.msk $0xffff, v19  }
0x5b5: {  	v19 =	vld.idx.msk [tilespmem:v62+s19+$0x0], $0xffff;
	_ =	sdelay $0x1  }
0x5b6: {  	v63 =	vor.u32 v13, v16  }
0x5b7: {  	v17 =	vor.u32 v14, v17;
	_ =	sdelay $0x1  }
0x5b8: {  	v19 =	vadd.f32 v19, v18;
	_ =	sdelay $0x1  }
0x5b9: {  	[tilespmem:v63+s31+$0x0] =	vst.idx.msk $0xffff, v19  }
0x5ba: {  	v17 =	vld.idx.msk [tilespmem:v17+s19+$0x0], $0xffff;
	_ =	sdelay $0x1  }
0x5bb: {  	v16 =	vor.u32 v15, v16;
	_ =	sdelay $0x2  }
0x5bc: {  	v17 =	vadd.f32 v17, v18;
	_ =	sdelay $0x1  }
0x5bd: {  	[tilespmem:v16+s31+$0x0] =	vst.idx.msk $0xffff, v17  }
0x5be: {  	v16 =	vld [tilespmem:s6+$0x0];
	_ =	sdelay $0x4  }
0x5bf: {  	vm0 =	vlt.s32 v16, $0x4  }
0x5c0: {  	v17 =	vmpcnt.ones.xlane vm0;
	_ =	sdelay $0x1  }
0x5c1: {  	(v2sf) =	vpush v17, $0x0;
	_ =	sdelay $0xe  }
0x5c2: {  	s0 =	spop (v2sf)  }
0x5c3: {  	p0 =	slt.s32 s0, $0x1  }
.Ltmp56:
0x5c4: {  	_ = 	snop;
	(pc) =	sbr.rel @p0 .LBB2_110-.Ltmp56, $1  }
0x5c5: {  	_ =	sdelay $0x3  }
0x5c6: {  	v16 =	vshll.u32 v16, $0x6  }
0x5c7: {  	s0 =	simm.s32 $0x0;
	v16 =	vnsel vm0, $0x0, v16  }
0x5c8: {  	v17 =	vor.u32 s0, v16;
	_ =	sdelay $0x2  }
0x5c9: {  	v18 =	vmov s0  }
0x5ca: {  	v18 =	vshll.u32 v18, $0x7  }
0x5cb: {  	s0 =	simm.s32 $0x1;
	v19 =	vor.u32 v0, v18;
	v17 =	vld.idx.msk [tilespmem:v17+s22+$0x0], $0xffff  }
0x5cc: {  	s1 =	simm.s32 $0x2;
	v18 =	vor.u32 s0, v16  }
.LBB2_108:
0x5cd: {  	p0 =	sne.s32 s1, $0x3F;
	_ =	sdelay $0x1  }
.Ltmp57:
0x5ce: {  	(pc) =	sbr.rel @p0 .LBB2_108-.Ltmp57, $4  }
0x5cf: {  	v20 =	vmov s0;
	s0 =	smov.u32 s1;
	[tilespmem:v19+s31+$0x0] =	vst.idx.add.f32.msk vm0, v17  }
0x5d0: {  	v17 =	vld.idx.msk [tilespmem:v18+s22+$0x0], $0xffff;
	v18 =	vshll.u32 v20, $0x7  }
0x5d1: {  	v19 =	vor.u32 v0, v18  }
0x5d2: {  	s1 =	sadd.s32 $0x1, s1;
	v18 =	vor.u32 s0, v16  }
0x5d3: {  	_ =	sdelay $0x3  }
0x5d4: {  	v16 =	vmov s0  }
0x5d5: {  	v16 =	vshll.u32 v16, $0x7;
	[tilespmem:v19+s31+$0x0] =	vst.idx.add.f32.msk vm0, v17  }
0x5d6: {  	v16 =	vor.u32 v0, v16;
	v17 =	vld.idx.msk [tilespmem:v18+s22+$0x0], $0xffff;
	_ =	sdelay $0x4  }
0x5d7: {  	[tilespmem:v16+s31+$0x0] =	vst.idx.add.f32.msk vm0, v17  }
.LBB2_110:
0x5d8: {  	v16 =	vld [tilespmem:s6+$0x10];
	_ =	sdelay $0x4  }
0x5d9: {  	vm0 =	vlt.s32 v16, $0x4  }
0x5da: {  	v17 =	vmpcnt.ones.xlane vm0;
	_ =	sdelay $0x1  }
0x5db: {  	(v2sf) =	vpush v17, $0x0;
	_ =	sdelay $0xe  }
0x5dc: {  	s0 =	spop (v2sf)  }
0x5dd: {  	p0 =	slt.s32 s0, $0x1  }
.Ltmp58:
0x5de: {  	_ = 	snop;
	(pc) =	sbr.rel @p0 .LBB2_114-.Ltmp58, $1  }
0x5df: {  	_ =	sdelay $0x3  }
0x5e0: {  	v16 =	vshll.u32 v16, $0x6  }
0x5e1: {  	s0 =	simm.s32 $0x0;
	v16 =	vnsel vm0, $0x0, v16  }
0x5e2: {  	v17 =	vor.u32 s0, v16;
	_ =	sdelay $0x2  }
0x5e3: {  	v18 =	vmov s0  }
0x5e4: {  	v18 =	vshll.u32 v18, $0x7  }
0x5e5: {  	s0 =	simm.s32 $0x1;
	v19 =	vor.u32 v3, v18;
	v17 =	vld.idx.msk [tilespmem:v17+s22+$0x0], $0xffff  }
0x5e6: {  	s1 =	simm.s32 $0x2;
	v18 =	vor.u32 s0, v16  }
.LBB2_112:
0x5e7: {  	p0 =	sne.s32 s1, $0x3F;
	_ =	sdelay $0x1  }
.Ltmp59:
0x5e8: {  	(pc) =	sbr.rel @p0 .LBB2_112-.Ltmp59, $4  }
0x5e9: {  	v20 =	vmov s0;
	s0 =	smov.u32 s1;
	[tilespmem:v19+s31+$0x0] =	vst.idx.add.f32.msk vm0, v17  }
0x5ea: {  	v17 =	vld.idx.msk [tilespmem:v18+s22+$0x0], $0xffff;
	v18 =	vshll.u32 v20, $0x7  }
0x5eb: {  	v19 =	vor.u32 v3, v18  }
0x5ec: {  	s1 =	sadd.s32 $0x1, s1;
	v18 =	vor.u32 s0, v16  }
0x5ed: {  	_ =	sdelay $0x3  }
0x5ee: {  	v16 =	vmov s0  }
0x5ef: {  	v16 =	vshll.u32 v16, $0x7;
	[tilespmem:v19+s31+$0x0] =	vst.idx.add.f32.msk vm0, v17  }
0x5f0: {  	v16 =	vor.u32 v3, v16;
	v17 =	vld.idx.msk [tilespmem:v18+s22+$0x0], $0xffff;
	_ =	sdelay $0x4  }
0x5f1: {  	[tilespmem:v16+s31+$0x0] =	vst.idx.add.f32.msk vm0, v17  }
.LBB2_114:
0x5f2: {  	v16 =	vld [tilespmem:s6+$0x20];
	_ =	sdelay $0x4  }
0x5f3: {  	vm0 =	vlt.s32 v16, $0x4  }
0x5f4: {  	v17 =	vmpcnt.ones.xlane vm0;
	_ =	sdelay $0x1  }
0x5f5: {  	(v2sf) =	vpush v17, $0x0;
	_ =	sdelay $0xe  }
0x5f6: {  	s0 =	spop (v2sf)  }
0x5f7: {  	p0 =	slt.s32 s0, $0x1  }
.Ltmp60:
0x5f8: {  	_ = 	snop;
	(pc) =	sbr.rel @p0 .LBB2_118-.Ltmp60, $1  }
0x5f9: {  	_ =	sdelay $0x3  }
0x5fa: {  	v16 =	vshll.u32 v16, $0x6  }
0x5fb: {  	s0 =	simm.s32 $0x0;
	v16 =	vnsel vm0, $0x0, v16  }
0x5fc: {  	v17 =	vor.u32 s0, v16;
	_ =	sdelay $0x2  }
0x5fd: {  	v18 =	vmov s0  }
0x5fe: {  	v18 =	vshll.u32 v18, $0x7  }
0x5ff: {  	s0 =	simm.s32 $0x1;
	v19 =	vor.u32 v5, v18;
	v17 =	vld.idx.msk [tilespmem:v17+s22+$0x0], $0xffff  }
0x600: {  	s1 =	simm.s32 $0x2;
	v18 =	vor.u32 s0, v16  }
.LBB2_116:
0x601: {  	p0 =	sne.s32 s1, $0x3F;
	_ =	sdelay $0x1  }
.Ltmp61:
0x602: {  	(pc) =	sbr.rel @p0 .LBB2_116-.Ltmp61, $4  }
0x603: {  	v20 =	vmov s0;
	s0 =	smov.u32 s1;
	[tilespmem:v19+s31+$0x0] =	vst.idx.add.f32.msk vm0, v17  }
0x604: {  	v17 =	vld.idx.msk [tilespmem:v18+s22+$0x0], $0xffff;
	v18 =	vshll.u32 v20, $0x7  }
0x605: {  	v19 =	vor.u32 v5, v18  }
0x606: {  	s1 =	sadd.s32 $0x1, s1;
	v18 =	vor.u32 s0, v16  }
0x607: {  	_ =	sdelay $0x3  }
0x608: {  	v16 =	vmov s0  }
0x609: {  	v16 =	vshll.u32 v16, $0x7;
	[tilespmem:v19+s31+$0x0] =	vst.idx.add.f32.msk vm0, v17  }
0x60a: {  	v16 =	vor.u32 v5, v16;
	v17 =	vld.idx.msk [tilespmem:v18+s22+$0x0], $0xffff;
	_ =	sdelay $0x4  }
0x60b: {  	[tilespmem:v16+s31+$0x0] =	vst.idx.add.f32.msk vm0, v17  }
.LBB2_118:
0x60c: {  	v16 =	vld [tilespmem:s6+$0x30];
	_ =	sdelay $0x4  }
0x60d: {  	vm0 =	vlt.s32 v16, $0x4  }
0x60e: {  	v17 =	vmpcnt.ones.xlane vm0;
	_ =	sdelay $0x1  }
0x60f: {  	(v2sf) =	vpush v17, $0x0;
	_ =	sdelay $0xe  }
0x610: {  	s0 =	spop (v2sf)  }
0x611: {  	p0 =	slt.s32 s0, $0x1  }
.Ltmp62:
0x612: {  	_ = 	snop;
	(pc) =	sbr.rel @p0 .LBB2_122-.Ltmp62, $1  }
0x613: {  	_ =	sdelay $0x3  }
0x614: {  	v16 =	vshll.u32 v16, $0x6  }
0x615: {  	s0 =	simm.s32 $0x0;
	v16 =	vnsel vm0, $0x0, v16  }
0x616: {  	v17 =	vor.u32 s0, v16;
	_ =	sdelay $0x2  }
0x617: {  	v18 =	vmov s0  }
0x618: {  	v18 =	vshll.u32 v18, $0x7  }
0x619: {  	s0 =	simm.s32 $0x1;
	v19 =	vor.u32 v7, v18;
	v17 =	vld.idx.msk [tilespmem:v17+s22+$0x0], $0xffff  }
0x61a: {  	s1 =	simm.s32 $0x2;
	v18 =	vor.u32 s0, v16  }
.LBB2_120:
0x61b: {  	p0 =	sne.s32 s1, $0x3F;
	_ =	sdelay $0x1  }
.Ltmp63:
0x61c: {  	(pc) =	sbr.rel @p0 .LBB2_120-.Ltmp63, $4  }
0x61d: {  	v20 =	vmov s0;
	s0 =	smov.u32 s1;
	[tilespmem:v19+s31+$0x0] =	vst.idx.add.f32.msk vm0, v17  }
0x61e: {  	v17 =	vld.idx.msk [tilespmem:v18+s22+$0x0], $0xffff;
	v18 =	vshll.u32 v20, $0x7  }
0x61f: {  	v19 =	vor.u32 v7, v18  }
0x620: {  	s1 =	sadd.s32 $0x1, s1;
	v18 =	vor.u32 s0, v16  }
0x621: {  	_ =	sdelay $0x3  }
0x622: {  	v16 =	vmov s0  }
0x623: {  	v16 =	vshll.u32 v16, $0x7;
	[tilespmem:v19+s31+$0x0] =	vst.idx.add.f32.msk vm0, v17  }
0x624: {  	v16 =	vor.u32 v7, v16;
	v17 =	vld.idx.msk [tilespmem:v18+s22+$0x0], $0xffff;
	_ =	sdelay $0x4  }
0x625: {  	[tilespmem:v16+s31+$0x0] =	vst.idx.add.f32.msk vm0, v17  }
.LBB2_122:
0x626: {  	v16 =	vld [tilespmem:s6+$0x40];
	_ =	sdelay $0x4  }
0x627: {  	vm0 =	vlt.s32 v16, $0x4  }
0x628: {  	v17 =	vmpcnt.ones.xlane vm0;
	_ =	sdelay $0x1  }
0x629: {  	(v2sf) =	vpush v17, $0x0;
	_ =	sdelay $0xe  }
0x62a: {  	s0 =	spop (v2sf)  }
0x62b: {  	p0 =	slt.s32 s0, $0x1  }
.Ltmp64:
0x62c: {  	_ = 	snop;
	(pc) =	sbr.rel @p0 .LBB2_126-.Ltmp64, $1  }
0x62d: {  	_ =	sdelay $0x3  }
0x62e: {  	v16 =	vshll.u32 v16, $0x6  }
0x62f: {  	s0 =	simm.s32 $0x0;
	v16 =	vnsel vm0, $0x0, v16  }
0x630: {  	v17 =	vor.u32 s0, v16;
	_ =	sdelay $0x2  }
0x631: {  	v18 =	vmov s0  }
0x632: {  	v18 =	vshll.u32 v18, $0x7  }
0x633: {  	s0 =	simm.s32 $0x1;
	v19 =	vor.u32 v9, v18;
	v17 =	vld.idx.msk [tilespmem:v17+s22+$0x0], $0xffff  }
0x634: {  	s1 =	simm.s32 $0x2;
	v18 =	vor.u32 s0, v16  }
.LBB2_124:
0x635: {  	p0 =	sne.s32 s1, $0x3F;
	_ =	sdelay $0x1  }
.Ltmp65:
0x636: {  	(pc) =	sbr.rel @p0 .LBB2_124-.Ltmp65, $4  }
0x637: {  	v20 =	vmov s0;
	s0 =	smov.u32 s1;
	[tilespmem:v19+s31+$0x0] =	vst.idx.add.f32.msk vm0, v17  }
0x638: {  	v17 =	vld.idx.msk [tilespmem:v18+s22+$0x0], $0xffff;
	v18 =	vshll.u32 v20, $0x7  }
0x639: {  	v19 =	vor.u32 v9, v18  }
0x63a: {  	s1 =	sadd.s32 $0x1, s1;
	v18 =	vor.u32 s0, v16  }
0x63b: {  	_ =	sdelay $0x3  }
0x63c: {  	v16 =	vmov s0  }
0x63d: {  	v16 =	vshll.u32 v16, $0x7;
	[tilespmem:v19+s31+$0x0] =	vst.idx.add.f32.msk vm0, v17  }
0x63e: {  	v16 =	vor.u32 v9, v16;
	v17 =	vld.idx.msk [tilespmem:v18+s22+$0x0], $0xffff;
	_ =	sdelay $0x4  }
0x63f: {  	[tilespmem:v16+s31+$0x0] =	vst.idx.add.f32.msk vm0, v17  }
.LBB2_126:
0x640: {  	v16 =	vld [tilespmem:s6+$0x50];
	_ =	sdelay $0x4  }
0x641: {  	vm0 =	vlt.s32 v16, $0x4  }
0x642: {  	v17 =	vmpcnt.ones.xlane vm0;
	_ =	sdelay $0x1  }
0x643: {  	(v2sf) =	vpush v17, $0x0;
	_ =	sdelay $0xe  }
0x644: {  	s0 =	spop (v2sf)  }
0x645: {  	p0 =	slt.s32 s0, $0x1  }
.Ltmp66:
0x646: {  	_ = 	snop;
	(pc) =	sbr.rel @p0 .LBB2_130-.Ltmp66, $1  }
0x647: {  	_ =	sdelay $0x3  }
0x648: {  	v16 =	vshll.u32 v16, $0x6  }
0x649: {  	s0 =	simm.s32 $0x0;
	v16 =	vnsel vm0, $0x0, v16  }
0x64a: {  	v17 =	vor.u32 s0, v16;
	_ =	sdelay $0x2  }
0x64b: {  	v18 =	vmov s0  }
0x64c: {  	v18 =	vshll.u32 v18, $0x7  }
0x64d: {  	s0 =	simm.s32 $0x1;
	v19 =	vor.u32 v11, v18;
	v17 =	vld.idx.msk [tilespmem:v17+s22+$0x0], $0xffff  }
0x64e: {  	s1 =	simm.s32 $0x2;
	v18 =	vor.u32 s0, v16  }
.LBB2_128:
0x64f: {  	p0 =	sne.s32 s1, $0x3F;
	_ =	sdelay $0x1  }
.Ltmp67:
0x650: {  	(pc) =	sbr.rel @p0 .LBB2_128-.Ltmp67, $4  }
0x651: {  	v20 =	vmov s0;
	s0 =	smov.u32 s1;
	[tilespmem:v19+s31+$0x0] =	vst.idx.add.f32.msk vm0, v17  }
0x652: {  	v17 =	vld.idx.msk [tilespmem:v18+s22+$0x0], $0xffff;
	v18 =	vshll.u32 v20, $0x7  }
0x653: {  	v19 =	vor.u32 v11, v18  }
0x654: {  	s1 =	sadd.s32 $0x1, s1;
	v18 =	vor.u32 s0, v16  }
0x655: {  	_ =	sdelay $0x3  }
0x656: {  	v16 =	vmov s0  }
0x657: {  	v16 =	vshll.u32 v16, $0x7;
	[tilespmem:v19+s31+$0x0] =	vst.idx.add.f32.msk vm0, v17  }
0x658: {  	v16 =	vor.u32 v11, v16;
	v17 =	vld.idx.msk [tilespmem:v18+s22+$0x0], $0xffff;
	_ =	sdelay $0x4  }
0x659: {  	[tilespmem:v16+s31+$0x0] =	vst.idx.add.f32.msk vm0, v17  }
.LBB2_130:
0x65a: {  	v16 =	vld [tilespmem:s6+$0x60];
	_ =	sdelay $0x4  }
0x65b: {  	vm0 =	vlt.s32 v16, $0x4  }
0x65c: {  	v17 =	vmpcnt.ones.xlane vm0;
	_ =	sdelay $0x1  }
0x65d: {  	(v2sf) =	vpush v17, $0x0;
	_ =	sdelay $0xe  }
0x65e: {  	s0 =	spop (v2sf)  }
0x65f: {  	p0 =	slt.s32 s0, $0x1  }
.Ltmp68:
0x660: {  	_ = 	snop;
	(pc) =	sbr.rel @p0 .LBB2_134-.Ltmp68, $1  }
0x661: {  	_ =	sdelay $0x3  }
0x662: {  	v16 =	vshll.u32 v16, $0x6  }
0x663: {  	s0 =	simm.s32 $0x0;
	v16 =	vnsel vm0, $0x0, v16  }
0x664: {  	v17 =	vor.u32 s0, v16;
	_ =	sdelay $0x2  }
0x665: {  	v18 =	vmov s0  }
0x666: {  	v18 =	vshll.u32 v18, $0x7  }
0x667: {  	s0 =	simm.s32 $0x1;
	v19 =	vor.u32 v13, v18;
	v17 =	vld.idx.msk [tilespmem:v17+s22+$0x0], $0xffff  }
0x668: {  	s1 =	simm.s32 $0x2;
	v18 =	vor.u32 s0, v16  }
.LBB2_132:
0x669: {  	p0 =	sne.s32 s1, $0x3F;
	_ =	sdelay $0x1  }
.Ltmp69:
0x66a: {  	(pc) =	sbr.rel @p0 .LBB2_132-.Ltmp69, $4  }
0x66b: {  	v20 =	vmov s0;
	s0 =	smov.u32 s1;
	[tilespmem:v19+s31+$0x0] =	vst.idx.add.f32.msk vm0, v17  }
0x66c: {  	v17 =	vld.idx.msk [tilespmem:v18+s22+$0x0], $0xffff;
	v18 =	vshll.u32 v20, $0x7  }
0x66d: {  	v19 =	vor.u32 v13, v18  }
0x66e: {  	s1 =	sadd.s32 $0x1, s1;
	v18 =	vor.u32 s0, v16  }
0x66f: {  	_ =	sdelay $0x3  }
0x670: {  	v16 =	vmov s0  }
0x671: {  	v16 =	vshll.u32 v16, $0x7;
	[tilespmem:v19+s31+$0x0] =	vst.idx.add.f32.msk vm0, v17  }
0x672: {  	v16 =	vor.u32 v13, v16;
	v17 =	vld.idx.msk [tilespmem:v18+s22+$0x0], $0xffff;
	_ =	sdelay $0x4  }
0x673: {  	[tilespmem:v16+s31+$0x0] =	vst.idx.add.f32.msk vm0, v17  }
.LBB2_134:
0x674: {  	v16 =	vld [tilespmem:s6+$0x70];
	_ =	sdelay $0x4  }
0x675: {  	vm0 =	vlt.s32 v16, $0x4  }
0x676: {  	v17 =	vmpcnt.ones.xlane vm0;
	_ =	sdelay $0x1  }
0x677: {  	(v2sf) =	vpush v17, $0x0;
	_ =	sdelay $0xe  }
0x678: {  	s0 =	spop (v2sf)  }
0x679: {  	p0 =	slt.s32 s0, $0x1  }
.Ltmp70:
0x67a: {  	_ = 	snop;
	(pc) =	sbr.rel @p0 .LBB2_138-.Ltmp70, $1  }
0x67b: {  	_ =	sdelay $0x3  }
0x67c: {  	v16 =	vshll.u32 v16, $0x6  }
0x67d: {  	s0 =	simm.s32 $0x0;
	v16 =	vnsel vm0, $0x0, v16  }
0x67e: {  	v17 =	vor.u32 s0, v16;
	_ =	sdelay $0x2  }
0x67f: {  	v18 =	vmov s0  }
0x680: {  	v18 =	vshll.u32 v18, $0x7  }
0x681: {  	s0 =	simm.s32 $0x1;
	v19 =	vor.u32 v15, v18;
	v17 =	vld.idx.msk [tilespmem:v17+s22+$0x0], $0xffff  }
0x682: {  	s1 =	simm.s32 $0x2;
	v18 =	vor.u32 s0, v16  }
.LBB2_136:
0x683: {  	p0 =	sne.s32 s1, $0x3F;
	_ =	sdelay $0x1  }
.Ltmp71:
0x684: {  	(pc) =	sbr.rel @p0 .LBB2_136-.Ltmp71, $4  }
0x685: {  	v20 =	vmov s0;
	s0 =	smov.u32 s1;
	[tilespmem:v19+s31+$0x0] =	vst.idx.add.f32.msk vm0, v17  }
0x686: {  	v17 =	vld.idx.msk [tilespmem:v18+s22+$0x0], $0xffff;
	v18 =	vshll.u32 v20, $0x7  }
0x687: {  	v19 =	vor.u32 v15, v18  }
0x688: {  	s1 =	sadd.s32 $0x1, s1;
	v18 =	vor.u32 s0, v16  }
0x689: {  	_ =	sdelay $0x3  }
0x68a: {  	v16 =	vmov s0  }
0x68b: {  	v16 =	vshll.u32 v16, $0x7;
	[tilespmem:v19+s31+$0x0] =	vst.idx.add.f32.msk vm0, v17  }
0x68c: {  	v16 =	vor.u32 v15, v16;
	v17 =	vld.idx.msk [tilespmem:v18+s22+$0x0], $0xffff  }
.Ltmp72:
0x68d: {  	_ = 	snop;
	(pc) =	sbr.rel .LBB2_138-.Ltmp72, $2  }
0x68e: {  	_ =	sdelay $0x2  }
0x68f: {  	[tilespmem:v16+s31+$0x0] =	vst.idx.add.f32.msk vm0, v17  }
.LBB2_140:
0x690: {  	_ =	sfence.sel $0x180000  }
0x691: {  	[bflag:$0x0] =	sbarrier.arrive $0xFFFF  }
0x692: {  	_ =	strace $0x90000047  }
0x693: {  	s0 =	stileid.u32;
	[bflag:$0x2] =	sbarrier.arrive $0xFFFF  }
0x694: {  	p0 =	sne.s32 s0, $0x0;
	s0 =	rddreg [dreg:$0x2]  }
0x695: {  	s0 =	sadd.s32 @!p0 $0x100000, s0  }
0x696: {  	[sflag:s0] =	ssyncadd.tile.s32 @!p0 $0x1;
	_ =	shalt  }
.Lfunc_end2:
_tile_overlayer_lowered:
.L_overlay_start_2:
0x697: {  	(tag) =	ssettag $0x2  }
0x698: {  	s0 =	rddreg [dreg:$0x0];
	s2 =	stileid.u32  }
0x699: {  	s1 =	rddreg [dreg:$0x1];
	p0 =	sne.s32 s2, $0x0  }
0x69a: {  	s3 =	rddreg [dreg:$0x2];
	[bflag:$0x3] =	sbarrier.arrive $0xFFFF;
	s2 =	simm.s32 @!p0 $0x1C09  }
0x69b: {  	[timem:s3], [sflag:s2] =	dma.local @!p0 [hbm:s0], s1  }
0x69c: {  	s0 =	simm.s32 @!p0 $0x9  }
0x69d: {  	_ =	swait.ge @!p0 [sflag:s0], s1  }
0x69e: {  	s1 =	ssub.s32 @!p0 $0x0, s1;
	[sflag:s0] =	ssyncset.done @!p0 $0x0  }
0x69f: {  	[sflag:s0] =	ssyncadd.s32 @!p0 s1  }
0x6a0: {  	[bflag:$0x3] =	sbarrier.arrive $0xFFFF  }
0x6a1: {  	_ =	shalt  }

</sc_bundles>
